<compile_context>
chip_gen: v7x
topology: tpu7x:2x2x1
jax: 0.10.2.dev20260603
libtpu: 0.0.44.dev20260713+nightly
codegen_flags: <defaults>
</compile_context>

<pallas_src>
import functools

import jax
import jax.numpy as jnp
from jax import lax
from jax.experimental import pallas as pl
from jax.experimental.pallas import tpu as pltpu
from jax.experimental.pallas import tpu_sc as plsc

N = 10000
E = 320000
D = 128
DE = 16
H = 128

NC = 2
NS = 16
NW = NC * NS
EPW = E // NW
CB = 80
NCH = EPW // CB
CBS = 40
NCHS = EPW // CBS
RING = 5
WB = 624
WBR = N - NS * WB
ZR = 48

_PREC = jax.lax.Precision.DEFAULT



def _ab_body(x_ref, wa_ref, wb_ref, a_ref, b_ref):
    xv = x_ref[...]
    a_ref[...] = jnp.dot(xv, wa_ref[...], precision=_PREC)
    b_ref[...] = jnp.dot(xv, wb_ref[...], precision=_PREC)


def _edge_body(g_ref, ea_ref, m_ref, w1c_ref, b1_ref, w2_ref, b2_ref, o_ref):
    pre = (g_ref[...] + jnp.dot(ea_ref[...], w1c_ref[...], precision=_PREC)
           + b1_ref[...])
    h = jnp.maximum(pre, 0.0)
    o_ref[...] = (jnp.dot(h, w2_ref[...], precision=_PREC) + b2_ref[...]) * m_ref[...]




def _node_body(x_ref, p_ref, w1x_ref, w1a_ref, b1_ref, w2_ref, b2_ref, o_ref):
    p = p_ref[...]
    agg = p[0] + p[1]
    pre = (jnp.dot(x_ref[...], w1x_ref[...], precision=_PREC)
           + jnp.dot(agg, w1a_ref[...], precision=_PREC) + b1_ref[...])
    h = jnp.maximum(pre, 0.0)
    o_ref[...] = jnp.dot(h, w2_ref[...], precision=_PREC) + b2_ref[...]



def _gather_body(a_hbm, b_hbm, rows_hbm, cols_hbm, g_hbm,
                 idxa, idxb, ba0, bb0, ob0, ba1, bb1, ob1,
                 sa0, sb0, so0, sa1, sb1, so1):
    wid = lax.axis_index("s") * NC + lax.axis_index("c")
    pltpu.sync_copy(rows_hbm.at[wid], idxa)
    pltpu.sync_copy(cols_hbm.at[wid], idxb)
    base = wid * EPW
    sets = ((ba0, bb0, ob0, sa0, sb0, so0),
            (ba1, bb1, ob1, sa1, sb1, so1))

    def issue(c, st):
        ba, bb, _, sa, sb, _ = st
        pltpu.async_copy(a_hbm.at[idxa.at[c]], ba, sa)
        pltpu.async_copy(b_hbm.at[idxb.at[c]], bb, sb)

    def work(c, st, first=False, guard_issue=True):
        ba, bb, ob, sa, sb, so = st
        pltpu.make_async_copy(a_hbm.at[idxa.at[c]], ba, sa).wait()
        pltpu.make_async_copy(b_hbm.at[idxb.at[c]], bb, sb).wait()
        if not first:
            pltpu.make_async_copy(
                ob, g_hbm.at[pl.ds(base + (c - 2) * CB, CB)], so).wait()

        def addrow(r4, carry2):
            for dr in range(4):
                r = r4 * 4 + dr
                for l in range(H // 16):
                    s = pl.ds(l * 16, 16)
                    ob[r, s] = ba[r, s] + bb[r, s]
            return carry2

        lax.fori_loop(0, CB // 4, addrow, 0)
        pltpu.async_copy(ob, g_hbm.at[pl.ds(base + c * CB, CB)], so)
        if guard_issue:
            @pl.when(c + 2 < NCH)
            def _():
                issue(c + 2, st)
        else:
            issue(c + 2, st)

    issue(0, sets[0])
    issue(1, sets[1])
    work(0, sets[0], first=True, guard_issue=False)
    work(1, sets[1], first=True, guard_issue=False)

    def outer(o, carry):
        c = 2 * o + 2
        work(c, sets[0])
        work(c + 1, sets[1])
        return carry

    lax.fori_loop(0, (NCH - 3) // 2, outer, 0)
    work(NCH - 1, sets[0])
    pltpu.make_async_copy(
        ob1, g_hbm.at[pl.ds(base + (NCH - 2) * CB, CB)], so1).wait()
    pltpu.make_async_copy(
        ob0, g_hbm.at[pl.ds(base + (NCH - 1) * CB, CB)], so0).wait()


def _scatter_body(ef_hbm, rows_hbm, out_hbm,
                  b0, b1, b2, b3, b4, i0, i1, i2, i3, i4, zbuf, shared,
                  r0, r1, r2, r3, r4, w0, w1, w2, w3, w4):
    cid = lax.axis_index("c")
    sid = lax.axis_index("s")
    wid = sid * NC + cid

    def zrow(r, carry):
        for l in range(H // 16):
            zbuf[r, pl.ds(l * 16, 16)] = jnp.zeros((16,), jnp.float32)
        return carry

    lax.fori_loop(0, ZR, zrow, 0)
    for j in range(WB // ZR):
        pltpu.sync_copy(zbuf, shared.at[pl.ds(sid * WB + j * ZR, ZR)])

    @pl.when(sid == NS - 1)
    def _zero_tail():
        pltpu.sync_copy(zbuf.at[pl.ds(0, WBR)], shared.at[pl.ds(NS * WB, WBR)])

    plsc.subcore_barrier()

    base = wid * EPW
    bufs = (b0, b1, b2, b3, b4)
    ibufs = (i0, i1, i2, i3, i4)
    rs = (r0, r1, r2, r3, r4)
    ws = (w0, w1, w2, w3, w4)

    def read_issue(c, b):
        pltpu.async_copy(ef_hbm.at[pl.ds(base + c * CBS, CBS)], bufs[b], rs[b])
        pltpu.async_copy(rows_hbm.at[wid, c], ibufs[b], rs[b])

    def read_wait(c, b):
        pltpu.make_async_copy(
            ef_hbm.at[pl.ds(base + c * CBS, CBS)], bufs[b], rs[b]).wait()
        pltpu.make_async_copy(rows_hbm.at[wid, c], ibufs[b], rs[b]).wait()

    for b in range(3):
        read_issue(b, b)

    def step(c, b):
        read_wait(c, b)
        pltpu.async_copy(bufs[b], shared.at[ibufs[b]], ws[b], add=True)
        b3 = (b + 3) % RING

        @pl.when(c >= 2)
        def _drain():
            pltpu.make_async_copy(
                bufs[b3], shared.at[ibufs[b3]], ws[b3]).wait()

        @pl.when(c + 3 < NCHS)
        def _refill():
            read_issue(c + 3, b3)

    def outer(o, carry):
        for b in range(RING):
            step(o * RING + b, b)
        return carry

    lax.fori_loop(0, NCHS // RING, outer, 0)
    pltpu.make_async_copy(
        bufs[3], shared.at[ibufs[3]], ws[3]).wait()
    pltpu.make_async_copy(
        bufs[4], shared.at[ibufs[4]], ws[4]).wait()
    plsc.subcore_barrier()
    pltpu.sync_copy(shared.at[pl.ds(sid * WB, WB)],
                    out_hbm.at[cid, pl.ds(sid * WB, WB)])

    @pl.when(sid == NS - 1)
    def _write_tail():
        pltpu.sync_copy(shared.at[pl.ds(NS * WB, WBR)],
                        out_hbm.at[cid, pl.ds(NS * WB, WBR)])


@functools.cache
def _sc_calls():
    mesh = plsc.VectorSubcoreMesh(core_axis_name="c", subcore_axis_name="s")
    gather_call = pl.kernel(
        _gather_body, mesh=mesh,
        out_type=jax.ShapeDtypeStruct((E, H), jnp.float32),
        scratch_types=[
            pltpu.VMEM((NCH, CB), jnp.int32),
            pltpu.VMEM((NCH, CB), jnp.int32),
        ] + [pltpu.VMEM((CB, H), jnp.float32)] * 6
          + [pltpu.SemaphoreType.DMA] * 6,
    )
    scatter_call = pl.kernel(
        _scatter_body, mesh=mesh,
        out_type=jax.ShapeDtypeStruct((NC, N, H), jnp.float32),
        scratch_types=(
            [pltpu.VMEM((CBS, H), jnp.float32)] * RING
            + [pltpu.VMEM((CBS,), jnp.int32)] * RING
            + [
                pltpu.VMEM((ZR, H), jnp.float32),
                pltpu.VMEM_SHARED((N, H), jnp.float32),
            ] + [pltpu.SemaphoreType.DMA] * (2 * RING)
        ),
    )
    return gather_call, scatter_call


BN = 2000
BE = 3200


def _ab_call(x, wa, wb):
    return pl.pallas_call(
        _ab_body,
        grid=(N // BN,),
        in_specs=[
            pl.BlockSpec((BN, D), lambda i: (i, 0)),
            pl.BlockSpec((D, H), lambda i: (0, 0)),
            pl.BlockSpec((D, H), lambda i: (0, 0)),
        ],
        out_specs=[
            pl.BlockSpec((BN, H), lambda i: (i, 0)),
            pl.BlockSpec((BN, H), lambda i: (i, 0)),
        ],
        out_shape=[
            jax.ShapeDtypeStruct((N, H), jnp.float32),
            jax.ShapeDtypeStruct((N, H), jnp.float32),
        ],
    )(x, wa, wb)


def _edge_call(g, ea, m, w1c, b1, w2, b2):
    return pl.pallas_call(
        _edge_body,
        grid=(E // BE,),
        in_specs=[
            pl.BlockSpec((BE, H), lambda i: (i, 0)),
            pl.BlockSpec((BE, DE), lambda i: (i, 0)),
            pl.BlockSpec((BE, 1), lambda i: (i, 0)),
            pl.BlockSpec((DE, H), lambda i: (0, 0)),
            pl.BlockSpec((1, H), lambda i: (0, 0)),
            pl.BlockSpec((H, H), lambda i: (0, 0)),
            pl.BlockSpec((1, H), lambda i: (0, 0)),
        ],
        out_specs=pl.BlockSpec((BE, H), lambda i: (i, 0)),
        out_shape=jax.ShapeDtypeStruct((E, H), jnp.float32),
    )(g, ea, m, w1c, b1, w2, b2)


def _node_call(x, parts, w1x, w1a, b1, w2, b2):
    return pl.pallas_call(
        _node_body,
        grid=(N // BN,),
        in_specs=[
            pl.BlockSpec((BN, D), lambda i: (i, 0)),
            pl.BlockSpec((NC, BN, H), lambda i: (0, i, 0)),
            pl.BlockSpec((D, H), lambda i: (0, 0)),
            pl.BlockSpec((H, H), lambda i: (0, 0)),
            pl.BlockSpec((1, H), lambda i: (0, 0)),
            pl.BlockSpec((H, D), lambda i: (0, 0)),
            pl.BlockSpec((1, D), lambda i: (0, 0)),
        ],
        out_specs=pl.BlockSpec((BN, D), lambda i: (i, 0)),
        out_shape=jax.ShapeDtypeStruct((N, D), jnp.float32),
    )(x, parts, w1x, w1a, b1, w2, b2)


def kernel(x, edge_index, edge_mask, edge_attr, We1, be1, We2, be2,
           Wn1, bn1, Wn2, bn2):
    row = edge_index[0]
    col = edge_index[1]
    rows3 = row.reshape(NW, NCH, CB)
    cols3 = col.reshape(NW, NCH, CB)
    rows3s = row.reshape(NW, NCHS, CBS)

    gather_call, scatter_call = _sc_calls()
    A, B = _ab_call(x, We1[:D], We1[D:2 * D])
    G = gather_call(A, B, rows3, cols3)
    edge_feat = _edge_call(G, edge_attr, edge_mask, We1[2 * D:],
                           be1.reshape(1, H), We2, be2.reshape(1, H))
    parts = scatter_call(edge_feat, rows3s)
    x_out = _node_call(x, parts, Wn1[:D], Wn1[D:], bn1.reshape(1, H),
                       Wn2, bn2.reshape(1, D))
    return (x_out, edge_feat)

# --- scband reference (transcript-rebuilt; emitter-appended) ---
"""Pipeline reference for scband-gcl-basic-9371618639983 (READ-ONLY COPY).

The authoritative reference and input builder live on the scoring server;
editing this copy changes nothing except your own understanding.
"""

import jax, jax.numpy as jnp
import numpy as np

N = 10000
E = 320000
D = 128
DE = 16
H = 128


def setup_inputs(seed: int = 0) -> dict:
    key = jax.random.key(seed)
    ks = jax.random.split(key, 16)
    x = jax.random.normal(ks[0], (N, D), dtype=jnp.float32)
    edge_index = jax.random.randint(ks[1], (2, E), 0, N, dtype=jnp.int32)
    edge_mask = jax.random.uniform(ks[2], (E, 1), dtype=jnp.float32)
    edge_attr = jax.random.normal(ks[3], (E, DE), dtype=jnp.float32)
    # edge_model MLP: Linear(2*D+DE -> H), ReLU, Linear(H -> H)
    We1 = jax.random.normal(ks[4], (2 * D + DE, H), dtype=jnp.float32) / np.sqrt(2 * D + DE)
    be1 = jnp.zeros((H,), dtype=jnp.float32)
    We2 = jax.random.normal(ks[5], (H, H), dtype=jnp.float32) / np.sqrt(H)
    be2 = jnp.zeros((H,), dtype=jnp.float32)
    # node_model MLP: Linear(D+H -> H), ReLU, Linear(H -> D)
    Wn1 = jax.random.normal(ks[6], (D + H, H), dtype=jnp.float32) / np.sqrt(D + H)
    bn1 = jnp.zeros((H,), dtype=jnp.float32)
    Wn2 = jax.random.normal(ks[7], (H, D), dtype=jnp.float32) / np.sqrt(H)
    bn2 = jnp.zeros((D,), dtype=jnp.float32)
    return {
        'x': x, 'edge_index': edge_index, 'edge_mask': edge_mask, 'edge_attr': edge_attr,
        'We1': We1, 'be1': be1, 'We2': We2, 'be2': be2,
        'Wn1': Wn1, 'bn1': bn1, 'Wn2': Wn2, 'bn2': bn2,
    }


def reference(x, edge_index, edge_mask, edge_attr, We1, be1, We2, be2, Wn1, bn1, Wn2, bn2):
    # forward of GCL_basic with standard concrete edge_model/node_model (EGNN-style GCL)
    row = edge_index[0]
    col = edge_index[1]
    # edge_model(x[row], x[col], edge_attr): MLP over concatenated features
    source = jnp.take(x, row, axis=0)
    target = jnp.take(x, col, axis=0)
    e_in = jnp.concatenate([source, target, edge_attr], axis=1)
    h = jax.nn.relu(e_in @ We1 + be1)
    edge_feat = h @ We2 + be2
    # mask edges
    edge_feat = edge_feat * edge_mask
    # node_model(x, edge_index, edge_feat): scatter-add aggregation then MLP
    agg = jax.ops.segment_sum(edge_feat, row, num_segments=x.shape[0])
    n_in = jnp.concatenate([x, agg], axis=1)
    h2 = jax.nn.relu(n_in @ Wn1 + bn1)
    x_out = h2 @ Wn2 + bn2
    return (x_out, edge_feat)

if __name__ == "__main__":
    import jax
    _d = setup_inputs()
    print(jax.jit(kernel)(*tuple(_d.values())))

</pallas_src>

<mosaic_0001>
#map = affine_map<(d0, d1) -> (0, 0)>
#map1 = affine_map<(d0, d1) -> (0, 0, 0)>
module attributes {stable_mosaic.version = 14 : i64} {
  func.func @_scatter_body(%arg0: i32, %arg1: i32, %arg2: memref<320000x128xf32, #tpu.memory_space<hbm>>, %arg3: memref<32x250x40xi32, #tpu.memory_space<hbm>>, %arg4: memref<2x10000x128xf32, #tpu.memory_space<hbm>>, %arg5: memref<40x128xf32, #tpu.memory_space<vmem>>, %arg6: memref<40x128xf32, #tpu.memory_space<vmem>>, %arg7: memref<40x128xf32, #tpu.memory_space<vmem>>, %arg8: memref<40x128xf32, #tpu.memory_space<vmem>>, %arg9: memref<40x128xf32, #tpu.memory_space<vmem>>, %arg10: memref<40xi32, #tpu.memory_space<vmem>>, %arg11: memref<40xi32, #tpu.memory_space<vmem>>, %arg12: memref<40xi32, #tpu.memory_space<vmem>>, %arg13: memref<40xi32, #tpu.memory_space<vmem>>, %arg14: memref<40xi32, #tpu.memory_space<vmem>>, %arg15: memref<48x128xf32, #tpu.memory_space<vmem>>, %arg16: memref<10000x128xf32, #tpu.memory_space<vmem_shared>>, %arg17: memref<!tpu.dma_semaphore, #tpu.memory_space<semaphore_mem>>, %arg18: memref<!tpu.dma_semaphore, #tpu.memory_space<semaphore_mem>>, %arg19: memref<!tpu.dma_semaphore, #tpu.memory_space<semaphore_mem>>, %arg20: memref<!tpu.dma_semaphore, #tpu.memory_space<semaphore_mem>>, %arg21: memref<!tpu.dma_semaphore, #tpu.memory_space<semaphore_mem>>, %arg22: memref<!tpu.dma_semaphore, #tpu.memory_space<semaphore_mem>>, %arg23: memref<!tpu.dma_semaphore, #tpu.memory_space<semaphore_mem>>, %arg24: memref<!tpu.dma_semaphore, #tpu.memory_space<semaphore_mem>>, %arg25: memref<!tpu.dma_semaphore, #tpu.memory_space<semaphore_mem>>, %arg26: memref<!tpu.dma_semaphore, #tpu.memory_space<semaphore_mem>>) attributes {dimension_semantics = [#tpu.dimension_semantics<core_parallel>, #tpu.dimension_semantics<subcore_parallel>], iteration_bounds = array<i64: 2, 16>, scalar_prefetch = 0 : i64, scratch_operands = 22 : i64, tpu.core_type = #tpu.core_type<sc_vector_subcore>, window_params = [{transform_indices = #map}, {transform_indices = #map1}, {transform_indices = #map1}]} {
    %mul3A = arith.constant 2 : i32
    %mul3A_0 = arith.muli %arg1, %mul3A : i32
    %add3A = arith.addi %mul3A_0, %arg0 : i32
    %scan3A = arith.constant 0 : i32
    %scan3A_1 = arith.constant 0 : i32
    %scan3A_2 = arith.constant 48 : i32
    %scan3A_3 = arith.addi %scan3A_1, %scan3A_2 : i32
    %scan3A_4 = arith.constant 1 : i32
    scf.for %scan3A_121 = %scan3A_1 to %scan3A_3 step %scan3A_4  : i32 {
      %broadcast_in_dim3A = arith.constant 0.000000e+00 : f32
      %broadcast_in_dim3A_122 = vector.broadcast %broadcast_in_dim3A : f32 to vector<16xf32>
      %swap3A = arith.index_cast %scan3A_121 : i32 to index
      %swap3A_123 = arith.constant 0 : index
      %swap3A_124 = tpu.vector_load %arg15[%swap3A, %swap3A_123] {strides = array<i32>} : memref<48x128xf32, #tpu.memory_space<vmem>>, vector<1x16xf32>,
      %swap3A_125 = vector.shape_cast %swap3A_124 : vector<1x16xf32> to vector<16xf32>
      %swap3A_126 = vector.shape_cast %broadcast_in_dim3A_122 : vector<16xf32> to vector<1x16xf32>
      tpu.vector_store %arg15[%swap3A, %swap3A_123], %swap3A_126 {strides = array<i32>} : memref<48x128xf32, #tpu.memory_space<vmem>>, vector<1x16xf32>,
      %broadcast_in_dim3A_127 = arith.constant 0.000000e+00 : f32
      %broadcast_in_dim3A_128 = vector.broadcast %broadcast_in_dim3A_127 : f32 to vector<16xf32>
      %swap3A_129 = arith.index_cast %scan3A_121 : i32 to index
      %swap3A_130 = arith.constant 16 : index
      %swap3A_131 = tpu.vector_load %arg15[%swap3A_129, %swap3A_130] {strides = array<i32>} : memref<48x128xf32, #tpu.memory_space<vmem>>, vector<1x16xf32>,
      %swap3A_132 = vector.shape_cast %swap3A_131 : vector<1x16xf32> to vector<16xf32>
      %swap3A_133 = vector.shape_cast %broadcast_in_dim3A_128 : vector<16xf32> to vector<1x16xf32>
      tpu.vector_store %arg15[%swap3A_129, %swap3A_130], %swap3A_133 {strides = array<i32>} : memref<48x128xf32, #tpu.memory_space<vmem>>, vector<1x16xf32>,
      %broadcast_in_dim3A_134 = arith.constant 0.000000e+00 : f32
      %broadcast_in_dim3A_135 = vector.broadcast %broadcast_in_dim3A_134 : f32 to vector<16xf32>
      %swap3A_136 = arith.index_cast %scan3A_121 : i32 to index
      %swap3A_137 = arith.constant 32 : index
      %swap3A_138 = tpu.vector_load %arg15[%swap3A_136, %swap3A_137] {strides = array<i32>} : memref<48x128xf32, #tpu.memory_space<vmem>>, vector<1x16xf32>,
      %swap3A_139 = vector.shape_cast %swap3A_138 : vector<1x16xf32> to vector<16xf32>
      %swap3A_140 = vector.shape_cast %broadcast_in_dim3A_135 : vector<16xf32> to vector<1x16xf32>
      tpu.vector_store %arg15[%swap3A_136, %swap3A_137], %swap3A_140 {strides = array<i32>} : memref<48x128xf32, #tpu.memory_space<vmem>>, vector<1x16xf32>,
      %broadcast_in_dim3A_141 = arith.constant 0.000000e+00 : f32
      %broadcast_in_dim3A_142 = vector.broadcast %broadcast_in_dim3A_141 : f32 to vector<16xf32>
      %swap3A_143 = arith.index_cast %scan3A_121 : i32 to index
      %swap3A_144 = arith.constant 48 : index
      %swap3A_145 = tpu.vector_load %arg15[%swap3A_143, %swap3A_144] {strides = array<i32>} : memref<48x128xf32, #tpu.memory_space<vmem>>, vector<1x16xf32>,
      %swap3A_146 = vector.shape_cast %swap3A_145 : vector<1x16xf32> to vector<16xf32>
      %swap3A_147 = vector.shape_cast %broadcast_in_dim3A_142 : vector<16xf32> to vector<1x16xf32>
      tpu.vector_store %arg15[%swap3A_143, %swap3A_144], %swap3A_147 {strides = array<i32>} : memref<48x128xf32, #tpu.memory_space<vmem>>, vector<1x16xf32>,
      %broadcast_in_dim3A_148 = arith.constant 0.000000e+00 : f32
      %broadcast_in_dim3A_149 = vector.broadcast %broadcast_in_dim3A_148 : f32 to vector<16xf32>
      %swap3A_150 = arith.index_cast %scan3A_121 : i32 to index
      %swap3A_151 = arith.constant 64 : index
      %swap3A_152 = tpu.vector_load %arg15[%swap3A_150, %swap3A_151] {strides = array<i32>} : memref<48x128xf32, #tpu.memory_space<vmem>>, vector<1x16xf32>,
      %swap3A_153 = vector.shape_cast %swap3A_152 : vector<1x16xf32> to vector<16xf32>
      %swap3A_154 = vector.shape_cast %broadcast_in_dim3A_149 : vector<16xf32> to vector<1x16xf32>
      tpu.vector_store %arg15[%swap3A_150, %swap3A_151], %swap3A_154 {strides = array<i32>} : memref<48x128xf32, #tpu.memory_space<vmem>>, vector<1x16xf32>,
      %broadcast_in_dim3A_155 = arith.constant 0.000000e+00 : f32
      %broadcast_in_dim3A_156 = vector.broadcast %broadcast_in_dim3A_155 : f32 to vector<16xf32>
      %swap3A_157 = arith.index_cast %scan3A_121 : i32 to index
      %swap3A_158 = arith.constant 80 : index
      %swap3A_159 = tpu.vector_load %arg15[%swap3A_157, %swap3A_158] {strides = array<i32>} : memref<48x128xf32, #tpu.memory_space<vmem>>, vector<1x16xf32>,
      %swap3A_160 = vector.shape_cast %swap3A_159 : vector<1x16xf32> to vector<16xf32>
      %swap3A_161 = vector.shape_cast %broadcast_in_dim3A_156 : vector<16xf32> to vector<1x16xf32>
      tpu.vector_store %arg15[%swap3A_157, %swap3A_158], %swap3A_161 {strides = array<i32>} : memref<48x128xf32, #tpu.memory_space<vmem>>, vector<1x16xf32>,
      %broadcast_in_dim3A_162 = arith.constant 0.000000e+00 : f32
      %broadcast_in_dim3A_163 = vector.broadcast %broadcast_in_dim3A_162 : f32 to vector<16xf32>
      %swap3A_164 = arith.index_cast %scan3A_121 : i32 to index
      %swap3A_165 = arith.constant 96 : index
      %swap3A_166 = tpu.vector_load %arg15[%swap3A_164, %swap3A_165] {strides = array<i32>} : memref<48x128xf32, #tpu.memory_space<vmem>>, vector<1x16xf32>,
      %swap3A_167 = vector.shape_cast %swap3A_166 : vector<1x16xf32> to vector<16xf32>
      %swap3A_168 = vector.shape_cast %broadcast_in_dim3A_163 : vector<16xf32> to vector<1x16xf32>
      tpu.vector_store %arg15[%swap3A_164, %swap3A_165], %swap3A_168 {strides = array<i32>} : memref<48x128xf32, #tpu.memory_space<vmem>>, vector<1x16xf32>,
      %broadcast_in_dim3A_169 = arith.constant 0.000000e+00 : f32
      %broadcast_in_dim3A_170 = vector.broadcast %broadcast_in_dim3A_169 : f32 to vector<16xf32>
      %swap3A_171 = arith.index_cast %scan3A_121 : i32 to index
      %swap3A_172 = arith.constant 112 : index
      %swap3A_173 = tpu.vector_load %arg15[%swap3A_171, %swap3A_172] {strides = array<i32>} : memref<48x128xf32, #tpu.memory_space<vmem>>, vector<1x16xf32>,
      %swap3A_174 = vector.shape_cast %swap3A_173 : vector<1x16xf32> to vector<16xf32>
      %swap3A_175 = vector.shape_cast %broadcast_in_dim3A_170 : vector<16xf32> to vector<1x16xf32>
      tpu.vector_store %arg15[%swap3A_171, %swap3A_172], %swap3A_175 {strides = array<i32>} : memref<48x128xf32, #tpu.memory_space<vmem>>, vector<1x16xf32>,
    }
    %scan3A_5 = arith.constant 48 : i32
    %mul3A_6 = arith.constant 624 : i32
    %mul3A_7 = arith.muli %arg1, %mul3A_6 : i32
    %add3A_8 = arith.constant 0 : i32
    %add3A_9 = arith.addi %mul3A_7, %add3A_8 : i32
    "tpu.region"() ({
      %run_scoped3A = tpu.sem_alloc : memref<!tpu.dma_semaphore, #tpu.memory_space<semaphore_mem>>
      %dma_start3A_121 = arith.constant 0 : i32
      %dma_start3A_122 = tpu.memref_slice %arg16[%add3A_9, %dma_start3A_121] : memref<10000x128xf32, #tpu.memory_space<vmem_shared>> -> memref<48x128xf32, #tpu.memory_space<vmem_shared>>
      %dma_start3A_123 = arith.constant 0 : i32
      %dma_start3A_124 = tpu.memref_slice %arg16[%add3A_9, %dma_start3A_123] : memref<10000x128xf32, #tpu.memory_space<vmem_shared>> -> memref<48x128xf32, #tpu.memory_space<vmem_shared>>
      tpu.enqueue_dma source(%arg15 : memref<48x128xf32, #tpu.memory_space<vmem>>) target(%dma_start3A_124 : memref<48x128xf32, #tpu.memory_space<vmem_shared>>) target_semaphore(%run_scoped3A : memref<!tpu.dma_semaphore, #tpu.memory_space<semaphore_mem>>)
      %dma_wait3A_125 = arith.constant 0 : i32
      %dma_wait3A_126 = tpu.memref_slice %arg16[%add3A_9, %dma_wait3A_125] : memref<10000x128xf32, #tpu.memory_space<vmem_shared>> -> memref<48x128xf32, #tpu.memory_space<vmem_shared>>
      %dma_wait3A_127 = arith.constant 0 : i32
      %dma_wait3A_128 = tpu.memref_slice %arg16[%add3A_9, %dma_wait3A_127] : memref<10000x128xf32, #tpu.memory_space<vmem_shared>> -> memref<48x128xf32, #tpu.memory_space<vmem_shared>>
      tpu.wait_dma2 semaphore(%run_scoped3A : memref<!tpu.dma_semaphore, #tpu.memory_space<semaphore_mem>>) src(%arg15 : memref<48x128xf32, #tpu.memory_space<vmem>>) dst(%dma_wait3A_128 : memref<48x128xf32, #tpu.memory_space<vmem_shared>>)
      tpu.yield
    }) : () -> ()
    %mul3A_10 = arith.constant 624 : i32
    %mul3A_11 = arith.muli %arg1, %mul3A_10 : i32
    %add3A_12 = arith.constant 48 : i32
    %add3A_13 = arith.addi %mul3A_11, %add3A_12 : i32
    "tpu.region"() ({
      %run_scoped3A = tpu.sem_alloc : memref<!tpu.dma_semaphore, #tpu.memory_space<semaphore_mem>>
      %dma_start3A_121 = arith.constant 0 : i32
      %dma_start3A_122 = tpu.memref_slice %arg16[%add3A_13, %dma_start3A_121] : memref<10000x128xf32, #tpu.memory_space<vmem_shared>> -> memref<48x128xf32, #tpu.memory_space<vmem_shared>>
      %dma_start3A_123 = arith.constant 0 : i32
      %dma_start3A_124 = tpu.memref_slice %arg16[%add3A_13, %dma_start3A_123] : memref<10000x128xf32, #tpu.memory_space<vmem_shared>> -> memref<48x128xf32, #tpu.memory_space<vmem_shared>>
      tpu.enqueue_dma source(%arg15 : memref<48x128xf32, #tpu.memory_space<vmem>>) target(%dma_start3A_124 : memref<48x128xf32, #tpu.memory_space<vmem_shared>>) target_semaphore(%run_scoped3A : memref<!tpu.dma_semaphore, #tpu.memory_space<semaphore_mem>>)
      %dma_wait3A_125 = arith.constant 0 : i32
      %dma_wait3A_126 = tpu.memref_slice %arg16[%add3A_13, %dma_wait3A_125] : memref<10000x128xf32, #tpu.memory_space<vmem_shared>> -> memref<48x128xf32, #tpu.memory_space<vmem_shared>>
      %dma_wait3A_127 = arith.constant 0 : i32
      %dma_wait3A_128 = tpu.memref_slice %arg16[%add3A_13, %dma_wait3A_127] : memref<10000x128xf32, #tpu.memory_space<vmem_shared>> -> memref<48x128xf32, #tpu.memory_space<vmem_shared>>
      tpu.wait_dma2 semaphore(%run_scoped3A : memref<!tpu.dma_semaphore, #tpu.memory_space<semaphore_mem>>) src(%arg15 : memref<48x128xf32, #tpu.memory_space<vmem>>) dst(%dma_wait3A_128 : memref<48x128xf32, #tpu.memory_space<vmem_shared>>)
      tpu.yield
    }) : () -> ()
    %mul3A_14 = arith.constant 624 : i32
    %mul3A_15 = arith.muli %arg1, %mul3A_14 : i32
    %add3A_16 = arith.constant 96 : i32
    %add3A_17 = arith.addi %mul3A_15, %add3A_16 : i32
    "tpu.region"() ({
      %run_scoped3A = tpu.sem_alloc : memref<!tpu.dma_semaphore, #tpu.memory_space<semaphore_mem>>
      %dma_start3A_121 = arith.constant 0 : i32
      %dma_start3A_122 = tpu.memref_slice %arg16[%add3A_17, %dma_start3A_121] : memref<10000x128xf32, #tpu.memory_space<vmem_shared>> -> memref<48x128xf32, #tpu.memory_space<vmem_shared>>
      %dma_start3A_123 = arith.constant 0 : i32
      %dma_start3A_124 = tpu.memref_slice %arg16[%add3A_17, %dma_start3A_123] : memref<10000x128xf32, #tpu.memory_space<vmem_shared>> -> memref<48x128xf32, #tpu.memory_space<vmem_shared>>
      tpu.enqueue_dma source(%arg15 : memref<48x128xf32, #tpu.memory_space<vmem>>) target(%dma_start3A_124 : memref<48x128xf32, #tpu.memory_space<vmem_shared>>) target_semaphore(%run_scoped3A : memref<!tpu.dma_semaphore, #tpu.memory_space<semaphore_mem>>)
      %dma_wait3A_125 = arith.constant 0 : i32
      %dma_wait3A_126 = tpu.memref_slice %arg16[%add3A_17, %dma_wait3A_125] : memref<10000x128xf32, #tpu.memory_space<vmem_shared>> -> memref<48x128xf32, #tpu.memory_space<vmem_shared>>
      %dma_wait3A_127 = arith.constant 0 : i32
      %dma_wait3A_128 = tpu.memref_slice %arg16[%add3A_17, %dma_wait3A_127] : memref<10000x128xf32, #tpu.memory_space<vmem_shared>> -> memref<48x128xf32, #tpu.memory_space<vmem_shared>>
      tpu.wait_dma2 semaphore(%run_scoped3A : memref<!tpu.dma_semaphore, #tpu.memory_space<semaphore_mem>>) src(%arg15 : memref<48x128xf32, #tpu.memory_space<vmem>>) dst(%dma_wait3A_128 : memref<48x128xf32, #tpu.memory_space<vmem_shared>>)
      tpu.yield
    }) : () -> ()
    %mul3A_18 = arith.constant 624 : i32
    %mul3A_19 = arith.muli %arg1, %mul3A_18 : i32
    %add3A_20 = arith.constant 144 : i32
    %add3A_21 = arith.addi %mul3A_19, %add3A_20 : i32
    "tpu.region"() ({
      %run_scoped3A = tpu.sem_alloc : memref<!tpu.dma_semaphore, #tpu.memory_space<semaphore_mem>>
      %dma_start3A_121 = arith.constant 0 : i32
      %dma_start3A_122 = tpu.memref_slice %arg16[%add3A_21, %dma_start3A_121] : memref<10000x128xf32, #tpu.memory_space<vmem_shared>> -> memref<48x128xf32, #tpu.memory_space<vmem_shared>>
      %dma_start3A_123 = arith.constant 0 : i32
      %dma_start3A_124 = tpu.memref_slice %arg16[%add3A_21, %dma_start3A_123] : memref<10000x128xf32, #tpu.memory_space<vmem_shared>> -> memref<48x128xf32, #tpu.memory_space<vmem_shared>>
      tpu.enqueue_dma source(%arg15 : memref<48x128xf32, #tpu.memory_space<vmem>>) target(%dma_start3A_124 : memref<48x128xf32, #tpu.memory_space<vmem_shared>>) target_semaphore(%run_scoped3A : memref<!tpu.dma_semaphore, #tpu.memory_space<semaphore_mem>>)
      %dma_wait3A_125 = arith.constant 0 : i32
      %dma_wait3A_126 = tpu.memref_slice %arg16[%add3A_21, %dma_wait3A_125] : memref<10000x128xf32, #tpu.memory_space<vmem_shared>> -> memref<48x128xf32, #tpu.memory_space<vmem_shared>>
      %dma_wait3A_127 = arith.constant 0 : i32
      %dma_wait3A_128 = tpu.memref_slice %arg16[%add3A_21, %dma_wait3A_127] : memref<10000x128xf32, #tpu.memory_space<vmem_shared>> -> memref<48x128xf32, #tpu.memory_space<vmem_shared>>
      tpu.wait_dma2 semaphore(%run_scoped3A : memref<!tpu.dma_semaphore, #tpu.memory_space<semaphore_mem>>) src(%arg15 : memref<48x128xf32, #tpu.memory_space<vmem>>) dst(%dma_wait3A_128 : memref<48x128xf32, #tpu.memory_space<vmem_shared>>)
      tpu.yield
    }) : () -> ()
    %mul3A_22 = arith.constant 624 : i32
    %mul3A_23 = arith.muli %arg1, %mul3A_22 : i32
    %add3A_24 = arith.constant 192 : i32
    %add3A_25 = arith.addi %mul3A_23, %add3A_24 : i32
    "tpu.region"() ({
      %run_scoped3A = tpu.sem_alloc : memref<!tpu.dma_semaphore, #tpu.memory_space<semaphore_mem>>
      %dma_start3A_121 = arith.constant 0 : i32
      %dma_start3A_122 = tpu.memref_slice %arg16[%add3A_25, %dma_start3A_121] : memref<10000x128xf32, #tpu.memory_space<vmem_shared>> -> memref<48x128xf32, #tpu.memory_space<vmem_shared>>
      %dma_start3A_123 = arith.constant 0 : i32
      %dma_start3A_124 = tpu.memref_slice %arg16[%add3A_25, %dma_start3A_123] : memref<10000x128xf32, #tpu.memory_space<vmem_shared>> -> memref<48x128xf32, #tpu.memory_space<vmem_shared>>
      tpu.enqueue_dma source(%arg15 : memref<48x128xf32, #tpu.memory_space<vmem>>) target(%dma_start3A_124 : memref<48x128xf32, #tpu.memory_space<vmem_shared>>) target_semaphore(%run_scoped3A : memref<!tpu.dma_semaphore, #tpu.memory_space<semaphore_mem>>)
      %dma_wait3A_125 = arith.constant 0 : i32
      %dma_wait3A_126 = tpu.memref_slice %arg16[%add3A_25, %dma_wait3A_125] : memref<10000x128xf32, #tpu.memory_space<vmem_shared>> -> memref<48x128xf32, #tpu.memory_space<vmem_shared>>
      %dma_wait3A_127 = arith.constant 0 : i32
      %dma_wait3A_128 = tpu.memref_slice %arg16[%add3A_25, %dma_wait3A_127] : memref<10000x128xf32, #tpu.memory_space<vmem_shared>> -> memref<48x128xf32, #tpu.memory_space<vmem_shared>>
      tpu.wait_dma2 semaphore(%run_scoped3A : memref<!tpu.dma_semaphore, #tpu.memory_space<semaphore_mem>>) src(%arg15 : memref<48x128xf32, #tpu.memory_space<vmem>>) dst(%dma_wait3A_128 : memref<48x128xf32, #tpu.memory_space<vmem_shared>>)
      tpu.yield
    }) : () -> ()
    %mul3A_26 = arith.constant 624 : i32
    %mul3A_27 = arith.muli %arg1, %mul3A_26 : i32
    %add3A_28 = arith.constant 240 : i32
    %add3A_29 = arith.addi %mul3A_27, %add3A_28 : i32
    "tpu.region"() ({
      %run_scoped3A = tpu.sem_alloc : memref<!tpu.dma_semaphore, #tpu.memory_space<semaphore_mem>>
      %dma_start3A_121 = arith.constant 0 : i32
      %dma_start3A_122 = tpu.memref_slice %arg16[%add3A_29, %dma_start3A_121] : memref<10000x128xf32, #tpu.memory_space<vmem_shared>> -> memref<48x128xf32, #tpu.memory_space<vmem_shared>>
      %dma_start3A_123 = arith.constant 0 : i32
      %dma_start3A_124 = tpu.memref_slice %arg16[%add3A_29, %dma_start3A_123] : memref<10000x128xf32, #tpu.memory_space<vmem_shared>> -> memref<48x128xf32, #tpu.memory_space<vmem_shared>>
      tpu.enqueue_dma source(%arg15 : memref<48x128xf32, #tpu.memory_space<vmem>>) target(%dma_start3A_124 : memref<48x128xf32, #tpu.memory_space<vmem_shared>>) target_semaphore(%run_scoped3A : memref<!tpu.dma_semaphore, #tpu.memory_space<semaphore_mem>>)
      %dma_wait3A_125 = arith.constant 0 : i32
      %dma_wait3A_126 = tpu.memref_slice %arg16[%add3A_29, %dma_wait3A_125] : memref<10000x128xf32, #tpu.memory_space<vmem_shared>> -> memref<48x128xf32, #tpu.memory_space<vmem_shared>>
      %dma_wait3A_127 = arith.constant 0 : i32
      %dma_wait3A_128 = tpu.memref_slice %arg16[%add3A_29, %dma_wait3A_127] : memref<10000x128xf32, #tpu.memory_space<vmem_shared>> -> memref<48x128xf32, #tpu.memory_space<vmem_shared>>
      tpu.wait_dma2 semaphore(%run_scoped3A : memref<!tpu.dma_semaphore, #tpu.memory_space<semaphore_mem>>) src(%arg15 : memref<48x128xf32, #tpu.memory_space<vmem>>) dst(%dma_wait3A_128 : memref<48x128xf32, #tpu.memory_space<vmem_shared>>)
      tpu.yield
    }) : () -> ()
    %mul3A_30 = arith.constant 624 : i32
    %mul3A_31 = arith.muli %arg1, %mul3A_30 : i32
    %add3A_32 = arith.constant 288 : i32
    %add3A_33 = arith.addi %mul3A_31, %add3A_32 : i32
    "tpu.region"() ({
      %run_scoped3A = tpu.sem_alloc : memref<!tpu.dma_semaphore, #tpu.memory_space<semaphore_mem>>
      %dma_start3A_121 = arith.constant 0 : i32
      %dma_start3A_122 = tpu.memref_slice %arg16[%add3A_33, %dma_start3A_121] : memref<10000x128xf32, #tpu.memory_space<vmem_shared>> -> memref<48x128xf32, #tpu.memory_space<vmem_shared>>
      %dma_start3A_123 = arith.constant 0 : i32
      %dma_start3A_124 = tpu.memref_slice %arg16[%add3A_33, %dma_start3A_123] : memref<10000x128xf32, #tpu.memory_space<vmem_shared>> -> memref<48x128xf32, #tpu.memory_space<vmem_shared>>
      tpu.enqueue_dma source(%arg15 : memref<48x128xf32, #tpu.memory_space<vmem>>) target(%dma_start3A_124 : memref<48x128xf32, #tpu.memory_space<vmem_shared>>) target_semaphore(%run_scoped3A : memref<!tpu.dma_semaphore, #tpu.memory_space<semaphore_mem>>)
      %dma_wait3A_125 = arith.constant 0 : i32
      %dma_wait3A_126 = tpu.memref_slice %arg16[%add3A_33, %dma_wait3A_125] : memref<10000x128xf32, #tpu.memory_space<vmem_shared>> -> memref<48x128xf32, #tpu.memory_space<vmem_shared>>
      %dma_wait3A_127 = arith.constant 0 : i32
      %dma_wait3A_128 = tpu.memref_slice %arg16[%add3A_33, %dma_wait3A_127] : memref<10000x128xf32, #tpu.memory_space<vmem_shared>> -> memref<48x128xf32, #tpu.memory_space<vmem_shared>>
      tpu.wait_dma2 semaphore(%run_scoped3A : memref<!tpu.dma_semaphore, #tpu.memory_space<semaphore_mem>>) src(%arg15 : memref<48x128xf32, #tpu.memory_space<vmem>>) dst(%dma_wait3A_128 : memref<48x128xf32, #tpu.memory_space<vmem_shared>>)
      tpu.yield
    }) : () -> ()
    %mul3A_34 = arith.constant 624 : i32
    %mul3A_35 = arith.muli %arg1, %mul3A_34 : i32
    %add3A_36 = arith.constant 336 : i32
    %add3A_37 = arith.addi %mul3A_35, %add3A_36 : i32
    "tpu.region"() ({
      %run_scoped3A = tpu.sem_alloc : memref<!tpu.dma_semaphore, #tpu.memory_space<semaphore_mem>>
      %dma_start3A_121 = arith.constant 0 : i32
      %dma_start3A_122 = tpu.memref_slice %arg16[%add3A_37, %dma_start3A_121] : memref<10000x128xf32, #tpu.memory_space<vmem_shared>> -> memref<48x128xf32, #tpu.memory_space<vmem_shared>>
      %dma_start3A_123 = arith.constant 0 : i32
      %dma_start3A_124 = tpu.memref_slice %arg16[%add3A_37, %dma_start3A_123] : memref<10000x128xf32, #tpu.memory_space<vmem_shared>> -> memref<48x128xf32, #tpu.memory_space<vmem_shared>>
      tpu.enqueue_dma source(%arg15 : memref<48x128xf32, #tpu.memory_space<vmem>>) target(%dma_start3A_124 : memref<48x128xf32, #tpu.memory_space<vmem_shared>>) target_semaphore(%run_scoped3A : memref<!tpu.dma_semaphore, #tpu.memory_space<semaphore_mem>>)
      %dma_wait3A_125 = arith.constant 0 : i32
      %dma_wait3A_126 = tpu.memref_slice %arg16[%add3A_37, %dma_wait3A_125] : memref<10000x128xf32, #tpu.memory_space<vmem_shared>> -> memref<48x128xf32, #tpu.memory_space<vmem_shared>>
      %dma_wait3A_127 = arith.constant 0 : i32
      %dma_wait3A_128 = tpu.memref_slice %arg16[%add3A_37, %dma_wait3A_127] : memref<10000x128xf32, #tpu.memory_space<vmem_shared>> -> memref<48x128xf32, #tpu.memory_space<vmem_shared>>
      tpu.wait_dma2 semaphore(%run_scoped3A : memref<!tpu.dma_semaphore, #tpu.memory_space<semaphore_mem>>) src(%arg15 : memref<48x128xf32, #tpu.memory_space<vmem>>) dst(%dma_wait3A_128 : memref<48x128xf32, #tpu.memory_space<vmem_shared>>)
      tpu.yield
    }) : () -> ()
    %mul3A_38 = arith.constant 624 : i32
    %mul3A_39 = arith.muli %arg1, %mul3A_38 : i32
    %add3A_40 = arith.constant 384 : i32
    %add3A_41 = arith.addi %mul3A_39, %add3A_40 : i32
    "tpu.region"() ({
      %run_scoped3A = tpu.sem_alloc : memref<!tpu.dma_semaphore, #tpu.memory_space<semaphore_mem>>
      %dma_start3A_121 = arith.constant 0 : i32
      %dma_start3A_122 = tpu.memref_slice %arg16[%add3A_41, %dma_start3A_121] : memref<10000x128xf32, #tpu.memory_space<vmem_shared>> -> memref<48x128xf32, #tpu.memory_space<vmem_shared>>
      %dma_start3A_123 = arith.constant 0 : i32
      %dma_start3A_124 = tpu.memref_slice %arg16[%add3A_41, %dma_start3A_123] : memref<10000x128xf32, #tpu.memory_space<vmem_shared>> -> memref<48x128xf32, #tpu.memory_space<vmem_shared>>
      tpu.enqueue_dma source(%arg15 : memref<48x128xf32, #tpu.memory_space<vmem>>) target(%dma_start3A_124 : memref<48x128xf32, #tpu.memory_space<vmem_shared>>) target_semaphore(%run_scoped3A : memref<!tpu.dma_semaphore, #tpu.memory_space<semaphore_mem>>)
      %dma_wait3A_125 = arith.constant 0 : i32
      %dma_wait3A_126 = tpu.memref_slice %arg16[%add3A_41, %dma_wait3A_125] : memref<10000x128xf32, #tpu.memory_space<vmem_shared>> -> memref<48x128xf32, #tpu.memory_space<vmem_shared>>
      %dma_wait3A_127 = arith.constant 0 : i32
      %dma_wait3A_128 = tpu.memref_slice %arg16[%add3A_41, %dma_wait3A_127] : memref<10000x128xf32, #tpu.memory_space<vmem_shared>> -> memref<48x128xf32, #tpu.memory_space<vmem_shared>>
      tpu.wait_dma2 semaphore(%run_scoped3A : memref<!tpu.dma_semaphore, #tpu.memory_space<semaphore_mem>>) src(%arg15 : memref<48x128xf32, #tpu.memory_space<vmem>>) dst(%dma_wait3A_128 : memref<48x128xf32, #tpu.memory_space<vmem_shared>>)
      tpu.yield
    }) : () -> ()
    %mul3A_42 = arith.constant 624 : i32
    %mul3A_43 = arith.muli %arg1, %mul3A_42 : i32
    %add3A_44 = arith.constant 432 : i32
    %add3A_45 = arith.addi %mul3A_43, %add3A_44 : i32
    "tpu.region"() ({
      %run_scoped3A = tpu.sem_alloc : memref<!tpu.dma_semaphore, #tpu.memory_space<semaphore_mem>>
      %dma_start3A_121 = arith.constant 0 : i32
      %dma_start3A_122 = tpu.memref_slice %arg16[%add3A_45, %dma_start3A_121] : memref<10000x128xf32, #tpu.memory_space<vmem_shared>> -> memref<48x128xf32, #tpu.memory_space<vmem_shared>>
      %dma_start3A_123 = arith.constant 0 : i32
      %dma_start3A_124 = tpu.memref_slice %arg16[%add3A_45, %dma_start3A_123] : memref<10000x128xf32, #tpu.memory_space<vmem_shared>> -> memref<48x128xf32, #tpu.memory_space<vmem_shared>>
      tpu.enqueue_dma source(%arg15 : memref<48x128xf32, #tpu.memory_space<vmem>>) target(%dma_start3A_124 : memref<48x128xf32, #tpu.memory_space<vmem_shared>>) target_semaphore(%run_scoped3A : memref<!tpu.dma_semaphore, #tpu.memory_space<semaphore_mem>>)
      %dma_wait3A_125 = arith.constant 0 : i32
      %dma_wait3A_126 = tpu.memref_slice %arg16[%add3A_45, %dma_wait3A_125] : memref<10000x128xf32, #tpu.memory_space<vmem_shared>> -> memref<48x128xf32, #tpu.memory_space<vmem_shared>>
      %dma_wait3A_127 = arith.constant 0 : i32
      %dma_wait3A_128 = tpu.memref_slice %arg16[%add3A_45, %dma_wait3A_127] : memref<10000x128xf32, #tpu.memory_space<vmem_shared>> -> memref<48x128xf32, #tpu.memory_space<vmem_shared>>
      tpu.wait_dma2 semaphore(%run_scoped3A : memref<!tpu.dma_semaphore, #tpu.memory_space<semaphore_mem>>) src(%arg15 : memref<48x128xf32, #tpu.memory_space<vmem>>) dst(%dma_wait3A_128 : memref<48x128xf32, #tpu.memory_space<vmem_shared>>)
      tpu.yield
    }) : () -> ()
    %mul3A_46 = arith.constant 624 : i32
    %mul3A_47 = arith.muli %arg1, %mul3A_46 : i32
    %add3A_48 = arith.constant 480 : i32
    %add3A_49 = arith.addi %mul3A_47, %add3A_48 : i32
    "tpu.region"() ({
      %run_scoped3A = tpu.sem_alloc : memref<!tpu.dma_semaphore, #tpu.memory_space<semaphore_mem>>
      %dma_start3A_121 = arith.constant 0 : i32
      %dma_start3A_122 = tpu.memref_slice %arg16[%add3A_49, %dma_start3A_121] : memref<10000x128xf32, #tpu.memory_space<vmem_shared>> -> memref<48x128xf32, #tpu.memory_space<vmem_shared>>
      %dma_start3A_123 = arith.constant 0 : i32
      %dma_start3A_124 = tpu.memref_slice %arg16[%add3A_49, %dma_start3A_123] : memref<10000x128xf32, #tpu.memory_space<vmem_shared>> -> memref<48x128xf32, #tpu.memory_space<vmem_shared>>
      tpu.enqueue_dma source(%arg15 : memref<48x128xf32, #tpu.memory_space<vmem>>) target(%dma_start3A_124 : memref<48x128xf32, #tpu.memory_space<vmem_shared>>) target_semaphore(%run_scoped3A : memref<!tpu.dma_semaphore, #tpu.memory_space<semaphore_mem>>)
      %dma_wait3A_125 = arith.constant 0 : i32
      %dma_wait3A_126 = tpu.memref_slice %arg16[%add3A_49, %dma_wait3A_125] : memref<10000x128xf32, #tpu.memory_space<vmem_shared>> -> memref<48x128xf32, #tpu.memory_space<vmem_shared>>
      %dma_wait3A_127 = arith.constant 0 : i32
      %dma_wait3A_128 = tpu.memref_slice %arg16[%add3A_49, %dma_wait3A_127] : memref<10000x128xf32, #tpu.memory_space<vmem_shared>> -> memref<48x128xf32, #tpu.memory_space<vmem_shared>>
      tpu.wait_dma2 semaphore(%run_scoped3A : memref<!tpu.dma_semaphore, #tpu.memory_space<semaphore_mem>>) src(%arg15 : memref<48x128xf32, #tpu.memory_space<vmem>>) dst(%dma_wait3A_128 : memref<48x128xf32, #tpu.memory_space<vmem_shared>>)
      tpu.yield
    }) : () -> ()
    %mul3A_50 = arith.constant 624 : i32
    %mul3A_51 = arith.muli %arg1, %mul3A_50 : i32
    %add3A_52 = arith.constant 528 : i32
    %add3A_53 = arith.addi %mul3A_51, %add3A_52 : i32
    "tpu.region"() ({
      %run_scoped3A = tpu.sem_alloc : memref<!tpu.dma_semaphore, #tpu.memory_space<semaphore_mem>>
      %dma_start3A_121 = arith.constant 0 : i32
      %dma_start3A_122 = tpu.memref_slice %arg16[%add3A_53, %dma_start3A_121] : memref<10000x128xf32, #tpu.memory_space<vmem_shared>> -> memref<48x128xf32, #tpu.memory_space<vmem_shared>>
      %dma_start3A_123 = arith.constant 0 : i32
      %dma_start3A_124 = tpu.memref_slice %arg16[%add3A_53, %dma_start3A_123] : memref<10000x128xf32, #tpu.memory_space<vmem_shared>> -> memref<48x128xf32, #tpu.memory_space<vmem_shared>>
      tpu.enqueue_dma source(%arg15 : memref<48x128xf32, #tpu.memory_space<vmem>>) target(%dma_start3A_124 : memref<48x128xf32, #tpu.memory_space<vmem_shared>>) target_semaphore(%run_scoped3A : memref<!tpu.dma_semaphore, #tpu.memory_space<semaphore_mem>>)
      %dma_wait3A_125 = arith.constant 0 : i32
      %dma_wait3A_126 = tpu.memref_slice %arg16[%add3A_53, %dma_wait3A_125] : memref<10000x128xf32, #tpu.memory_space<vmem_shared>> -> memref<48x128xf32, #tpu.memory_space<vmem_shared>>
      %dma_wait3A_127 = arith.constant 0 : i32
      %dma_wait3A_128 = tpu.memref_slice %arg16[%add3A_53, %dma_wait3A_127] : memref<10000x128xf32, #tpu.memory_space<vmem_shared>> -> memref<48x128xf32, #tpu.memory_space<vmem_shared>>
      tpu.wait_dma2 semaphore(%run_scoped3A : memref<!tpu.dma_semaphore, #tpu.memory_space<semaphore_mem>>) src(%arg15 : memref<48x128xf32, #tpu.memory_space<vmem>>) dst(%dma_wait3A_128 : memref<48x128xf32, #tpu.memory_space<vmem_shared>>)
      tpu.yield
    }) : () -> ()
    %mul3A_54 = arith.constant 624 : i32
    %mul3A_55 = arith.muli %arg1, %mul3A_54 : i32
    %add3A_56 = arith.constant 576 : i32
    %add3A_57 = arith.addi %mul3A_55, %add3A_56 : i32
    "tpu.region"() ({
      %run_scoped3A = tpu.sem_alloc : memref<!tpu.dma_semaphore, #tpu.memory_space<semaphore_mem>>
      %dma_start3A_121 = arith.constant 0 : i32
      %dma_start3A_122 = tpu.memref_slice %arg16[%add3A_57, %dma_start3A_121] : memref<10000x128xf32, #tpu.memory_space<vmem_shared>> -> memref<48x128xf32, #tpu.memory_space<vmem_shared>>
      %dma_start3A_123 = arith.constant 0 : i32
      %dma_start3A_124 = tpu.memref_slice %arg16[%add3A_57, %dma_start3A_123] : memref<10000x128xf32, #tpu.memory_space<vmem_shared>> -> memref<48x128xf32, #tpu.memory_space<vmem_shared>>
      tpu.enqueue_dma source(%arg15 : memref<48x128xf32, #tpu.memory_space<vmem>>) target(%dma_start3A_124 : memref<48x128xf32, #tpu.memory_space<vmem_shared>>) target_semaphore(%run_scoped3A : memref<!tpu.dma_semaphore, #tpu.memory_space<semaphore_mem>>)
      %dma_wait3A_125 = arith.constant 0 : i32
      %dma_wait3A_126 = tpu.memref_slice %arg16[%add3A_57, %dma_wait3A_125] : memref<10000x128xf32, #tpu.memory_space<vmem_shared>> -> memref<48x128xf32, #tpu.memory_space<vmem_shared>>
      %dma_wait3A_127 = arith.constant 0 : i32
      %dma_wait3A_128 = tpu.memref_slice %arg16[%add3A_57, %dma_wait3A_127] : memref<10000x128xf32, #tpu.memory_space<vmem_shared>> -> memref<48x128xf32, #tpu.memory_space<vmem_shared>>
      tpu.wait_dma2 semaphore(%run_scoped3A : memref<!tpu.dma_semaphore, #tpu.memory_space<semaphore_mem>>) src(%arg15 : memref<48x128xf32, #tpu.memory_space<vmem>>) dst(%dma_wait3A_128 : memref<48x128xf32, #tpu.memory_space<vmem_shared>>)
      tpu.yield
    }) : () -> ()
    %eq3A = arith.constant 15 : i32
    %eq3A_58 = arith.cmpi eq, %arg1, %eq3A : i32
    %convert_element_type3A = arith.extui %eq3A_58 : i1 to i32
    %cond3A = arith.constant 0 : i32
    %cond3A_59 = arith.cmpi ne, %convert_element_type3A, %cond3A : i32
    scf.if %cond3A_59 {
      "tpu.region"() ({
        %run_scoped3A = tpu.sem_alloc : memref<!tpu.dma_semaphore, #tpu.memory_space<semaphore_mem>>
        %dma_start3A_121 = arith.constant 0 : i32
        %dma_start3A_122 = arith.constant 0 : i32
        %dma_start3A_123 = tpu.memref_slice %arg15[%dma_start3A_121, %dma_start3A_122] : memref<48x128xf32, #tpu.memory_space<vmem>> -> memref<16x128xf32, #tpu.memory_space<vmem>>
        %dma_start3A_124 = arith.constant 9984 : i32
        %dma_start3A_125 = arith.constant 0 : i32
        %dma_start3A_126 = tpu.memref_slice %arg16[%dma_start3A_124, %dma_start3A_125] : memref<10000x128xf32, #tpu.memory_space<vmem_shared>> -> memref<16x128xf32, #tpu.memory_space<vmem_shared>>
        %dma_start3A_127 = arith.constant 9984 : i32
        %dma_start3A_128 = arith.constant 0 : i32
        %dma_start3A_129 = tpu.memref_slice %arg16[%dma_start3A_127, %dma_start3A_128] : memref<10000x128xf32, #tpu.memory_space<vmem_shared>> -> memref<16x128xf32, #tpu.memory_space<vmem_shared>>
        %dma_start3A_130 = arith.constant 0 : i32
        %dma_start3A_131 = arith.constant 0 : i32
        %dma_start3A_132 = tpu.memref_slice %arg15[%dma_start3A_130, %dma_start3A_131] : memref<48x128xf32, #tpu.memory_space<vmem>> -> memref<16x128xf32, #tpu.memory_space<vmem>>
        tpu.enqueue_dma source(%dma_start3A_132 : memref<16x128xf32, #tpu.memory_space<vmem>>) target(%dma_start3A_129 : memref<16x128xf32, #tpu.memory_space<vmem_shared>>) target_semaphore(%run_scoped3A : memref<!tpu.dma_semaphore, #tpu.memory_space<semaphore_mem>>)
        %dma_wait3A_133 = arith.constant 0 : i32
        %dma_wait3A_134 = arith.constant 0 : i32
        %dma_wait3A_135 = tpu.memref_slice %arg15[%dma_wait3A_133, %dma_wait3A_134] : memref<48x128xf32, #tpu.memory_space<vmem>> -> memref<16x128xf32, #tpu.memory_space<vmem>>
        %dma_wait3A_136 = arith.constant 9984 : i32
        %dma_wait3A_137 = arith.constant 0 : i32
        %dma_wait3A_138 = tpu.memref_slice %arg16[%dma_wait3A_136, %dma_wait3A_137] : memref<10000x128xf32, #tpu.memory_space<vmem_shared>> -> memref<16x128xf32, #tpu.memory_space<vmem_shared>>
        %dma_wait3A_139 = arith.constant 9984 : i32
        %dma_wait3A_140 = arith.constant 0 : i32
        %dma_wait3A_141 = tpu.memref_slice %arg16[%dma_wait3A_139, %dma_wait3A_140] : memref<10000x128xf32, #tpu.memory_space<vmem_shared>> -> memref<16x128xf32, #tpu.memory_space<vmem_shared>>
        %dma_wait3A_142 = arith.constant 0 : i32
        %dma_wait3A_143 = arith.constant 0 : i32
        %dma_wait3A_144 = tpu.memref_slice %arg15[%dma_wait3A_142, %dma_wait3A_143] : memref<48x128xf32, #tpu.memory_space<vmem>> -> memref<16x128xf32, #tpu.memory_space<vmem>>
        tpu.wait_dma2 semaphore(%run_scoped3A : memref<!tpu.dma_semaphore, #tpu.memory_space<semaphore_mem>>) src(%dma_wait3A_144 : memref<16x128xf32, #tpu.memory_space<vmem>>) dst(%dma_wait3A_141 : memref<16x128xf32, #tpu.memory_space<vmem_shared>>)
        tpu.yield
      }) : () -> ()
    } else {
    }
    %barrier3A = arith.constant 0 : index
    tpu.barrier barrier_id(%barrier3A)
    %mul3A_60 = arith.constant 10000 : i32
    %mul3A_61 = arith.muli %add3A, %mul3A_60 : i32
    %add3A_62 = arith.constant 0 : i32
    %add3A_63 = arith.addi %mul3A_61, %add3A_62 : i32
    %dma_start3A = arith.constant 0 : i32
    %dma_start3A_64 = tpu.memref_slice %arg2[%add3A_63, %dma_start3A] : memref<320000x128xf32, #tpu.memory_space<hbm>> -> memref<40x128xf32, #tpu.memory_space<hbm>>
    %dma_start3A_65 = arith.constant 0 : i32
    %dma_start3A_66 = tpu.memref_slice %arg2[%add3A_63, %dma_start3A_65] : memref<320000x128xf32, #tpu.memory_space<hbm>> -> memref<40x128xf32, #tpu.memory_space<hbm>>
    tpu.enqueue_dma source(%dma_start3A_66 : memref<40x128xf32, #tpu.memory_space<hbm>>) target(%arg5 : memref<40x128xf32, #tpu.memory_space<vmem>>) target_semaphore(%arg17 : memref<!tpu.dma_semaphore, #tpu.memory_space<semaphore_mem>>)
    %dma_start3A_67 = arith.constant 0 : i32
    %dma_start3A_68 = arith.constant 0 : i32
    %dma_start3A_69 = tpu.memref_slice %arg3[%add3A, %dma_start3A_67, %dma_start3A_68] : memref<32x250x40xi32, #tpu.memory_space<hbm>> -> memref<1x1x40xi32, #tpu.memory_space<hbm>>
    %dma_start3A_70 = tpu.memref_squeeze %dma_start3A_69 : memref<1x1x40xi32, #tpu.memory_space<hbm>> -> memref<40xi32, #tpu.memory_space<hbm>>
    %dma_start3A_71 = arith.constant 0 : i32
    %dma_start3A_72 = tpu.memref_slice %arg3[%add3A, %dma_start3A_67, %dma_start3A_71] : memref<32x250x40xi32, #tpu.memory_space<hbm>> -> memref<1x1x40xi32, #tpu.memory_space<hbm>>
    %dma_start3A_73 = tpu.memref_squeeze %dma_start3A_72 : memref<1x1x40xi32, #tpu.memory_space<hbm>> -> memref<40xi32, #tpu.memory_space<hbm>>
    tpu.enqueue_dma source(%dma_start3A_73 : memref<40xi32, #tpu.memory_space<hbm>>) target(%arg10 : memref<40xi32, #tpu.memory_space<vmem>>) target_semaphore(%arg17 : memref<!tpu.dma_semaphore, #tpu.memory_space<semaphore_mem>>)
    %add3A_74 = arith.constant 40 : i32
    %add3A_75 = arith.addi %mul3A_61, %add3A_74 : i32
    %dma_start3A_76 = arith.constant 0 : i32
    %dma_start3A_77 = tpu.memref_slice %arg2[%add3A_75, %dma_start3A_76] : memref<320000x128xf32, #tpu.memory_space<hbm>> -> memref<40x128xf32, #tpu.memory_space<hbm>>
    %dma_start3A_78 = arith.constant 0 : i32
    %dma_start3A_79 = tpu.memref_slice %arg2[%add3A_75, %dma_start3A_78] : memref<320000x128xf32, #tpu.memory_space<hbm>> -> memref<40x128xf32, #tpu.memory_space<hbm>>
    tpu.enqueue_dma source(%dma_start3A_79 : memref<40x128xf32, #tpu.memory_space<hbm>>) target(%arg6 : memref<40x128xf32, #tpu.memory_space<vmem>>) target_semaphore(%arg18 : memref<!tpu.dma_semaphore, #tpu.memory_space<semaphore_mem>>)
    %dma_start3A_80 = arith.constant 1 : i32
    %dma_start3A_81 = arith.constant 0 : i32
    %dma_start3A_82 = tpu.memref_slice %arg3[%add3A, %dma_start3A_80, %dma_start3A_81] : memref<32x250x40xi32, #tpu.memory_space<hbm>> -> memref<1x1x40xi32, #tpu.memory_space<hbm>>
    %dma_start3A_83 = tpu.memref_squeeze %dma_start3A_82 : memref<1x1x40xi32, #tpu.memory_space<hbm>> -> memref<40xi32, #tpu.memory_space<hbm>>
    %dma_start3A_84 = arith.constant 0 : i32
    %dma_start3A_85 = tpu.memref_slice %arg3[%add3A, %dma_start3A_80, %dma_start3A_84] : memref<32x250x40xi32, #tpu.memory_space<hbm>> -> memref<1x1x40xi32, #tpu.memory_space<hbm>>
    %dma_start3A_86 = tpu.memref_squeeze %dma_start3A_85 : memref<1x1x40xi32, #tpu.memory_space<hbm>> -> memref<40xi32, #tpu.memory_space<hbm>>
    tpu.enqueue_dma source(%dma_start3A_86 : memref<40xi32, #tpu.memory_space<hbm>>) target(%arg11 : memref<40xi32, #tpu.memory_space<vmem>>) target_semaphore(%arg18 : memref<!tpu.dma_semaphore, #tpu.memory_space<semaphore_mem>>)
    %add3A_87 = arith.constant 80 : i32
    %add3A_88 = arith.addi %mul3A_61, %add3A_87 : i32
    %dma_start3A_89 = arith.constant 0 : i32
    %dma_start3A_90 = tpu.memref_slice %arg2[%add3A_88, %dma_start3A_89] : memref<320000x128xf32, #tpu.memory_space<hbm>> -> memref<40x128xf32, #tpu.memory_space<hbm>>
    %dma_start3A_91 = arith.constant 0 : i32
    %dma_start3A_92 = tpu.memref_slice %arg2[%add3A_88, %dma_start3A_91] : memref<320000x128xf32, #tpu.memory_space<hbm>> -> memref<40x128xf32, #tpu.memory_space<hbm>>
    tpu.enqueue_dma source(%dma_start3A_92 : memref<40x128xf32, #tpu.memory_space<hbm>>) target(%arg7 : memref<40x128xf32, #tpu.memory_space<vmem>>) target_semaphore(%arg19 : memref<!tpu.dma_semaphore, #tpu.memory_space<semaphore_mem>>)
    %dma_start3A_93 = arith.constant 2 : i32
    %dma_start3A_94 = arith.constant 0 : i32
    %dma_start3A_95 = tpu.memref_slice %arg3[%add3A, %dma_start3A_93, %dma_start3A_94] : memref<32x250x40xi32, #tpu.memory_space<hbm>> -> memref<1x1x40xi32, #tpu.memory_space<hbm>>
    %dma_start3A_96 = tpu.memref_squeeze %dma_start3A_95 : memref<1x1x40xi32, #tpu.memory_space<hbm>> -> memref<40xi32, #tpu.memory_space<hbm>>
    %dma_start3A_97 = arith.constant 0 : i32
    %dma_start3A_98 = tpu.memref_slice %arg3[%add3A, %dma_start3A_93, %dma_start3A_97] : memref<32x250x40xi32, #tpu.memory_space<hbm>> -> memref<1x1x40xi32, #tpu.memory_space<hbm>>
    %dma_start3A_99 = tpu.memref_squeeze %dma_start3A_98 : memref<1x1x40xi32, #tpu.memory_space<hbm>> -> memref<40xi32, #tpu.memory_space<hbm>>
    tpu.enqueue_dma source(%dma_start3A_99 : memref<40xi32, #tpu.memory_space<hbm>>) target(%arg12 : memref<40xi32, #tpu.memory_space<vmem>>) target_semaphore(%arg19 : memref<!tpu.dma_semaphore, #tpu.memory_space<semaphore_mem>>)
    %scan3A_100 = arith.constant 0 : i32
    %scan3A_101 = arith.constant 0 : i32
    %scan3A_102 = arith.constant 50 : i32
    %scan3A_103 = arith.addi %scan3A_101, %scan3A_102 : i32
    %scan3A_104 = arith.constant 1 : i32
    scf.for %scan3A_121 = %scan3A_101 to %scan3A_103 step %scan3A_104  : i32 {
      %mul3A_122 = arith.constant 5 : i32
      %mul3A_123 = arith.muli %scan3A_121, %mul3A_122 : i32
      %add3A_124 = arith.constant 0 : i32
      %add3A_125 = arith.addi %mul3A_123, %add3A_124 : i32
      %mul3A_126 = arith.constant 40 : i32
      %mul3A_127 = arith.muli %add3A_125, %mul3A_126 : i32
      %add3A_128 = arith.addi %mul3A_61, %mul3A_127 : i32
      %dma_wait3A_129 = arith.constant 0 : i32
      %dma_wait3A_130 = tpu.memref_slice %arg2[%add3A_128, %dma_wait3A_129] : memref<320000x128xf32, #tpu.memory_space<hbm>> -> memref<40x128xf32, #tpu.memory_space<hbm>>
      %dma_wait3A_131 = arith.constant 0 : i32
      %dma_wait3A_132 = tpu.memref_slice %arg2[%add3A_128, %dma_wait3A_131] : memref<320000x128xf32, #tpu.memory_space<hbm>> -> memref<40x128xf32, #tpu.memory_space<hbm>>
      tpu.wait_dma2 semaphore(%arg17 : memref<!tpu.dma_semaphore, #tpu.memory_space<semaphore_mem>>) src(%dma_wait3A_132 : memref<40x128xf32, #tpu.memory_space<hbm>>) dst(%arg5 : memref<40x128xf32, #tpu.memory_space<vmem>>)
      %dma_wait3A_133 = arith.constant 0 : i32
      %dma_wait3A_134 = tpu.memref_slice %arg3[%add3A, %add3A_125, %dma_wait3A_133] : memref<32x250x40xi32, #tpu.memory_space<hbm>> -> memref<1x1x40xi32, #tpu.memory_space<hbm>>
      %dma_wait3A_135 = tpu.memref_squeeze %dma_wait3A_134 : memref<1x1x40xi32, #tpu.memory_space<hbm>> -> memref<40xi32, #tpu.memory_space<hbm>>
      %dma_wait3A_136 = arith.constant 0 : i32
      %dma_wait3A_137 = tpu.memref_slice %arg3[%add3A, %add3A_125, %dma_wait3A_136] : memref<32x250x40xi32, #tpu.memory_space<hbm>> -> memref<1x1x40xi32, #tpu.memory_space<hbm>>
      %dma_wait3A_138 = tpu.memref_squeeze %dma_wait3A_137 : memref<1x1x40xi32, #tpu.memory_space<hbm>> -> memref<40xi32, #tpu.memory_space<hbm>>
      tpu.wait_dma2 semaphore(%arg17 : memref<!tpu.dma_semaphore, #tpu.memory_space<semaphore_mem>>) src(%dma_wait3A_138 : memref<40xi32, #tpu.memory_space<hbm>>) dst(%arg10 : memref<40xi32, #tpu.memory_space<vmem>>)
      %dma_start3A_139 = arith.constant 0 : i32
      %dma_start3A_140 = arith.constant 0 : i32
      %dma_start3A_141 = tpu.memref_slice %arg16[%dma_start3A_139, %dma_start3A_140] : memref<10000x128xf32, #tpu.memory_space<vmem_shared>> -> memref<10000x128xf32, #tpu.memory_space<vmem_shared>>
      tpu.enqueue_indirect_dma source(%arg5 : memref<40x128xf32, #tpu.memory_space<vmem>>) target(%dma_start3A_141 : memref<10000x128xf32, #tpu.memory_space<vmem_shared>>) offsets(%arg10 : memref<40xi32, #tpu.memory_space<vmem>>) semaphore(%arg22 : memref<!tpu.dma_semaphore, #tpu.memory_space<semaphore_mem>>) {add = true}
      %ge3A = arith.constant 2 : i32
      %ge3A_142 = arith.cmpi sge, %add3A_125, %ge3A : i32
      %convert_element_type3A_143 = arith.extui %ge3A_142 : i1 to i32
      %cond3A_144 = arith.constant 0 : i32
      %cond3A_145 = arith.cmpi ne, %convert_element_type3A_143, %cond3A_144 : i32
      scf.if %cond3A_145 {
        %dma_wait3A_280 = arith.constant 0 : i32
        %dma_wait3A_281 = arith.constant 0 : i32
        %dma_wait3A_282 = tpu.memref_slice %arg16[%dma_wait3A_280, %dma_wait3A_281] : memref<10000x128xf32, #tpu.memory_space<vmem_shared>> -> memref<10000x128xf32, #tpu.memory_space<vmem_shared>>
        tpu.wait_indirect_dma semaphore(%arg25 : memref<!tpu.dma_semaphore, #tpu.memory_space<semaphore_mem>>) src(%arg8 : memref<40x128xf32, #tpu.memory_space<vmem>>) dst(%dma_wait3A_282 : memref<10000x128xf32, #tpu.memory_space<vmem_shared>>)
      } else {
      }
      %add3A_146 = arith.constant 3 : i32
      %add3A_147 = arith.addi %add3A_125, %add3A_146 : i32
      %lt3A = arith.constant 250 : i32
      %lt3A_148 = arith.cmpi slt, %add3A_147, %lt3A : i32
      %convert_element_type3A_149 = arith.extui %lt3A_148 : i1 to i32
      %cond3A_150 = arith.constant 0 : i32
      %cond3A_151 = arith.cmpi ne, %convert_element_type3A_149, %cond3A_150 : i32
      scf.if %cond3A_151 {
        %add3A_280 = arith.constant 3 : i32
        %add3A_281 = arith.addi %add3A_125, %add3A_280 : i32
        %mul3A_282 = arith.constant 40 : i32
        %mul3A_283 = arith.muli %add3A_281, %mul3A_282 : i32
        %add3A_284 = arith.addi %mul3A_61, %mul3A_283 : i32
        %dma_start3A_285 = arith.constant 0 : i32
        %dma_start3A_286 = tpu.memref_slice %arg2[%add3A_284, %dma_start3A_285] : memref<320000x128xf32, #tpu.memory_space<hbm>> -> memref<40x128xf32, #tpu.memory_space<hbm>>
        %dma_start3A_287 = arith.constant 0 : i32
        %dma_start3A_288 = tpu.memref_slice %arg2[%add3A_284, %dma_start3A_287] : memref<320000x128xf32, #tpu.memory_space<hbm>> -> memref<40x128xf32, #tpu.memory_space<hbm>>
        tpu.enqueue_dma source(%dma_start3A_288 : memref<40x128xf32, #tpu.memory_space<hbm>>) target(%arg8 : memref<40x128xf32, #tpu.memory_space<vmem>>) target_semaphore(%arg20 : memref<!tpu.dma_semaphore, #tpu.memory_space<semaphore_mem>>)
        %dma_start3A_289 = arith.constant 0 : i32
        %dma_start3A_290 = tpu.memref_slice %arg3[%add3A, %add3A_281, %dma_start3A_289] : memref<32x250x40xi32, #tpu.memory_space<hbm>> -> memref<1x1x40xi32, #tpu.memory_space<hbm>>
        %dma_start3A_291 = tpu.memref_squeeze %dma_start3A_290 : memref<1x1x40xi32, #tpu.memory_space<hbm>> -> memref<40xi32, #tpu.memory_space<hbm>>
        %dma_start3A_292 = arith.constant 0 : i32
        %dma_start3A_293 = tpu.memref_slice %arg3[%add3A, %add3A_281, %dma_start3A_292] : memref<32x250x40xi32, #tpu.memory_space<hbm>> -> memref<1x1x40xi32, #tpu.memory_space<hbm>>
        %dma_start3A_294 = tpu.memref_squeeze %dma_start3A_293 : memref<1x1x40xi32, #tpu.memory_space<hbm>> -> memref<40xi32, #tpu.memory_space<hbm>>
        tpu.enqueue_dma source(%dma_start3A_294 : memref<40xi32, #tpu.memory_space<hbm>>) target(%arg13 : memref<40xi32, #tpu.memory_space<vmem>>) target_semaphore(%arg20 : memref<!tpu.dma_semaphore, #tpu.memory_space<semaphore_mem>>)
      } else {
      }
      %mul3A_152 = arith.constant 5 : i32
      %mul3A_153 = arith.muli %scan3A_121, %mul3A_152 : i32
      %add3A_154 = arith.constant 1 : i32
      %add3A_155 = arith.addi %mul3A_153, %add3A_154 : i32
      %mul3A_156 = arith.constant 40 : i32
      %mul3A_157 = arith.muli %add3A_155, %mul3A_156 : i32
      %add3A_158 = arith.addi %mul3A_61, %mul3A_157 : i32
      %dma_wait3A_159 = arith.constant 0 : i32
      %dma_wait3A_160 = tpu.memref_slice %arg2[%add3A_158, %dma_wait3A_159] : memref<320000x128xf32, #tpu.memory_space<hbm>> -> memref<40x128xf32, #tpu.memory_space<hbm>>
      %dma_wait3A_161 = arith.constant 0 : i32
      %dma_wait3A_162 = tpu.memref_slice %arg2[%add3A_158, %dma_wait3A_161] : memref<320000x128xf32, #tpu.memory_space<hbm>> -> memref<40x128xf32, #tpu.memory_space<hbm>>
      tpu.wait_dma2 semaphore(%arg18 : memref<!tpu.dma_semaphore, #tpu.memory_space<semaphore_mem>>) src(%dma_wait3A_162 : memref<40x128xf32, #tpu.memory_space<hbm>>) dst(%arg6 : memref<40x128xf32, #tpu.memory_space<vmem>>)
      %dma_wait3A_163 = arith.constant 0 : i32
      %dma_wait3A_164 = tpu.memref_slice %arg3[%add3A, %add3A_155, %dma_wait3A_163] : memref<32x250x40xi32, #tpu.memory_space<hbm>> -> memref<1x1x40xi32, #tpu.memory_space<hbm>>
      %dma_wait3A_165 = tpu.memref_squeeze %dma_wait3A_164 : memref<1x1x40xi32, #tpu.memory_space<hbm>> -> memref<40xi32, #tpu.memory_space<hbm>>
      %dma_wait3A_166 = arith.constant 0 : i32
      %dma_wait3A_167 = tpu.memref_slice %arg3[%add3A, %add3A_155, %dma_wait3A_166] : memref<32x250x40xi32, #tpu.memory_space<hbm>> -> memref<1x1x40xi32, #tpu.memory_space<hbm>>
      %dma_wait3A_168 = tpu.memref_squeeze %dma_wait3A_167 : memref<1x1x40xi32, #tpu.memory_space<hbm>> -> memref<40xi32, #tpu.memory_space<hbm>>
      tpu.wait_dma2 semaphore(%arg18 : memref<!tpu.dma_semaphore, #tpu.memory_space<semaphore_mem>>) src(%dma_wait3A_168 : memref<40xi32, #tpu.memory_space<hbm>>) dst(%arg11 : memref<40xi32, #tpu.memory_space<vmem>>)
      %dma_start3A_169 = arith.constant 0 : i32
      %dma_start3A_170 = arith.constant 0 : i32
      %dma_start3A_171 = tpu.memref_slice %arg16[%dma_start3A_169, %dma_start3A_170] : memref<10000x128xf32, #tpu.memory_space<vmem_shared>> -> memref<10000x128xf32, #tpu.memory_space<vmem_shared>>
      tpu.enqueue_indirect_dma source(%arg6 : memref<40x128xf32, #tpu.memory_space<vmem>>) target(%dma_start3A_171 : memref<10000x128xf32, #tpu.memory_space<vmem_shared>>) offsets(%arg11 : memref<40xi32, #tpu.memory_space<vmem>>) semaphore(%arg23 : memref<!tpu.dma_semaphore, #tpu.memory_space<semaphore_mem>>) {add = true}
      %ge3A_172 = arith.constant 2 : i32
      %ge3A_173 = arith.cmpi sge, %add3A_155, %ge3A_172 : i32
      %convert_element_type3A_174 = arith.extui %ge3A_173 : i1 to i32
      %cond3A_175 = arith.constant 0 : i32
      %cond3A_176 = arith.cmpi ne, %convert_element_type3A_174, %cond3A_175 : i32
      scf.if %cond3A_176 {
        %dma_wait3A_280 = arith.constant 0 : i32
        %dma_wait3A_281 = arith.constant 0 : i32
        %dma_wait3A_282 = tpu.memref_slice %arg16[%dma_wait3A_280, %dma_wait3A_281] : memref<10000x128xf32, #tpu.memory_space<vmem_shared>> -> memref<10000x128xf32, #tpu.memory_space<vmem_shared>>
        tpu.wait_indirect_dma semaphore(%arg26 : memref<!tpu.dma_semaphore, #tpu.memory_space<semaphore_mem>>) src(%arg9 : memref<40x128xf32, #tpu.memory_space<vmem>>) dst(%dma_wait3A_282 : memref<10000x128xf32, #tpu.memory_space<vmem_shared>>)
      } else {
      }
      %add3A_177 = arith.constant 3 : i32
      %add3A_178 = arith.addi %add3A_155, %add3A_177 : i32
      %lt3A_179 = arith.constant 250 : i32
      %lt3A_180 = arith.cmpi slt, %add3A_178, %lt3A_179 : i32
      %convert_element_type3A_181 = arith.extui %lt3A_180 : i1 to i32
      %cond3A_182 = arith.constant 0 : i32
      %cond3A_183 = arith.cmpi ne, %convert_element_type3A_181, %cond3A_182 : i32
      scf.if %cond3A_183 {
        %add3A_280 = arith.constant 3 : i32
        %add3A_281 = arith.addi %add3A_155, %add3A_280 : i32
        %mul3A_282 = arith.constant 40 : i32
        %mul3A_283 = arith.muli %add3A_281, %mul3A_282 : i32
        %add3A_284 = arith.addi %mul3A_61, %mul3A_283 : i32
        %dma_start3A_285 = arith.constant 0 : i32
        %dma_start3A_286 = tpu.memref_slice %arg2[%add3A_284, %dma_start3A_285] : memref<320000x128xf32, #tpu.memory_space<hbm>> -> memref<40x128xf32, #tpu.memory_space<hbm>>
        %dma_start3A_287 = arith.constant 0 : i32
        %dma_start3A_288 = tpu.memref_slice %arg2[%add3A_284, %dma_start3A_287] : memref<320000x128xf32, #tpu.memory_space<hbm>> -> memref<40x128xf32, #tpu.memory_space<hbm>>
        tpu.enqueue_dma source(%dma_start3A_288 : memref<40x128xf32, #tpu.memory_space<hbm>>) target(%arg9 : memref<40x128xf32, #tpu.memory_space<vmem>>) target_semaphore(%arg21 : memref<!tpu.dma_semaphore, #tpu.memory_space<semaphore_mem>>)
        %dma_start3A_289 = arith.constant 0 : i32
        %dma_start3A_290 = tpu.memref_slice %arg3[%add3A, %add3A_281, %dma_start3A_289] : memref<32x250x40xi32, #tpu.memory_space<hbm>> -> memref<1x1x40xi32, #tpu.memory_space<hbm>>
        %dma_start3A_291 = tpu.memref_squeeze %dma_start3A_290 : memref<1x1x40xi32, #tpu.memory_space<hbm>> -> memref<40xi32, #tpu.memory_space<hbm>>
        %dma_start3A_292 = arith.constant 0 : i32
        %dma_start3A_293 = tpu.memref_slice %arg3[%add3A, %add3A_281, %dma_start3A_292] : memref<32x250x40xi32, #tpu.memory_space<hbm>> -> memref<1x1x40xi32, #tpu.memory_space<hbm>>
        %dma_start3A_294 = tpu.memref_squeeze %dma_start3A_293 : memref<1x1x40xi32, #tpu.memory_space<hbm>> -> memref<40xi32, #tpu.memory_space<hbm>>
        tpu.enqueue_dma source(%dma_start3A_294 : memref<40xi32, #tpu.memory_space<hbm>>) target(%arg14 : memref<40xi32, #tpu.memory_space<vmem>>) target_semaphore(%arg21 : memref<!tpu.dma_semaphore, #tpu.memory_space<semaphore_mem>>)
      } else {
      }
      %mul3A_184 = arith.constant 5 : i32
      %mul3A_185 = arith.muli %scan3A_121, %mul3A_184 : i32
      %add3A_186 = arith.constant 2 : i32
      %add3A_187 = arith.addi %mul3A_185, %add3A_186 : i32
      %mul3A_188 = arith.constant 40 : i32
      %mul3A_189 = arith.muli %add3A_187, %mul3A_188 : i32
      %add3A_190 = arith.addi %mul3A_61, %mul3A_189 : i32
      %dma_wait3A_191 = arith.constant 0 : i32
      %dma_wait3A_192 = tpu.memref_slice %arg2[%add3A_190, %dma_wait3A_191] : memref<320000x128xf32, #tpu.memory_space<hbm>> -> memref<40x128xf32, #tpu.memory_space<hbm>>
      %dma_wait3A_193 = arith.constant 0 : i32
      %dma_wait3A_194 = tpu.memref_slice %arg2[%add3A_190, %dma_wait3A_193] : memref<320000x128xf32, #tpu.memory_space<hbm>> -> memref<40x128xf32, #tpu.memory_space<hbm>>
      tpu.wait_dma2 semaphore(%arg19 : memref<!tpu.dma_semaphore, #tpu.memory_space<semaphore_mem>>) src(%dma_wait3A_194 : memref<40x128xf32, #tpu.memory_space<hbm>>) dst(%arg7 : memref<40x128xf32, #tpu.memory_space<vmem>>)
      %dma_wait3A_195 = arith.constant 0 : i32
      %dma_wait3A_196 = tpu.memref_slice %arg3[%add3A, %add3A_187, %dma_wait3A_195] : memref<32x250x40xi32, #tpu.memory_space<hbm>> -> memref<1x1x40xi32, #tpu.memory_space<hbm>>
      %dma_wait3A_197 = tpu.memref_squeeze %dma_wait3A_196 : memref<1x1x40xi32, #tpu.memory_space<hbm>> -> memref<40xi32, #tpu.memory_space<hbm>>
      %dma_wait3A_198 = arith.constant 0 : i32
      %dma_wait3A_199 = tpu.memref_slice %arg3[%add3A, %add3A_187, %dma_wait3A_198] : memref<32x250x40xi32, #tpu.memory_space<hbm>> -> memref<1x1x40xi32, #tpu.memory_space<hbm>>
      %dma_wait3A_200 = tpu.memref_squeeze %dma_wait3A_199 : memref<1x1x40xi32, #tpu.memory_space<hbm>> -> memref<40xi32, #tpu.memory_space<hbm>>
      tpu.wait_dma2 semaphore(%arg19 : memref<!tpu.dma_semaphore, #tpu.memory_space<semaphore_mem>>) src(%dma_wait3A_200 : memref<40xi32, #tpu.memory_space<hbm>>) dst(%arg12 : memref<40xi32, #tpu.memory_space<vmem>>)
      %dma_start3A_201 = arith.constant 0 : i32
      %dma_start3A_202 = arith.constant 0 : i32
      %dma_start3A_203 = tpu.memref_slice %arg16[%dma_start3A_201, %dma_start3A_202] : memref<10000x128xf32, #tpu.memory_space<vmem_shared>> -> memref<10000x128xf32, #tpu.memory_space<vmem_shared>>
      tpu.enqueue_indirect_dma source(%arg7 : memref<40x128xf32, #tpu.memory_space<vmem>>) target(%dma_start3A_203 : memref<10000x128xf32, #tpu.memory_space<vmem_shared>>) offsets(%arg12 : memref<40xi32, #tpu.memory_space<vmem>>) semaphore(%arg24 : memref<!tpu.dma_semaphore, #tpu.memory_space<semaphore_mem>>) {add = true}
      %ge3A_204 = arith.constant 2 : i32
      %ge3A_205 = arith.cmpi sge, %add3A_187, %ge3A_204 : i32
      %convert_element_type3A_206 = arith.extui %ge3A_205 : i1 to i32
      %cond3A_207 = arith.constant 0 : i32
      %cond3A_208 = arith.cmpi ne, %convert_element_type3A_206, %cond3A_207 : i32
      scf.if %cond3A_208 {
        %dma_wait3A_280 = arith.constant 0 : i32
        %dma_wait3A_281 = arith.constant 0 : i32
        %dma_wait3A_282 = tpu.memref_slice %arg16[%dma_wait3A_280, %dma_wait3A_281] : memref<10000x128xf32, #tpu.memory_space<vmem_shared>> -> memref<10000x128xf32, #tpu.memory_space<vmem_shared>>
        tpu.wait_indirect_dma semaphore(%arg22 : memref<!tpu.dma_semaphore, #tpu.memory_space<semaphore_mem>>) src(%arg5 : memref<40x128xf32, #tpu.memory_space<vmem>>) dst(%dma_wait3A_282 : memref<10000x128xf32, #tpu.memory_space<vmem_shared>>)
      } else {
      }
      %add3A_209 = arith.constant 3 : i32
      %add3A_210 = arith.addi %add3A_187, %add3A_209 : i32
      %lt3A_211 = arith.constant 250 : i32
      %lt3A_212 = arith.cmpi slt, %add3A_210, %lt3A_211 : i32
      %convert_element_type3A_213 = arith.extui %lt3A_212 : i1 to i32
      %cond3A_214 = arith.constant 0 : i32
      %cond3A_215 = arith.cmpi ne, %convert_element_type3A_213, %cond3A_214 : i32
      scf.if %cond3A_215 {
        %add3A_280 = arith.constant 3 : i32
        %add3A_281 = arith.addi %add3A_187, %add3A_280 : i32
        %mul3A_282 = arith.constant 40 : i32
        %mul3A_283 = arith.muli %add3A_281, %mul3A_282 : i32
        %add3A_284 = arith.addi %mul3A_61, %mul3A_283 : i32
        %dma_start3A_285 = arith.constant 0 : i32
        %dma_start3A_286 = tpu.memref_slice %arg2[%add3A_284, %dma_start3A_285] : memref<320000x128xf32, #tpu.memory_space<hbm>> -> memref<40x128xf32, #tpu.memory_space<hbm>>
        %dma_start3A_287 = arith.constant 0 : i32
        %dma_start3A_288 = tpu.memref_slice %arg2[%add3A_284, %dma_start3A_287] : memref<320000x128xf32, #tpu.memory_space<hbm>> -> memref<40x128xf32, #tpu.memory_space<hbm>>
        tpu.enqueue_dma source(%dma_start3A_288 : memref<40x128xf32, #tpu.memory_space<hbm>>) target(%arg5 : memref<40x128xf32, #tpu.memory_space<vmem>>) target_semaphore(%arg17 : memref<!tpu.dma_semaphore, #tpu.memory_space<semaphore_mem>>)
        %dma_start3A_289 = arith.constant 0 : i32
        %dma_start3A_290 = tpu.memref_slice %arg3[%add3A, %add3A_281, %dma_start3A_289] : memref<32x250x40xi32, #tpu.memory_space<hbm>> -> memref<1x1x40xi32, #tpu.memory_space<hbm>>
        %dma_start3A_291 = tpu.memref_squeeze %dma_start3A_290 : memref<1x1x40xi32, #tpu.memory_space<hbm>> -> memref<40xi32, #tpu.memory_space<hbm>>
        %dma_start3A_292 = arith.constant 0 : i32
        %dma_start3A_293 = tpu.memref_slice %arg3[%add3A, %add3A_281, %dma_start3A_292] : memref<32x250x40xi32, #tpu.memory_space<hbm>> -> memref<1x1x40xi32, #tpu.memory_space<hbm>>
        %dma_start3A_294 = tpu.memref_squeeze %dma_start3A_293 : memref<1x1x40xi32, #tpu.memory_space<hbm>> -> memref<40xi32, #tpu.memory_space<hbm>>
        tpu.enqueue_dma source(%dma_start3A_294 : memref<40xi32, #tpu.memory_space<hbm>>) target(%arg10 : memref<40xi32, #tpu.memory_space<vmem>>) target_semaphore(%arg17 : memref<!tpu.dma_semaphore, #tpu.memory_space<semaphore_mem>>)
      } else {
      }
      %mul3A_216 = arith.constant 5 : i32
      %mul3A_217 = arith.muli %scan3A_121, %mul3A_216 : i32
      %add3A_218 = arith.constant 3 : i32
      %add3A_219 = arith.addi %mul3A_217, %add3A_218 : i32
      %mul3A_220 = arith.constant 40 : i32
      %mul3A_221 = arith.muli %add3A_219, %mul3A_220 : i32
      %add3A_222 = arith.addi %mul3A_61, %mul3A_221 : i32
      %dma_wait3A_223 = arith.constant 0 : i32
      %dma_wait3A_224 = tpu.memref_slice %arg2[%add3A_222, %dma_wait3A_223] : memref<320000x128xf32, #tpu.memory_space<hbm>> -> memref<40x128xf32, #tpu.memory_space<hbm>>
      %dma_wait3A_225 = arith.constant 0 : i32
      %dma_wait3A_226 = tpu.memref_slice %arg2[%add3A_222, %dma_wait3A_225] : memref<320000x128xf32, #tpu.memory_space<hbm>> -> memref<40x128xf32, #tpu.memory_space<hbm>>
      tpu.wait_dma2 semaphore(%arg20 : memref<!tpu.dma_semaphore, #tpu.memory_space<semaphore_mem>>) src(%dma_wait3A_226 : memref<40x128xf32, #tpu.memory_space<hbm>>) dst(%arg8 : memref<40x128xf32, #tpu.memory_space<vmem>>)
      %dma_wait3A_227 = arith.constant 0 : i32
      %dma_wait3A_228 = tpu.memref_slice %arg3[%add3A, %add3A_219, %dma_wait3A_227] : memref<32x250x40xi32, #tpu.memory_space<hbm>> -> memref<1x1x40xi32, #tpu.memory_space<hbm>>
      %dma_wait3A_229 = tpu.memref_squeeze %dma_wait3A_228 : memref<1x1x40xi32, #tpu.memory_space<hbm>> -> memref<40xi32, #tpu.memory_space<hbm>>
      %dma_wait3A_230 = arith.constant 0 : i32
      %dma_wait3A_231 = tpu.memref_slice %arg3[%add3A, %add3A_219, %dma_wait3A_230] : memref<32x250x40xi32, #tpu.memory_space<hbm>> -> memref<1x1x40xi32, #tpu.memory_space<hbm>>
      %dma_wait3A_232 = tpu.memref_squeeze %dma_wait3A_231 : memref<1x1x40xi32, #tpu.memory_space<hbm>> -> memref<40xi32, #tpu.memory_space<hbm>>
      tpu.wait_dma2 semaphore(%arg20 : memref<!tpu.dma_semaphore, #tpu.memory_space<semaphore_mem>>) src(%dma_wait3A_232 : memref<40xi32, #tpu.memory_space<hbm>>) dst(%arg13 : memref<40xi32, #tpu.memory_space<vmem>>)
      %dma_start3A_233 = arith.constant 0 : i32
      %dma_start3A_234 = arith.constant 0 : i32
      %dma_start3A_235 = tpu.memref_slice %arg16[%dma_start3A_233, %dma_start3A_234] : memref<10000x128xf32, #tpu.memory_space<vmem_shared>> -> memref<10000x128xf32, #tpu.memory_space<vmem_shared>>
      tpu.enqueue_indirect_dma source(%arg8 : memref<40x128xf32, #tpu.memory_space<vmem>>) target(%dma_start3A_235 : memref<10000x128xf32, #tpu.memory_space<vmem_shared>>) offsets(%arg13 : memref<40xi32, #tpu.memory_space<vmem>>) semaphore(%arg25 : memref<!tpu.dma_semaphore, #tpu.memory_space<semaphore_mem>>) {add = true}
      %ge3A_236 = arith.constant 2 : i32
      %ge3A_237 = arith.cmpi sge, %add3A_219, %ge3A_236 : i32
      %convert_element_type3A_238 = arith.extui %ge3A_237 : i1 to i32
      %cond3A_239 = arith.constant 0 : i32
      %cond3A_240 = arith.cmpi ne, %convert_element_type3A_238, %cond3A_239 : i32
      scf.if %cond3A_240 {
        %dma_wait3A_280 = arith.constant 0 : i32
        %dma_wait3A_281 = arith.constant 0 : i32
        %dma_wait3A_282 = tpu.memref_slice %arg16[%dma_wait3A_280, %dma_wait3A_281] : memref<10000x128xf32, #tpu.memory_space<vmem_shared>> -> memref<10000x128xf32, #tpu.memory_space<vmem_shared>>
        tpu.wait_indirect_dma semaphore(%arg23 : memref<!tpu.dma_semaphore, #tpu.memory_space<semaphore_mem>>) src(%arg6 : memref<40x128xf32, #tpu.memory_space<vmem>>) dst(%dma_wait3A_282 : memref<10000x128xf32, #tpu.memory_space<vmem_shared>>)
      } else {
      }
      %add3A_241 = arith.constant 3 : i32
      %add3A_242 = arith.addi %add3A_219, %add3A_241 : i32
      %lt3A_243 = arith.constant 250 : i32
      %lt3A_244 = arith.cmpi slt, %add3A_242, %lt3A_243 : i32
      %convert_element_type3A_245 = arith.extui %lt3A_244 : i1 to i32
      %cond3A_246 = arith.constant 0 : i32
      %cond3A_247 = arith.cmpi ne, %convert_element_type3A_245, %cond3A_246 : i32
      scf.if %cond3A_247 {
        %add3A_280 = arith.constant 3 : i32
        %add3A_281 = arith.addi %add3A_219, %add3A_280 : i32
        %mul3A_282 = arith.constant 40 : i32
        %mul3A_283 = arith.muli %add3A_281, %mul3A_282 : i32
        %add3A_284 = arith.addi %mul3A_61, %mul3A_283 : i32
        %dma_start3A_285 = arith.constant 0 : i32
        %dma_start3A_286 = tpu.memref_slice %arg2[%add3A_284, %dma_start3A_285] : memref<320000x128xf32, #tpu.memory_space<hbm>> -> memref<40x128xf32, #tpu.memory_space<hbm>>
        %dma_start3A_287 = arith.constant 0 : i32
        %dma_start3A_288 = tpu.memref_slice %arg2[%add3A_284, %dma_start3A_287] : memref<320000x128xf32, #tpu.memory_space<hbm>> -> memref<40x128xf32, #tpu.memory_space<hbm>>
        tpu.enqueue_dma source(%dma_start3A_288 : memref<40x128xf32, #tpu.memory_space<hbm>>) target(%arg6 : memref<40x128xf32, #tpu.memory_space<vmem>>) target_semaphore(%arg18 : memref<!tpu.dma_semaphore, #tpu.memory_space<semaphore_mem>>)
        %dma_start3A_289 = arith.constant 0 : i32
        %dma_start3A_290 = tpu.memref_slice %arg3[%add3A, %add3A_281, %dma_start3A_289] : memref<32x250x40xi32, #tpu.memory_space<hbm>> -> memref<1x1x40xi32, #tpu.memory_space<hbm>>
        %dma_start3A_291 = tpu.memref_squeeze %dma_start3A_290 : memref<1x1x40xi32, #tpu.memory_space<hbm>> -> memref<40xi32, #tpu.memory_space<hbm>>
        %dma_start3A_292 = arith.constant 0 : i32
        %dma_start3A_293 = tpu.memref_slice %arg3[%add3A, %add3A_281, %dma_start3A_292] : memref<32x250x40xi32, #tpu.memory_space<hbm>> -> memref<1x1x40xi32, #tpu.memory_space<hbm>>
        %dma_start3A_294 = tpu.memref_squeeze %dma_start3A_293 : memref<1x1x40xi32, #tpu.memory_space<hbm>> -> memref<40xi32, #tpu.memory_space<hbm>>
        tpu.enqueue_dma source(%dma_start3A_294 : memref<40xi32, #tpu.memory_space<hbm>>) target(%arg11 : memref<40xi32, #tpu.memory_space<vmem>>) target_semaphore(%arg18 : memref<!tpu.dma_semaphore, #tpu.memory_space<semaphore_mem>>)
      } else {
      }
      %mul3A_248 = arith.constant 5 : i32
      %mul3A_249 = arith.muli %scan3A_121, %mul3A_248 : i32
      %add3A_250 = arith.constant 4 : i32
      %add3A_251 = arith.addi %mul3A_249, %add3A_250 : i32
      %mul3A_252 = arith.constant 40 : i32
      %mul3A_253 = arith.muli %add3A_251, %mul3A_252 : i32
      %add3A_254 = arith.addi %mul3A_61, %mul3A_253 : i32
      %dma_wait3A_255 = arith.constant 0 : i32
      %dma_wait3A_256 = tpu.memref_slice %arg2[%add3A_254, %dma_wait3A_255] : memref<320000x128xf32, #tpu.memory_space<hbm>> -> memref<40x128xf32, #tpu.memory_space<hbm>>
      %dma_wait3A_257 = arith.constant 0 : i32
      %dma_wait3A_258 = tpu.memref_slice %arg2[%add3A_254, %dma_wait3A_257] : memref<320000x128xf32, #tpu.memory_space<hbm>> -> memref<40x128xf32, #tpu.memory_space<hbm>>
      tpu.wait_dma2 semaphore(%arg21 : memref<!tpu.dma_semaphore, #tpu.memory_space<semaphore_mem>>) src(%dma_wait3A_258 : memref<40x128xf32, #tpu.memory_space<hbm>>) dst(%arg9 : memref<40x128xf32, #tpu.memory_space<vmem>>)
      %dma_wait3A_259 = arith.constant 0 : i32
      %dma_wait3A_260 = tpu.memref_slice %arg3[%add3A, %add3A_251, %dma_wait3A_259] : memref<32x250x40xi32, #tpu.memory_space<hbm>> -> memref<1x1x40xi32, #tpu.memory_space<hbm>>
      %dma_wait3A_261 = tpu.memref_squeeze %dma_wait3A_260 : memref<1x1x40xi32, #tpu.memory_space<hbm>> -> memref<40xi32, #tpu.memory_space<hbm>>
      %dma_wait3A_262 = arith.constant 0 : i32
      %dma_wait3A_263 = tpu.memref_slice %arg3[%add3A, %add3A_251, %dma_wait3A_262] : memref<32x250x40xi32, #tpu.memory_space<hbm>> -> memref<1x1x40xi32, #tpu.memory_space<hbm>>
      %dma_wait3A_264 = tpu.memref_squeeze %dma_wait3A_263 : memref<1x1x40xi32, #tpu.memory_space<hbm>> -> memref<40xi32, #tpu.memory_space<hbm>>
      tpu.wait_dma2 semaphore(%arg21 : memref<!tpu.dma_semaphore, #tpu.memory_space<semaphore_mem>>) src(%dma_wait3A_264 : memref<40xi32, #tpu.memory_space<hbm>>) dst(%arg14 : memref<40xi32, #tpu.memory_space<vmem>>)
      %dma_start3A_265 = arith.constant 0 : i32
      %dma_start3A_266 = arith.constant 0 : i32
      %dma_start3A_267 = tpu.memref_slice %arg16[%dma_start3A_265, %dma_start3A_266] : memref<10000x128xf32, #tpu.memory_space<vmem_shared>> -> memref<10000x128xf32, #tpu.memory_space<vmem_shared>>
      tpu.enqueue_indirect_dma source(%arg9 : memref<40x128xf32, #tpu.memory_space<vmem>>) target(%dma_start3A_267 : memref<10000x128xf32, #tpu.memory_space<vmem_shared>>) offsets(%arg14 : memref<40xi32, #tpu.memory_space<vmem>>) semaphore(%arg26 : memref<!tpu.dma_semaphore, #tpu.memory_space<semaphore_mem>>) {add = true}
      %ge3A_268 = arith.constant 2 : i32
      %ge3A_269 = arith.cmpi sge, %add3A_251, %ge3A_268 : i32
      %convert_element_type3A_270 = arith.extui %ge3A_269 : i1 to i32
      %cond3A_271 = arith.constant 0 : i32
      %cond3A_272 = arith.cmpi ne, %convert_element_type3A_270, %cond3A_271 : i32
      scf.if %cond3A_272 {
        %dma_wait3A_280 = arith.constant 0 : i32
        %dma_wait3A_281 = arith.constant 0 : i32
        %dma_wait3A_282 = tpu.memref_slice %arg16[%dma_wait3A_280, %dma_wait3A_281] : memref<10000x128xf32, #tpu.memory_space<vmem_shared>> -> memref<10000x128xf32, #tpu.memory_space<vmem_shared>>
        tpu.wait_indirect_dma semaphore(%arg24 : memref<!tpu.dma_semaphore, #tpu.memory_space<semaphore_mem>>) src(%arg7 : memref<40x128xf32, #tpu.memory_space<vmem>>) dst(%dma_wait3A_282 : memref<10000x128xf32, #tpu.memory_space<vmem_shared>>)
      } else {
      }
      %add3A_273 = arith.constant 3 : i32
      %add3A_274 = arith.addi %add3A_251, %add3A_273 : i32
      %lt3A_275 = arith.constant 250 : i32
      %lt3A_276 = arith.cmpi slt, %add3A_274, %lt3A_275 : i32
      %convert_element_type3A_277 = arith.extui %lt3A_276 : i1 to i32
      %cond3A_278 = arith.constant 0 : i32
      %cond3A_279 = arith.cmpi ne, %convert_element_type3A_277, %cond3A_278 : i32
      scf.if %cond3A_279 {
        %add3A_280 = arith.constant 3 : i32
        %add3A_281 = arith.addi %add3A_251, %add3A_280 : i32
        %mul3A_282 = arith.constant 40 : i32
        %mul3A_283 = arith.muli %add3A_281, %mul3A_282 : i32
        %add3A_284 = arith.addi %mul3A_61, %mul3A_283 : i32
        %dma_start3A_285 = arith.constant 0 : i32
        %dma_start3A_286 = tpu.memref_slice %arg2[%add3A_284, %dma_start3A_285] : memref<320000x128xf32, #tpu.memory_space<hbm>> -> memref<40x128xf32, #tpu.memory_space<hbm>>
        %dma_start3A_287 = arith.constant 0 : i32
        %dma_start3A_288 = tpu.memref_slice %arg2[%add3A_284, %dma_start3A_287] : memref<320000x128xf32, #tpu.memory_space<hbm>> -> memref<40x128xf32, #tpu.memory_space<hbm>>
        tpu.enqueue_dma source(%dma_start3A_288 : memref<40x128xf32, #tpu.memory_space<hbm>>) target(%arg7 : memref<40x128xf32, #tpu.memory_space<vmem>>) target_semaphore(%arg19 : memref<!tpu.dma_semaphore, #tpu.memory_space<semaphore_mem>>)
        %dma_start3A_289 = arith.constant 0 : i32
        %dma_start3A_290 = tpu.memref_slice %arg3[%add3A, %add3A_281, %dma_start3A_289] : memref<32x250x40xi32, #tpu.memory_space<hbm>> -> memref<1x1x40xi32, #tpu.memory_space<hbm>>
        %dma_start3A_291 = tpu.memref_squeeze %dma_start3A_290 : memref<1x1x40xi32, #tpu.memory_space<hbm>> -> memref<40xi32, #tpu.memory_space<hbm>>
        %dma_start3A_292 = arith.constant 0 : i32
        %dma_start3A_293 = tpu.memref_slice %arg3[%add3A, %add3A_281, %dma_start3A_292] : memref<32x250x40xi32, #tpu.memory_space<hbm>> -> memref<1x1x40xi32, #tpu.memory_space<hbm>>
        %dma_start3A_294 = tpu.memref_squeeze %dma_start3A_293 : memref<1x1x40xi32, #tpu.memory_space<hbm>> -> memref<40xi32, #tpu.memory_space<hbm>>
        tpu.enqueue_dma source(%dma_start3A_294 : memref<40xi32, #tpu.memory_space<hbm>>) target(%arg12 : memref<40xi32, #tpu.memory_space<vmem>>) target_semaphore(%arg19 : memref<!tpu.dma_semaphore, #tpu.memory_space<semaphore_mem>>)
      } else {
      }
    }
    %scan3A_105 = arith.constant 50 : i32
    %dma_wait3A = arith.constant 0 : i32
    %dma_wait3A_106 = arith.constant 0 : i32
    %dma_wait3A_107 = tpu.memref_slice %arg16[%dma_wait3A, %dma_wait3A_106] : memref<10000x128xf32, #tpu.memory_space<vmem_shared>> -> memref<10000x128xf32, #tpu.memory_space<vmem_shared>>
    tpu.wait_indirect_dma semaphore(%arg25 : memref<!tpu.dma_semaphore, #tpu.memory_space<semaphore_mem>>) src(%arg8 : memref<40x128xf32, #tpu.memory_space<vmem>>) dst(%dma_wait3A_107 : memref<10000x128xf32, #tpu.memory_space<vmem_shared>>)
    %dma_wait3A_108 = arith.constant 0 : i32
    %dma_wait3A_109 = arith.constant 0 : i32
    %dma_wait3A_110 = tpu.memref_slice %arg16[%dma_wait3A_108, %dma_wait3A_109] : memref<10000x128xf32, #tpu.memory_space<vmem_shared>> -> memref<10000x128xf32, #tpu.memory_space<vmem_shared>>
    tpu.wait_indirect_dma semaphore(%arg26 : memref<!tpu.dma_semaphore, #tpu.memory_space<semaphore_mem>>) src(%arg9 : memref<40x128xf32, #tpu.memory_space<vmem>>) dst(%dma_wait3A_110 : memref<10000x128xf32, #tpu.memory_space<vmem_shared>>)
    %barrier3A_111 = arith.constant 0 : index
    tpu.barrier barrier_id(%barrier3A_111)
    %mul3A_112 = arith.constant 624 : i32
    %mul3A_113 = arith.muli %arg1, %mul3A_112 : i32
    %mul3A_114 = arith.constant 624 : i32
    %mul3A_115 = arith.muli %arg1, %mul3A_114 : i32
    "tpu.region"() ({
      %run_scoped3A = tpu.sem_alloc : memref<!tpu.dma_semaphore, #tpu.memory_space<semaphore_mem>>
      %dma_start3A_121 = arith.constant 0 : i32
      %dma_start3A_122 = tpu.memref_slice %arg4[%arg0, %mul3A_115, %dma_start3A_121] : memref<2x10000x128xf32, #tpu.memory_space<hbm>> -> memref<1x624x128xf32, #tpu.memory_space<hbm>>
      %dma_start3A_123 = tpu.memref_squeeze %dma_start3A_122 : memref<1x624x128xf32, #tpu.memory_space<hbm>> -> memref<624x128xf32, #tpu.memory_space<hbm>>
      %dma_start3A_124 = arith.constant 0 : i32
      %dma_start3A_125 = tpu.memref_slice %arg16[%mul3A_113, %dma_start3A_124] : memref<10000x128xf32, #tpu.memory_space<vmem_shared>> -> memref<624x128xf32, #tpu.memory_space<vmem_shared>>
      tpu.enqueue_dma source(%dma_start3A_125 : memref<624x128xf32, #tpu.memory_space<vmem_shared>>) target(%dma_start3A_123 : memref<624x128xf32, #tpu.memory_space<hbm>>) target_semaphore(%run_scoped3A : memref<!tpu.dma_semaphore, #tpu.memory_space<semaphore_mem>>)
      %dma_wait3A_126 = arith.constant 0 : i32
      %dma_wait3A_127 = tpu.memref_slice %arg4[%arg0, %mul3A_115, %dma_wait3A_126] : memref<2x10000x128xf32, #tpu.memory_space<hbm>> -> memref<1x624x128xf32, #tpu.memory_space<hbm>>
      %dma_wait3A_128 = tpu.memref_squeeze %dma_wait3A_127 : memref<1x624x128xf32, #tpu.memory_space<hbm>> -> memref<624x128xf32, #tpu.memory_space<hbm>>
      %dma_wait3A_129 = arith.constant 0 : i32
      %dma_wait3A_130 = tpu.memref_slice %arg16[%mul3A_113, %dma_wait3A_129] : memref<10000x128xf32, #tpu.memory_space<vmem_shared>> -> memref<624x128xf32, #tpu.memory_space<vmem_shared>>
      tpu.wait_dma2 semaphore(%run_scoped3A : memref<!tpu.dma_semaphore, #tpu.memory_space<semaphore_mem>>) src(%dma_wait3A_130 : memref<624x128xf32, #tpu.memory_space<vmem_shared>>) dst(%dma_wait3A_128 : memref<624x128xf32, #tpu.memory_space<hbm>>)
      tpu.yield
    }) : () -> ()
    %eq3A_116 = arith.constant 15 : i32
    %eq3A_117 = arith.cmpi eq, %arg1, %eq3A_116 : i32
    %convert_element_type3A_118 = arith.extui %eq3A_117 : i1 to i32
    %cond3A_119 = arith.constant 0 : i32
    %cond3A_120 = arith.cmpi ne, %convert_element_type3A_118, %cond3A_119 : i32
    scf.if %cond3A_120 {
      "tpu.region"() ({
        %run_scoped3A = tpu.sem_alloc : memref<!tpu.dma_semaphore, #tpu.memory_space<semaphore_mem>>
        %dma_start3A_121 = arith.constant 9984 : i32
        %dma_start3A_122 = arith.constant 0 : i32
        %dma_start3A_123 = tpu.memref_slice %arg4[%arg0, %dma_start3A_121, %dma_start3A_122] : memref<2x10000x128xf32, #tpu.memory_space<hbm>> -> memref<1x16x128xf32, #tpu.memory_space<hbm>>
        %dma_start3A_124 = tpu.memref_squeeze %dma_start3A_123 : memref<1x16x128xf32, #tpu.memory_space<hbm>> -> memref<16x128xf32, #tpu.memory_space<hbm>>
        %dma_start3A_125 = arith.constant 9984 : i32
        %dma_start3A_126 = arith.constant 0 : i32
        %dma_start3A_127 = tpu.memref_slice %arg16[%dma_start3A_125, %dma_start3A_126] : memref<10000x128xf32, #tpu.memory_space<vmem_shared>> -> memref<16x128xf32, #tpu.memory_space<vmem_shared>>
        tpu.enqueue_dma source(%dma_start3A_127 : memref<16x128xf32, #tpu.memory_space<vmem_shared>>) target(%dma_start3A_124 : memref<16x128xf32, #tpu.memory_space<hbm>>) target_semaphore(%run_scoped3A : memref<!tpu.dma_semaphore, #tpu.memory_space<semaphore_mem>>)
        %dma_wait3A_128 = arith.constant 9984 : i32
        %dma_wait3A_129 = arith.constant 0 : i32
        %dma_wait3A_130 = tpu.memref_slice %arg4[%arg0, %dma_wait3A_128, %dma_wait3A_129] : memref<2x10000x128xf32, #tpu.memory_space<hbm>> -> memref<1x16x128xf32, #tpu.memory_space<hbm>>
        %dma_wait3A_131 = tpu.memref_squeeze %dma_wait3A_130 : memref<1x16x128xf32, #tpu.memory_space<hbm>> -> memref<16x128xf32, #tpu.memory_space<hbm>>
        %dma_wait3A_132 = arith.constant 9984 : i32
        %dma_wait3A_133 = arith.constant 0 : i32
        %dma_wait3A_134 = tpu.memref_slice %arg16[%dma_wait3A_132, %dma_wait3A_133] : memref<10000x128xf32, #tpu.memory_space<vmem_shared>> -> memref<16x128xf32, #tpu.memory_space<vmem_shared>>
        tpu.wait_dma2 semaphore(%run_scoped3A : memref<!tpu.dma_semaphore, #tpu.memory_space<semaphore_mem>>) src(%dma_wait3A_134 : memref<16x128xf32, #tpu.memory_space<vmem_shared>>) dst(%dma_wait3A_131 : memref<16x128xf32, #tpu.memory_space<hbm>>)
        tpu.yield
      }) : () -> ()
    } else {
    }
    return
  }
}

#map = affine_map<(d0, d1) -> (0, 0)>
#map1 = affine_map<(d0, d1) -> (0, 0, 0)>
module attributes {stable_mosaic.version = 14 : i64} {
  func.func @_gather_body(%arg0: i32, %arg1: i32, %arg2: memref<10000x128xf32, #tpu.memory_space<hbm>>, %arg3: memref<10000x128xf32, #tpu.memory_space<hbm>>, %arg4: memref<32x125x80xi32, #tpu.memory_space<hbm>>, %arg5: memref<32x125x80xi32, #tpu.memory_space<hbm>>, %arg6: memref<320000x128xf32, #tpu.memory_space<hbm>>, %arg7: memref<125x80xi32, #tpu.memory_space<vmem>>, %arg8: memref<125x80xi32, #tpu.memory_space<vmem>>, %arg9: memref<80x128xf32, #tpu.memory_space<vmem>>, %arg10: memref<80x128xf32, #tpu.memory_space<vmem>>, %arg11: memref<80x128xf32, #tpu.memory_space<vmem>>, %arg12: memref<80x128xf32, #tpu.memory_space<vmem>>, %arg13: memref<80x128xf32, #tpu.memory_space<vmem>>, %arg14: memref<80x128xf32, #tpu.memory_space<vmem>>, %arg15: memref<!tpu.dma_semaphore, #tpu.memory_space<semaphore_mem>>, %arg16: memref<!tpu.dma_semaphore, #tpu.memory_space<semaphore_mem>>, %arg17: memref<!tpu.dma_semaphore, #tpu.memory_space<semaphore_mem>>, %arg18: memref<!tpu.dma_semaphore, #tpu.memory_space<semaphore_mem>>, %arg19: memref<!tpu.dma_semaphore, #tpu.memory_space<semaphore_mem>>, %arg20: memref<!tpu.dma_semaphore, #tpu.memory_space<semaphore_mem>>) attributes {dimension_semantics = [#tpu.dimension_semantics<core_parallel>, #tpu.dimension_semantics<subcore_parallel>], iteration_bounds = array<i64: 2, 16>, scalar_prefetch = 0 : i64, scratch_operands = 14 : i64, tpu.core_type = #tpu.core_type<sc_vector_subcore>, window_params = [{transform_indices = #map}, {transform_indices = #map}, {transform_indices = #map1}, {transform_indices = #map1}, {transform_indices = #map}]} {
    %mul3A = arith.constant 2 : i32
    %mul3A_0 = arith.muli %arg1, %mul3A : i32
    %add3A = arith.addi %mul3A_0, %arg0 : i32
    "tpu.region"() ({
      %run_scoped3A = tpu.sem_alloc : memref<!tpu.dma_semaphore, #tpu.memory_space<semaphore_mem>>
      %dma_start3A_158 = arith.constant 0 : i32
      %dma_start3A_159 = arith.constant 0 : i32
      %dma_start3A_160 = tpu.memref_slice %arg4[%add3A, %dma_start3A_158, %dma_start3A_159] : memref<32x125x80xi32, #tpu.memory_space<hbm>> -> memref<1x125x80xi32, #tpu.memory_space<hbm>>
      %dma_start3A_161 = tpu.memref_squeeze %dma_start3A_160 : memref<1x125x80xi32, #tpu.memory_space<hbm>> -> memref<125x80xi32, #tpu.memory_space<hbm>>
      %dma_start3A_162 = arith.constant 0 : i32
      %dma_start3A_163 = arith.constant 0 : i32
      %dma_start3A_164 = tpu.memref_slice %arg4[%add3A, %dma_start3A_162, %dma_start3A_163] : memref<32x125x80xi32, #tpu.memory_space<hbm>> -> memref<1x125x80xi32, #tpu.memory_space<hbm>>
      %dma_start3A_165 = tpu.memref_squeeze %dma_start3A_164 : memref<1x125x80xi32, #tpu.memory_space<hbm>> -> memref<125x80xi32, #tpu.memory_space<hbm>>
      tpu.enqueue_dma source(%dma_start3A_165 : memref<125x80xi32, #tpu.memory_space<hbm>>) target(%arg7 : memref<125x80xi32, #tpu.memory_space<vmem>>) target_semaphore(%run_scoped3A : memref<!tpu.dma_semaphore, #tpu.memory_space<semaphore_mem>>)
      %dma_wait3A_166 = arith.constant 0 : i32
      %dma_wait3A_167 = arith.constant 0 : i32
      %dma_wait3A_168 = tpu.memref_slice %arg4[%add3A, %dma_wait3A_166, %dma_wait3A_167] : memref<32x125x80xi32, #tpu.memory_space<hbm>> -> memref<1x125x80xi32, #tpu.memory_space<hbm>>
      %dma_wait3A_169 = tpu.memref_squeeze %dma_wait3A_168 : memref<1x125x80xi32, #tpu.memory_space<hbm>> -> memref<125x80xi32, #tpu.memory_space<hbm>>
      %dma_wait3A_170 = arith.constant 0 : i32
      %dma_wait3A_171 = arith.constant 0 : i32
      %dma_wait3A_172 = tpu.memref_slice %arg4[%add3A, %dma_wait3A_170, %dma_wait3A_171] : memref<32x125x80xi32, #tpu.memory_space<hbm>> -> memref<1x125x80xi32, #tpu.memory_space<hbm>>
      %dma_wait3A_173 = tpu.memref_squeeze %dma_wait3A_172 : memref<1x125x80xi32, #tpu.memory_space<hbm>> -> memref<125x80xi32, #tpu.memory_space<hbm>>
      tpu.wait_dma2 semaphore(%run_scoped3A : memref<!tpu.dma_semaphore, #tpu.memory_space<semaphore_mem>>) src(%dma_wait3A_173 : memref<125x80xi32, #tpu.memory_space<hbm>>) dst(%arg7 : memref<125x80xi32, #tpu.memory_space<vmem>>)
      tpu.yield
    }) : () -> ()
    "tpu.region"() ({
      %run_scoped3A = tpu.sem_alloc : memref<!tpu.dma_semaphore, #tpu.memory_space<semaphore_mem>>
      %dma_start3A_158 = arith.constant 0 : i32
      %dma_start3A_159 = arith.constant 0 : i32
      %dma_start3A_160 = tpu.memref_slice %arg5[%add3A, %dma_start3A_158, %dma_start3A_159] : memref<32x125x80xi32, #tpu.memory_space<hbm>> -> memref<1x125x80xi32, #tpu.memory_space<hbm>>
      %dma_start3A_161 = tpu.memref_squeeze %dma_start3A_160 : memref<1x125x80xi32, #tpu.memory_space<hbm>> -> memref<125x80xi32, #tpu.memory_space<hbm>>
      %dma_start3A_162 = arith.constant 0 : i32
      %dma_start3A_163 = arith.constant 0 : i32
      %dma_start3A_164 = tpu.memref_slice %arg5[%add3A, %dma_start3A_162, %dma_start3A_163] : memref<32x125x80xi32, #tpu.memory_space<hbm>> -> memref<1x125x80xi32, #tpu.memory_space<hbm>>
      %dma_start3A_165 = tpu.memref_squeeze %dma_start3A_164 : memref<1x125x80xi32, #tpu.memory_space<hbm>> -> memref<125x80xi32, #tpu.memory_space<hbm>>
      tpu.enqueue_dma source(%dma_start3A_165 : memref<125x80xi32, #tpu.memory_space<hbm>>) target(%arg8 : memref<125x80xi32, #tpu.memory_space<vmem>>) target_semaphore(%run_scoped3A : memref<!tpu.dma_semaphore, #tpu.memory_space<semaphore_mem>>)
      %dma_wait3A_166 = arith.constant 0 : i32
      %dma_wait3A_167 = arith.constant 0 : i32
      %dma_wait3A_168 = tpu.memref_slice %arg5[%add3A, %dma_wait3A_166, %dma_wait3A_167] : memref<32x125x80xi32, #tpu.memory_space<hbm>> -> memref<1x125x80xi32, #tpu.memory_space<hbm>>
      %dma_wait3A_169 = tpu.memref_squeeze %dma_wait3A_168 : memref<1x125x80xi32, #tpu.memory_space<hbm>> -> memref<125x80xi32, #tpu.memory_space<hbm>>
      %dma_wait3A_170 = arith.constant 0 : i32
      %dma_wait3A_171 = arith.constant 0 : i32
      %dma_wait3A_172 = tpu.memref_slice %arg5[%add3A, %dma_wait3A_170, %dma_wait3A_171] : memref<32x125x80xi32, #tpu.memory_space<hbm>> -> memref<1x125x80xi32, #tpu.memory_space<hbm>>
      %dma_wait3A_173 = tpu.memref_squeeze %dma_wait3A_172 : memref<1x125x80xi32, #tpu.memory_space<hbm>> -> memref<125x80xi32, #tpu.memory_space<hbm>>
      tpu.wait_dma2 semaphore(%run_scoped3A : memref<!tpu.dma_semaphore, #tpu.memory_space<semaphore_mem>>) src(%dma_wait3A_173 : memref<125x80xi32, #tpu.memory_space<hbm>>) dst(%arg8 : memref<125x80xi32, #tpu.memory_space<vmem>>)
      tpu.yield
    }) : () -> ()
    %mul3A_1 = arith.constant 10000 : i32
    %mul3A_2 = arith.muli %add3A, %mul3A_1 : i32
    %dma_start3A = arith.constant 0 : i32
    %dma_start3A_3 = arith.constant 0 : i32
    %dma_start3A_4 = tpu.memref_slice %arg7[%dma_start3A, %dma_start3A_3] : memref<125x80xi32, #tpu.memory_space<vmem>> -> memref<1x80xi32, #tpu.memory_space<vmem>>
    %dma_start3A_5 = tpu.memref_squeeze %dma_start3A_4 : memref<1x80xi32, #tpu.memory_space<vmem>> -> memref<80xi32, #tpu.memory_space<vmem>>
    %dma_start3A_6 = arith.constant 0 : i32
    %dma_start3A_7 = arith.constant 0 : i32
    %dma_start3A_8 = tpu.memref_slice %arg2[%dma_start3A_6, %dma_start3A_7] : memref<10000x128xf32, #tpu.memory_space<hbm>> -> memref<10000x128xf32, #tpu.memory_space<hbm>>
    tpu.enqueue_indirect_dma source(%dma_start3A_8 : memref<10000x128xf32, #tpu.memory_space<hbm>>) target(%arg9 : memref<80x128xf32, #tpu.memory_space<vmem>>) offsets(%dma_start3A_5 : memref<80xi32, #tpu.memory_space<vmem>>) semaphore(%arg15 : memref<!tpu.dma_semaphore, #tpu.memory_space<semaphore_mem>>)
    %dma_start3A_9 = arith.constant 0 : i32
    %dma_start3A_10 = arith.constant 0 : i32
    %dma_start3A_11 = tpu.memref_slice %arg8[%dma_start3A_9, %dma_start3A_10] : memref<125x80xi32, #tpu.memory_space<vmem>> -> memref<1x80xi32, #tpu.memory_space<vmem>>
    %dma_start3A_12 = tpu.memref_squeeze %dma_start3A_11 : memref<1x80xi32, #tpu.memory_space<vmem>> -> memref<80xi32, #tpu.memory_space<vmem>>
    %dma_start3A_13 = arith.constant 0 : i32
    %dma_start3A_14 = arith.constant 0 : i32
    %dma_start3A_15 = tpu.memref_slice %arg3[%dma_start3A_13, %dma_start3A_14] : memref<10000x128xf32, #tpu.memory_space<hbm>> -> memref<10000x128xf32, #tpu.memory_space<hbm>>
    tpu.enqueue_indirect_dma source(%dma_start3A_15 : memref<10000x128xf32, #tpu.memory_space<hbm>>) target(%arg10 : memref<80x128xf32, #tpu.memory_space<vmem>>) offsets(%dma_start3A_12 : memref<80xi32, #tpu.memory_space<vmem>>) semaphore(%arg16 : memref<!tpu.dma_semaphore, #tpu.memory_space<semaphore_mem>>)
    %dma_start3A_16 = arith.constant 1 : i32
    %dma_start3A_17 = arith.constant 0 : i32
    %dma_start3A_18 = tpu.memref_slice %arg7[%dma_start3A_16, %dma_start3A_17] : memref<125x80xi32, #tpu.memory_space<vmem>> -> memref<1x80xi32, #tpu.memory_space<vmem>>
    %dma_start3A_19 = tpu.memref_squeeze %dma_start3A_18 : memref<1x80xi32, #tpu.memory_space<vmem>> -> memref<80xi32, #tpu.memory_space<vmem>>
    %dma_start3A_20 = arith.constant 0 : i32
    %dma_start3A_21 = arith.constant 0 : i32
    %dma_start3A_22 = tpu.memref_slice %arg2[%dma_start3A_20, %dma_start3A_21] : memref<10000x128xf32, #tpu.memory_space<hbm>> -> memref<10000x128xf32, #tpu.memory_space<hbm>>
    tpu.enqueue_indirect_dma source(%dma_start3A_22 : memref<10000x128xf32, #tpu.memory_space<hbm>>) target(%arg12 : memref<80x128xf32, #tpu.memory_space<vmem>>) offsets(%dma_start3A_19 : memref<80xi32, #tpu.memory_space<vmem>>) semaphore(%arg18 : memref<!tpu.dma_semaphore, #tpu.memory_space<semaphore_mem>>)
    %dma_start3A_23 = arith.constant 1 : i32
    %dma_start3A_24 = arith.constant 0 : i32
    %dma_start3A_25 = tpu.memref_slice %arg8[%dma_start3A_23, %dma_start3A_24] : memref<125x80xi32, #tpu.memory_space<vmem>> -> memref<1x80xi32, #tpu.memory_space<vmem>>
    %dma_start3A_26 = tpu.memref_squeeze %dma_start3A_25 : memref<1x80xi32, #tpu.memory_space<vmem>> -> memref<80xi32, #tpu.memory_space<vmem>>
    %dma_start3A_27 = arith.constant 0 : i32
    %dma_start3A_28 = arith.constant 0 : i32
    %dma_start3A_29 = tpu.memref_slice %arg3[%dma_start3A_27, %dma_start3A_28] : memref<10000x128xf32, #tpu.memory_space<hbm>> -> memref<10000x128xf32, #tpu.memory_space<hbm>>
    tpu.enqueue_indirect_dma source(%dma_start3A_29 : memref<10000x128xf32, #tpu.memory_space<hbm>>) target(%arg13 : memref<80x128xf32, #tpu.memory_space<vmem>>) offsets(%dma_start3A_26 : memref<80xi32, #tpu.memory_space<vmem>>) semaphore(%arg19 : memref<!tpu.dma_semaphore, #tpu.memory_space<semaphore_mem>>)
    %dma_wait3A = arith.constant 0 : i32
    %dma_wait3A_30 = arith.constant 0 : i32
    %dma_wait3A_31 = tpu.memref_slice %arg7[%dma_wait3A, %dma_wait3A_30] : memref<125x80xi32, #tpu.memory_space<vmem>> -> memref<1x80xi32, #tpu.memory_space<vmem>>
    %dma_wait3A_32 = tpu.memref_squeeze %dma_wait3A_31 : memref<1x80xi32, #tpu.memory_space<vmem>> -> memref<80xi32, #tpu.memory_space<vmem>>
    %dma_wait3A_33 = arith.constant 0 : i32
    %dma_wait3A_34 = arith.constant 0 : i32
    %dma_wait3A_35 = tpu.memref_slice %arg2[%dma_wait3A_33, %dma_wait3A_34] : memref<10000x128xf32, #tpu.memory_space<hbm>> -> memref<10000x128xf32, #tpu.memory_space<hbm>>
    tpu.wait_indirect_dma semaphore(%arg15 : memref<!tpu.dma_semaphore, #tpu.memory_space<semaphore_mem>>) src(%dma_wait3A_35 : memref<10000x128xf32, #tpu.memory_space<hbm>>) dst(%arg9 : memref<80x128xf32, #tpu.memory_space<vmem>>)
    %dma_wait3A_36 = arith.constant 0 : i32
    %dma_wait3A_37 = arith.constant 0 : i32
    %dma_wait3A_38 = tpu.memref_slice %arg8[%dma_wait3A_36, %dma_wait3A_37] : memref<125x80xi32, #tpu.memory_space<vmem>> -> memref<1x80xi32, #tpu.memory_space<vmem>>
    %dma_wait3A_39 = tpu.memref_squeeze %dma_wait3A_38 : memref<1x80xi32, #tpu.memory_space<vmem>> -> memref<80xi32, #tpu.memory_space<vmem>>
    %dma_wait3A_40 = arith.constant 0 : i32
    %dma_wait3A_41 = arith.constant 0 : i32
    %dma_wait3A_42 = tpu.memref_slice %arg3[%dma_wait3A_40, %dma_wait3A_41] : memref<10000x128xf32, #tpu.memory_space<hbm>> -> memref<10000x128xf32, #tpu.memory_space<hbm>>
    tpu.wait_indirect_dma semaphore(%arg16 : memref<!tpu.dma_semaphore, #tpu.memory_space<semaphore_mem>>) src(%dma_wait3A_42 : memref<10000x128xf32, #tpu.memory_space<hbm>>) dst(%arg10 : memref<80x128xf32, #tpu.memory_space<vmem>>)
    %scan3A = arith.constant 0 : i32
    %scan3A_43 = arith.constant 0 : i32
    %scan3A_44 = arith.constant 20 : i32
    %scan3A_45 = arith.addi %scan3A_43, %scan3A_44 : i32
    %scan3A_46 = arith.constant 1 : i32
    scf.for %scan3A_158 = %scan3A_43 to %scan3A_45 step %scan3A_46  : i32 {
      %mul3A_159 = arith.constant 4 : i32
      %mul3A_160 = arith.muli %scan3A_158, %mul3A_159 : i32
      %add3A_161 = arith.constant 0 : i32
      %add3A_162 = arith.addi %mul3A_160, %add3A_161 : i32
      %get3A = arith.index_cast %add3A_162 : i32 to index
      %get3A_163 = arith.constant 0 : index
      %get3A_164 = tpu.vector_load %arg9[%get3A, %get3A_163] {strides = array<i32>} : memref<80x128xf32, #tpu.memory_space<vmem>>, vector<1x16xf32>,
      %get3A_165 = vector.shape_cast %get3A_164 : vector<1x16xf32> to vector<16xf32>
      %get3A_166 = arith.index_cast %add3A_162 : i32 to index
      %get3A_167 = arith.constant 0 : index
      %get3A_168 = tpu.vector_load %arg10[%get3A_166, %get3A_167] {strides = array<i32>} : memref<80x128xf32, #tpu.memory_space<vmem>>, vector<1x16xf32>,
      %get3A_169 = vector.shape_cast %get3A_168 : vector<1x16xf32> to vector<16xf32>
      %add3A_170 = arith.addf %get3A_165, %get3A_169 : vector<16xf32>
      %swap3A = arith.index_cast %add3A_162 : i32 to index
      %swap3A_171 = arith.constant 0 : index
      %swap3A_172 = tpu.vector_load %arg11[%swap3A, %swap3A_171] {strides = array<i32>} : memref<80x128xf32, #tpu.memory_space<vmem>>, vector<1x16xf32>,
      %swap3A_173 = vector.shape_cast %swap3A_172 : vector<1x16xf32> to vector<16xf32>
      %swap3A_174 = vector.shape_cast %add3A_170 : vector<16xf32> to vector<1x16xf32>
      tpu.vector_store %arg11[%swap3A, %swap3A_171], %swap3A_174 {strides = array<i32>} : memref<80x128xf32, #tpu.memory_space<vmem>>, vector<1x16xf32>,
      %get3A_175 = arith.index_cast %add3A_162 : i32 to index
      %get3A_176 = arith.constant 16 : index
      %get3A_177 = tpu.vector_load %arg9[%get3A_175, %get3A_176] {strides = array<i32>} : memref<80x128xf32, #tpu.memory_space<vmem>>, vector<1x16xf32>,
      %get3A_178 = vector.shape_cast %get3A_177 : vector<1x16xf32> to vector<16xf32>
      %get3A_179 = arith.index_cast %add3A_162 : i32 to index
      %get3A_180 = arith.constant 16 : index
      %get3A_181 = tpu.vector_load %arg10[%get3A_179, %get3A_180] {strides = array<i32>} : memref<80x128xf32, #tpu.memory_space<vmem>>, vector<1x16xf32>,
      %get3A_182 = vector.shape_cast %get3A_181 : vector<1x16xf32> to vector<16xf32>
      %add3A_183 = arith.addf %get3A_178, %get3A_182 : vector<16xf32>
      %swap3A_184 = arith.index_cast %add3A_162 : i32 to index
      %swap3A_185 = arith.constant 16 : index
      %swap3A_186 = tpu.vector_load %arg11[%swap3A_184, %swap3A_185] {strides = array<i32>} : memref<80x128xf32, #tpu.memory_space<vmem>>, vector<1x16xf32>,
      %swap3A_187 = vector.shape_cast %swap3A_186 : vector<1x16xf32> to vector<16xf32>
      %swap3A_188 = vector.shape_cast %add3A_183 : vector<16xf32> to vector<1x16xf32>
      tpu.vector_store %arg11[%swap3A_184, %swap3A_185], %swap3A_188 {strides = array<i32>} : memref<80x128xf32, #tpu.memory_space<vmem>>, vector<1x16xf32>,
      %get3A_189 = arith.index_cast %add3A_162 : i32 to index
      %get3A_190 = arith.constant 32 : index
      %get3A_191 = tpu.vector_load %arg9[%get3A_189, %get3A_190] {strides = array<i32>} : memref<80x128xf32, #tpu.memory_space<vmem>>, vector<1x16xf32>,
      %get3A_192 = vector.shape_cast %get3A_191 : vector<1x16xf32> to vector<16xf32>
      %get3A_193 = arith.index_cast %add3A_162 : i32 to index
      %get3A_194 = arith.constant 32 : index
      %get3A_195 = tpu.vector_load %arg10[%get3A_193, %get3A_194] {strides = array<i32>} : memref<80x128xf32, #tpu.memory_space<vmem>>, vector<1x16xf32>,
      %get3A_196 = vector.shape_cast %get3A_195 : vector<1x16xf32> to vector<16xf32>
      %add3A_197 = arith.addf %get3A_192, %get3A_196 : vector<16xf32>
      %swap3A_198 = arith.index_cast %add3A_162 : i32 to index
      %swap3A_199 = arith.constant 32 : index
      %swap3A_200 = tpu.vector_load %arg11[%swap3A_198, %swap3A_199] {strides = array<i32>} : memref<80x128xf32, #tpu.memory_space<vmem>>, vector<1x16xf32>,
      %swap3A_201 = vector.shape_cast %swap3A_200 : vector<1x16xf32> to vector<16xf32>
      %swap3A_202 = vector.shape_cast %add3A_197 : vector<16xf32> to vector<1x16xf32>
      tpu.vector_store %arg11[%swap3A_198, %swap3A_199], %swap3A_202 {strides = array<i32>} : memref<80x128xf32, #tpu.memory_space<vmem>>, vector<1x16xf32>,
      %get3A_203 = arith.index_cast %add3A_162 : i32 to index
      %get3A_204 = arith.constant 48 : index
      %get3A_205 = tpu.vector_load %arg9[%get3A_203, %get3A_204] {strides = array<i32>} : memref<80x128xf32, #tpu.memory_space<vmem>>, vector<1x16xf32>,
      %get3A_206 = vector.shape_cast %get3A_205 : vector<1x16xf32> to vector<16xf32>
      %get3A_207 = arith.index_cast %add3A_162 : i32 to index
      %get3A_208 = arith.constant 48 : index
      %get3A_209 = tpu.vector_load %arg10[%get3A_207, %get3A_208] {strides = array<i32>} : memref<80x128xf32, #tpu.memory_space<vmem>>, vector<1x16xf32>,
      %get3A_210 = vector.shape_cast %get3A_209 : vector<1x16xf32> to vector<16xf32>
      %add3A_211 = arith.addf %get3A_206, %get3A_210 : vector<16xf32>
      %swap3A_212 = arith.index_cast %add3A_162 : i32 to index
      %swap3A_213 = arith.constant 48 : index
      %swap3A_214 = tpu.vector_load %arg11[%swap3A_212, %swap3A_213] {strides = array<i32>} : memref<80x128xf32, #tpu.memory_space<vmem>>, vector<1x16xf32>,
      %swap3A_215 = vector.shape_cast %swap3A_214 : vector<1x16xf32> to vector<16xf32>
      %swap3A_216 = vector.shape_cast %add3A_211 : vector<16xf32> to vector<1x16xf32>
      tpu.vector_store %arg11[%swap3A_212, %swap3A_213], %swap3A_216 {strides = array<i32>} : memref<80x128xf32, #tpu.memory_space<vmem>>, vector<1x16xf32>,
      %get3A_217 = arith.index_cast %add3A_162 : i32 to index
      %get3A_218 = arith.constant 64 : index
      %get3A_219 = tpu.vector_load %arg9[%get3A_217, %get3A_218] {strides = array<i32>} : memref<80x128xf32, #tpu.memory_space<vmem>>, vector<1x16xf32>,
      %get3A_220 = vector.shape_cast %get3A_219 : vector<1x16xf32> to vector<16xf32>
      %get3A_221 = arith.index_cast %add3A_162 : i32 to index
      %get3A_222 = arith.constant 64 : index
      %get3A_223 = tpu.vector_load %arg10[%get3A_221, %get3A_222] {strides = array<i32>} : memref<80x128xf32, #tpu.memory_space<vmem>>, vector<1x16xf32>,
      %get3A_224 = vector.shape_cast %get3A_223 : vector<1x16xf32> to vector<16xf32>
      %add3A_225 = arith.addf %get3A_220, %get3A_224 : vector<16xf32>
      %swap3A_226 = arith.index_cast %add3A_162 : i32 to index
      %swap3A_227 = arith.constant 64 : index
      %swap3A_228 = tpu.vector_load %arg11[%swap3A_226, %swap3A_227] {strides = array<i32>} : memref<80x128xf32, #tpu.memory_space<vmem>>, vector<1x16xf32>,
      %swap3A_229 = vector.shape_cast %swap3A_228 : vector<1x16xf32> to vector<16xf32>
      %swap3A_230 = vector.shape_cast %add3A_225 : vector<16xf32> to vector<1x16xf32>
      tpu.vector_store %arg11[%swap3A_226, %swap3A_227], %swap3A_230 {strides = array<i32>} : memref<80x128xf32, #tpu.memory_space<vmem>>, vector<1x16xf32>,
      %get3A_231 = arith.index_cast %add3A_162 : i32 to index
      %get3A_232 = arith.constant 80 : index
      %get3A_233 = tpu.vector_load %arg9[%get3A_231, %get3A_232] {strides = array<i32>} : memref<80x128xf32, #tpu.memory_space<vmem>>, vector<1x16xf32>,
      %get3A_234 = vector.shape_cast %get3A_233 : vector<1x16xf32> to vector<16xf32>
      %get3A_235 = arith.index_cast %add3A_162 : i32 to index
      %get3A_236 = arith.constant 80 : index
      %get3A_237 = tpu.vector_load %arg10[%get3A_235, %get3A_236] {strides = array<i32>} : memref<80x128xf32, #tpu.memory_space<vmem>>, vector<1x16xf32>,
      %get3A_238 = vector.shape_cast %get3A_237 : vector<1x16xf32> to vector<16xf32>
      %add3A_239 = arith.addf %get3A_234, %get3A_238 : vector<16xf32>
      %swap3A_240 = arith.index_cast %add3A_162 : i32 to index
      %swap3A_241 = arith.constant 80 : index
      %swap3A_242 = tpu.vector_load %arg11[%swap3A_240, %swap3A_241] {strides = array<i32>} : memref<80x128xf32, #tpu.memory_space<vmem>>, vector<1x16xf32>,
      %swap3A_243 = vector.shape_cast %swap3A_242 : vector<1x16xf32> to vector<16xf32>
      %swap3A_244 = vector.shape_cast %add3A_239 : vector<16xf32> to vector<1x16xf32>
      tpu.vector_store %arg11[%swap3A_240, %swap3A_241], %swap3A_244 {strides = array<i32>} : memref<80x128xf32, #tpu.memory_space<vmem>>, vector<1x16xf32>,
      %get3A_245 = arith.index_cast %add3A_162 : i32 to index
      %get3A_246 = arith.constant 96 : index
      %get3A_247 = tpu.vector_load %arg9[%get3A_245, %get3A_246] {strides = array<i32>} : memref<80x128xf32, #tpu.memory_space<vmem>>, vector<1x16xf32>,
      %get3A_248 = vector.shape_cast %get3A_247 : vector<1x16xf32> to vector<16xf32>
      %get3A_249 = arith.index_cast %add3A_162 : i32 to index
      %get3A_250 = arith.constant 96 : index
      %get3A_251 = tpu.vector_load %arg10[%get3A_249, %get3A_250] {strides = array<i32>} : memref<80x128xf32, #tpu.memory_space<vmem>>, vector<1x16xf32>,
      %get3A_252 = vector.shape_cast %get3A_251 : vector<1x16xf32> to vector<16xf32>
      %add3A_253 = arith.addf %get3A_248, %get3A_252 : vector<16xf32>
      %swap3A_254 = arith.index_cast %add3A_162 : i32 to index
      %swap3A_255 = arith.constant 96 : index
      %swap3A_256 = tpu.vector_load %arg11[%swap3A_254, %swap3A_255] {strides = array<i32>} : memref<80x128xf32, #tpu.memory_space<vmem>>, vector<1x16xf32>,
      %swap3A_257 = vector.shape_cast %swap3A_256 : vector<1x16xf32> to vector<16xf32>
      %swap3A_258 = vector.shape_cast %add3A_253 : vector<16xf32> to vector<1x16xf32>
      tpu.vector_store %arg11[%swap3A_254, %swap3A_255], %swap3A_258 {strides = array<i32>} : memref<80x128xf32, #tpu.memory_space<vmem>>, vector<1x16xf32>,
      %get3A_259 = arith.index_cast %add3A_162 : i32 to index
      %get3A_260 = arith.constant 112 : index
      %get3A_261 = tpu.vector_load %arg9[%get3A_259, %get3A_260] {strides = array<i32>} : memref<80x128xf32, #tpu.memory_space<vmem>>, vector<1x16xf32>,
      %get3A_262 = vector.shape_cast %get3A_261 : vector<1x16xf32> to vector<16xf32>
      %get3A_263 = arith.index_cast %add3A_162 : i32 to index
      %get3A_264 = arith.constant 112 : index
      %get3A_265 = tpu.vector_load %arg10[%get3A_263, %get3A_264] {strides = array<i32>} : memref<80x128xf32, #tpu.memory_space<vmem>>, vector<1x16xf32>,
      %get3A_266 = vector.shape_cast %get3A_265 : vector<1x16xf32> to vector<16xf32>
      %add3A_267 = arith.addf %get3A_262, %get3A_266 : vector<16xf32>
      %swap3A_268 = arith.index_cast %add3A_162 : i32 to index
      %swap3A_269 = arith.constant 112 : index
      %swap3A_270 = tpu.vector_load %arg11[%swap3A_268, %swap3A_269] {strides = array<i32>} : memref<80x128xf32, #tpu.memory_space<vmem>>, vector<1x16xf32>,
      %swap3A_271 = vector.shape_cast %swap3A_270 : vector<1x16xf32> to vector<16xf32>
      %swap3A_272 = vector.shape_cast %add3A_267 : vector<16xf32> to vector<1x16xf32>
      tpu.vector_store %arg11[%swap3A_268, %swap3A_269], %swap3A_272 {strides = array<i32>} : memref<80x128xf32, #tpu.memory_space<vmem>>, vector<1x16xf32>,
      %mul3A_273 = arith.constant 4 : i32
      %mul3A_274 = arith.muli %scan3A_158, %mul3A_273 : i32
      %add3A_275 = arith.constant 1 : i32
      %add3A_276 = arith.addi %mul3A_274, %add3A_275 : i32
      %get3A_277 = arith.index_cast %add3A_276 : i32 to index
      %get3A_278 = arith.constant 0 : index
      %get3A_279 = tpu.vector_load %arg9[%get3A_277, %get3A_278] {strides = array<i32>} : memref<80x128xf32, #tpu.memory_space<vmem>>, vector<1x16xf32>,
      %get3A_280 = vector.shape_cast %get3A_279 : vector<1x16xf32> to vector<16xf32>
      %get3A_281 = arith.index_cast %add3A_276 : i32 to index
      %get3A_282 = arith.constant 0 : index
      %get3A_283 = tpu.vector_load %arg10[%get3A_281, %get3A_282] {strides = array<i32>} : memref<80x128xf32, #tpu.memory_space<vmem>>, vector<1x16xf32>,
      %get3A_284 = vector.shape_cast %get3A_283 : vector<1x16xf32> to vector<16xf32>
      %add3A_285 = arith.addf %get3A_280, %get3A_284 : vector<16xf32>
      %swap3A_286 = arith.index_cast %add3A_276 : i32 to index
      %swap3A_287 = arith.constant 0 : index
      %swap3A_288 = tpu.vector_load %arg11[%swap3A_286, %swap3A_287] {strides = array<i32>} : memref<80x128xf32, #tpu.memory_space<vmem>>, vector<1x16xf32>,
      %swap3A_289 = vector.shape_cast %swap3A_288 : vector<1x16xf32> to vector<16xf32>
      %swap3A_290 = vector.shape_cast %add3A_285 : vector<16xf32> to vector<1x16xf32>
      tpu.vector_store %arg11[%swap3A_286, %swap3A_287], %swap3A_290 {strides = array<i32>} : memref<80x128xf32, #tpu.memory_space<vmem>>, vector<1x16xf32>,
      %get3A_291 = arith.index_cast %add3A_276 : i32 to index
      %get3A_292 = arith.constant 16 : index
      %get3A_293 = tpu.vector_load %arg9[%get3A_291, %get3A_292] {strides = array<i32>} : memref<80x128xf32, #tpu.memory_space<vmem>>, vector<1x16xf32>,
      %get3A_294 = vector.shape_cast %get3A_293 : vector<1x16xf32> to vector<16xf32>
      %get3A_295 = arith.index_cast %add3A_276 : i32 to index
      %get3A_296 = arith.constant 16 : index
      %get3A_297 = tpu.vector_load %arg10[%get3A_295, %get3A_296] {strides = array<i32>} : memref<80x128xf32, #tpu.memory_space<vmem>>, vector<1x16xf32>,
      %get3A_298 = vector.shape_cast %get3A_297 : vector<1x16xf32> to vector<16xf32>
      %add3A_299 = arith.addf %get3A_294, %get3A_298 : vector<16xf32>
      %swap3A_300 = arith.index_cast %add3A_276 : i32 to index
      %swap3A_301 = arith.constant 16 : index
      %swap3A_302 = tpu.vector_load %arg11[%swap3A_300, %swap3A_301] {strides = array<i32>} : memref<80x128xf32, #tpu.memory_space<vmem>>, vector<1x16xf32>,
      %swap3A_303 = vector.shape_cast %swap3A_302 : vector<1x16xf32> to vector<16xf32>
      %swap3A_304 = vector.shape_cast %add3A_299 : vector<16xf32> to vector<1x16xf32>
      tpu.vector_store %arg11[%swap3A_300, %swap3A_301], %swap3A_304 {strides = array<i32>} : memref<80x128xf32, #tpu.memory_space<vmem>>, vector<1x16xf32>,
      %get3A_305 = arith.index_cast %add3A_276 : i32 to index
      %get3A_306 = arith.constant 32 : index
      %get3A_307 = tpu.vector_load %arg9[%get3A_305, %get3A_306] {strides = array<i32>} : memref<80x128xf32, #tpu.memory_space<vmem>>, vector<1x16xf32>,
      %get3A_308 = vector.shape_cast %get3A_307 : vector<1x16xf32> to vector<16xf32>
      %get3A_309 = arith.index_cast %add3A_276 : i32 to index
      %get3A_310 = arith.constant 32 : index
      %get3A_311 = tpu.vector_load %arg10[%get3A_309, %get3A_310] {strides = array<i32>} : memref<80x128xf32, #tpu.memory_space<vmem>>, vector<1x16xf32>,
      %get3A_312 = vector.shape_cast %get3A_311 : vector<1x16xf32> to vector<16xf32>
      %add3A_313 = arith.addf %get3A_308, %get3A_312 : vector<16xf32>
      %swap3A_314 = arith.index_cast %add3A_276 : i32 to index
      %swap3A_315 = arith.constant 32 : index
      %swap3A_316 = tpu.vector_load %arg11[%swap3A_314, %swap3A_315] {strides = array<i32>} : memref<80x128xf32, #tpu.memory_space<vmem>>, vector<1x16xf32>,
      %swap3A_317 = vector.shape_cast %swap3A_316 : vector<1x16xf32> to vector<16xf32>
      %swap3A_318 = vector.shape_cast %add3A_313 : vector<16xf32> to vector<1x16xf32>
      tpu.vector_store %arg11[%swap3A_314, %swap3A_315], %swap3A_318 {strides = array<i32>} : memref<80x128xf32, #tpu.memory_space<vmem>>, vector<1x16xf32>,
      %get3A_319 = arith.index_cast %add3A_276 : i32 to index
      %get3A_320 = arith.constant 48 : index
      %get3A_321 = tpu.vector_load %arg9[%get3A_319, %get3A_320] {strides = array<i32>} : memref<80x128xf32, #tpu.memory_space<vmem>>, vector<1x16xf32>,
      %get3A_322 = vector.shape_cast %get3A_321 : vector<1x16xf32> to vector<16xf32>
      %get3A_323 = arith.index_cast %add3A_276 : i32 to index
      %get3A_324 = arith.constant 48 : index
      %get3A_325 = tpu.vector_load %arg10[%get3A_323, %get3A_324] {strides = array<i32>} : memref<80x128xf32, #tpu.memory_space<vmem>>, vector<1x16xf32>,
      %get3A_326 = vector.shape_cast %get3A_325 : vector<1x16xf32> to vector<16xf32>
      %add3A_327 = arith.addf %get3A_322, %get3A_326 : vector<16xf32>
      %swap3A_328 = arith.index_cast %add3A_276 : i32 to index
      %swap3A_329 = arith.constant 48 : index
      %swap3A_330 = tpu.vector_load %arg11[%swap3A_328, %swap3A_329] {strides = array<i32>} : memref<80x128xf32, #tpu.memory_space<vmem>>, vector<1x16xf32>,
      %swap3A_331 = vector.shape_cast %swap3A_330 : vector<1x16xf32> to vector<16xf32>
      %swap3A_332 = vector.shape_cast %add3A_327 : vector<16xf32> to vector<1x16xf32>
      tpu.vector_store %arg11[%swap3A_328, %swap3A_329], %swap3A_332 {strides = array<i32>} : memref<80x128xf32, #tpu.memory_space<vmem>>, vector<1x16xf32>,
      %get3A_333 = arith.index_cast %add3A_276 : i32 to index
      %get3A_334 = arith.constant 64 : index
      %get3A_335 = tpu.vector_load %arg9[%get3A_333, %get3A_334] {strides = array<i32>} : memref<80x128xf32, #tpu.memory_space<vmem>>, vector<1x16xf32>,
      %get3A_336 = vector.shape_cast %get3A_335 : vector<1x16xf32> to vector<16xf32>
      %get3A_337 = arith.index_cast %add3A_276 : i32 to index
      %get3A_338 = arith.constant 64 : index
      %get3A_339 = tpu.vector_load %arg10[%get3A_337, %get3A_338] {strides = array<i32>} : memref<80x128xf32, #tpu.memory_space<vmem>>, vector<1x16xf32>,
      %get3A_340 = vector.shape_cast %get3A_339 : vector<1x16xf32> to vector<16xf32>
      %add3A_341 = arith.addf %get3A_336, %get3A_340 : vector<16xf32>
      %swap3A_342 = arith.index_cast %add3A_276 : i32 to index
      %swap3A_343 = arith.constant 64 : index
      %swap3A_344 = tpu.vector_load %arg11[%swap3A_342, %swap3A_343] {strides = array<i32>} : memref<80x128xf32, #tpu.memory_space<vmem>>, vector<1x16xf32>,
      %swap3A_345 = vector.shape_cast %swap3A_344 : vector<1x16xf32> to vector<16xf32>
      %swap3A_346 = vector.shape_cast %add3A_341 : vector<16xf32> to vector<1x16xf32>
      tpu.vector_store %arg11[%swap3A_342, %swap3A_343], %swap3A_346 {strides = array<i32>} : memref<80x128xf32, #tpu.memory_space<vmem>>, vector<1x16xf32>,
      %get3A_347 = arith.index_cast %add3A_276 : i32 to index
      %get3A_348 = arith.constant 80 : index
      %get3A_349 = tpu.vector_load %arg9[%get3A_347, %get3A_348] {strides = array<i32>} : memref<80x128xf32, #tpu.memory_space<vmem>>, vector<1x16xf32>,
      %get3A_350 = vector.shape_cast %get3A_349 : vector<1x16xf32> to vector<16xf32>
      %get3A_351 = arith.index_cast %add3A_276 : i32 to index
      %get3A_352 = arith.constant 80 : index
      %get3A_353 = tpu.vector_load %arg10[%get3A_351, %get3A_352] {strides = array<i32>} : memref<80x128xf32, #tpu.memory_space<vmem>>, vector<1x16xf32>,
      %get3A_354 = vector.shape_cast %get3A_353 : vector<1x16xf32> to vector<16xf32>
      %add3A_355 = arith.addf %get3A_350, %get3A_354 : vector<16xf32>
      %swap3A_356 = arith.index_cast %add3A_276 : i32 to index
      %swap3A_357 = arith.constant 80 : index
      %swap3A_358 = tpu.vector_load %arg11[%swap3A_356, %swap3A_357] {strides = array<i32>} : memref<80x128xf32, #tpu.memory_space<vmem>>, vector<1x16xf32>,
      %swap3A_359 = vector.shape_cast %swap3A_358 : vector<1x16xf32> to vector<16xf32>
      %swap3A_360 = vector.shape_cast %add3A_355 : vector<16xf32> to vector<1x16xf32>
      tpu.vector_store %arg11[%swap3A_356, %swap3A_357], %swap3A_360 {strides = array<i32>} : memref<80x128xf32, #tpu.memory_space<vmem>>, vector<1x16xf32>,
      %get3A_361 = arith.index_cast %add3A_276 : i32 to index
      %get3A_362 = arith.constant 96 : index
      %get3A_363 = tpu.vector_load %arg9[%get3A_361, %get3A_362] {strides = array<i32>} : memref<80x128xf32, #tpu.memory_space<vmem>>, vector<1x16xf32>,
      %get3A_364 = vector.shape_cast %get3A_363 : vector<1x16xf32> to vector<16xf32>
      %get3A_365 = arith.index_cast %add3A_276 : i32 to index
      %get3A_366 = arith.constant 96 : index
      %get3A_367 = tpu.vector_load %arg10[%get3A_365, %get3A_366] {strides = array<i32>} : memref<80x128xf32, #tpu.memory_space<vmem>>, vector<1x16xf32>,
      %get3A_368 = vector.shape_cast %get3A_367 : vector<1x16xf32> to vector<16xf32>
      %add3A_369 = arith.addf %get3A_364, %get3A_368 : vector<16xf32>
      %swap3A_370 = arith.index_cast %add3A_276 : i32 to index
      %swap3A_371 = arith.constant 96 : index
      %swap3A_372 = tpu.vector_load %arg11[%swap3A_370, %swap3A_371] {strides = array<i32>} : memref<80x128xf32, #tpu.memory_space<vmem>>, vector<1x16xf32>,
      %swap3A_373 = vector.shape_cast %swap3A_372 : vector<1x16xf32> to vector<16xf32>
      %swap3A_374 = vector.shape_cast %add3A_369 : vector<16xf32> to vector<1x16xf32>
      tpu.vector_store %arg11[%swap3A_370, %swap3A_371], %swap3A_374 {strides = array<i32>} : memref<80x128xf32, #tpu.memory_space<vmem>>, vector<1x16xf32>,
      %get3A_375 = arith.index_cast %add3A_276 : i32 to index
      %get3A_376 = arith.constant 112 : index
      %get3A_377 = tpu.vector_load %arg9[%get3A_375, %get3A_376] {strides = array<i32>} : memref<80x128xf32, #tpu.memory_space<vmem>>, vector<1x16xf32>,
      %get3A_378 = vector.shape_cast %get3A_377 : vector<1x16xf32> to vector<16xf32>
      %get3A_379 = arith.index_cast %add3A_276 : i32 to index
      %get3A_380 = arith.constant 112 : index
      %get3A_381 = tpu.vector_load %arg10[%get3A_379, %get3A_380] {strides = array<i32>} : memref<80x128xf32, #tpu.memory_space<vmem>>, vector<1x16xf32>,
      %get3A_382 = vector.shape_cast %get3A_381 : vector<1x16xf32> to vector<16xf32>
      %add3A_383 = arith.addf %get3A_378, %get3A_382 : vector<16xf32>
      %swap3A_384 = arith.index_cast %add3A_276 : i32 to index
      %swap3A_385 = arith.constant 112 : index
      %swap3A_386 = tpu.vector_load %arg11[%swap3A_384, %swap3A_385] {strides = array<i32>} : memref<80x128xf32, #tpu.memory_space<vmem>>, vector<1x16xf32>,
      %swap3A_387 = vector.shape_cast %swap3A_386 : vector<1x16xf32> to vector<16xf32>
      %swap3A_388 = vector.shape_cast %add3A_383 : vector<16xf32> to vector<1x16xf32>
      tpu.vector_store %arg11[%swap3A_384, %swap3A_385], %swap3A_388 {strides = array<i32>} : memref<80x128xf32, #tpu.memory_space<vmem>>, vector<1x16xf32>,
      %mul3A_389 = arith.constant 4 : i32
      %mul3A_390 = arith.muli %scan3A_158, %mul3A_389 : i32
      %add3A_391 = arith.constant 2 : i32
      %add3A_392 = arith.addi %mul3A_390, %add3A_391 : i32
      %get3A_393 = arith.index_cast %add3A_392 : i32 to index
      %get3A_394 = arith.constant 0 : index
      %get3A_395 = tpu.vector_load %arg9[%get3A_393, %get3A_394] {strides = array<i32>} : memref<80x128xf32, #tpu.memory_space<vmem>>, vector<1x16xf32>,
      %get3A_396 = vector.shape_cast %get3A_395 : vector<1x16xf32> to vector<16xf32>
      %get3A_397 = arith.index_cast %add3A_392 : i32 to index
      %get3A_398 = arith.constant 0 : index
      %get3A_399 = tpu.vector_load %arg10[%get3A_397, %get3A_398] {strides = array<i32>} : memref<80x128xf32, #tpu.memory_space<vmem>>, vector<1x16xf32>,
      %get3A_400 = vector.shape_cast %get3A_399 : vector<1x16xf32> to vector<16xf32>
      %add3A_401 = arith.addf %get3A_396, %get3A_400 : vector<16xf32>
      %swap3A_402 = arith.index_cast %add3A_392 : i32 to index
      %swap3A_403 = arith.constant 0 : index
      %swap3A_404 = tpu.vector_load %arg11[%swap3A_402, %swap3A_403] {strides = array<i32>} : memref<80x128xf32, #tpu.memory_space<vmem>>, vector<1x16xf32>,
      %swap3A_405 = vector.shape_cast %swap3A_404 : vector<1x16xf32> to vector<16xf32>
      %swap3A_406 = vector.shape_cast %add3A_401 : vector<16xf32> to vector<1x16xf32>
      tpu.vector_store %arg11[%swap3A_402, %swap3A_403], %swap3A_406 {strides = array<i32>} : memref<80x128xf32, #tpu.memory_space<vmem>>, vector<1x16xf32>,
      %get3A_407 = arith.index_cast %add3A_392 : i32 to index
      %get3A_408 = arith.constant 16 : index
      %get3A_409 = tpu.vector_load %arg9[%get3A_407, %get3A_408] {strides = array<i32>} : memref<80x128xf32, #tpu.memory_space<vmem>>, vector<1x16xf32>,
      %get3A_410 = vector.shape_cast %get3A_409 : vector<1x16xf32> to vector<16xf32>
      %get3A_411 = arith.index_cast %add3A_392 : i32 to index
      %get3A_412 = arith.constant 16 : index
      %get3A_413 = tpu.vector_load %arg10[%get3A_411, %get3A_412] {strides = array<i32>} : memref<80x128xf32, #tpu.memory_space<vmem>>, vector<1x16xf32>,
      %get3A_414 = vector.shape_cast %get3A_413 : vector<1x16xf32> to vector<16xf32>
      %add3A_415 = arith.addf %get3A_410, %get3A_414 : vector<16xf32>
      %swap3A_416 = arith.index_cast %add3A_392 : i32 to index
      %swap3A_417 = arith.constant 16 : index
      %swap3A_418 = tpu.vector_load %arg11[%swap3A_416, %swap3A_417] {strides = array<i32>} : memref<80x128xf32, #tpu.memory_space<vmem>>, vector<1x16xf32>,
      %swap3A_419 = vector.shape_cast %swap3A_418 : vector<1x16xf32> to vector<16xf32>
      %swap3A_420 = vector.shape_cast %add3A_415 : vector<16xf32> to vector<1x16xf32>
      tpu.vector_store %arg11[%swap3A_416, %swap3A_417], %swap3A_420 {strides = array<i32>} : memref<80x128xf32, #tpu.memory_space<vmem>>, vector<1x16xf32>,
      %get3A_421 = arith.index_cast %add3A_392 : i32 to index
      %get3A_422 = arith.constant 32 : index
      %get3A_423 = tpu.vector_load %arg9[%get3A_421, %get3A_422] {strides = array<i32>} : memref<80x128xf32, #tpu.memory_space<vmem>>, vector<1x16xf32>,
      %get3A_424 = vector.shape_cast %get3A_423 : vector<1x16xf32> to vector<16xf32>
      %get3A_425 = arith.index_cast %add3A_392 : i32 to index
      %get3A_426 = arith.constant 32 : index
      %get3A_427 = tpu.vector_load %arg10[%get3A_425, %get3A_426] {strides = array<i32>} : memref<80x128xf32, #tpu.memory_space<vmem>>, vector<1x16xf32>,
      %get3A_428 = vector.shape_cast %get3A_427 : vector<1x16xf32> to vector<16xf32>
      %add3A_429 = arith.addf %get3A_424, %get3A_428 : vector<16xf32>
      %swap3A_430 = arith.index_cast %add3A_392 : i32 to index
      %swap3A_431 = arith.constant 32 : index
      %swap3A_432 = tpu.vector_load %arg11[%swap3A_430, %swap3A_431] {strides = array<i32>} : memref<80x128xf32, #tpu.memory_space<vmem>>, vector<1x16xf32>,
      %swap3A_433 = vector.shape_cast %swap3A_432 : vector<1x16xf32> to vector<16xf32>
      %swap3A_434 = vector.shape_cast %add3A_429 : vector<16xf32> to vector<1x16xf32>
      tpu.vector_store %arg11[%swap3A_430, %swap3A_431], %swap3A_434 {strides = array<i32>} : memref<80x128xf32, #tpu.memory_space<vmem>>, vector<1x16xf32>,
      %get3A_435 = arith.index_cast %add3A_392 : i32 to index
      %get3A_436 = arith.constant 48 : index
      %get3A_437 = tpu.vector_load %arg9[%get3A_435, %get3A_436] {strides = array<i32>} : memref<80x128xf32, #tpu.memory_space<vmem>>, vector<1x16xf32>,
      %get3A_438 = vector.shape_cast %get3A_437 : vector<1x16xf32> to vector<16xf32>
      %get3A_439 = arith.index_cast %add3A_392 : i32 to index
      %get3A_440 = arith.constant 48 : index
      %get3A_441 = tpu.vector_load %arg10[%get3A_439, %get3A_440] {strides = array<i32>} : memref<80x128xf32, #tpu.memory_space<vmem>>, vector<1x16xf32>,
      %get3A_442 = vector.shape_cast %get3A_441 : vector<1x16xf32> to vector<16xf32>
      %add3A_443 = arith.addf %get3A_438, %get3A_442 : vector<16xf32>
      %swap3A_444 = arith.index_cast %add3A_392 : i32 to index
      %swap3A_445 = arith.constant 48 : index
      %swap3A_446 = tpu.vector_load %arg11[%swap3A_444, %swap3A_445] {strides = array<i32>} : memref<80x128xf32, #tpu.memory_space<vmem>>, vector<1x16xf32>,
      %swap3A_447 = vector.shape_cast %swap3A_446 : vector<1x16xf32> to vector<16xf32>
      %swap3A_448 = vector.shape_cast %add3A_443 : vector<16xf32> to vector<1x16xf32>
      tpu.vector_store %arg11[%swap3A_444, %swap3A_445], %swap3A_448 {strides = array<i32>} : memref<80x128xf32, #tpu.memory_space<vmem>>, vector<1x16xf32>,
      %get3A_449 = arith.index_cast %add3A_392 : i32 to index
      %get3A_450 = arith.constant 64 : index
      %get3A_451 = tpu.vector_load %arg9[%get3A_449, %get3A_450] {strides = array<i32>} : memref<80x128xf32, #tpu.memory_space<vmem>>, vector<1x16xf32>,
      %get3A_452 = vector.shape_cast %get3A_451 : vector<1x16xf32> to vector<16xf32>
      %get3A_453 = arith.index_cast %add3A_392 : i32 to index
      %get3A_454 = arith.constant 64 : index
      %get3A_455 = tpu.vector_load %arg10[%get3A_453, %get3A_454] {strides = array<i32>} : memref<80x128xf32, #tpu.memory_space<vmem>>, vector<1x16xf32>,
      %get3A_456 = vector.shape_cast %get3A_455 : vector<1x16xf32> to vector<16xf32>
      %add3A_457 = arith.addf %get3A_452, %get3A_456 : vector<16xf32>
      %swap3A_458 = arith.index_cast %add3A_392 : i32 to index
      %swap3A_459 = arith.constant 64 : index
      %swap3A_460 = tpu.vector_load %arg11[%swap3A_458, %swap3A_459] {strides = array<i32>} : memref<80x128xf32, #tpu.memory_space<vmem>>, vector<1x16xf32>,
      %swap3A_461 = vector.shape_cast %swap3A_460 : vector<1x16xf32> to vector<16xf32>
      %swap3A_462 = vector.shape_cast %add3A_457 : vector<16xf32> to vector<1x16xf32>
      tpu.vector_store %arg11[%swap3A_458, %swap3A_459], %swap3A_462 {strides = array<i32>} : memref<80x128xf32, #tpu.memory_space<vmem>>, vector<1x16xf32>,
      %get3A_463 = arith.index_cast %add3A_392 : i32 to index
      %get3A_464 = arith.constant 80 : index
      %get3A_465 = tpu.vector_load %arg9[%get3A_463, %get3A_464] {strides = array<i32>} : memref<80x128xf32, #tpu.memory_space<vmem>>, vector<1x16xf32>,
      %get3A_466 = vector.shape_cast %get3A_465 : vector<1x16xf32> to vector<16xf32>
      %get3A_467 = arith.index_cast %add3A_392 : i32 to index
      %get3A_468 = arith.constant 80 : index
      %get3A_469 = tpu.vector_load %arg10[%get3A_467, %get3A_468] {strides = array<i32>} : memref<80x128xf32, #tpu.memory_space<vmem>>, vector<1x16xf32>,
      %get3A_470 = vector.shape_cast %get3A_469 : vector<1x16xf32> to vector<16xf32>
      %add3A_471 = arith.addf %get3A_466, %get3A_470 : vector<16xf32>
      %swap3A_472 = arith.index_cast %add3A_392 : i32 to index
      %swap3A_473 = arith.constant 80 : index
      %swap3A_474 = tpu.vector_load %arg11[%swap3A_472, %swap3A_473] {strides = array<i32>} : memref<80x128xf32, #tpu.memory_space<vmem>>, vector<1x16xf32>,
      %swap3A_475 = vector.shape_cast %swap3A_474 : vector<1x16xf32> to vector<16xf32>
      %swap3A_476 = vector.shape_cast %add3A_471 : vector<16xf32> to vector<1x16xf32>
      tpu.vector_store %arg11[%swap3A_472, %swap3A_473], %swap3A_476 {strides = array<i32>} : memref<80x128xf32, #tpu.memory_space<vmem>>, vector<1x16xf32>,
      %get3A_477 = arith.index_cast %add3A_392 : i32 to index
      %get3A_478 = arith.constant 96 : index
      %get3A_479 = tpu.vector_load %arg9[%get3A_477, %get3A_478] {strides = array<i32>} : memref<80x128xf32, #tpu.memory_space<vmem>>, vector<1x16xf32>,
      %get3A_480 = vector.shape_cast %get3A_479 : vector<1x16xf32> to vector<16xf32>
      %get3A_481 = arith.index_cast %add3A_392 : i32 to index
      %get3A_482 = arith.constant 96 : index
      %get3A_483 = tpu.vector_load %arg10[%get3A_481, %get3A_482] {strides = array<i32>} : memref<80x128xf32, #tpu.memory_space<vmem>>, vector<1x16xf32>,
      %get3A_484 = vector.shape_cast %get3A_483 : vector<1x16xf32> to vector<16xf32>
      %add3A_485 = arith.addf %get3A_480, %get3A_484 : vector<16xf32>
      %swap3A_486 = arith.index_cast %add3A_392 : i32 to index
      %swap3A_487 = arith.constant 96 : index
      %swap3A_488 = tpu.vector_load %arg11[%swap3A_486, %swap3A_487] {strides = array<i32>} : memref<80x128xf32, #tpu.memory_space<vmem>>, vector<1x16xf32>,
      %swap3A_489 = vector.shape_cast %swap3A_488 : vector<1x16xf32> to vector<16xf32>
      %swap3A_490 = vector.shape_cast %add3A_485 : vector<16xf32> to vector<1x16xf32>
      tpu.vector_store %arg11[%swap3A_486, %swap3A_487], %swap3A_490 {strides = array<i32>} : memref<80x128xf32, #tpu.memory_space<vmem>>, vector<1x16xf32>,
      %get3A_491 = arith.index_cast %add3A_392 : i32 to index
      %get3A_492 = arith.constant 112 : index
      %get3A_493 = tpu.vector_load %arg9[%get3A_491, %get3A_492] {strides = array<i32>} : memref<80x128xf32, #tpu.memory_space<vmem>>, vector<1x16xf32>,
      %get3A_494 = vector.shape_cast %get3A_493 : vector<1x16xf32> to vector<16xf32>
      %get3A_495 = arith.index_cast %add3A_392 : i32 to index
      %get3A_496 = arith.constant 112 : index
      %get3A_497 = tpu.vector_load %arg10[%get3A_495, %get3A_496] {strides = array<i32>} : memref<80x128xf32, #tpu.memory_space<vmem>>, vector<1x16xf32>,
      %get3A_498 = vector.shape_cast %get3A_497 : vector<1x16xf32> to vector<16xf32>
      %add3A_499 = arith.addf %get3A_494, %get3A_498 : vector<16xf32>
      %swap3A_500 = arith.index_cast %add3A_392 : i32 to index
      %swap3A_501 = arith.constant 112 : index
      %swap3A_502 = tpu.vector_load %arg11[%swap3A_500, %swap3A_501] {strides = array<i32>} : memref<80x128xf32, #tpu.memory_space<vmem>>, vector<1x16xf32>,
      %swap3A_503 = vector.shape_cast %swap3A_502 : vector<1x16xf32> to vector<16xf32>
      %swap3A_504 = vector.shape_cast %add3A_499 : vector<16xf32> to vector<1x16xf32>
      tpu.vector_store %arg11[%swap3A_500, %swap3A_501], %swap3A_504 {strides = array<i32>} : memref<80x128xf32, #tpu.memory_space<vmem>>, vector<1x16xf32>,
      %mul3A_505 = arith.constant 4 : i32
      %mul3A_506 = arith.muli %scan3A_158, %mul3A_505 : i32
      %add3A_507 = arith.constant 3 : i32
      %add3A_508 = arith.addi %mul3A_506, %add3A_507 : i32
      %get3A_509 = arith.index_cast %add3A_508 : i32 to index
      %get3A_510 = arith.constant 0 : index
      %get3A_511 = tpu.vector_load %arg9[%get3A_509, %get3A_510] {strides = array<i32>} : memref<80x128xf32, #tpu.memory_space<vmem>>, vector<1x16xf32>,
      %get3A_512 = vector.shape_cast %get3A_511 : vector<1x16xf32> to vector<16xf32>
      %get3A_513 = arith.index_cast %add3A_508 : i32 to index
      %get3A_514 = arith.constant 0 : index
      %get3A_515 = tpu.vector_load %arg10[%get3A_513, %get3A_514] {strides = array<i32>} : memref<80x128xf32, #tpu.memory_space<vmem>>, vector<1x16xf32>,
      %get3A_516 = vector.shape_cast %get3A_515 : vector<1x16xf32> to vector<16xf32>
      %add3A_517 = arith.addf %get3A_512, %get3A_516 : vector<16xf32>
      %swap3A_518 = arith.index_cast %add3A_508 : i32 to index
      %swap3A_519 = arith.constant 0 : index
      %swap3A_520 = tpu.vector_load %arg11[%swap3A_518, %swap3A_519] {strides = array<i32>} : memref<80x128xf32, #tpu.memory_space<vmem>>, vector<1x16xf32>,
      %swap3A_521 = vector.shape_cast %swap3A_520 : vector<1x16xf32> to vector<16xf32>
      %swap3A_522 = vector.shape_cast %add3A_517 : vector<16xf32> to vector<1x16xf32>
      tpu.vector_store %arg11[%swap3A_518, %swap3A_519], %swap3A_522 {strides = array<i32>} : memref<80x128xf32, #tpu.memory_space<vmem>>, vector<1x16xf32>,
      %get3A_523 = arith.index_cast %add3A_508 : i32 to index
      %get3A_524 = arith.constant 16 : index
      %get3A_525 = tpu.vector_load %arg9[%get3A_523, %get3A_524] {strides = array<i32>} : memref<80x128xf32, #tpu.memory_space<vmem>>, vector<1x16xf32>,
      %get3A_526 = vector.shape_cast %get3A_525 : vector<1x16xf32> to vector<16xf32>
      %get3A_527 = arith.index_cast %add3A_508 : i32 to index
      %get3A_528 = arith.constant 16 : index
      %get3A_529 = tpu.vector_load %arg10[%get3A_527, %get3A_528] {strides = array<i32>} : memref<80x128xf32, #tpu.memory_space<vmem>>, vector<1x16xf32>,
      %get3A_530 = vector.shape_cast %get3A_529 : vector<1x16xf32> to vector<16xf32>
      %add3A_531 = arith.addf %get3A_526, %get3A_530 : vector<16xf32>
      %swap3A_532 = arith.index_cast %add3A_508 : i32 to index
      %swap3A_533 = arith.constant 16 : index
      %swap3A_534 = tpu.vector_load %arg11[%swap3A_532, %swap3A_533] {strides = array<i32>} : memref<80x128xf32, #tpu.memory_space<vmem>>, vector<1x16xf32>,
      %swap3A_535 = vector.shape_cast %swap3A_534 : vector<1x16xf32> to vector<16xf32>
      %swap3A_536 = vector.shape_cast %add3A_531 : vector<16xf32> to vector<1x16xf32>
      tpu.vector_store %arg11[%swap3A_532, %swap3A_533], %swap3A_536 {strides = array<i32>} : memref<80x128xf32, #tpu.memory_space<vmem>>, vector<1x16xf32>,
      %get3A_537 = arith.index_cast %add3A_508 : i32 to index
      %get3A_538 = arith.constant 32 : index
      %get3A_539 = tpu.vector_load %arg9[%get3A_537, %get3A_538] {strides = array<i32>} : memref<80x128xf32, #tpu.memory_space<vmem>>, vector<1x16xf32>,
      %get3A_540 = vector.shape_cast %get3A_539 : vector<1x16xf32> to vector<16xf32>
      %get3A_541 = arith.index_cast %add3A_508 : i32 to index
      %get3A_542 = arith.constant 32 : index
      %get3A_543 = tpu.vector_load %arg10[%get3A_541, %get3A_542] {strides = array<i32>} : memref<80x128xf32, #tpu.memory_space<vmem>>, vector<1x16xf32>,
      %get3A_544 = vector.shape_cast %get3A_543 : vector<1x16xf32> to vector<16xf32>
      %add3A_545 = arith.addf %get3A_540, %get3A_544 : vector<16xf32>
      %swap3A_546 = arith.index_cast %add3A_508 : i32 to index
      %swap3A_547 = arith.constant 32 : index
      %swap3A_548 = tpu.vector_load %arg11[%swap3A_546, %swap3A_547] {strides = array<i32>} : memref<80x128xf32, #tpu.memory_space<vmem>>, vector<1x16xf32>,
      %swap3A_549 = vector.shape_cast %swap3A_548 : vector<1x16xf32> to vector<16xf32>
      %swap3A_550 = vector.shape_cast %add3A_545 : vector<16xf32> to vector<1x16xf32>
      tpu.vector_store %arg11[%swap3A_546, %swap3A_547], %swap3A_550 {strides = array<i32>} : memref<80x128xf32, #tpu.memory_space<vmem>>, vector<1x16xf32>,
      %get3A_551 = arith.index_cast %add3A_508 : i32 to index
      %get3A_552 = arith.constant 48 : index
      %get3A_553 = tpu.vector_load %arg9[%get3A_551, %get3A_552] {strides = array<i32>} : memref<80x128xf32, #tpu.memory_space<vmem>>, vector<1x16xf32>,
      %get3A_554 = vector.shape_cast %get3A_553 : vector<1x16xf32> to vector<16xf32>
      %get3A_555 = arith.index_cast %add3A_508 : i32 to index
      %get3A_556 = arith.constant 48 : index
      %get3A_557 = tpu.vector_load %arg10[%get3A_555, %get3A_556] {strides = array<i32>} : memref<80x128xf32, #tpu.memory_space<vmem>>, vector<1x16xf32>,
      %get3A_558 = vector.shape_cast %get3A_557 : vector<1x16xf32> to vector<16xf32>
      %add3A_559 = arith.addf %get3A_554, %get3A_558 : vector<16xf32>
      %swap3A_560 = arith.index_cast %add3A_508 : i32 to index
      %swap3A_561 = arith.constant 48 : index
      %swap3A_562 = tpu.vector_load %arg11[%swap3A_560, %swap3A_561] {strides = array<i32>} : memref<80x128xf32, #tpu.memory_space<vmem>>, vector<1x16xf32>,
      %swap3A_563 = vector.shape_cast %swap3A_562 : vector<1x16xf32> to vector<16xf32>
      %swap3A_564 = vector.shape_cast %add3A_559 : vector<16xf32> to vector<1x16xf32>
      tpu.vector_store %arg11[%swap3A_560, %swap3A_561], %swap3A_564 {strides = array<i32>} : memref<80x128xf32, #tpu.memory_space<vmem>>, vector<1x16xf32>,
      %get3A_565 = arith.index_cast %add3A_508 : i32 to index
      %get3A_566 = arith.constant 64 : index
      %get3A_567 = tpu.vector_load %arg9[%get3A_565, %get3A_566] {strides = array<i32>} : memref<80x128xf32, #tpu.memory_space<vmem>>, vector<1x16xf32>,
      %get3A_568 = vector.shape_cast %get3A_567 : vector<1x16xf32> to vector<16xf32>
      %get3A_569 = arith.index_cast %add3A_508 : i32 to index
      %get3A_570 = arith.constant 64 : index
      %get3A_571 = tpu.vector_load %arg10[%get3A_569, %get3A_570] {strides = array<i32>} : memref<80x128xf32, #tpu.memory_space<vmem>>, vector<1x16xf32>,
      %get3A_572 = vector.shape_cast %get3A_571 : vector<1x16xf32> to vector<16xf32>
      %add3A_573 = arith.addf %get3A_568, %get3A_572 : vector<16xf32>
      %swap3A_574 = arith.index_cast %add3A_508 : i32 to index
      %swap3A_575 = arith.constant 64 : index
      %swap3A_576 = tpu.vector_load %arg11[%swap3A_574, %swap3A_575] {strides = array<i32>} : memref<80x128xf32, #tpu.memory_space<vmem>>, vector<1x16xf32>,
      %swap3A_577 = vector.shape_cast %swap3A_576 : vector<1x16xf32> to vector<16xf32>
      %swap3A_578 = vector.shape_cast %add3A_573 : vector<16xf32> to vector<1x16xf32>
      tpu.vector_store %arg11[%swap3A_574, %swap3A_575], %swap3A_578 {strides = array<i32>} : memref<80x128xf32, #tpu.memory_space<vmem>>, vector<1x16xf32>,
      %get3A_579 = arith.index_cast %add3A_508 : i32 to index
      %get3A_580 = arith.constant 80 : index
      %get3A_581 = tpu.vector_load %arg9[%get3A_579, %get3A_580] {strides = array<i32>} : memref<80x128xf32, #tpu.memory_space<vmem>>, vector<1x16xf32>,
      %get3A_582 = vector.shape_cast %get3A_581 : vector<1x16xf32> to vector<16xf32>
      %get3A_583 = arith.index_cast %add3A_508 : i32 to index
      %get3A_584 = arith.constant 80 : index
      %get3A_585 = tpu.vector_load %arg10[%get3A_583, %get3A_584] {strides = array<i32>} : memref<80x128xf32, #tpu.memory_space<vmem>>, vector<1x16xf32>,
      %get3A_586 = vector.shape_cast %get3A_585 : vector<1x16xf32> to vector<16xf32>
      %add3A_587 = arith.addf %get3A_582, %get3A_586 : vector<16xf32>
      %swap3A_588 = arith.index_cast %add3A_508 : i32 to index
      %swap3A_589 = arith.constant 80 : index
      %swap3A_590 = tpu.vector_load %arg11[%swap3A_588, %swap3A_589] {strides = array<i32>} : memref<80x128xf32, #tpu.memory_space<vmem>>, vector<1x16xf32>,
      %swap3A_591 = vector.shape_cast %swap3A_590 : vector<1x16xf32> to vector<16xf32>
      %swap3A_592 = vector.shape_cast %add3A_587 : vector<16xf32> to vector<1x16xf32>
      tpu.vector_store %arg11[%swap3A_588, %swap3A_589], %swap3A_592 {strides = array<i32>} : memref<80x128xf32, #tpu.memory_space<vmem>>, vector<1x16xf32>,
      %get3A_593 = arith.index_cast %add3A_508 : i32 to index
      %get3A_594 = arith.constant 96 : index
      %get3A_595 = tpu.vector_load %arg9[%get3A_593, %get3A_594] {strides = array<i32>} : memref<80x128xf32, #tpu.memory_space<vmem>>, vector<1x16xf32>,
      %get3A_596 = vector.shape_cast %get3A_595 : vector<1x16xf32> to vector<16xf32>
      %get3A_597 = arith.index_cast %add3A_508 : i32 to index
      %get3A_598 = arith.constant 96 : index
      %get3A_599 = tpu.vector_load %arg10[%get3A_597, %get3A_598] {strides = array<i32>} : memref<80x128xf32, #tpu.memory_space<vmem>>, vector<1x16xf32>,
      %get3A_600 = vector.shape_cast %get3A_599 : vector<1x16xf32> to vector<16xf32>
      %add3A_601 = arith.addf %get3A_596, %get3A_600 : vector<16xf32>
      %swap3A_602 = arith.index_cast %add3A_508 : i32 to index
      %swap3A_603 = arith.constant 96 : index
      %swap3A_604 = tpu.vector_load %arg11[%swap3A_602, %swap3A_603] {strides = array<i32>} : memref<80x128xf32, #tpu.memory_space<vmem>>, vector<1x16xf32>,
      %swap3A_605 = vector.shape_cast %swap3A_604 : vector<1x16xf32> to vector<16xf32>
      %swap3A_606 = vector.shape_cast %add3A_601 : vector<16xf32> to vector<1x16xf32>
      tpu.vector_store %arg11[%swap3A_602, %swap3A_603], %swap3A_606 {strides = array<i32>} : memref<80x128xf32, #tpu.memory_space<vmem>>, vector<1x16xf32>,
      %get3A_607 = arith.index_cast %add3A_508 : i32 to index
      %get3A_608 = arith.constant 112 : index
      %get3A_609 = tpu.vector_load %arg9[%get3A_607, %get3A_608] {strides = array<i32>} : memref<80x128xf32, #tpu.memory_space<vmem>>, vector<1x16xf32>,
      %get3A_610 = vector.shape_cast %get3A_609 : vector<1x16xf32> to vector<16xf32>
      %get3A_611 = arith.index_cast %add3A_508 : i32 to index
      %get3A_612 = arith.constant 112 : index
      %get3A_613 = tpu.vector_load %arg10[%get3A_611, %get3A_612] {strides = array<i32>} : memref<80x128xf32, #tpu.memory_space<vmem>>, vector<1x16xf32>,
      %get3A_614 = vector.shape_cast %get3A_613 : vector<1x16xf32> to vector<16xf32>
      %add3A_615 = arith.addf %get3A_610, %get3A_614 : vector<16xf32>
      %swap3A_616 = arith.index_cast %add3A_508 : i32 to index
      %swap3A_617 = arith.constant 112 : index
      %swap3A_618 = tpu.vector_load %arg11[%swap3A_616, %swap3A_617] {strides = array<i32>} : memref<80x128xf32, #tpu.memory_space<vmem>>, vector<1x16xf32>,
      %swap3A_619 = vector.shape_cast %swap3A_618 : vector<1x16xf32> to vector<16xf32>
      %swap3A_620 = vector.shape_cast %add3A_615 : vector<16xf32> to vector<1x16xf32>
      tpu.vector_store %arg11[%swap3A_616, %swap3A_617], %swap3A_620 {strides = array<i32>} : memref<80x128xf32, #tpu.memory_space<vmem>>, vector<1x16xf32>,
    }
    %scan3A_47 = arith.constant 20 : i32
    %add3A_48 = arith.constant 0 : i32
    %add3A_49 = arith.addi %mul3A_2, %add3A_48 : i32
    %dma_start3A_50 = arith.constant 0 : i32
    %dma_start3A_51 = tpu.memref_slice %arg6[%add3A_49, %dma_start3A_50] : memref<320000x128xf32, #tpu.memory_space<hbm>> -> memref<80x128xf32, #tpu.memory_space<hbm>>
    %dma_start3A_52 = arith.constant 0 : i32
    %dma_start3A_53 = tpu.memref_slice %arg6[%add3A_49, %dma_start3A_52] : memref<320000x128xf32, #tpu.memory_space<hbm>> -> memref<80x128xf32, #tpu.memory_space<hbm>>
    tpu.enqueue_dma source(%arg11 : memref<80x128xf32, #tpu.memory_space<vmem>>) target(%dma_start3A_53 : memref<80x128xf32, #tpu.memory_space<hbm>>) target_semaphore(%arg17 : memref<!tpu.dma_semaphore, #tpu.memory_space<semaphore_mem>>)
    %dma_start3A_54 = arith.constant 2 : i32
    %dma_start3A_55 = arith.constant 0 : i32
    %dma_start3A_56 = tpu.memref_slice %arg7[%dma_start3A_54, %dma_start3A_55] : memref<125x80xi32, #tpu.memory_space<vmem>> -> memref<1x80xi32, #tpu.memory_space<vmem>>
    %dma_start3A_57 = tpu.memref_squeeze %dma_start3A_56 : memref<1x80xi32, #tpu.memory_space<vmem>> -> memref<80xi32, #tpu.memory_space<vmem>>
    %dma_start3A_58 = arith.constant 0 : i32
    %dma_start3A_59 = arith.constant 0 : i32
    %dma_start3A_60 = tpu.memref_slice %arg2[%dma_start3A_58, %dma_start3A_59] : memref<10000x128xf32, #tpu.memory_space<hbm>> -> memref<10000x128xf32, #tpu.memory_space<hbm>>
    tpu.enqueue_indirect_dma source(%dma_start3A_60 : memref<10000x128xf32, #tpu.memory_space<hbm>>) target(%arg9 : memref<80x128xf32, #tpu.memory_space<vmem>>) offsets(%dma_start3A_57 : memref<80xi32, #tpu.memory_space<vmem>>) semaphore(%arg15 : memref<!tpu.dma_semaphore, #tpu.memory_space<semaphore_mem>>)
    %dma_start3A_61 = arith.constant 2 : i32
    %dma_start3A_62 = arith.constant 0 : i32
    %dma_start3A_63 = tpu.memref_slice %arg8[%dma_start3A_61, %dma_start3A_62] : memref<125x80xi32, #tpu.memory_space<vmem>> -> memref<1x80xi32, #tpu.memory_space<vmem>>
    %dma_start3A_64 = tpu.memref_squeeze %dma_start3A_63 : memref<1x80xi32, #tpu.memory_space<vmem>> -> memref<80xi32, #tpu.memory_space<vmem>>
    %dma_start3A_65 = arith.constant 0 : i32
    %dma_start3A_66 = arith.constant 0 : i32
    %dma_start3A_67 = tpu.memref_slice %arg3[%dma_start3A_65, %dma_start3A_66] : memref<10000x128xf32, #tpu.memory_space<hbm>> -> memref<10000x128xf32, #tpu.memory_space<hbm>>
    tpu.enqueue_indirect_dma source(%dma_start3A_67 : memref<10000x128xf32, #tpu.memory_space<hbm>>) target(%arg10 : memref<80x128xf32, #tpu.memory_space<vmem>>) offsets(%dma_start3A_64 : memref<80xi32, #tpu.memory_space<vmem>>) semaphore(%arg16 : memref<!tpu.dma_semaphore, #tpu.memory_space<semaphore_mem>>)
    %dma_wait3A_68 = arith.constant 1 : i32
    %dma_wait3A_69 = arith.constant 0 : i32
    %dma_wait3A_70 = tpu.memref_slice %arg7[%dma_wait3A_68, %dma_wait3A_69] : memref<125x80xi32, #tpu.memory_space<vmem>> -> memref<1x80xi32, #tpu.memory_space<vmem>>
    %dma_wait3A_71 = tpu.memref_squeeze %dma_wait3A_70 : memref<1x80xi32, #tpu.memory_space<vmem>> -> memref<80xi32, #tpu.memory_space<vmem>>
    %dma_wait3A_72 = arith.constant 0 : i32
    %dma_wait3A_73 = arith.constant 0 : i32
    %dma_wait3A_74 = tpu.memref_slice %arg2[%dma_wait3A_72, %dma_wait3A_73] : memref<10000x128xf32, #tpu.memory_space<hbm>> -> memref<10000x128xf32, #tpu.memory_space<hbm>>
    tpu.wait_indirect_dma semaphore(%arg18 : memref<!tpu.dma_semaphore, #tpu.memory_space<semaphore_mem>>) src(%dma_wait3A_74 : memref<10000x128xf32, #tpu.memory_space<hbm>>) dst(%arg12 : memref<80x128xf32, #tpu.memory_space<vmem>>)
    %dma_wait3A_75 = arith.constant 1 : i32
    %dma_wait3A_76 = arith.constant 0 : i32
    %dma_wait3A_77 = tpu.memref_slice %arg8[%dma_wait3A_75, %dma_wait3A_76] : memref<125x80xi32, #tpu.memory_space<vmem>> -> memref<1x80xi32, #tpu.memory_space<vmem>>
    %dma_wait3A_78 = tpu.memref_squeeze %dma_wait3A_77 : memref<1x80xi32, #tpu.memory_space<vmem>> -> memref<80xi32, #tpu.memory_space<vmem>>
    %dma_wait3A_79 = arith.constant 0 : i32
    %dma_wait3A_80 = arith.constant 0 : i32
    %dma_wait3A_81 = tpu.memref_slice %arg3[%dma_wait3A_79, %dma_wait3A_80] : memref<10000x128xf32, #tpu.memory_space<hbm>> -> memref<10000x128xf32, #tpu.memory_space<hbm>>
    tpu.wait_indirect_dma semaphore(%arg19 : memref<!tpu.dma_semaphore, #tpu.memory_space<semaphore_mem>>) src(%dma_wait3A_81 : memref<10000x128xf32, #tpu.memory_space<hbm>>) dst(%arg13 : memref<80x128xf32, #tpu.memory_space<vmem>>)
    %scan3A_82 = arith.constant 0 : i32
    %scan3A_83 = arith.constant 0 : i32
    %scan3A_84 = arith.constant 20 : i32
    %scan3A_85 = arith.addi %scan3A_83, %scan3A_84 : i32
    %scan3A_86 = arith.constant 1 : i32
    scf.for %scan3A_158 = %scan3A_83 to %scan3A_85 step %scan3A_86  : i32 {
      %mul3A_159 = arith.constant 4 : i32
      %mul3A_160 = arith.muli %scan3A_158, %mul3A_159 : i32
      %add3A_161 = arith.constant 0 : i32
      %add3A_162 = arith.addi %mul3A_160, %add3A_161 : i32
      %get3A = arith.index_cast %add3A_162 : i32 to index
      %get3A_163 = arith.constant 0 : index
      %get3A_164 = tpu.vector_load %arg12[%get3A, %get3A_163] {strides = array<i32>} : memref<80x128xf32, #tpu.memory_space<vmem>>, vector<1x16xf32>,
      %get3A_165 = vector.shape_cast %get3A_164 : vector<1x16xf32> to vector<16xf32>
      %get3A_166 = arith.index_cast %add3A_162 : i32 to index
      %get3A_167 = arith.constant 0 : index
      %get3A_168 = tpu.vector_load %arg13[%get3A_166, %get3A_167] {strides = array<i32>} : memref<80x128xf32, #tpu.memory_space<vmem>>, vector<1x16xf32>,
      %get3A_169 = vector.shape_cast %get3A_168 : vector<1x16xf32> to vector<16xf32>
      %add3A_170 = arith.addf %get3A_165, %get3A_169 : vector<16xf32>
      %swap3A = arith.index_cast %add3A_162 : i32 to index
      %swap3A_171 = arith.constant 0 : index
      %swap3A_172 = tpu.vector_load %arg14[%swap3A, %swap3A_171] {strides = array<i32>} : memref<80x128xf32, #tpu.memory_space<vmem>>, vector<1x16xf32>,
      %swap3A_173 = vector.shape_cast %swap3A_172 : vector<1x16xf32> to vector<16xf32>
      %swap3A_174 = vector.shape_cast %add3A_170 : vector<16xf32> to vector<1x16xf32>
      tpu.vector_store %arg14[%swap3A, %swap3A_171], %swap3A_174 {strides = array<i32>} : memref<80x128xf32, #tpu.memory_space<vmem>>, vector<1x16xf32>,
      %get3A_175 = arith.index_cast %add3A_162 : i32 to index
      %get3A_176 = arith.constant 16 : index
      %get3A_177 = tpu.vector_load %arg12[%get3A_175, %get3A_176] {strides = array<i32>} : memref<80x128xf32, #tpu.memory_space<vmem>>, vector<1x16xf32>,
      %get3A_178 = vector.shape_cast %get3A_177 : vector<1x16xf32> to vector<16xf32>
      %get3A_179 = arith.index_cast %add3A_162 : i32 to index
      %get3A_180 = arith.constant 16 : index
      %get3A_181 = tpu.vector_load %arg13[%get3A_179, %get3A_180] {strides = array<i32>} : memref<80x128xf32, #tpu.memory_space<vmem>>, vector<1x16xf32>,
      %get3A_182 = vector.shape_cast %get3A_181 : vector<1x16xf32> to vector<16xf32>
      %add3A_183 = arith.addf %get3A_178, %get3A_182 : vector<16xf32>
      %swap3A_184 = arith.index_cast %add3A_162 : i32 to index
      %swap3A_185 = arith.constant 16 : index
      %swap3A_186 = tpu.vector_load %arg14[%swap3A_184, %swap3A_185] {strides = array<i32>} : memref<80x128xf32, #tpu.memory_space<vmem>>, vector<1x16xf32>,
      %swap3A_187 = vector.shape_cast %swap3A_186 : vector<1x16xf32> to vector<16xf32>
      %swap3A_188 = vector.shape_cast %add3A_183 : vector<16xf32> to vector<1x16xf32>
      tpu.vector_store %arg14[%swap3A_184, %swap3A_185], %swap3A_188 {strides = array<i32>} : memref<80x128xf32, #tpu.memory_space<vmem>>, vector<1x16xf32>,
      %get3A_189 = arith.index_cast %add3A_162 : i32 to index
      %get3A_190 = arith.constant 32 : index
      %get3A_191 = tpu.vector_load %arg12[%get3A_189, %get3A_190] {strides = array<i32>} : memref<80x128xf32, #tpu.memory_space<vmem>>, vector<1x16xf32>,
      %get3A_192 = vector.shape_cast %get3A_191 : vector<1x16xf32> to vector<16xf32>
      %get3A_193 = arith.index_cast %add3A_162 : i32 to index
      %get3A_194 = arith.constant 32 : index
      %get3A_195 = tpu.vector_load %arg13[%get3A_193, %get3A_194] {strides = array<i32>} : memref<80x128xf32, #tpu.memory_space<vmem>>, vector<1x16xf32>,
      %get3A_196 = vector.shape_cast %get3A_195 : vector<1x16xf32> to vector<16xf32>
      %add3A_197 = arith.addf %get3A_192, %get3A_196 : vector<16xf32>
      %swap3A_198 = arith.index_cast %add3A_162 : i32 to index
      %swap3A_199 = arith.constant 32 : index
      %swap3A_200 = tpu.vector_load %arg14[%swap3A_198, %swap3A_199] {strides = array<i32>} : memref<80x128xf32, #tpu.memory_space<vmem>>, vector<1x16xf32>,
      %swap3A_201 = vector.shape_cast %swap3A_200 : vector<1x16xf32> to vector<16xf32>
      %swap3A_202 = vector.shape_cast %add3A_197 : vector<16xf32> to vector<1x16xf32>
      tpu.vector_store %arg14[%swap3A_198, %swap3A_199], %swap3A_202 {strides = array<i32>} : memref<80x128xf32, #tpu.memory_space<vmem>>, vector<1x16xf32>,
      %get3A_203 = arith.index_cast %add3A_162 : i32 to index
      %get3A_204 = arith.constant 48 : index
      %get3A_205 = tpu.vector_load %arg12[%get3A_203, %get3A_204] {strides = array<i32>} : memref<80x128xf32, #tpu.memory_space<vmem>>, vector<1x16xf32>,
      %get3A_206 = vector.shape_cast %get3A_205 : vector<1x16xf32> to vector<16xf32>
      %get3A_207 = arith.index_cast %add3A_162 : i32 to index
      %get3A_208 = arith.constant 48 : index
      %get3A_209 = tpu.vector_load %arg13[%get3A_207, %get3A_208] {strides = array<i32>} : memref<80x128xf32, #tpu.memory_space<vmem>>, vector<1x16xf32>,
      %get3A_210 = vector.shape_cast %get3A_209 : vector<1x16xf32> to vector<16xf32>
      %add3A_211 = arith.addf %get3A_206, %get3A_210 : vector<16xf32>
      %swap3A_212 = arith.index_cast %add3A_162 : i32 to index
      %swap3A_213 = arith.constant 48 : index
      %swap3A_214 = tpu.vector_load %arg14[%swap3A_212, %swap3A_213] {strides = array<i32>} : memref<80x128xf32, #tpu.memory_space<vmem>>, vector<1x16xf32>,
      %swap3A_215 = vector.shape_cast %swap3A_214 : vector<1x16xf32> to vector<16xf32>
      %swap3A_216 = vector.shape_cast %add3A_211 : vector<16xf32> to vector<1x16xf32>
      tpu.vector_store %arg14[%swap3A_212, %swap3A_213], %swap3A_216 {strides = array<i32>} : memref<80x128xf32, #tpu.memory_space<vmem>>, vector<1x16xf32>,
      %get3A_217 = arith.index_cast %add3A_162 : i32 to index
      %get3A_218 = arith.constant 64 : index
      %get3A_219 = tpu.vector_load %arg12[%get3A_217, %get3A_218] {strides = array<i32>} : memref<80x128xf32, #tpu.memory_space<vmem>>, vector<1x16xf32>,
      %get3A_220 = vector.shape_cast %get3A_219 : vector<1x16xf32> to vector<16xf32>
      %get3A_221 = arith.index_cast %add3A_162 : i32 to index
      %get3A_222 = arith.constant 64 : index
      %get3A_223 = tpu.vector_load %arg13[%get3A_221, %get3A_222] {strides = array<i32>} : memref<80x128xf32, #tpu.memory_space<vmem>>, vector<1x16xf32>,
      %get3A_224 = vector.shape_cast %get3A_223 : vector<1x16xf32> to vector<16xf32>
      %add3A_225 = arith.addf %get3A_220, %get3A_224 : vector<16xf32>
      %swap3A_226 = arith.index_cast %add3A_162 : i32 to index
      %swap3A_227 = arith.constant 64 : index
      %swap3A_228 = tpu.vector_load %arg14[%swap3A_226, %swap3A_227] {strides = array<i32>} : memref<80x128xf32, #tpu.memory_space<vmem>>, vector<1x16xf32>,
      %swap3A_229 = vector.shape_cast %swap3A_228 : vector<1x16xf32> to vector<16xf32>
      %swap3A_230 = vector.shape_cast %add3A_225 : vector<16xf32> to vector<1x16xf32>
      tpu.vector_store %arg14[%swap3A_226, %swap3A_227], %swap3A_230 {strides = array<i32>} : memref<80x128xf32, #tpu.memory_space<vmem>>, vector<1x16xf32>,
      %get3A_231 = arith.index_cast %add3A_162 : i32 to index
      %get3A_232 = arith.constant 80 : index
      %get3A_233 = tpu.vector_load %arg12[%get3A_231, %get3A_232] {strides = array<i32>} : memref<80x128xf32, #tpu.memory_space<vmem>>, vector<1x16xf32>,
      %get3A_234 = vector.shape_cast %get3A_233 : vector<1x16xf32> to vector<16xf32>
      %get3A_235 = arith.index_cast %add3A_162 : i32 to index
      %get3A_236 = arith.constant 80 : index
      %get3A_237 = tpu.vector_load %arg13[%get3A_235, %get3A_236] {strides = array<i32>} : memref<80x128xf32, #tpu.memory_space<vmem>>, vector<1x16xf32>,
      %get3A_238 = vector.shape_cast %get3A_237 : vector<1x16xf32> to vector<16xf32>
      %add3A_239 = arith.addf %get3A_234, %get3A_238 : vector<16xf32>
      %swap3A_240 = arith.index_cast %add3A_162 : i32 to index
      %swap3A_241 = arith.constant 80 : index
      %swap3A_242 = tpu.vector_load %arg14[%swap3A_240, %swap3A_241] {strides = array<i32>} : memref<80x128xf32, #tpu.memory_space<vmem>>, vector<1x16xf32>,
      %swap3A_243 = vector.shape_cast %swap3A_242 : vector<1x16xf32> to vector<16xf32>
      %swap3A_244 = vector.shape_cast %add3A_239 : vector<16xf32> to vector<1x16xf32>
      tpu.vector_store %arg14[%swap3A_240, %swap3A_241], %swap3A_244 {strides = array<i32>} : memref<80x128xf32, #tpu.memory_space<vmem>>, vector<1x16xf32>,
      %get3A_245 = arith.index_cast %add3A_162 : i32 to index
      %get3A_246 = arith.constant 96 : index
      %get3A_247 = tpu.vector_load %arg12[%get3A_245, %get3A_246] {strides = array<i32>} : memref<80x128xf32, #tpu.memory_space<vmem>>, vector<1x16xf32>,
      %get3A_248 = vector.shape_cast %get3A_247 : vector<1x16xf32> to vector<16xf32>
      %get3A_249 = arith.index_cast %add3A_162 : i32 to index
      %get3A_250 = arith.constant 96 : index
      %get3A_251 = tpu.vector_load %arg13[%get3A_249, %get3A_250] {strides = array<i32>} : memref<80x128xf32, #tpu.memory_space<vmem>>, vector<1x16xf32>,
      %get3A_252 = vector.shape_cast %get3A_251 : vector<1x16xf32> to vector<16xf32>
      %add3A_253 = arith.addf %get3A_248, %get3A_252 : vector<16xf32>
      %swap3A_254 = arith.index_cast %add3A_162 : i32 to index
      %swap3A_255 = arith.constant 96 : index
      %swap3A_256 = tpu.vector_load %arg14[%swap3A_254, %swap3A_255] {strides = array<i32>} : memref<80x128xf32, #tpu.memory_space<vmem>>, vector<1x16xf32>,
      %swap3A_257 = vector.shape_cast %swap3A_256 : vector<1x16xf32> to vector<16xf32>
      %swap3A_258 = vector.shape_cast %add3A_253 : vector<16xf32> to vector<1x16xf32>
      tpu.vector_store %arg14[%swap3A_254, %swap3A_255], %swap3A_258 {strides = array<i32>} : memref<80x128xf32, #tpu.memory_space<vmem>>, vector<1x16xf32>,
      %get3A_259 = arith.index_cast %add3A_162 : i32 to index
      %get3A_260 = arith.constant 112 : index
      %get3A_261 = tpu.vector_load %arg12[%get3A_259, %get3A_260] {strides = array<i32>} : memref<80x128xf32, #tpu.memory_space<vmem>>, vector<1x16xf32>,
      %get3A_262 = vector.shape_cast %get3A_261 : vector<1x16xf32> to vector<16xf32>
      %get3A_263 = arith.index_cast %add3A_162 : i32 to index
      %get3A_264 = arith.constant 112 : index
      %get3A_265 = tpu.vector_load %arg13[%get3A_263, %get3A_264] {strides = array<i32>} : memref<80x128xf32, #tpu.memory_space<vmem>>, vector<1x16xf32>,
      %get3A_266 = vector.shape_cast %get3A_265 : vector<1x16xf32> to vector<16xf32>
      %add3A_267 = arith.addf %get3A_262, %get3A_266 : vector<16xf32>
      %swap3A_268 = arith.index_cast %add3A_162 : i32 to index
      %swap3A_269 = arith.constant 112 : index
      %swap3A_270 = tpu.vector_load %arg14[%swap3A_268, %swap3A_269] {strides = array<i32>} : memref<80x128xf32, #tpu.memory_space<vmem>>, vector<1x16xf32>,
      %swap3A_271 = vector.shape_cast %swap3A_270 : vector<1x16xf32> to vector<16xf32>
      %swap3A_272 = vector.shape_cast %add3A_267 : vector<16xf32> to vector<1x16xf32>
      tpu.vector_store %arg14[%swap3A_268, %swap3A_269], %swap3A_272 {strides = array<i32>} : memref<80x128xf32, #tpu.memory_space<vmem>>, vector<1x16xf32>,
      %mul3A_273 = arith.constant 4 : i32
      %mul3A_274 = arith.muli %scan3A_158, %mul3A_273 : i32
      %add3A_275 = arith.constant 1 : i32
      %add3A_276 = arith.addi %mul3A_274, %add3A_275 : i32
      %get3A_277 = arith.index_cast %add3A_276 : i32 to index
      %get3A_278 = arith.constant 0 : index
      %get3A_279 = tpu.vector_load %arg12[%get3A_277, %get3A_278] {strides = array<i32>} : memref<80x128xf32, #tpu.memory_space<vmem>>, vector<1x16xf32>,
      %get3A_280 = vector.shape_cast %get3A_279 : vector<1x16xf32> to vector<16xf32>
      %get3A_281 = arith.index_cast %add3A_276 : i32 to index
      %get3A_282 = arith.constant 0 : index
      %get3A_283 = tpu.vector_load %arg13[%get3A_281, %get3A_282] {strides = array<i32>} : memref<80x128xf32, #tpu.memory_space<vmem>>, vector<1x16xf32>,
      %get3A_284 = vector.shape_cast %get3A_283 : vector<1x16xf32> to vector<16xf32>
      %add3A_285 = arith.addf %get3A_280, %get3A_284 : vector<16xf32>
      %swap3A_286 = arith.index_cast %add3A_276 : i32 to index
      %swap3A_287 = arith.constant 0 : index
      %swap3A_288 = tpu.vector_load %arg14[%swap3A_286, %swap3A_287] {strides = array<i32>} : memref<80x128xf32, #tpu.memory_space<vmem>>, vector<1x16xf32>,
      %swap3A_289 = vector.shape_cast %swap3A_288 : vector<1x16xf32> to vector<16xf32>
      %swap3A_290 = vector.shape_cast %add3A_285 : vector<16xf32> to vector<1x16xf32>
      tpu.vector_store %arg14[%swap3A_286, %swap3A_287], %swap3A_290 {strides = array<i32>} : memref<80x128xf32, #tpu.memory_space<vmem>>, vector<1x16xf32>,
      %get3A_291 = arith.index_cast %add3A_276 : i32 to index
      %get3A_292 = arith.constant 16 : index
      %get3A_293 = tpu.vector_load %arg12[%get3A_291, %get3A_292] {strides = array<i32>} : memref<80x128xf32, #tpu.memory_space<vmem>>, vector<1x16xf32>,
      %get3A_294 = vector.shape_cast %get3A_293 : vector<1x16xf32> to vector<16xf32>
      %get3A_295 = arith.index_cast %add3A_276 : i32 to index
      %get3A_296 = arith.constant 16 : index
      %get3A_297 = tpu.vector_load %arg13[%get3A_295, %get3A_296] {strides = array<i32>} : memref<80x128xf32, #tpu.memory_space<vmem>>, vector<1x16xf32>,
      %get3A_298 = vector.shape_cast %get3A_297 : vector<1x16xf32> to vector<16xf32>
      %add3A_299 = arith.addf %get3A_294, %get3A_298 : vector<16xf32>
      %swap3A_300 = arith.index_cast %add3A_276 : i32 to index
      %swap3A_301 = arith.constant 16 : index
      %swap3A_302 = tpu.vector_load %arg14[%swap3A_300, %swap3A_301] {strides = array<i32>} : memref<80x128xf32, #tpu.memory_space<vmem>>, vector<1x16xf32>,
      %swap3A_303 = vector.shape_cast %swap3A_302 : vector<1x16xf32> to vector<16xf32>
      %swap3A_304 = vector.shape_cast %add3A_299 : vector<16xf32> to vector<1x16xf32>
      tpu.vector_store %arg14[%swap3A_300, %swap3A_301], %swap3A_304 {strides = array<i32>} : memref<80x128xf32, #tpu.memory_space<vmem>>, vector<1x16xf32>,
      %get3A_305 = arith.index_cast %add3A_276 : i32 to index
      %get3A_306 = arith.constant 32 : index
      %get3A_307 = tpu.vector_load %arg12[%get3A_305, %get3A_306] {strides = array<i32>} : memref<80x128xf32, #tpu.memory_space<vmem>>, vector<1x16xf32>,
      %get3A_308 = vector.shape_cast %get3A_307 : vector<1x16xf32> to vector<16xf32>
      %get3A_309 = arith.index_cast %add3A_276 : i32 to index
      %get3A_310 = arith.constant 32 : index
      %get3A_311 = tpu.vector_load %arg13[%get3A_309, %get3A_310] {strides = array<i32>} : memref<80x128xf32, #tpu.memory_space<vmem>>, vector<1x16xf32>,
      %get3A_312 = vector.shape_cast %get3A_311 : vector<1x16xf32> to vector<16xf32>
      %add3A_313 = arith.addf %get3A_308, %get3A_312 : vector<16xf32>
      %swap3A_314 = arith.index_cast %add3A_276 : i32 to index
      %swap3A_315 = arith.constant 32 : index
      %swap3A_316 = tpu.vector_load %arg14[%swap3A_314, %swap3A_315] {strides = array<i32>} : memref<80x128xf32, #tpu.memory_space<vmem>>, vector<1x16xf32>,
      %swap3A_317 = vector.shape_cast %swap3A_316 : vector<1x16xf32> to vector<16xf32>
      %swap3A_318 = vector.shape_cast %add3A_313 : vector<16xf32> to vector<1x16xf32>
      tpu.vector_store %arg14[%swap3A_314, %swap3A_315], %swap3A_318 {strides = array<i32>} : memref<80x128xf32, #tpu.memory_space<vmem>>, vector<1x16xf32>,
      %get3A_319 = arith.index_cast %add3A_276 : i32 to index
      %get3A_320 = arith.constant 48 : index
      %get3A_321 = tpu.vector_load %arg12[%get3A_319, %get3A_320] {strides = array<i32>} : memref<80x128xf32, #tpu.memory_space<vmem>>, vector<1x16xf32>,
      %get3A_322 = vector.shape_cast %get3A_321 : vector<1x16xf32> to vector<16xf32>
      %get3A_323 = arith.index_cast %add3A_276 : i32 to index
      %get3A_324 = arith.constant 48 : index
      %get3A_325 = tpu.vector_load %arg13[%get3A_323, %get3A_324] {strides = array<i32>} : memref<80x128xf32, #tpu.memory_space<vmem>>, vector<1x16xf32>,
      %get3A_326 = vector.shape_cast %get3A_325 : vector<1x16xf32> to vector<16xf32>
      %add3A_327 = arith.addf %get3A_322, %get3A_326 : vector<16xf32>
      %swap3A_328 = arith.index_cast %add3A_276 : i32 to index
      %swap3A_329 = arith.constant 48 : index
      %swap3A_330 = tpu.vector_load %arg14[%swap3A_328, %swap3A_329] {strides = array<i32>} : memref<80x128xf32, #tpu.memory_space<vmem>>, vector<1x16xf32>,
      %swap3A_331 = vector.shape_cast %swap3A_330 : vector<1x16xf32> to vector<16xf32>
      %swap3A_332 = vector.shape_cast %add3A_327 : vector<16xf32> to vector<1x16xf32>
      tpu.vector_store %arg14[%swap3A_328, %swap3A_329], %swap3A_332 {strides = array<i32>} : memref<80x128xf32, #tpu.memory_space<vmem>>, vector<1x16xf32>,
      %get3A_333 = arith.index_cast %add3A_276 : i32 to index
      %get3A_334 = arith.constant 64 : index
      %get3A_335 = tpu.vector_load %arg12[%get3A_333, %get3A_334] {strides = array<i32>} : memref<80x128xf32, #tpu.memory_space<vmem>>, vector<1x16xf32>,
      %get3A_336 = vector.shape_cast %get3A_335 : vector<1x16xf32> to vector<16xf32>
      %get3A_337 = arith.index_cast %add3A_276 : i32 to index
      %get3A_338 = arith.constant 64 : index
      %get3A_339 = tpu.vector_load %arg13[%get3A_337, %get3A_338] {strides = array<i32>} : memref<80x128xf32, #tpu.memory_space<vmem>>, vector<1x16xf32>,
      %get3A_340 = vector.shape_cast %get3A_339 : vector<1x16xf32> to vector<16xf32>
      %add3A_341 = arith.addf %get3A_336, %get3A_340 : vector<16xf32>
      %swap3A_342 = arith.index_cast %add3A_276 : i32 to index
      %swap3A_343 = arith.constant 64 : index
      %swap3A_344 = tpu.vector_load %arg14[%swap3A_342, %swap3A_343] {strides = array<i32>} : memref<80x128xf32, #tpu.memory_space<vmem>>, vector<1x16xf32>,
      %swap3A_345 = vector.shape_cast %swap3A_344 : vector<1x16xf32> to vector<16xf32>
      %swap3A_346 = vector.shape_cast %add3A_341 : vector<16xf32> to vector<1x16xf32>
      tpu.vector_store %arg14[%swap3A_342, %swap3A_343], %swap3A_346 {strides = array<i32>} : memref<80x128xf32, #tpu.memory_space<vmem>>, vector<1x16xf32>,
      %get3A_347 = arith.index_cast %add3A_276 : i32 to index
      %get3A_348 = arith.constant 80 : index
      %get3A_349 = tpu.vector_load %arg12[%get3A_347, %get3A_348] {strides = array<i32>} : memref<80x128xf32, #tpu.memory_space<vmem>>, vector<1x16xf32>,
      %get3A_350 = vector.shape_cast %get3A_349 : vector<1x16xf32> to vector<16xf32>
      %get3A_351 = arith.index_cast %add3A_276 : i32 to index
      %get3A_352 = arith.constant 80 : index
      %get3A_353 = tpu.vector_load %arg13[%get3A_351, %get3A_352] {strides = array<i32>} : memref<80x128xf32, #tpu.memory_space<vmem>>, vector<1x16xf32>,
      %get3A_354 = vector.shape_cast %get3A_353 : vector<1x16xf32> to vector<16xf32>
      %add3A_355 = arith.addf %get3A_350, %get3A_354 : vector<16xf32>
      %swap3A_356 = arith.index_cast %add3A_276 : i32 to index
      %swap3A_357 = arith.constant 80 : index
      %swap3A_358 = tpu.vector_load %arg14[%swap3A_356, %swap3A_357] {strides = array<i32>} : memref<80x128xf32, #tpu.memory_space<vmem>>, vector<1x16xf32>,
      %swap3A_359 = vector.shape_cast %swap3A_358 : vector<1x16xf32> to vector<16xf32>
      %swap3A_360 = vector.shape_cast %add3A_355 : vector<16xf32> to vector<1x16xf32>
      tpu.vector_store %arg14[%swap3A_356, %swap3A_357], %swap3A_360 {strides = array<i32>} : memref<80x128xf32, #tpu.memory_space<vmem>>, vector<1x16xf32>,
      %get3A_361 = arith.index_cast %add3A_276 : i32 to index
      %get3A_362 = arith.constant 96 : index
      %get3A_363 = tpu.vector_load %arg12[%get3A_361, %get3A_362] {strides = array<i32>} : memref<80x128xf32, #tpu.memory_space<vmem>>, vector<1x16xf32>,
      %get3A_364 = vector.shape_cast %get3A_363 : vector<1x16xf32> to vector<16xf32>
      %get3A_365 = arith.index_cast %add3A_276 : i32 to index
      %get3A_366 = arith.constant 96 : index
      %get3A_367 = tpu.vector_load %arg13[%get3A_365, %get3A_366] {strides = array<i32>} : memref<80x128xf32, #tpu.memory_space<vmem>>, vector<1x16xf32>,
      %get3A_368 = vector.shape_cast %get3A_367 : vector<1x16xf32> to vector<16xf32>
      %add3A_369 = arith.addf %get3A_364, %get3A_368 : vector<16xf32>
      %swap3A_370 = arith.index_cast %add3A_276 : i32 to index
      %swap3A_371 = arith.constant 96 : index
      %swap3A_372 = tpu.vector_load %arg14[%swap3A_370, %swap3A_371] {strides = array<i32>} : memref<80x128xf32, #tpu.memory_space<vmem>>, vector<1x16xf32>,
      %swap3A_373 = vector.shape_cast %swap3A_372 : vector<1x16xf32> to vector<16xf32>
      %swap3A_374 = vector.shape_cast %add3A_369 : vector<16xf32> to vector<1x16xf32>
      tpu.vector_store %arg14[%swap3A_370, %swap3A_371], %swap3A_374 {strides = array<i32>} : memref<80x128xf32, #tpu.memory_space<vmem>>, vector<1x16xf32>,
      %get3A_375 = arith.index_cast %add3A_276 : i32 to index
      %get3A_376 = arith.constant 112 : index
      %get3A_377 = tpu.vector_load %arg12[%get3A_375, %get3A_376] {strides = array<i32>} : memref<80x128xf32, #tpu.memory_space<vmem>>, vector<1x16xf32>,
      %get3A_378 = vector.shape_cast %get3A_377 : vector<1x16xf32> to vector<16xf32>
      %get3A_379 = arith.index_cast %add3A_276 : i32 to index
      %get3A_380 = arith.constant 112 : index
      %get3A_381 = tpu.vector_load %arg13[%get3A_379, %get3A_380] {strides = array<i32>} : memref<80x128xf32, #tpu.memory_space<vmem>>, vector<1x16xf32>,
      %get3A_382 = vector.shape_cast %get3A_381 : vector<1x16xf32> to vector<16xf32>
      %add3A_383 = arith.addf %get3A_378, %get3A_382 : vector<16xf32>
      %swap3A_384 = arith.index_cast %add3A_276 : i32 to index
      %swap3A_385 = arith.constant 112 : index
      %swap3A_386 = tpu.vector_load %arg14[%swap3A_384, %swap3A_385] {strides = array<i32>} : memref<80x128xf32, #tpu.memory_space<vmem>>, vector<1x16xf32>,
      %swap3A_387 = vector.shape_cast %swap3A_386 : vector<1x16xf32> to vector<16xf32>
      %swap3A_388 = vector.shape_cast %add3A_383 : vector<16xf32> to vector<1x16xf32>
      tpu.vector_store %arg14[%swap3A_384, %swap3A_385], %swap3A_388 {strides = array<i32>} : memref<80x128xf32, #tpu.memory_space<vmem>>, vector<1x16xf32>,
      %mul3A_389 = arith.constant 4 : i32
      %mul3A_390 = arith.muli %scan3A_158, %mul3A_389 : i32
      %add3A_391 = arith.constant 2 : i32
      %add3A_392 = arith.addi %mul3A_390, %add3A_391 : i32
      %get3A_393 = arith.index_cast %add3A_392 : i32 to index
      %get3A_394 = arith.constant 0 : index
      %get3A_395 = tpu.vector_load %arg12[%get3A_393, %get3A_394] {strides = array<i32>} : memref<80x128xf32, #tpu.memory_space<vmem>>, vector<1x16xf32>,
      %get3A_396 = vector.shape_cast %get3A_395 : vector<1x16xf32> to vector<16xf32>
      %get3A_397 = arith.index_cast %add3A_392 : i32 to index
      %get3A_398 = arith.constant 0 : index
      %get3A_399 = tpu.vector_load %arg13[%get3A_397, %get3A_398] {strides = array<i32>} : memref<80x128xf32, #tpu.memory_space<vmem>>, vector<1x16xf32>,
      %get3A_400 = vector.shape_cast %get3A_399 : vector<1x16xf32> to vector<16xf32>
      %add3A_401 = arith.addf %get3A_396, %get3A_400 : vector<16xf32>
      %swap3A_402 = arith.index_cast %add3A_392 : i32 to index
      %swap3A_403 = arith.constant 0 : index
      %swap3A_404 = tpu.vector_load %arg14[%swap3A_402, %swap3A_403] {strides = array<i32>} : memref<80x128xf32, #tpu.memory_space<vmem>>, vector<1x16xf32>,
      %swap3A_405 = vector.shape_cast %swap3A_404 : vector<1x16xf32> to vector<16xf32>
      %swap3A_406 = vector.shape_cast %add3A_401 : vector<16xf32> to vector<1x16xf32>
      tpu.vector_store %arg14[%swap3A_402, %swap3A_403], %swap3A_406 {strides = array<i32>} : memref<80x128xf32, #tpu.memory_space<vmem>>, vector<1x16xf32>,
      %get3A_407 = arith.index_cast %add3A_392 : i32 to index
      %get3A_408 = arith.constant 16 : index
      %get3A_409 = tpu.vector_load %arg12[%get3A_407, %get3A_408] {strides = array<i32>} : memref<80x128xf32, #tpu.memory_space<vmem>>, vector<1x16xf32>,
      %get3A_410 = vector.shape_cast %get3A_409 : vector<1x16xf32> to vector<16xf32>
      %get3A_411 = arith.index_cast %add3A_392 : i32 to index
      %get3A_412 = arith.constant 16 : index
      %get3A_413 = tpu.vector_load %arg13[%get3A_411, %get3A_412] {strides = array<i32>} : memref<80x128xf32, #tpu.memory_space<vmem>>, vector<1x16xf32>,
      %get3A_414 = vector.shape_cast %get3A_413 : vector<1x16xf32> to vector<16xf32>
      %add3A_415 = arith.addf %get3A_410, %get3A_414 : vector<16xf32>
      %swap3A_416 = arith.index_cast %add3A_392 : i32 to index
      %swap3A_417 = arith.constant 16 : index
      %swap3A_418 = tpu.vector_load %arg14[%swap3A_416, %swap3A_417] {strides = array<i32>} : memref<80x128xf32, #tpu.memory_space<vmem>>, vector<1x16xf32>,
      %swap3A_419 = vector.shape_cast %swap3A_418 : vector<1x16xf32> to vector<16xf32>
      %swap3A_420 = vector.shape_cast %add3A_415 : vector<16xf32> to vector<1x16xf32>
      tpu.vector_store %arg14[%swap3A_416, %swap3A_417], %swap3A_420 {strides = array<i32>} : memref<80x128xf32, #tpu.memory_space<vmem>>, vector<1x16xf32>,
      %get3A_421 = arith.index_cast %add3A_392 : i32 to index
      %get3A_422 = arith.constant 32 : index
      %get3A_423 = tpu.vector_load %arg12[%get3A_421, %get3A_422] {strides = array<i32>} : memref<80x128xf32, #tpu.memory_space<vmem>>, vector<1x16xf32>,
      %get3A_424 = vector.shape_cast %get3A_423 : vector<1x16xf32> to vector<16xf32>
      %get3A_425 = arith.index_cast %add3A_392 : i32 to index
      %get3A_426 = arith.constant 32 : index
      %get3A_427 = tpu.vector_load %arg13[%get3A_425, %get3A_426] {strides = array<i32>} : memref<80x128xf32, #tpu.memory_space<vmem>>, vector<1x16xf32>,
      %get3A_428 = vector.shape_cast %get3A_427 : vector<1x16xf32> to vector<16xf32>
      %add3A_429 = arith.addf %get3A_424, %get3A_428 : vector<16xf32>
      %swap3A_430 = arith.index_cast %add3A_392 : i32 to index
      %swap3A_431 = arith.constant 32 : index
      %swap3A_432 = tpu.vector_load %arg14[%swap3A_430, %swap3A_431] {strides = array<i32>} : memref<80x128xf32, #tpu.memory_space<vmem>>, vector<1x16xf32>,
      %swap3A_433 = vector.shape_cast %swap3A_432 : vector<1x16xf32> to vector<16xf32>
      %swap3A_434 = vector.shape_cast %add3A_429 : vector<16xf32> to vector<1x16xf32>
      tpu.vector_store %arg14[%swap3A_430, %swap3A_431], %swap3A_434 {strides = array<i32>} : memref<80x128xf32, #tpu.memory_space<vmem>>, vector<1x16xf32>,
      %get3A_435 = arith.index_cast %add3A_392 : i32 to index
      %get3A_436 = arith.constant 48 : index
      %get3A_437 = tpu.vector_load %arg12[%get3A_435, %get3A_436] {strides = array<i32>} : memref<80x128xf32, #tpu.memory_space<vmem>>, vector<1x16xf32>,
      %get3A_438 = vector.shape_cast %get3A_437 : vector<1x16xf32> to vector<16xf32>
      %get3A_439 = arith.index_cast %add3A_392 : i32 to index
      %get3A_440 = arith.constant 48 : index
      %get3A_441 = tpu.vector_load %arg13[%get3A_439, %get3A_440] {strides = array<i32>} : memref<80x128xf32, #tpu.memory_space<vmem>>, vector<1x16xf32>,
      %get3A_442 = vector.shape_cast %get3A_441 : vector<1x16xf32> to vector<16xf32>
      %add3A_443 = arith.addf %get3A_438, %get3A_442 : vector<16xf32>
      %swap3A_444 = arith.index_cast %add3A_392 : i32 to index
      %swap3A_445 = arith.constant 48 : index
      %swap3A_446 = tpu.vector_load %arg14[%swap3A_444, %swap3A_445] {strides = array<i32>} : memref<80x128xf32, #tpu.memory_space<vmem>>, vector<1x16xf32>,
      %swap3A_447 = vector.shape_cast %swap3A_446 : vector<1x16xf32> to vector<16xf32>
      %swap3A_448 = vector.shape_cast %add3A_443 : vector<16xf32> to vector<1x16xf32>
      tpu.vector_store %arg14[%swap3A_444, %swap3A_445], %swap3A_448 {strides = array<i32>} : memref<80x128xf32, #tpu.memory_space<vmem>>, vector<1x16xf32>,
      %get3A_449 = arith.index_cast %add3A_392 : i32 to index
      %get3A_450 = arith.constant 64 : index
      %get3A_451 = tpu.vector_load %arg12[%get3A_449, %get3A_450] {strides = array<i32>} : memref<80x128xf32, #tpu.memory_space<vmem>>, vector<1x16xf32>,
      %get3A_452 = vector.shape_cast %get3A_451 : vector<1x16xf32> to vector<16xf32>
      %get3A_453 = arith.index_cast %add3A_392 : i32 to index
      %get3A_454 = arith.constant 64 : index
      %get3A_455 = tpu.vector_load %arg13[%get3A_453, %get3A_454] {strides = array<i32>} : memref<80x128xf32, #tpu.memory_space<vmem>>, vector<1x16xf32>,
      %get3A_456 = vector.shape_cast %get3A_455 : vector<1x16xf32> to vector<16xf32>
      %add3A_457 = arith.addf %get3A_452, %get3A_456 : vector<16xf32>
      %swap3A_458 = arith.index_cast %add3A_392 : i32 to index
      %swap3A_459 = arith.constant 64 : index
      %swap3A_460 = tpu.vector_load %arg14[%swap3A_458, %swap3A_459] {strides = array<i32>} : memref<80x128xf32, #tpu.memory_space<vmem>>, vector<1x16xf32>,
      %swap3A_461 = vector.shape_cast %swap3A_460 : vector<1x16xf32> to vector<16xf32>
      %swap3A_462 = vector.shape_cast %add3A_457 : vector<16xf32> to vector<1x16xf32>
      tpu.vector_store %arg14[%swap3A_458, %swap3A_459], %swap3A_462 {strides = array<i32>} : memref<80x128xf32, #tpu.memory_space<vmem>>, vector<1x16xf32>,
      %get3A_463 = arith.index_cast %add3A_392 : i32 to index
      %get3A_464 = arith.constant 80 : index
      %get3A_465 = tpu.vector_load %arg12[%get3A_463, %get3A_464] {strides = array<i32>} : memref<80x128xf32, #tpu.memory_space<vmem>>, vector<1x16xf32>,
      %get3A_466 = vector.shape_cast %get3A_465 : vector<1x16xf32> to vector<16xf32>
      %get3A_467 = arith.index_cast %add3A_392 : i32 to index
      %get3A_468 = arith.constant 80 : index
      %get3A_469 = tpu.vector_load %arg13[%get3A_467, %get3A_468] {strides = array<i32>} : memref<80x128xf32, #tpu.memory_space<vmem>>, vector<1x16xf32>,
      %get3A_470 = vector.shape_cast %get3A_469 : vector<1x16xf32> to vector<16xf32>
      %add3A_471 = arith.addf %get3A_466, %get3A_470 : vector<16xf32>
      %swap3A_472 = arith.index_cast %add3A_392 : i32 to index
      %swap3A_473 = arith.constant 80 : index
      %swap3A_474 = tpu.vector_load %arg14[%swap3A_472, %swap3A_473] {strides = array<i32>} : memref<80x128xf32, #tpu.memory_space<vmem>>, vector<1x16xf32>,
      %swap3A_475 = vector.shape_cast %swap3A_474 : vector<1x16xf32> to vector<16xf32>
      %swap3A_476 = vector.shape_cast %add3A_471 : vector<16xf32> to vector<1x16xf32>
      tpu.vector_store %arg14[%swap3A_472, %swap3A_473], %swap3A_476 {strides = array<i32>} : memref<80x128xf32, #tpu.memory_space<vmem>>, vector<1x16xf32>,
      %get3A_477 = arith.index_cast %add3A_392 : i32 to index
      %get3A_478 = arith.constant 96 : index
      %get3A_479 = tpu.vector_load %arg12[%get3A_477, %get3A_478] {strides = array<i32>} : memref<80x128xf32, #tpu.memory_space<vmem>>, vector<1x16xf32>,
      %get3A_480 = vector.shape_cast %get3A_479 : vector<1x16xf32> to vector<16xf32>
      %get3A_481 = arith.index_cast %add3A_392 : i32 to index
      %get3A_482 = arith.constant 96 : index
      %get3A_483 = tpu.vector_load %arg13[%get3A_481, %get3A_482] {strides = array<i32>} : memref<80x128xf32, #tpu.memory_space<vmem>>, vector<1x16xf32>,
      %get3A_484 = vector.shape_cast %get3A_483 : vector<1x16xf32> to vector<16xf32>
      %add3A_485 = arith.addf %get3A_480, %get3A_484 : vector<16xf32>
      %swap3A_486 = arith.index_cast %add3A_392 : i32 to index
      %swap3A_487 = arith.constant 96 : index
      %swap3A_488 = tpu.vector_load %arg14[%swap3A_486, %swap3A_487] {strides = array<i32>} : memref<80x128xf32, #tpu.memory_space<vmem>>, vector<1x16xf32>,
      %swap3A_489 = vector.shape_cast %swap3A_488 : vector<1x16xf32> to vector<16xf32>
      %swap3A_490 = vector.shape_cast %add3A_485 : vector<16xf32> to vector<1x16xf32>
      tpu.vector_store %arg14[%swap3A_486, %swap3A_487], %swap3A_490 {strides = array<i32>} : memref<80x128xf32, #tpu.memory_space<vmem>>, vector<1x16xf32>,
      %get3A_491 = arith.index_cast %add3A_392 : i32 to index
      %get3A_492 = arith.constant 112 : index
      %get3A_493 = tpu.vector_load %arg12[%get3A_491, %get3A_492] {strides = array<i32>} : memref<80x128xf32, #tpu.memory_space<vmem>>, vector<1x16xf32>,
      %get3A_494 = vector.shape_cast %get3A_493 : vector<1x16xf32> to vector<16xf32>
      %get3A_495 = arith.index_cast %add3A_392 : i32 to index
      %get3A_496 = arith.constant 112 : index
      %get3A_497 = tpu.vector_load %arg13[%get3A_495, %get3A_496] {strides = array<i32>} : memref<80x128xf32, #tpu.memory_space<vmem>>, vector<1x16xf32>,
      %get3A_498 = vector.shape_cast %get3A_497 : vector<1x16xf32> to vector<16xf32>
      %add3A_499 = arith.addf %get3A_494, %get3A_498 : vector<16xf32>
      %swap3A_500 = arith.index_cast %add3A_392 : i32 to index
      %swap3A_501 = arith.constant 112 : index
      %swap3A_502 = tpu.vector_load %arg14[%swap3A_500, %swap3A_501] {strides = array<i32>} : memref<80x128xf32, #tpu.memory_space<vmem>>, vector<1x16xf32>,
      %swap3A_503 = vector.shape_cast %swap3A_502 : vector<1x16xf32> to vector<16xf32>
      %swap3A_504 = vector.shape_cast %add3A_499 : vector<16xf32> to vector<1x16xf32>
      tpu.vector_store %arg14[%swap3A_500, %swap3A_501], %swap3A_504 {strides = array<i32>} : memref<80x128xf32, #tpu.memory_space<vmem>>, vector<1x16xf32>,
      %mul3A_505 = arith.constant 4 : i32
      %mul3A_506 = arith.muli %scan3A_158, %mul3A_505 : i32
      %add3A_507 = arith.constant 3 : i32
      %add3A_508 = arith.addi %mul3A_506, %add3A_507 : i32
      %get3A_509 = arith.index_cast %add3A_508 : i32 to index
      %get3A_510 = arith.constant 0 : index
      %get3A_511 = tpu.vector_load %arg12[%get3A_509, %get3A_510] {strides = array<i32>} : memref<80x128xf32, #tpu.memory_space<vmem>>, vector<1x16xf32>,
      %get3A_512 = vector.shape_cast %get3A_511 : vector<1x16xf32> to vector<16xf32>
      %get3A_513 = arith.index_cast %add3A_508 : i32 to index
      %get3A_514 = arith.constant 0 : index
      %get3A_515 = tpu.vector_load %arg13[%get3A_513, %get3A_514] {strides = array<i32>} : memref<80x128xf32, #tpu.memory_space<vmem>>, vector<1x16xf32>,
      %get3A_516 = vector.shape_cast %get3A_515 : vector<1x16xf32> to vector<16xf32>
      %add3A_517 = arith.addf %get3A_512, %get3A_516 : vector<16xf32>
      %swap3A_518 = arith.index_cast %add3A_508 : i32 to index
      %swap3A_519 = arith.constant 0 : index
      %swap3A_520 = tpu.vector_load %arg14[%swap3A_518, %swap3A_519] {strides = array<i32>} : memref<80x128xf32, #tpu.memory_space<vmem>>, vector<1x16xf32>,
      %swap3A_521 = vector.shape_cast %swap3A_520 : vector<1x16xf32> to vector<16xf32>
      %swap3A_522 = vector.shape_cast %add3A_517 : vector<16xf32> to vector<1x16xf32>
      tpu.vector_store %arg14[%swap3A_518, %swap3A_519], %swap3A_522 {strides = array<i32>} : memref<80x128xf32, #tpu.memory_space<vmem>>, vector<1x16xf32>,
      %get3A_523 = arith.index_cast %add3A_508 : i32 to index
      %get3A_524 = arith.constant 16 : index
      %get3A_525 = tpu.vector_load %arg12[%get3A_523, %get3A_524] {strides = array<i32>} : memref<80x128xf32, #tpu.memory_space<vmem>>, vector<1x16xf32>,
      %get3A_526 = vector.shape_cast %get3A_525 : vector<1x16xf32> to vector<16xf32>
      %get3A_527 = arith.index_cast %add3A_508 : i32 to index
      %get3A_528 = arith.constant 16 : index
      %get3A_529 = tpu.vector_load %arg13[%get3A_527, %get3A_528] {strides = array<i32>} : memref<80x128xf32, #tpu.memory_space<vmem>>, vector<1x16xf32>,
      %get3A_530 = vector.shape_cast %get3A_529 : vector<1x16xf32> to vector<16xf32>
      %add3A_531 = arith.addf %get3A_526, %get3A_530 : vector<16xf32>
      %swap3A_532 = arith.index_cast %add3A_508 : i32 to index
      %swap3A_533 = arith.constant 16 : index
      %swap3A_534 = tpu.vector_load %arg14[%swap3A_532, %swap3A_533] {strides = array<i32>} : memref<80x128xf32, #tpu.memory_space<vmem>>, vector<1x16xf32>,
      %swap3A_535 = vector.shape_cast %swap3A_534 : vector<1x16xf32> to vector<16xf32>
      %swap3A_536 = vector.shape_cast %add3A_531 : vector<16xf32> to vector<1x16xf32>
      tpu.vector_store %arg14[%swap3A_532, %swap3A_533], %swap3A_536 {strides = array<i32>} : memref<80x128xf32, #tpu.memory_space<vmem>>, vector<1x16xf32>,
      %get3A_537 = arith.index_cast %add3A_508 : i32 to index
      %get3A_538 = arith.constant 32 : index
      %get3A_539 = tpu.vector_load %arg12[%get3A_537, %get3A_538] {strides = array<i32>} : memref<80x128xf32, #tpu.memory_space<vmem>>, vector<1x16xf32>,
      %get3A_540 = vector.shape_cast %get3A_539 : vector<1x16xf32> to vector<16xf32>
      %get3A_541 = arith.index_cast %add3A_508 : i32 to index
      %get3A_542 = arith.constant 32 : index
      %get3A_543 = tpu.vector_load %arg13[%get3A_541, %get3A_542] {strides = array<i32>} : memref<80x128xf32, #tpu.memory_space<vmem>>, vector<1x16xf32>,
      %get3A_544 = vector.shape_cast %get3A_543 : vector<1x16xf32> to vector<16xf32>
      %add3A_545 = arith.addf %get3A_540, %get3A_544 : vector<16xf32>
      %swap3A_546 = arith.index_cast %add3A_508 : i32 to index
      %swap3A_547 = arith.constant 32 : index
      %swap3A_548 = tpu.vector_load %arg14[%swap3A_546, %swap3A_547] {strides = array<i32>} : memref<80x128xf32, #tpu.memory_space<vmem>>, vector<1x16xf32>,
      %swap3A_549 = vector.shape_cast %swap3A_548 : vector<1x16xf32> to vector<16xf32>
      %swap3A_550 = vector.shape_cast %add3A_545 : vector<16xf32> to vector<1x16xf32>
      tpu.vector_store %arg14[%swap3A_546, %swap3A_547], %swap3A_550 {strides = array<i32>} : memref<80x128xf32, #tpu.memory_space<vmem>>, vector<1x16xf32>,
      %get3A_551 = arith.index_cast %add3A_508 : i32 to index
      %get3A_552 = arith.constant 48 : index
      %get3A_553 = tpu.vector_load %arg12[%get3A_551, %get3A_552] {strides = array<i32>} : memref<80x128xf32, #tpu.memory_space<vmem>>, vector<1x16xf32>,
      %get3A_554 = vector.shape_cast %get3A_553 : vector<1x16xf32> to vector<16xf32>
      %get3A_555 = arith.index_cast %add3A_508 : i32 to index
      %get3A_556 = arith.constant 48 : index
      %get3A_557 = tpu.vector_load %arg13[%get3A_555, %get3A_556] {strides = array<i32>} : memref<80x128xf32, #tpu.memory_space<vmem>>, vector<1x16xf32>,
      %get3A_558 = vector.shape_cast %get3A_557 : vector<1x16xf32> to vector<16xf32>
      %add3A_559 = arith.addf %get3A_554, %get3A_558 : vector<16xf32>
      %swap3A_560 = arith.index_cast %add3A_508 : i32 to index
      %swap3A_561 = arith.constant 48 : index
      %swap3A_562 = tpu.vector_load %arg14[%swap3A_560, %swap3A_561] {strides = array<i32>} : memref<80x128xf32, #tpu.memory_space<vmem>>, vector<1x16xf32>,
      %swap3A_563 = vector.shape_cast %swap3A_562 : vector<1x16xf32> to vector<16xf32>
      %swap3A_564 = vector.shape_cast %add3A_559 : vector<16xf32> to vector<1x16xf32>
      tpu.vector_store %arg14[%swap3A_560, %swap3A_561], %swap3A_564 {strides = array<i32>} : memref<80x128xf32, #tpu.memory_space<vmem>>, vector<1x16xf32>,
      %get3A_565 = arith.index_cast %add3A_508 : i32 to index
      %get3A_566 = arith.constant 64 : index
      %get3A_567 = tpu.vector_load %arg12[%get3A_565, %get3A_566] {strides = array<i32>} : memref<80x128xf32, #tpu.memory_space<vmem>>, vector<1x16xf32>,
      %get3A_568 = vector.shape_cast %get3A_567 : vector<1x16xf32> to vector<16xf32>
      %get3A_569 = arith.index_cast %add3A_508 : i32 to index
      %get3A_570 = arith.constant 64 : index
      %get3A_571 = tpu.vector_load %arg13[%get3A_569, %get3A_570] {strides = array<i32>} : memref<80x128xf32, #tpu.memory_space<vmem>>, vector<1x16xf32>,
      %get3A_572 = vector.shape_cast %get3A_571 : vector<1x16xf32> to vector<16xf32>
      %add3A_573 = arith.addf %get3A_568, %get3A_572 : vector<16xf32>
      %swap3A_574 = arith.index_cast %add3A_508 : i32 to index
      %swap3A_575 = arith.constant 64 : index
      %swap3A_576 = tpu.vector_load %arg14[%swap3A_574, %swap3A_575] {strides = array<i32>} : memref<80x128xf32, #tpu.memory_space<vmem>>, vector<1x16xf32>,
      %swap3A_577 = vector.shape_cast %swap3A_576 : vector<1x16xf32> to vector<16xf32>
      %swap3A_578 = vector.shape_cast %add3A_573 : vector<16xf32> to vector<1x16xf32>
      tpu.vector_store %arg14[%swap3A_574, %swap3A_575], %swap3A_578 {strides = array<i32>} : memref<80x128xf32, #tpu.memory_space<vmem>>, vector<1x16xf32>,
      %get3A_579 = arith.index_cast %add3A_508 : i32 to index
      %get3A_580 = arith.constant 80 : index
      %get3A_581 = tpu.vector_load %arg12[%get3A_579, %get3A_580] {strides = array<i32>} : memref<80x128xf32, #tpu.memory_space<vmem>>, vector<1x16xf32>,
      %get3A_582 = vector.shape_cast %get3A_581 : vector<1x16xf32> to vector<16xf32>
      %get3A_583 = arith.index_cast %add3A_508 : i32 to index
      %get3A_584 = arith.constant 80 : index
      %get3A_585 = tpu.vector_load %arg13[%get3A_583, %get3A_584] {strides = array<i32>} : memref<80x128xf32, #tpu.memory_space<vmem>>, vector<1x16xf32>,
      %get3A_586 = vector.shape_cast %get3A_585 : vector<1x16xf32> to vector<16xf32>
      %add3A_587 = arith.addf %get3A_582, %get3A_586 : vector<16xf32>
      %swap3A_588 = arith.index_cast %add3A_508 : i32 to index
      %swap3A_589 = arith.constant 80 : index
      %swap3A_590 = tpu.vector_load %arg14[%swap3A_588, %swap3A_589] {strides = array<i32>} : memref<80x128xf32, #tpu.memory_space<vmem>>, vector<1x16xf32>,
      %swap3A_591 = vector.shape_cast %swap3A_590 : vector<1x16xf32> to vector<16xf32>
      %swap3A_592 = vector.shape_cast %add3A_587 : vector<16xf32> to vector<1x16xf32>
      tpu.vector_store %arg14[%swap3A_588, %swap3A_589], %swap3A_592 {strides = array<i32>} : memref<80x128xf32, #tpu.memory_space<vmem>>, vector<1x16xf32>,
      %get3A_593 = arith.index_cast %add3A_508 : i32 to index
      %get3A_594 = arith.constant 96 : index
      %get3A_595 = tpu.vector_load %arg12[%get3A_593, %get3A_594] {strides = array<i32>} : memref<80x128xf32, #tpu.memory_space<vmem>>, vector<1x16xf32>,
      %get3A_596 = vector.shape_cast %get3A_595 : vector<1x16xf32> to vector<16xf32>
      %get3A_597 = arith.index_cast %add3A_508 : i32 to index
      %get3A_598 = arith.constant 96 : index
      %get3A_599 = tpu.vector_load %arg13[%get3A_597, %get3A_598] {strides = array<i32>} : memref<80x128xf32, #tpu.memory_space<vmem>>, vector<1x16xf32>,
      %get3A_600 = vector.shape_cast %get3A_599 : vector<1x16xf32> to vector<16xf32>
      %add3A_601 = arith.addf %get3A_596, %get3A_600 : vector<16xf32>
      %swap3A_602 = arith.index_cast %add3A_508 : i32 to index
      %swap3A_603 = arith.constant 96 : index
      %swap3A_604 = tpu.vector_load %arg14[%swap3A_602, %swap3A_603] {strides = array<i32>} : memref<80x128xf32, #tpu.memory_space<vmem>>, vector<1x16xf32>,
      %swap3A_605 = vector.shape_cast %swap3A_604 : vector<1x16xf32> to vector<16xf32>
      %swap3A_606 = vector.shape_cast %add3A_601 : vector<16xf32> to vector<1x16xf32>
      tpu.vector_store %arg14[%swap3A_602, %swap3A_603], %swap3A_606 {strides = array<i32>} : memref<80x128xf32, #tpu.memory_space<vmem>>, vector<1x16xf32>,
      %get3A_607 = arith.index_cast %add3A_508 : i32 to index
      %get3A_608 = arith.constant 112 : index
      %get3A_609 = tpu.vector_load %arg12[%get3A_607, %get3A_608] {strides = array<i32>} : memref<80x128xf32, #tpu.memory_space<vmem>>, vector<1x16xf32>,
      %get3A_610 = vector.shape_cast %get3A_609 : vector<1x16xf32> to vector<16xf32>
      %get3A_611 = arith.index_cast %add3A_508 : i32 to index
      %get3A_612 = arith.constant 112 : index
      %get3A_613 = tpu.vector_load %arg13[%get3A_611, %get3A_612] {strides = array<i32>} : memref<80x128xf32, #tpu.memory_space<vmem>>, vector<1x16xf32>,
      %get3A_614 = vector.shape_cast %get3A_613 : vector<1x16xf32> to vector<16xf32>
      %add3A_615 = arith.addf %get3A_610, %get3A_614 : vector<16xf32>
      %swap3A_616 = arith.index_cast %add3A_508 : i32 to index
      %swap3A_617 = arith.constant 112 : index
      %swap3A_618 = tpu.vector_load %arg14[%swap3A_616, %swap3A_617] {strides = array<i32>} : memref<80x128xf32, #tpu.memory_space<vmem>>, vector<1x16xf32>,
      %swap3A_619 = vector.shape_cast %swap3A_618 : vector<1x16xf32> to vector<16xf32>
      %swap3A_620 = vector.shape_cast %add3A_615 : vector<16xf32> to vector<1x16xf32>
      tpu.vector_store %arg14[%swap3A_616, %swap3A_617], %swap3A_620 {strides = array<i32>} : memref<80x128xf32, #tpu.memory_space<vmem>>, vector<1x16xf32>,
    }
    %scan3A_87 = arith.constant 20 : i32
    %add3A_88 = arith.constant 80 : i32
    %add3A_89 = arith.addi %mul3A_2, %add3A_88 : i32
    %dma_start3A_90 = arith.constant 0 : i32
    %dma_start3A_91 = tpu.memref_slice %arg6[%add3A_89, %dma_start3A_90] : memref<320000x128xf32, #tpu.memory_space<hbm>> -> memref<80x128xf32, #tpu.memory_space<hbm>>
    %dma_start3A_92 = arith.constant 0 : i32
    %dma_start3A_93 = tpu.memref_slice %arg6[%add3A_89, %dma_start3A_92] : memref<320000x128xf32, #tpu.memory_space<hbm>> -> memref<80x128xf32, #tpu.memory_space<hbm>>
    tpu.enqueue_dma source(%arg14 : memref<80x128xf32, #tpu.memory_space<vmem>>) target(%dma_start3A_93 : memref<80x128xf32, #tpu.memory_space<hbm>>) target_semaphore(%arg20 : memref<!tpu.dma_semaphore, #tpu.memory_space<semaphore_mem>>)
    %dma_start3A_94 = arith.constant 3 : i32
    %dma_start3A_95 = arith.constant 0 : i32
    %dma_start3A_96 = tpu.memref_slice %arg7[%dma_start3A_94, %dma_start3A_95] : memref<125x80xi32, #tpu.memory_space<vmem>> -> memref<1x80xi32, #tpu.memory_space<vmem>>
    %dma_start3A_97 = tpu.memref_squeeze %dma_start3A_96 : memref<1x80xi32, #tpu.memory_space<vmem>> -> memref<80xi32, #tpu.memory_space<vmem>>
    %dma_start3A_98 = arith.constant 0 : i32
    %dma_start3A_99 = arith.constant 0 : i32
    %dma_start3A_100 = tpu.memref_slice %arg2[%dma_start3A_98, %dma_start3A_99] : memref<10000x128xf32, #tpu.memory_space<hbm>> -> memref<10000x128xf32, #tpu.memory_space<hbm>>
    tpu.enqueue_indirect_dma source(%dma_start3A_100 : memref<10000x128xf32, #tpu.memory_space<hbm>>) target(%arg12 : memref<80x128xf32, #tpu.memory_space<vmem>>) offsets(%dma_start3A_97 : memref<80xi32, #tpu.memory_space<vmem>>) semaphore(%arg18 : memref<!tpu.dma_semaphore, #tpu.memory_space<semaphore_mem>>)
    %dma_start3A_101 = arith.constant 3 : i32
    %dma_start3A_102 = arith.constant 0 : i32
    %dma_start3A_103 = tpu.memref_slice %arg8[%dma_start3A_101, %dma_start3A_102] : memref<125x80xi32, #tpu.memory_space<vmem>> -> memref<1x80xi32, #tpu.memory_space<vmem>>
    %dma_start3A_104 = tpu.memref_squeeze %dma_start3A_103 : memref<1x80xi32, #tpu.memory_space<vmem>> -> memref<80xi32, #tpu.memory_space<vmem>>
    %dma_start3A_105 = arith.constant 0 : i32
    %dma_start3A_106 = arith.constant 0 : i32
    %dma_start3A_107 = tpu.memref_slice %arg3[%dma_start3A_105, %dma_start3A_106] : memref<10000x128xf32, #tpu.memory_space<hbm>> -> memref<10000x128xf32, #tpu.memory_space<hbm>>
    tpu.enqueue_indirect_dma source(%dma_start3A_107 : memref<10000x128xf32, #tpu.memory_space<hbm>>) target(%arg13 : memref<80x128xf32, #tpu.memory_space<vmem>>) offsets(%dma_start3A_104 : memref<80xi32, #tpu.memory_space<vmem>>) semaphore(%arg19 : memref<!tpu.dma_semaphore, #tpu.memory_space<semaphore_mem>>)
    %scan3A_108 = arith.constant 0 : i32
    %scan3A_109 = arith.constant 0 : i32
    %scan3A_110 = arith.constant 61 : i32
    %scan3A_111 = arith.addi %scan3A_109, %scan3A_110 : i32
    %scan3A_112 = arith.constant 1 : i32
    scf.for %scan3A_158 = %scan3A_109 to %scan3A_111 step %scan3A_112  : i32 {
      %mul3A_159 = arith.constant 2 : i32
      %mul3A_160 = arith.muli %mul3A_159, %scan3A_158 : i32
      %add3A_161 = arith.constant 2 : i32
      %add3A_162 = arith.addi %mul3A_160, %add3A_161 : i32
      %dma_wait3A_163 = arith.constant 0 : i32
      %dma_wait3A_164 = tpu.memref_slice %arg7[%add3A_162, %dma_wait3A_163] : memref<125x80xi32, #tpu.memory_space<vmem>> -> memref<1x80xi32, #tpu.memory_space<vmem>>
      %dma_wait3A_165 = tpu.memref_squeeze %dma_wait3A_164 : memref<1x80xi32, #tpu.memory_space<vmem>> -> memref<80xi32, #tpu.memory_space<vmem>>
      %dma_wait3A_166 = arith.constant 0 : i32
      %dma_wait3A_167 = arith.constant 0 : i32
      %dma_wait3A_168 = tpu.memref_slice %arg2[%dma_wait3A_166, %dma_wait3A_167] : memref<10000x128xf32, #tpu.memory_space<hbm>> -> memref<10000x128xf32, #tpu.memory_space<hbm>>
      tpu.wait_indirect_dma semaphore(%arg15 : memref<!tpu.dma_semaphore, #tpu.memory_space<semaphore_mem>>) src(%dma_wait3A_168 : memref<10000x128xf32, #tpu.memory_space<hbm>>) dst(%arg9 : memref<80x128xf32, #tpu.memory_space<vmem>>)
      %dma_wait3A_169 = arith.constant 0 : i32
      %dma_wait3A_170 = tpu.memref_slice %arg8[%add3A_162, %dma_wait3A_169] : memref<125x80xi32, #tpu.memory_space<vmem>> -> memref<1x80xi32, #tpu.memory_space<vmem>>
      %dma_wait3A_171 = tpu.memref_squeeze %dma_wait3A_170 : memref<1x80xi32, #tpu.memory_space<vmem>> -> memref<80xi32, #tpu.memory_space<vmem>>
      %dma_wait3A_172 = arith.constant 0 : i32
      %dma_wait3A_173 = arith.constant 0 : i32
      %dma_wait3A_174 = tpu.memref_slice %arg3[%dma_wait3A_172, %dma_wait3A_173] : memref<10000x128xf32, #tpu.memory_space<hbm>> -> memref<10000x128xf32, #tpu.memory_space<hbm>>
      tpu.wait_indirect_dma semaphore(%arg16 : memref<!tpu.dma_semaphore, #tpu.memory_space<semaphore_mem>>) src(%dma_wait3A_174 : memref<10000x128xf32, #tpu.memory_space<hbm>>) dst(%arg10 : memref<80x128xf32, #tpu.memory_space<vmem>>)
      %sub3A = arith.constant 2 : i32
      %sub3A_175 = arith.subi %add3A_162, %sub3A : i32
      %mul3A_176 = arith.constant 80 : i32
      %mul3A_177 = arith.muli %sub3A_175, %mul3A_176 : i32
      %add3A_178 = arith.addi %mul3A_2, %mul3A_177 : i32
      %dma_wait3A_179 = arith.constant 0 : i32
      %dma_wait3A_180 = tpu.memref_slice %arg6[%add3A_178, %dma_wait3A_179] : memref<320000x128xf32, #tpu.memory_space<hbm>> -> memref<80x128xf32, #tpu.memory_space<hbm>>
      %dma_wait3A_181 = arith.constant 0 : i32
      %dma_wait3A_182 = tpu.memref_slice %arg6[%add3A_178, %dma_wait3A_181] : memref<320000x128xf32, #tpu.memory_space<hbm>> -> memref<80x128xf32, #tpu.memory_space<hbm>>
      tpu.wait_dma2 semaphore(%arg17 : memref<!tpu.dma_semaphore, #tpu.memory_space<semaphore_mem>>) src(%arg11 : memref<80x128xf32, #tpu.memory_space<vmem>>) dst(%dma_wait3A_182 : memref<80x128xf32, #tpu.memory_space<hbm>>)
      %scan3A_183 = arith.constant 0 : i32
      %scan3A_184 = arith.constant 0 : i32
      %scan3A_185 = arith.constant 20 : i32
      %scan3A_186 = arith.addi %scan3A_184, %scan3A_185 : i32
      %scan3A_187 = arith.constant 1 : i32
      scf.for %scan3A_243 = %scan3A_184 to %scan3A_186 step %scan3A_187  : i32 {
        %mul3A_244 = arith.constant 4 : i32
        %mul3A_245 = arith.muli %scan3A_243, %mul3A_244 : i32
        %add3A_246 = arith.constant 0 : i32
        %add3A_247 = arith.addi %mul3A_245, %add3A_246 : i32
        %get3A = arith.index_cast %add3A_247 : i32 to index
        %get3A_248 = arith.constant 0 : index
        %get3A_249 = tpu.vector_load %arg9[%get3A, %get3A_248] {strides = array<i32>} : memref<80x128xf32, #tpu.memory_space<vmem>>, vector<1x16xf32>,
        %get3A_250 = vector.shape_cast %get3A_249 : vector<1x16xf32> to vector<16xf32>
        %get3A_251 = arith.index_cast %add3A_247 : i32 to index
        %get3A_252 = arith.constant 0 : index
        %get3A_253 = tpu.vector_load %arg10[%get3A_251, %get3A_252] {strides = array<i32>} : memref<80x128xf32, #tpu.memory_space<vmem>>, vector<1x16xf32>,
        %get3A_254 = vector.shape_cast %get3A_253 : vector<1x16xf32> to vector<16xf32>
        %add3A_255 = arith.addf %get3A_250, %get3A_254 : vector<16xf32>
        %swap3A = arith.index_cast %add3A_247 : i32 to index
        %swap3A_256 = arith.constant 0 : index
        %swap3A_257 = tpu.vector_load %arg11[%swap3A, %swap3A_256] {strides = array<i32>} : memref<80x128xf32, #tpu.memory_space<vmem>>, vector<1x16xf32>,
        %swap3A_258 = vector.shape_cast %swap3A_257 : vector<1x16xf32> to vector<16xf32>
        %swap3A_259 = vector.shape_cast %add3A_255 : vector<16xf32> to vector<1x16xf32>
        tpu.vector_store %arg11[%swap3A, %swap3A_256], %swap3A_259 {strides = array<i32>} : memref<80x128xf32, #tpu.memory_space<vmem>>, vector<1x16xf32>,
        %get3A_260 = arith.index_cast %add3A_247 : i32 to index
        %get3A_261 = arith.constant 16 : index
        %get3A_262 = tpu.vector_load %arg9[%get3A_260, %get3A_261] {strides = array<i32>} : memref<80x128xf32, #tpu.memory_space<vmem>>, vector<1x16xf32>,
        %get3A_263 = vector.shape_cast %get3A_262 : vector<1x16xf32> to vector<16xf32>
        %get3A_264 = arith.index_cast %add3A_247 : i32 to index
        %get3A_265 = arith.constant 16 : index
        %get3A_266 = tpu.vector_load %arg10[%get3A_264, %get3A_265] {strides = array<i32>} : memref<80x128xf32, #tpu.memory_space<vmem>>, vector<1x16xf32>,
        %get3A_267 = vector.shape_cast %get3A_266 : vector<1x16xf32> to vector<16xf32>
        %add3A_268 = arith.addf %get3A_263, %get3A_267 : vector<16xf32>
        %swap3A_269 = arith.index_cast %add3A_247 : i32 to index
        %swap3A_270 = arith.constant 16 : index
        %swap3A_271 = tpu.vector_load %arg11[%swap3A_269, %swap3A_270] {strides = array<i32>} : memref<80x128xf32, #tpu.memory_space<vmem>>, vector<1x16xf32>,
        %swap3A_272 = vector.shape_cast %swap3A_271 : vector<1x16xf32> to vector<16xf32>
        %swap3A_273 = vector.shape_cast %add3A_268 : vector<16xf32> to vector<1x16xf32>
        tpu.vector_store %arg11[%swap3A_269, %swap3A_270], %swap3A_273 {strides = array<i32>} : memref<80x128xf32, #tpu.memory_space<vmem>>, vector<1x16xf32>,
        %get3A_274 = arith.index_cast %add3A_247 : i32 to index
        %get3A_275 = arith.constant 32 : index
        %get3A_276 = tpu.vector_load %arg9[%get3A_274, %get3A_275] {strides = array<i32>} : memref<80x128xf32, #tpu.memory_space<vmem>>, vector<1x16xf32>,
        %get3A_277 = vector.shape_cast %get3A_276 : vector<1x16xf32> to vector<16xf32>
        %get3A_278 = arith.index_cast %add3A_247 : i32 to index
        %get3A_279 = arith.constant 32 : index
        %get3A_280 = tpu.vector_load %arg10[%get3A_278, %get3A_279] {strides = array<i32>} : memref<80x128xf32, #tpu.memory_space<vmem>>, vector<1x16xf32>,
        %get3A_281 = vector.shape_cast %get3A_280 : vector<1x16xf32> to vector<16xf32>
        %add3A_282 = arith.addf %get3A_277, %get3A_281 : vector<16xf32>
        %swap3A_283 = arith.index_cast %add3A_247 : i32 to index
        %swap3A_284 = arith.constant 32 : index
        %swap3A_285 = tpu.vector_load %arg11[%swap3A_283, %swap3A_284] {strides = array<i32>} : memref<80x128xf32, #tpu.memory_space<vmem>>, vector<1x16xf32>,
        %swap3A_286 = vector.shape_cast %swap3A_285 : vector<1x16xf32> to vector<16xf32>
        %swap3A_287 = vector.shape_cast %add3A_282 : vector<16xf32> to vector<1x16xf32>
        tpu.vector_store %arg11[%swap3A_283, %swap3A_284], %swap3A_287 {strides = array<i32>} : memref<80x128xf32, #tpu.memory_space<vmem>>, vector<1x16xf32>,
        %get3A_288 = arith.index_cast %add3A_247 : i32 to index
        %get3A_289 = arith.constant 48 : index
        %get3A_290 = tpu.vector_load %arg9[%get3A_288, %get3A_289] {strides = array<i32>} : memref<80x128xf32, #tpu.memory_space<vmem>>, vector<1x16xf32>,
        %get3A_291 = vector.shape_cast %get3A_290 : vector<1x16xf32> to vector<16xf32>
        %get3A_292 = arith.index_cast %add3A_247 : i32 to index
        %get3A_293 = arith.constant 48 : index
        %get3A_294 = tpu.vector_load %arg10[%get3A_292, %get3A_293] {strides = array<i32>} : memref<80x128xf32, #tpu.memory_space<vmem>>, vector<1x16xf32>,
        %get3A_295 = vector.shape_cast %get3A_294 : vector<1x16xf32> to vector<16xf32>
        %add3A_296 = arith.addf %get3A_291, %get3A_295 : vector<16xf32>
        %swap3A_297 = arith.index_cast %add3A_247 : i32 to index
        %swap3A_298 = arith.constant 48 : index
        %swap3A_299 = tpu.vector_load %arg11[%swap3A_297, %swap3A_298] {strides = array<i32>} : memref<80x128xf32, #tpu.memory_space<vmem>>, vector<1x16xf32>,
        %swap3A_300 = vector.shape_cast %swap3A_299 : vector<1x16xf32> to vector<16xf32>
        %swap3A_301 = vector.shape_cast %add3A_296 : vector<16xf32> to vector<1x16xf32>
        tpu.vector_store %arg11[%swap3A_297, %swap3A_298], %swap3A_301 {strides = array<i32>} : memref<80x128xf32, #tpu.memory_space<vmem>>, vector<1x16xf32>,
        %get3A_302 = arith.index_cast %add3A_247 : i32 to index
        %get3A_303 = arith.constant 64 : index
        %get3A_304 = tpu.vector_load %arg9[%get3A_302, %get3A_303] {strides = array<i32>} : memref<80x128xf32, #tpu.memory_space<vmem>>, vector<1x16xf32>,
        %get3A_305 = vector.shape_cast %get3A_304 : vector<1x16xf32> to vector<16xf32>
        %get3A_306 = arith.index_cast %add3A_247 : i32 to index
        %get3A_307 = arith.constant 64 : index
        %get3A_308 = tpu.vector_load %arg10[%get3A_306, %get3A_307] {strides = array<i32>} : memref<80x128xf32, #tpu.memory_space<vmem>>, vector<1x16xf32>,
        %get3A_309 = vector.shape_cast %get3A_308 : vector<1x16xf32> to vector<16xf32>
        %add3A_310 = arith.addf %get3A_305, %get3A_309 : vector<16xf32>
        %swap3A_311 = arith.index_cast %add3A_247 : i32 to index
        %swap3A_312 = arith.constant 64 : index
        %swap3A_313 = tpu.vector_load %arg11[%swap3A_311, %swap3A_312] {strides = array<i32>} : memref<80x128xf32, #tpu.memory_space<vmem>>, vector<1x16xf32>,
        %swap3A_314 = vector.shape_cast %swap3A_313 : vector<1x16xf32> to vector<16xf32>
        %swap3A_315 = vector.shape_cast %add3A_310 : vector<16xf32> to vector<1x16xf32>
        tpu.vector_store %arg11[%swap3A_311, %swap3A_312], %swap3A_315 {strides = array<i32>} : memref<80x128xf32, #tpu.memory_space<vmem>>, vector<1x16xf32>,
        %get3A_316 = arith.index_cast %add3A_247 : i32 to index
        %get3A_317 = arith.constant 80 : index
        %get3A_318 = tpu.vector_load %arg9[%get3A_316, %get3A_317] {strides = array<i32>} : memref<80x128xf32, #tpu.memory_space<vmem>>, vector<1x16xf32>,
        %get3A_319 = vector.shape_cast %get3A_318 : vector<1x16xf32> to vector<16xf32>
        %get3A_320 = arith.index_cast %add3A_247 : i32 to index
        %get3A_321 = arith.constant 80 : index
        %get3A_322 = tpu.vector_load %arg10[%get3A_320, %get3A_321] {strides = array<i32>} : memref<80x128xf32, #tpu.memory_space<vmem>>, vector<1x16xf32>,
        %get3A_323 = vector.shape_cast %get3A_322 : vector<1x16xf32> to vector<16xf32>
        %add3A_324 = arith.addf %get3A_319, %get3A_323 : vector<16xf32>
        %swap3A_325 = arith.index_cast %add3A_247 : i32 to index
        %swap3A_326 = arith.constant 80 : index
        %swap3A_327 = tpu.vector_load %arg11[%swap3A_325, %swap3A_326] {strides = array<i32>} : memref<80x128xf32, #tpu.memory_space<vmem>>, vector<1x16xf32>,
        %swap3A_328 = vector.shape_cast %swap3A_327 : vector<1x16xf32> to vector<16xf32>
        %swap3A_329 = vector.shape_cast %add3A_324 : vector<16xf32> to vector<1x16xf32>
        tpu.vector_store %arg11[%swap3A_325, %swap3A_326], %swap3A_329 {strides = array<i32>} : memref<80x128xf32, #tpu.memory_space<vmem>>, vector<1x16xf32>,
        %get3A_330 = arith.index_cast %add3A_247 : i32 to index
        %get3A_331 = arith.constant 96 : index
        %get3A_332 = tpu.vector_load %arg9[%get3A_330, %get3A_331] {strides = array<i32>} : memref<80x128xf32, #tpu.memory_space<vmem>>, vector<1x16xf32>,
        %get3A_333 = vector.shape_cast %get3A_332 : vector<1x16xf32> to vector<16xf32>
        %get3A_334 = arith.index_cast %add3A_247 : i32 to index
        %get3A_335 = arith.constant 96 : index
        %get3A_336 = tpu.vector_load %arg10[%get3A_334, %get3A_335] {strides = array<i32>} : memref<80x128xf32, #tpu.memory_space<vmem>>, vector<1x16xf32>,
        %get3A_337 = vector.shape_cast %get3A_336 : vector<1x16xf32> to vector<16xf32>
        %add3A_338 = arith.addf %get3A_333, %get3A_337 : vector<16xf32>
        %swap3A_339 = arith.index_cast %add3A_247 : i32 to index
        %swap3A_340 = arith.constant 96 : index
        %swap3A_341 = tpu.vector_load %arg11[%swap3A_339, %swap3A_340] {strides = array<i32>} : memref<80x128xf32, #tpu.memory_space<vmem>>, vector<1x16xf32>,
        %swap3A_342 = vector.shape_cast %swap3A_341 : vector<1x16xf32> to vector<16xf32>
        %swap3A_343 = vector.shape_cast %add3A_338 : vector<16xf32> to vector<1x16xf32>
        tpu.vector_store %arg11[%swap3A_339, %swap3A_340], %swap3A_343 {strides = array<i32>} : memref<80x128xf32, #tpu.memory_space<vmem>>, vector<1x16xf32>,
        %get3A_344 = arith.index_cast %add3A_247 : i32 to index
        %get3A_345 = arith.constant 112 : index
        %get3A_346 = tpu.vector_load %arg9[%get3A_344, %get3A_345] {strides = array<i32>} : memref<80x128xf32, #tpu.memory_space<vmem>>, vector<1x16xf32>,
        %get3A_347 = vector.shape_cast %get3A_346 : vector<1x16xf32> to vector<16xf32>
        %get3A_348 = arith.index_cast %add3A_247 : i32 to index
        %get3A_349 = arith.constant 112 : index
        %get3A_350 = tpu.vector_load %arg10[%get3A_348, %get3A_349] {strides = array<i32>} : memref<80x128xf32, #tpu.memory_space<vmem>>, vector<1x16xf32>,
        %get3A_351 = vector.shape_cast %get3A_350 : vector<1x16xf32> to vector<16xf32>
        %add3A_352 = arith.addf %get3A_347, %get3A_351 : vector<16xf32>
        %swap3A_353 = arith.index_cast %add3A_247 : i32 to index
        %swap3A_354 = arith.constant 112 : index
        %swap3A_355 = tpu.vector_load %arg11[%swap3A_353, %swap3A_354] {strides = array<i32>} : memref<80x128xf32, #tpu.memory_space<vmem>>, vector<1x16xf32>,
        %swap3A_356 = vector.shape_cast %swap3A_355 : vector<1x16xf32> to vector<16xf32>
        %swap3A_357 = vector.shape_cast %add3A_352 : vector<16xf32> to vector<1x16xf32>
        tpu.vector_store %arg11[%swap3A_353, %swap3A_354], %swap3A_357 {strides = array<i32>} : memref<80x128xf32, #tpu.memory_space<vmem>>, vector<1x16xf32>,
        %mul3A_358 = arith.constant 4 : i32
        %mul3A_359 = arith.muli %scan3A_243, %mul3A_358 : i32
        %add3A_360 = arith.constant 1 : i32
        %add3A_361 = arith.addi %mul3A_359, %add3A_360 : i32
        %get3A_362 = arith.index_cast %add3A_361 : i32 to index
        %get3A_363 = arith.constant 0 : index
        %get3A_364 = tpu.vector_load %arg9[%get3A_362, %get3A_363] {strides = array<i32>} : memref<80x128xf32, #tpu.memory_space<vmem>>, vector<1x16xf32>,
        %get3A_365 = vector.shape_cast %get3A_364 : vector<1x16xf32> to vector<16xf32>
        %get3A_366 = arith.index_cast %add3A_361 : i32 to index
        %get3A_367 = arith.constant 0 : index
        %get3A_368 = tpu.vector_load %arg10[%get3A_366, %get3A_367] {strides = array<i32>} : memref<80x128xf32, #tpu.memory_space<vmem>>, vector<1x16xf32>,
        %get3A_369 = vector.shape_cast %get3A_368 : vector<1x16xf32> to vector<16xf32>
        %add3A_370 = arith.addf %get3A_365, %get3A_369 : vector<16xf32>
        %swap3A_371 = arith.index_cast %add3A_361 : i32 to index
        %swap3A_372 = arith.constant 0 : index
        %swap3A_373 = tpu.vector_load %arg11[%swap3A_371, %swap3A_372] {strides = array<i32>} : memref<80x128xf32, #tpu.memory_space<vmem>>, vector<1x16xf32>,
        %swap3A_374 = vector.shape_cast %swap3A_373 : vector<1x16xf32> to vector<16xf32>
        %swap3A_375 = vector.shape_cast %add3A_370 : vector<16xf32> to vector<1x16xf32>
        tpu.vector_store %arg11[%swap3A_371, %swap3A_372], %swap3A_375 {strides = array<i32>} : memref<80x128xf32, #tpu.memory_space<vmem>>, vector<1x16xf32>,
        %get3A_376 = arith.index_cast %add3A_361 : i32 to index
        %get3A_377 = arith.constant 16 : index
        %get3A_378 = tpu.vector_load %arg9[%get3A_376, %get3A_377] {strides = array<i32>} : memref<80x128xf32, #tpu.memory_space<vmem>>, vector<1x16xf32>,
        %get3A_379 = vector.shape_cast %get3A_378 : vector<1x16xf32> to vector<16xf32>
        %get3A_380 = arith.index_cast %add3A_361 : i32 to index
        %get3A_381 = arith.constant 16 : index
        %get3A_382 = tpu.vector_load %arg10[%get3A_380, %get3A_381] {strides = array<i32>} : memref<80x128xf32, #tpu.memory_space<vmem>>, vector<1x16xf32>,
        %get3A_383 = vector.shape_cast %get3A_382 : vector<1x16xf32> to vector<16xf32>
        %add3A_384 = arith.addf %get3A_379, %get3A_383 : vector<16xf32>
        %swap3A_385 = arith.index_cast %add3A_361 : i32 to index
        %swap3A_386 = arith.constant 16 : index
        %swap3A_387 = tpu.vector_load %arg11[%swap3A_385, %swap3A_386] {strides = array<i32>} : memref<80x128xf32, #tpu.memory_space<vmem>>, vector<1x16xf32>,
        %swap3A_388 = vector.shape_cast %swap3A_387 : vector<1x16xf32> to vector<16xf32>
        %swap3A_389 = vector.shape_cast %add3A_384 : vector<16xf32> to vector<1x16xf32>
        tpu.vector_store %arg11[%swap3A_385, %swap3A_386], %swap3A_389 {strides = array<i32>} : memref<80x128xf32, #tpu.memory_space<vmem>>, vector<1x16xf32>,
        %get3A_390 = arith.index_cast %add3A_361 : i32 to index
        %get3A_391 = arith.constant 32 : index
        %get3A_392 = tpu.vector_load %arg9[%get3A_390, %get3A_391] {strides = array<i32>} : memref<80x128xf32, #tpu.memory_space<vmem>>, vector<1x16xf32>,
        %get3A_393 = vector.shape_cast %get3A_392 : vector<1x16xf32> to vector<16xf32>
        %get3A_394 = arith.index_cast %add3A_361 : i32 to index
        %get3A_395 = arith.constant 32 : index
        %get3A_396 = tpu.vector_load %arg10[%get3A_394, %get3A_395] {strides = array<i32>} : memref<80x128xf32, #tpu.memory_space<vmem>>, vector<1x16xf32>,
        %get3A_397 = vector.shape_cast %get3A_396 : vector<1x16xf32> to vector<16xf32>
        %add3A_398 = arith.addf %get3A_393, %get3A_397 : vector<16xf32>
        %swap3A_399 = arith.index_cast %add3A_361 : i32 to index
        %swap3A_400 = arith.constant 32 : index
        %swap3A_401 = tpu.vector_load %arg11[%swap3A_399, %swap3A_400] {strides = array<i32>} : memref<80x128xf32, #tpu.memory_space<vmem>>, vector<1x16xf32>,
        %swap3A_402 = vector.shape_cast %swap3A_401 : vector<1x16xf32> to vector<16xf32>
        %swap3A_403 = vector.shape_cast %add3A_398 : vector<16xf32> to vector<1x16xf32>
        tpu.vector_store %arg11[%swap3A_399, %swap3A_400], %swap3A_403 {strides = array<i32>} : memref<80x128xf32, #tpu.memory_space<vmem>>, vector<1x16xf32>,
        %get3A_404 = arith.index_cast %add3A_361 : i32 to index
        %get3A_405 = arith.constant 48 : index
        %get3A_406 = tpu.vector_load %arg9[%get3A_404, %get3A_405] {strides = array<i32>} : memref<80x128xf32, #tpu.memory_space<vmem>>, vector<1x16xf32>,
        %get3A_407 = vector.shape_cast %get3A_406 : vector<1x16xf32> to vector<16xf32>
        %get3A_408 = arith.index_cast %add3A_361 : i32 to index
        %get3A_409 = arith.constant 48 : index
        %get3A_410 = tpu.vector_load %arg10[%get3A_408, %get3A_409] {strides = array<i32>} : memref<80x128xf32, #tpu.memory_space<vmem>>, vector<1x16xf32>,
        %get3A_411 = vector.shape_cast %get3A_410 : vector<1x16xf32> to vector<16xf32>
        %add3A_412 = arith.addf %get3A_407, %get3A_411 : vector<16xf32>
        %swap3A_413 = arith.index_cast %add3A_361 : i32 to index
        %swap3A_414 = arith.constant 48 : index
        %swap3A_415 = tpu.vector_load %arg11[%swap3A_413, %swap3A_414] {strides = array<i32>} : memref<80x128xf32, #tpu.memory_space<vmem>>, vector<1x16xf32>,
        %swap3A_416 = vector.shape_cast %swap3A_415 : vector<1x16xf32> to vector<16xf32>
        %swap3A_417 = vector.shape_cast %add3A_412 : vector<16xf32> to vector<1x16xf32>
        tpu.vector_store %arg11[%swap3A_413, %swap3A_414], %swap3A_417 {strides = array<i32>} : memref<80x128xf32, #tpu.memory_space<vmem>>, vector<1x16xf32>,
        %get3A_418 = arith.index_cast %add3A_361 : i32 to index
        %get3A_419 = arith.constant 64 : index
        %get3A_420 = tpu.vector_load %arg9[%get3A_418, %get3A_419] {strides = array<i32>} : memref<80x128xf32, #tpu.memory_space<vmem>>, vector<1x16xf32>,
        %get3A_421 = vector.shape_cast %get3A_420 : vector<1x16xf32> to vector<16xf32>
        %get3A_422 = arith.index_cast %add3A_361 : i32 to index
        %get3A_423 = arith.constant 64 : index
        %get3A_424 = tpu.vector_load %arg10[%get3A_422, %get3A_423] {strides = array<i32>} : memref<80x128xf32, #tpu.memory_space<vmem>>, vector<1x16xf32>,
        %get3A_425 = vector.shape_cast %get3A_424 : vector<1x16xf32> to vector<16xf32>
        %add3A_426 = arith.addf %get3A_421, %get3A_425 : vector<16xf32>
        %swap3A_427 = arith.index_cast %add3A_361 : i32 to index
        %swap3A_428 = arith.constant 64 : index
        %swap3A_429 = tpu.vector_load %arg11[%swap3A_427, %swap3A_428] {strides = array<i32>} : memref<80x128xf32, #tpu.memory_space<vmem>>, vector<1x16xf32>,
        %swap3A_430 = vector.shape_cast %swap3A_429 : vector<1x16xf32> to vector<16xf32>
        %swap3A_431 = vector.shape_cast %add3A_426 : vector<16xf32> to vector<1x16xf32>
        tpu.vector_store %arg11[%swap3A_427, %swap3A_428], %swap3A_431 {strides = array<i32>} : memref<80x128xf32, #tpu.memory_space<vmem>>, vector<1x16xf32>,
        %get3A_432 = arith.index_cast %add3A_361 : i32 to index
        %get3A_433 = arith.constant 80 : index
        %get3A_434 = tpu.vector_load %arg9[%get3A_432, %get3A_433] {strides = array<i32>} : memref<80x128xf32, #tpu.memory_space<vmem>>, vector<1x16xf32>,
        %get3A_435 = vector.shape_cast %get3A_434 : vector<1x16xf32> to vector<16xf32>
        %get3A_436 = arith.index_cast %add3A_361 : i32 to index
        %get3A_437 = arith.constant 80 : index
        %get3A_438 = tpu.vector_load %arg10[%get3A_436, %get3A_437] {strides = array<i32>} : memref<80x128xf32, #tpu.memory_space<vmem>>, vector<1x16xf32>,
        %get3A_439 = vector.shape_cast %get3A_438 : vector<1x16xf32> to vector<16xf32>
        %add3A_440 = arith.addf %get3A_435, %get3A_439 : vector<16xf32>
        %swap3A_441 = arith.index_cast %add3A_361 : i32 to index
        %swap3A_442 = arith.constant 80 : index
        %swap3A_443 = tpu.vector_load %arg11[%swap3A_441, %swap3A_442] {strides = array<i32>} : memref<80x128xf32, #tpu.memory_space<vmem>>, vector<1x16xf32>,
        %swap3A_444 = vector.shape_cast %swap3A_443 : vector<1x16xf32> to vector<16xf32>
        %swap3A_445 = vector.shape_cast %add3A_440 : vector<16xf32> to vector<1x16xf32>
        tpu.vector_store %arg11[%swap3A_441, %swap3A_442], %swap3A_445 {strides = array<i32>} : memref<80x128xf32, #tpu.memory_space<vmem>>, vector<1x16xf32>,
        %get3A_446 = arith.index_cast %add3A_361 : i32 to index
        %get3A_447 = arith.constant 96 : index
        %get3A_448 = tpu.vector_load %arg9[%get3A_446, %get3A_447] {strides = array<i32>} : memref<80x128xf32, #tpu.memory_space<vmem>>, vector<1x16xf32>,
        %get3A_449 = vector.shape_cast %get3A_448 : vector<1x16xf32> to vector<16xf32>
        %get3A_450 = arith.index_cast %add3A_361 : i32 to index
        %get3A_451 = arith.constant 96 : index
        %get3A_452 = tpu.vector_load %arg10[%get3A_450, %get3A_451] {strides = array<i32>} : memref<80x128xf32, #tpu.memory_space<vmem>>, vector<1x16xf32>,
        %get3A_453 = vector.shape_cast %get3A_452 : vector<1x16xf32> to vector<16xf32>
        %add3A_454 = arith.addf %get3A_449, %get3A_453 : vector<16xf32>
        %swap3A_455 = arith.index_cast %add3A_361 : i32 to index
        %swap3A_456 = arith.constant 96 : index
        %swap3A_457 = tpu.vector_load %arg11[%swap3A_455, %swap3A_456] {strides = array<i32>} : memref<80x128xf32, #tpu.memory_space<vmem>>, vector<1x16xf32>,
        %swap3A_458 = vector.shape_cast %swap3A_457 : vector<1x16xf32> to vector<16xf32>
        %swap3A_459 = vector.shape_cast %add3A_454 : vector<16xf32> to vector<1x16xf32>
        tpu.vector_store %arg11[%swap3A_455, %swap3A_456], %swap3A_459 {strides = array<i32>} : memref<80x128xf32, #tpu.memory_space<vmem>>, vector<1x16xf32>,
        %get3A_460 = arith.index_cast %add3A_361 : i32 to index
        %get3A_461 = arith.constant 112 : index
        %get3A_462 = tpu.vector_load %arg9[%get3A_460, %get3A_461] {strides = array<i32>} : memref<80x128xf32, #tpu.memory_space<vmem>>, vector<1x16xf32>,
        %get3A_463 = vector.shape_cast %get3A_462 : vector<1x16xf32> to vector<16xf32>
        %get3A_464 = arith.index_cast %add3A_361 : i32 to index
        %get3A_465 = arith.constant 112 : index
        %get3A_466 = tpu.vector_load %arg10[%get3A_464, %get3A_465] {strides = array<i32>} : memref<80x128xf32, #tpu.memory_space<vmem>>, vector<1x16xf32>,
        %get3A_467 = vector.shape_cast %get3A_466 : vector<1x16xf32> to vector<16xf32>
        %add3A_468 = arith.addf %get3A_463, %get3A_467 : vector<16xf32>
        %swap3A_469 = arith.index_cast %add3A_361 : i32 to index
        %swap3A_470 = arith.constant 112 : index
        %swap3A_471 = tpu.vector_load %arg11[%swap3A_469, %swap3A_470] {strides = array<i32>} : memref<80x128xf32, #tpu.memory_space<vmem>>, vector<1x16xf32>,
        %swap3A_472 = vector.shape_cast %swap3A_471 : vector<1x16xf32> to vector<16xf32>
        %swap3A_473 = vector.shape_cast %add3A_468 : vector<16xf32> to vector<1x16xf32>
        tpu.vector_store %arg11[%swap3A_469, %swap3A_470], %swap3A_473 {strides = array<i32>} : memref<80x128xf32, #tpu.memory_space<vmem>>, vector<1x16xf32>,
        %mul3A_474 = arith.constant 4 : i32
        %mul3A_475 = arith.muli %scan3A_243, %mul3A_474 : i32
        %add3A_476 = arith.constant 2 : i32
        %add3A_477 = arith.addi %mul3A_475, %add3A_476 : i32
        %get3A_478 = arith.index_cast %add3A_477 : i32 to index
        %get3A_479 = arith.constant 0 : index
        %get3A_480 = tpu.vector_load %arg9[%get3A_478, %get3A_479] {strides = array<i32>} : memref<80x128xf32, #tpu.memory_space<vmem>>, vector<1x16xf32>,
        %get3A_481 = vector.shape_cast %get3A_480 : vector<1x16xf32> to vector<16xf32>
        %get3A_482 = arith.index_cast %add3A_477 : i32 to index
        %get3A_483 = arith.constant 0 : index
        %get3A_484 = tpu.vector_load %arg10[%get3A_482, %get3A_483] {strides = array<i32>} : memref<80x128xf32, #tpu.memory_space<vmem>>, vector<1x16xf32>,
        %get3A_485 = vector.shape_cast %get3A_484 : vector<1x16xf32> to vector<16xf32>
        %add3A_486 = arith.addf %get3A_481, %get3A_485 : vector<16xf32>
        %swap3A_487 = arith.index_cast %add3A_477 : i32 to index
        %swap3A_488 = arith.constant 0 : index
        %swap3A_489 = tpu.vector_load %arg11[%swap3A_487, %swap3A_488] {strides = array<i32>} : memref<80x128xf32, #tpu.memory_space<vmem>>, vector<1x16xf32>,
        %swap3A_490 = vector.shape_cast %swap3A_489 : vector<1x16xf32> to vector<16xf32>
        %swap3A_491 = vector.shape_cast %add3A_486 : vector<16xf32> to vector<1x16xf32>
        tpu.vector_store %arg11[%swap3A_487, %swap3A_488], %swap3A_491 {strides = array<i32>} : memref<80x128xf32, #tpu.memory_space<vmem>>, vector<1x16xf32>,
        %get3A_492 = arith.index_cast %add3A_477 : i32 to index
        %get3A_493 = arith.constant 16 : index
        %get3A_494 = tpu.vector_load %arg9[%get3A_492, %get3A_493] {strides = array<i32>} : memref<80x128xf32, #tpu.memory_space<vmem>>, vector<1x16xf32>,
        %get3A_495 = vector.shape_cast %get3A_494 : vector<1x16xf32> to vector<16xf32>
        %get3A_496 = arith.index_cast %add3A_477 : i32 to index
        %get3A_497 = arith.constant 16 : index
        %get3A_498 = tpu.vector_load %arg10[%get3A_496, %get3A_497] {strides = array<i32>} : memref<80x128xf32, #tpu.memory_space<vmem>>, vector<1x16xf32>,
        %get3A_499 = vector.shape_cast %get3A_498 : vector<1x16xf32> to vector<16xf32>
        %add3A_500 = arith.addf %get3A_495, %get3A_499 : vector<16xf32>
        %swap3A_501 = arith.index_cast %add3A_477 : i32 to index
        %swap3A_502 = arith.constant 16 : index
        %swap3A_503 = tpu.vector_load %arg11[%swap3A_501, %swap3A_502] {strides = array<i32>} : memref<80x128xf32, #tpu.memory_space<vmem>>, vector<1x16xf32>,
        %swap3A_504 = vector.shape_cast %swap3A_503 : vector<1x16xf32> to vector<16xf32>
        %swap3A_505 = vector.shape_cast %add3A_500 : vector<16xf32> to vector<1x16xf32>
        tpu.vector_store %arg11[%swap3A_501, %swap3A_502], %swap3A_505 {strides = array<i32>} : memref<80x128xf32, #tpu.memory_space<vmem>>, vector<1x16xf32>,
        %get3A_506 = arith.index_cast %add3A_477 : i32 to index
        %get3A_507 = arith.constant 32 : index
        %get3A_508 = tpu.vector_load %arg9[%get3A_506, %get3A_507] {strides = array<i32>} : memref<80x128xf32, #tpu.memory_space<vmem>>, vector<1x16xf32>,
        %get3A_509 = vector.shape_cast %get3A_508 : vector<1x16xf32> to vector<16xf32>
        %get3A_510 = arith.index_cast %add3A_477 : i32 to index
        %get3A_511 = arith.constant 32 : index
        %get3A_512 = tpu.vector_load %arg10[%get3A_510, %get3A_511] {strides = array<i32>} : memref<80x128xf32, #tpu.memory_space<vmem>>, vector<1x16xf32>,
        %get3A_513 = vector.shape_cast %get3A_512 : vector<1x16xf32> to vector<16xf32>
        %add3A_514 = arith.addf %get3A_509, %get3A_513 : vector<16xf32>
        %swap3A_515 = arith.index_cast %add3A_477 : i32 to index
        %swap3A_516 = arith.constant 32 : index
        %swap3A_517 = tpu.vector_load %arg11[%swap3A_515, %swap3A_516] {strides = array<i32>} : memref<80x128xf32, #tpu.memory_space<vmem>>, vector<1x16xf32>,
        %swap3A_518 = vector.shape_cast %swap3A_517 : vector<1x16xf32> to vector<16xf32>
        %swap3A_519 = vector.shape_cast %add3A_514 : vector<16xf32> to vector<1x16xf32>
        tpu.vector_store %arg11[%swap3A_515, %swap3A_516], %swap3A_519 {strides = array<i32>} : memref<80x128xf32, #tpu.memory_space<vmem>>, vector<1x16xf32>,
        %get3A_520 = arith.index_cast %add3A_477 : i32 to index
        %get3A_521 = arith.constant 48 : index
        %get3A_522 = tpu.vector_load %arg9[%get3A_520, %get3A_521] {strides = array<i32>} : memref<80x128xf32, #tpu.memory_space<vmem>>, vector<1x16xf32>,
        %get3A_523 = vector.shape_cast %get3A_522 : vector<1x16xf32> to vector<16xf32>
        %get3A_524 = arith.index_cast %add3A_477 : i32 to index
        %get3A_525 = arith.constant 48 : index
        %get3A_526 = tpu.vector_load %arg10[%get3A_524, %get3A_525] {strides = array<i32>} : memref<80x128xf32, #tpu.memory_space<vmem>>, vector<1x16xf32>,
        %get3A_527 = vector.shape_cast %get3A_526 : vector<1x16xf32> to vector<16xf32>
        %add3A_528 = arith.addf %get3A_523, %get3A_527 : vector<16xf32>
        %swap3A_529 = arith.index_cast %add3A_477 : i32 to index
        %swap3A_530 = arith.constant 48 : index
        %swap3A_531 = tpu.vector_load %arg11[%swap3A_529, %swap3A_530] {strides = array<i32>} : memref<80x128xf32, #tpu.memory_space<vmem>>, vector<1x16xf32>,
        %swap3A_532 = vector.shape_cast %swap3A_531 : vector<1x16xf32> to vector<16xf32>
        %swap3A_533 = vector.shape_cast %add3A_528 : vector<16xf32> to vector<1x16xf32>
        tpu.vector_store %arg11[%swap3A_529, %swap3A_530], %swap3A_533 {strides = array<i32>} : memref<80x128xf32, #tpu.memory_space<vmem>>, vector<1x16xf32>,
        %get3A_534 = arith.index_cast %add3A_477 : i32 to index
        %get3A_535 = arith.constant 64 : index
        %get3A_536 = tpu.vector_load %arg9[%get3A_534, %get3A_535] {strides = array<i32>} : memref<80x128xf32, #tpu.memory_space<vmem>>, vector<1x16xf32>,
        %get3A_537 = vector.shape_cast %get3A_536 : vector<1x16xf32> to vector<16xf32>
        %get3A_538 = arith.index_cast %add3A_477 : i32 to index
        %get3A_539 = arith.constant 64 : index
        %get3A_540 = tpu.vector_load %arg10[%get3A_538, %get3A_539] {strides = array<i32>} : memref<80x128xf32, #tpu.memory_space<vmem>>, vector<1x16xf32>,
        %get3A_541 = vector.shape_cast %get3A_540 : vector<1x16xf32> to vector<16xf32>
        %add3A_542 = arith.addf %get3A_537, %get3A_541 : vector<16xf32>
        %swap3A_543 = arith.index_cast %add3A_477 : i32 to index
        %swap3A_544 = arith.constant 64 : index
        %swap3A_545 = tpu.vector_load %arg11[%swap3A_543, %swap3A_544] {strides = array<i32>} : memref<80x128xf32, #tpu.memory_space<vmem>>, vector<1x16xf32>,
        %swap3A_546 = vector.shape_cast %swap3A_545 : vector<1x16xf32> to vector<16xf32>
        %swap3A_547 = vector.shape_cast %add3A_542 : vector<16xf32> to vector<1x16xf32>
        tpu.vector_store %arg11[%swap3A_543, %swap3A_544], %swap3A_547 {strides = array<i32>} : memref<80x128xf32, #tpu.memory_space<vmem>>, vector<1x16xf32>,
        %get3A_548 = arith.index_cast %add3A_477 : i32 to index
        %get3A_549 = arith.constant 80 : index
        %get3A_550 = tpu.vector_load %arg9[%get3A_548, %get3A_549] {strides = array<i32>} : memref<80x128xf32, #tpu.memory_space<vmem>>, vector<1x16xf32>,
        %get3A_551 = vector.shape_cast %get3A_550 : vector<1x16xf32> to vector<16xf32>
        %get3A_552 = arith.index_cast %add3A_477 : i32 to index
        %get3A_553 = arith.constant 80 : index
        %get3A_554 = tpu.vector_load %arg10[%get3A_552, %get3A_553] {strides = array<i32>} : memref<80x128xf32, #tpu.memory_space<vmem>>, vector<1x16xf32>,
        %get3A_555 = vector.shape_cast %get3A_554 : vector<1x16xf32> to vector<16xf32>
        %add3A_556 = arith.addf %get3A_551, %get3A_555 : vector<16xf32>
        %swap3A_557 = arith.index_cast %add3A_477 : i32 to index
        %swap3A_558 = arith.constant 80 : index
        %swap3A_559 = tpu.vector_load %arg11[%swap3A_557, %swap3A_558] {strides = array<i32>} : memref<80x128xf32, #tpu.memory_space<vmem>>, vector<1x16xf32>,
        %swap3A_560 = vector.shape_cast %swap3A_559 : vector<1x16xf32> to vector<16xf32>
        %swap3A_561 = vector.shape_cast %add3A_556 : vector<16xf32> to vector<1x16xf32>
        tpu.vector_store %arg11[%swap3A_557, %swap3A_558], %swap3A_561 {strides = array<i32>} : memref<80x128xf32, #tpu.memory_space<vmem>>, vector<1x16xf32>,
        %get3A_562 = arith.index_cast %add3A_477 : i32 to index
        %get3A_563 = arith.constant 96 : index
        %get3A_564 = tpu.vector_load %arg9[%get3A_562, %get3A_563] {strides = array<i32>} : memref<80x128xf32, #tpu.memory_space<vmem>>, vector<1x16xf32>,
        %get3A_565 = vector.shape_cast %get3A_564 : vector<1x16xf32> to vector<16xf32>
        %get3A_566 = arith.index_cast %add3A_477 : i32 to index
        %get3A_567 = arith.constant 96 : index
        %get3A_568 = tpu.vector_load %arg10[%get3A_566, %get3A_567] {strides = array<i32>} : memref<80x128xf32, #tpu.memory_space<vmem>>, vector<1x16xf32>,
        %get3A_569 = vector.shape_cast %get3A_568 : vector<1x16xf32> to vector<16xf32>
        %add3A_570 = arith.addf %get3A_565, %get3A_569 : vector<16xf32>
        %swap3A_571 = arith.index_cast %add3A_477 : i32 to index
        %swap3A_572 = arith.constant 96 : index
        %swap3A_573 = tpu.vector_load %arg11[%swap3A_571, %swap3A_572] {strides = array<i32>} : memref<80x128xf32, #tpu.memory_space<vmem>>, vector<1x16xf32>,
        %swap3A_574 = vector.shape_cast %swap3A_573 : vector<1x16xf32> to vector<16xf32>
        %swap3A_575 = vector.shape_cast %add3A_570 : vector<16xf32> to vector<1x16xf32>
        tpu.vector_store %arg11[%swap3A_571, %swap3A_572], %swap3A_575 {strides = array<i32>} : memref<80x128xf32, #tpu.memory_space<vmem>>, vector<1x16xf32>,
        %get3A_576 = arith.index_cast %add3A_477 : i32 to index
        %get3A_577 = arith.constant 112 : index
        %get3A_578 = tpu.vector_load %arg9[%get3A_576, %get3A_577] {strides = array<i32>} : memref<80x128xf32, #tpu.memory_space<vmem>>, vector<1x16xf32>,
        %get3A_579 = vector.shape_cast %get3A_578 : vector<1x16xf32> to vector<16xf32>
        %get3A_580 = arith.index_cast %add3A_477 : i32 to index
        %get3A_581 = arith.constant 112 : index
        %get3A_582 = tpu.vector_load %arg10[%get3A_580, %get3A_581] {strides = array<i32>} : memref<80x128xf32, #tpu.memory_space<vmem>>, vector<1x16xf32>,
        %get3A_583 = vector.shape_cast %get3A_582 : vector<1x16xf32> to vector<16xf32>
        %add3A_584 = arith.addf %get3A_579, %get3A_583 : vector<16xf32>
        %swap3A_585 = arith.index_cast %add3A_477 : i32 to index
        %swap3A_586 = arith.constant 112 : index
        %swap3A_587 = tpu.vector_load %arg11[%swap3A_585, %swap3A_586] {strides = array<i32>} : memref<80x128xf32, #tpu.memory_space<vmem>>, vector<1x16xf32>,
        %swap3A_588 = vector.shape_cast %swap3A_587 : vector<1x16xf32> to vector<16xf32>
        %swap3A_589 = vector.shape_cast %add3A_584 : vector<16xf32> to vector<1x16xf32>
        tpu.vector_store %arg11[%swap3A_585, %swap3A_586], %swap3A_589 {strides = array<i32>} : memref<80x128xf32, #tpu.memory_space<vmem>>, vector<1x16xf32>,
        %mul3A_590 = arith.constant 4 : i32
        %mul3A_591 = arith.muli %scan3A_243, %mul3A_590 : i32
        %add3A_592 = arith.constant 3 : i32
        %add3A_593 = arith.addi %mul3A_591, %add3A_592 : i32
        %get3A_594 = arith.index_cast %add3A_593 : i32 to index
        %get3A_595 = arith.constant 0 : index
        %get3A_596 = tpu.vector_load %arg9[%get3A_594, %get3A_595] {strides = array<i32>} : memref<80x128xf32, #tpu.memory_space<vmem>>, vector<1x16xf32>,
        %get3A_597 = vector.shape_cast %get3A_596 : vector<1x16xf32> to vector<16xf32>
        %get3A_598 = arith.index_cast %add3A_593 : i32 to index
        %get3A_599 = arith.constant 0 : index
        %get3A_600 = tpu.vector_load %arg10[%get3A_598, %get3A_599] {strides = array<i32>} : memref<80x128xf32, #tpu.memory_space<vmem>>, vector<1x16xf32>,
        %get3A_601 = vector.shape_cast %get3A_600 : vector<1x16xf32> to vector<16xf32>
        %add3A_602 = arith.addf %get3A_597, %get3A_601 : vector<16xf32>
        %swap3A_603 = arith.index_cast %add3A_593 : i32 to index
        %swap3A_604 = arith.constant 0 : index
        %swap3A_605 = tpu.vector_load %arg11[%swap3A_603, %swap3A_604] {strides = array<i32>} : memref<80x128xf32, #tpu.memory_space<vmem>>, vector<1x16xf32>,
        %swap3A_606 = vector.shape_cast %swap3A_605 : vector<1x16xf32> to vector<16xf32>
        %swap3A_607 = vector.shape_cast %add3A_602 : vector<16xf32> to vector<1x16xf32>
        tpu.vector_store %arg11[%swap3A_603, %swap3A_604], %swap3A_607 {strides = array<i32>} : memref<80x128xf32, #tpu.memory_space<vmem>>, vector<1x16xf32>,
        %get3A_608 = arith.index_cast %add3A_593 : i32 to index
        %get3A_609 = arith.constant 16 : index
        %get3A_610 = tpu.vector_load %arg9[%get3A_608, %get3A_609] {strides = array<i32>} : memref<80x128xf32, #tpu.memory_space<vmem>>, vector<1x16xf32>,
        %get3A_611 = vector.shape_cast %get3A_610 : vector<1x16xf32> to vector<16xf32>
        %get3A_612 = arith.index_cast %add3A_593 : i32 to index
        %get3A_613 = arith.constant 16 : index
        %get3A_614 = tpu.vector_load %arg10[%get3A_612, %get3A_613] {strides = array<i32>} : memref<80x128xf32, #tpu.memory_space<vmem>>, vector<1x16xf32>,
        %get3A_615 = vector.shape_cast %get3A_614 : vector<1x16xf32> to vector<16xf32>
        %add3A_616 = arith.addf %get3A_611, %get3A_615 : vector<16xf32>
        %swap3A_617 = arith.index_cast %add3A_593 : i32 to index
        %swap3A_618 = arith.constant 16 : index
        %swap3A_619 = tpu.vector_load %arg11[%swap3A_617, %swap3A_618] {strides = array<i32>} : memref<80x128xf32, #tpu.memory_space<vmem>>, vector<1x16xf32>,
        %swap3A_620 = vector.shape_cast %swap3A_619 : vector<1x16xf32> to vector<16xf32>
        %swap3A_621 = vector.shape_cast %add3A_616 : vector<16xf32> to vector<1x16xf32>
        tpu.vector_store %arg11[%swap3A_617, %swap3A_618], %swap3A_621 {strides = array<i32>} : memref<80x128xf32, #tpu.memory_space<vmem>>, vector<1x16xf32>,
        %get3A_622 = arith.index_cast %add3A_593 : i32 to index
        %get3A_623 = arith.constant 32 : index
        %get3A_624 = tpu.vector_load %arg9[%get3A_622, %get3A_623] {strides = array<i32>} : memref<80x128xf32, #tpu.memory_space<vmem>>, vector<1x16xf32>,
        %get3A_625 = vector.shape_cast %get3A_624 : vector<1x16xf32> to vector<16xf32>
        %get3A_626 = arith.index_cast %add3A_593 : i32 to index
        %get3A_627 = arith.constant 32 : index
        %get3A_628 = tpu.vector_load %arg10[%get3A_626, %get3A_627] {strides = array<i32>} : memref<80x128xf32, #tpu.memory_space<vmem>>, vector<1x16xf32>,
        %get3A_629 = vector.shape_cast %get3A_628 : vector<1x16xf32> to vector<16xf32>
        %add3A_630 = arith.addf %get3A_625, %get3A_629 : vector<16xf32>
        %swap3A_631 = arith.index_cast %add3A_593 : i32 to index
        %swap3A_632 = arith.constant 32 : index
        %swap3A_633 = tpu.vector_load %arg11[%swap3A_631, %swap3A_632] {strides = array<i32>} : memref<80x128xf32, #tpu.memory_space<vmem>>, vector<1x16xf32>,
        %swap3A_634 = vector.shape_cast %swap3A_633 : vector<1x16xf32> to vector<16xf32>
        %swap3A_635 = vector.shape_cast %add3A_630 : vector<16xf32> to vector<1x16xf32>
        tpu.vector_store %arg11[%swap3A_631, %swap3A_632], %swap3A_635 {strides = array<i32>} : memref<80x128xf32, #tpu.memory_space<vmem>>, vector<1x16xf32>,
        %get3A_636 = arith.index_cast %add3A_593 : i32 to index
        %get3A_637 = arith.constant 48 : index
        %get3A_638 = tpu.vector_load %arg9[%get3A_636, %get3A_637] {strides = array<i32>} : memref<80x128xf32, #tpu.memory_space<vmem>>, vector<1x16xf32>,
        %get3A_639 = vector.shape_cast %get3A_638 : vector<1x16xf32> to vector<16xf32>
        %get3A_640 = arith.index_cast %add3A_593 : i32 to index
        %get3A_641 = arith.constant 48 : index
        %get3A_642 = tpu.vector_load %arg10[%get3A_640, %get3A_641] {strides = array<i32>} : memref<80x128xf32, #tpu.memory_space<vmem>>, vector<1x16xf32>,
        %get3A_643 = vector.shape_cast %get3A_642 : vector<1x16xf32> to vector<16xf32>
        %add3A_644 = arith.addf %get3A_639, %get3A_643 : vector<16xf32>
        %swap3A_645 = arith.index_cast %add3A_593 : i32 to index
        %swap3A_646 = arith.constant 48 : index
        %swap3A_647 = tpu.vector_load %arg11[%swap3A_645, %swap3A_646] {strides = array<i32>} : memref<80x128xf32, #tpu.memory_space<vmem>>, vector<1x16xf32>,
        %swap3A_648 = vector.shape_cast %swap3A_647 : vector<1x16xf32> to vector<16xf32>
        %swap3A_649 = vector.shape_cast %add3A_644 : vector<16xf32> to vector<1x16xf32>
        tpu.vector_store %arg11[%swap3A_645, %swap3A_646], %swap3A_649 {strides = array<i32>} : memref<80x128xf32, #tpu.memory_space<vmem>>, vector<1x16xf32>,
        %get3A_650 = arith.index_cast %add3A_593 : i32 to index
        %get3A_651 = arith.constant 64 : index
        %get3A_652 = tpu.vector_load %arg9[%get3A_650, %get3A_651] {strides = array<i32>} : memref<80x128xf32, #tpu.memory_space<vmem>>, vector<1x16xf32>,
        %get3A_653 = vector.shape_cast %get3A_652 : vector<1x16xf32> to vector<16xf32>
        %get3A_654 = arith.index_cast %add3A_593 : i32 to index
        %get3A_655 = arith.constant 64 : index
        %get3A_656 = tpu.vector_load %arg10[%get3A_654, %get3A_655] {strides = array<i32>} : memref<80x128xf32, #tpu.memory_space<vmem>>, vector<1x16xf32>,
        %get3A_657 = vector.shape_cast %get3A_656 : vector<1x16xf32> to vector<16xf32>
        %add3A_658 = arith.addf %get3A_653, %get3A_657 : vector<16xf32>
        %swap3A_659 = arith.index_cast %add3A_593 : i32 to index
        %swap3A_660 = arith.constant 64 : index
        %swap3A_661 = tpu.vector_load %arg11[%swap3A_659, %swap3A_660] {strides = array<i32>} : memref<80x128xf32, #tpu.memory_space<vmem>>, vector<1x16xf32>,
        %swap3A_662 = vector.shape_cast %swap3A_661 : vector<1x16xf32> to vector<16xf32>
        %swap3A_663 = vector.shape_cast %add3A_658 : vector<16xf32> to vector<1x16xf32>
        tpu.vector_store %arg11[%swap3A_659, %swap3A_660], %swap3A_663 {strides = array<i32>} : memref<80x128xf32, #tpu.memory_space<vmem>>, vector<1x16xf32>,
        %get3A_664 = arith.index_cast %add3A_593 : i32 to index
        %get3A_665 = arith.constant 80 : index
        %get3A_666 = tpu.vector_load %arg9[%get3A_664, %get3A_665] {strides = array<i32>} : memref<80x128xf32, #tpu.memory_space<vmem>>, vector<1x16xf32>,
        %get3A_667 = vector.shape_cast %get3A_666 : vector<1x16xf32> to vector<16xf32>
        %get3A_668 = arith.index_cast %add3A_593 : i32 to index
        %get3A_669 = arith.constant 80 : index
        %get3A_670 = tpu.vector_load %arg10[%get3A_668, %get3A_669] {strides = array<i32>} : memref<80x128xf32, #tpu.memory_space<vmem>>, vector<1x16xf32>,
        %get3A_671 = vector.shape_cast %get3A_670 : vector<1x16xf32> to vector<16xf32>
        %add3A_672 = arith.addf %get3A_667, %get3A_671 : vector<16xf32>
        %swap3A_673 = arith.index_cast %add3A_593 : i32 to index
        %swap3A_674 = arith.constant 80 : index
        %swap3A_675 = tpu.vector_load %arg11[%swap3A_673, %swap3A_674] {strides = array<i32>} : memref<80x128xf32, #tpu.memory_space<vmem>>, vector<1x16xf32>,
        %swap3A_676 = vector.shape_cast %swap3A_675 : vector<1x16xf32> to vector<16xf32>
        %swap3A_677 = vector.shape_cast %add3A_672 : vector<16xf32> to vector<1x16xf32>
        tpu.vector_store %arg11[%swap3A_673, %swap3A_674], %swap3A_677 {strides = array<i32>} : memref<80x128xf32, #tpu.memory_space<vmem>>, vector<1x16xf32>,
        %get3A_678 = arith.index_cast %add3A_593 : i32 to index
        %get3A_679 = arith.constant 96 : index
        %get3A_680 = tpu.vector_load %arg9[%get3A_678, %get3A_679] {strides = array<i32>} : memref<80x128xf32, #tpu.memory_space<vmem>>, vector<1x16xf32>,
        %get3A_681 = vector.shape_cast %get3A_680 : vector<1x16xf32> to vector<16xf32>
        %get3A_682 = arith.index_cast %add3A_593 : i32 to index
        %get3A_683 = arith.constant 96 : index
        %get3A_684 = tpu.vector_load %arg10[%get3A_682, %get3A_683] {strides = array<i32>} : memref<80x128xf32, #tpu.memory_space<vmem>>, vector<1x16xf32>,
        %get3A_685 = vector.shape_cast %get3A_684 : vector<1x16xf32> to vector<16xf32>
        %add3A_686 = arith.addf %get3A_681, %get3A_685 : vector<16xf32>
        %swap3A_687 = arith.index_cast %add3A_593 : i32 to index
        %swap3A_688 = arith.constant 96 : index
        %swap3A_689 = tpu.vector_load %arg11[%swap3A_687, %swap3A_688] {strides = array<i32>} : memref<80x128xf32, #tpu.memory_space<vmem>>, vector<1x16xf32>,
        %swap3A_690 = vector.shape_cast %swap3A_689 : vector<1x16xf32> to vector<16xf32>
        %swap3A_691 = vector.shape_cast %add3A_686 : vector<16xf32> to vector<1x16xf32>
        tpu.vector_store %arg11[%swap3A_687, %swap3A_688], %swap3A_691 {strides = array<i32>} : memref<80x128xf32, #tpu.memory_space<vmem>>, vector<1x16xf32>,
        %get3A_692 = arith.index_cast %add3A_593 : i32 to index
        %get3A_693 = arith.constant 112 : index
        %get3A_694 = tpu.vector_load %arg9[%get3A_692, %get3A_693] {strides = array<i32>} : memref<80x128xf32, #tpu.memory_space<vmem>>, vector<1x16xf32>,
        %get3A_695 = vector.shape_cast %get3A_694 : vector<1x16xf32> to vector<16xf32>
        %get3A_696 = arith.index_cast %add3A_593 : i32 to index
        %get3A_697 = arith.constant 112 : index
        %get3A_698 = tpu.vector_load %arg10[%get3A_696, %get3A_697] {strides = array<i32>} : memref<80x128xf32, #tpu.memory_space<vmem>>, vector<1x16xf32>,
        %get3A_699 = vector.shape_cast %get3A_698 : vector<1x16xf32> to vector<16xf32>
        %add3A_700 = arith.addf %get3A_695, %get3A_699 : vector<16xf32>
        %swap3A_701 = arith.index_cast %add3A_593 : i32 to index
        %swap3A_702 = arith.constant 112 : index
        %swap3A_703 = tpu.vector_load %arg11[%swap3A_701, %swap3A_702] {strides = array<i32>} : memref<80x128xf32, #tpu.memory_space<vmem>>, vector<1x16xf32>,
        %swap3A_704 = vector.shape_cast %swap3A_703 : vector<1x16xf32> to vector<16xf32>
        %swap3A_705 = vector.shape_cast %add3A_700 : vector<16xf32> to vector<1x16xf32>
        tpu.vector_store %arg11[%swap3A_701, %swap3A_702], %swap3A_705 {strides = array<i32>} : memref<80x128xf32, #tpu.memory_space<vmem>>, vector<1x16xf32>,
      }
      %scan3A_188 = arith.constant 20 : i32
      %mul3A_189 = arith.constant 80 : i32
      %mul3A_190 = arith.muli %add3A_162, %mul3A_189 : i32
      %add3A_191 = arith.addi %mul3A_2, %mul3A_190 : i32
      %dma_start3A_192 = arith.constant 0 : i32
      %dma_start3A_193 = tpu.memref_slice %arg6[%add3A_191, %dma_start3A_192] : memref<320000x128xf32, #tpu.memory_space<hbm>> -> memref<80x128xf32, #tpu.memory_space<hbm>>
      %dma_start3A_194 = arith.constant 0 : i32
      %dma_start3A_195 = tpu.memref_slice %arg6[%add3A_191, %dma_start3A_194] : memref<320000x128xf32, #tpu.memory_space<hbm>> -> memref<80x128xf32, #tpu.memory_space<hbm>>
      tpu.enqueue_dma source(%arg11 : memref<80x128xf32, #tpu.memory_space<vmem>>) target(%dma_start3A_195 : memref<80x128xf32, #tpu.memory_space<hbm>>) target_semaphore(%arg17 : memref<!tpu.dma_semaphore, #tpu.memory_space<semaphore_mem>>)
      %add3A_196 = arith.constant 2 : i32
      %add3A_197 = arith.addi %add3A_162, %add3A_196 : i32
      %lt3A = arith.constant 125 : i32
      %lt3A_198 = arith.cmpi slt, %add3A_197, %lt3A : i32
      %convert_element_type3A = arith.extui %lt3A_198 : i1 to i32
      %cond3A = arith.constant 0 : i32
      %cond3A_199 = arith.cmpi ne, %convert_element_type3A, %cond3A : i32
      scf.if %cond3A_199 {
        %add3A_243 = arith.constant 2 : i32
        %add3A_244 = arith.addi %add3A_162, %add3A_243 : i32
        %dma_start3A_245 = arith.constant 0 : i32
        %dma_start3A_246 = tpu.memref_slice %arg7[%add3A_244, %dma_start3A_245] : memref<125x80xi32, #tpu.memory_space<vmem>> -> memref<1x80xi32, #tpu.memory_space<vmem>>
        %dma_start3A_247 = tpu.memref_squeeze %dma_start3A_246 : memref<1x80xi32, #tpu.memory_space<vmem>> -> memref<80xi32, #tpu.memory_space<vmem>>
        %dma_start3A_248 = arith.constant 0 : i32
        %dma_start3A_249 = arith.constant 0 : i32
        %dma_start3A_250 = tpu.memref_slice %arg2[%dma_start3A_248, %dma_start3A_249] : memref<10000x128xf32, #tpu.memory_space<hbm>> -> memref<10000x128xf32, #tpu.memory_space<hbm>>
        tpu.enqueue_indirect_dma source(%dma_start3A_250 : memref<10000x128xf32, #tpu.memory_space<hbm>>) target(%arg9 : memref<80x128xf32, #tpu.memory_space<vmem>>) offsets(%dma_start3A_247 : memref<80xi32, #tpu.memory_space<vmem>>) semaphore(%arg15 : memref<!tpu.dma_semaphore, #tpu.memory_space<semaphore_mem>>)
        %dma_start3A_251 = arith.constant 0 : i32
        %dma_start3A_252 = tpu.memref_slice %arg8[%add3A_244, %dma_start3A_251] : memref<125x80xi32, #tpu.memory_space<vmem>> -> memref<1x80xi32, #tpu.memory_space<vmem>>
        %dma_start3A_253 = tpu.memref_squeeze %dma_start3A_252 : memref<1x80xi32, #tpu.memory_space<vmem>> -> memref<80xi32, #tpu.memory_space<vmem>>
        %dma_start3A_254 = arith.constant 0 : i32
        %dma_start3A_255 = arith.constant 0 : i32
        %dma_start3A_256 = tpu.memref_slice %arg3[%dma_start3A_254, %dma_start3A_255] : memref<10000x128xf32, #tpu.memory_space<hbm>> -> memref<10000x128xf32, #tpu.memory_space<hbm>>
        tpu.enqueue_indirect_dma source(%dma_start3A_256 : memref<10000x128xf32, #tpu.memory_space<hbm>>) target(%arg10 : memref<80x128xf32, #tpu.memory_space<vmem>>) offsets(%dma_start3A_253 : memref<80xi32, #tpu.memory_space<vmem>>) semaphore(%arg16 : memref<!tpu.dma_semaphore, #tpu.memory_space<semaphore_mem>>)
      } else {
      }
      %add3A_200 = arith.constant 1 : i32
      %add3A_201 = arith.addi %add3A_162, %add3A_200 : i32
      %dma_wait3A_202 = arith.constant 0 : i32
      %dma_wait3A_203 = tpu.memref_slice %arg7[%add3A_201, %dma_wait3A_202] : memref<125x80xi32, #tpu.memory_space<vmem>> -> memref<1x80xi32, #tpu.memory_space<vmem>>
      %dma_wait3A_204 = tpu.memref_squeeze %dma_wait3A_203 : memref<1x80xi32, #tpu.memory_space<vmem>> -> memref<80xi32, #tpu.memory_space<vmem>>
      %dma_wait3A_205 = arith.constant 0 : i32
      %dma_wait3A_206 = arith.constant 0 : i32
      %dma_wait3A_207 = tpu.memref_slice %arg2[%dma_wait3A_205, %dma_wait3A_206] : memref<10000x128xf32, #tpu.memory_space<hbm>> -> memref<10000x128xf32, #tpu.memory_space<hbm>>
      tpu.wait_indirect_dma semaphore(%arg18 : memref<!tpu.dma_semaphore, #tpu.memory_space<semaphore_mem>>) src(%dma_wait3A_207 : memref<10000x128xf32, #tpu.memory_space<hbm>>) dst(%arg12 : memref<80x128xf32, #tpu.memory_space<vmem>>)
      %dma_wait3A_208 = arith.constant 0 : i32
      %dma_wait3A_209 = tpu.memref_slice %arg8[%add3A_201, %dma_wait3A_208] : memref<125x80xi32, #tpu.memory_space<vmem>> -> memref<1x80xi32, #tpu.memory_space<vmem>>
      %dma_wait3A_210 = tpu.memref_squeeze %dma_wait3A_209 : memref<1x80xi32, #tpu.memory_space<vmem>> -> memref<80xi32, #tpu.memory_space<vmem>>
      %dma_wait3A_211 = arith.constant 0 : i32
      %dma_wait3A_212 = arith.constant 0 : i32
      %dma_wait3A_213 = tpu.memref_slice %arg3[%dma_wait3A_211, %dma_wait3A_212] : memref<10000x128xf32, #tpu.memory_space<hbm>> -> memref<10000x128xf32, #tpu.memory_space<hbm>>
      tpu.wait_indirect_dma semaphore(%arg19 : memref<!tpu.dma_semaphore, #tpu.memory_space<semaphore_mem>>) src(%dma_wait3A_213 : memref<10000x128xf32, #tpu.memory_space<hbm>>) dst(%arg13 : memref<80x128xf32, #tpu.memory_space<vmem>>)
      %sub3A_214 = arith.constant 2 : i32
      %sub3A_215 = arith.subi %add3A_201, %sub3A_214 : i32
      %mul3A_216 = arith.constant 80 : i32
      %mul3A_217 = arith.muli %sub3A_215, %mul3A_216 : i32
      %add3A_218 = arith.addi %mul3A_2, %mul3A_217 : i32
      %dma_wait3A_219 = arith.constant 0 : i32
      %dma_wait3A_220 = tpu.memref_slice %arg6[%add3A_218, %dma_wait3A_219] : memref<320000x128xf32, #tpu.memory_space<hbm>> -> memref<80x128xf32, #tpu.memory_space<hbm>>
      %dma_wait3A_221 = arith.constant 0 : i32
      %dma_wait3A_222 = tpu.memref_slice %arg6[%add3A_218, %dma_wait3A_221] : memref<320000x128xf32, #tpu.memory_space<hbm>> -> memref<80x128xf32, #tpu.memory_space<hbm>>
      tpu.wait_dma2 semaphore(%arg20 : memref<!tpu.dma_semaphore, #tpu.memory_space<semaphore_mem>>) src(%arg14 : memref<80x128xf32, #tpu.memory_space<vmem>>) dst(%dma_wait3A_222 : memref<80x128xf32, #tpu.memory_space<hbm>>)
      %scan3A_223 = arith.constant 0 : i32
      %scan3A_224 = arith.constant 0 : i32
      %scan3A_225 = arith.constant 20 : i32
      %scan3A_226 = arith.addi %scan3A_224, %scan3A_225 : i32
      %scan3A_227 = arith.constant 1 : i32
      scf.for %scan3A_243 = %scan3A_224 to %scan3A_226 step %scan3A_227  : i32 {
        %mul3A_244 = arith.constant 4 : i32
        %mul3A_245 = arith.muli %scan3A_243, %mul3A_244 : i32
        %add3A_246 = arith.constant 0 : i32
        %add3A_247 = arith.addi %mul3A_245, %add3A_246 : i32
        %get3A = arith.index_cast %add3A_247 : i32 to index
        %get3A_248 = arith.constant 0 : index
        %get3A_249 = tpu.vector_load %arg12[%get3A, %get3A_248] {strides = array<i32>} : memref<80x128xf32, #tpu.memory_space<vmem>>, vector<1x16xf32>,
        %get3A_250 = vector.shape_cast %get3A_249 : vector<1x16xf32> to vector<16xf32>
        %get3A_251 = arith.index_cast %add3A_247 : i32 to index
        %get3A_252 = arith.constant 0 : index
        %get3A_253 = tpu.vector_load %arg13[%get3A_251, %get3A_252] {strides = array<i32>} : memref<80x128xf32, #tpu.memory_space<vmem>>, vector<1x16xf32>,
        %get3A_254 = vector.shape_cast %get3A_253 : vector<1x16xf32> to vector<16xf32>
        %add3A_255 = arith.addf %get3A_250, %get3A_254 : vector<16xf32>
        %swap3A = arith.index_cast %add3A_247 : i32 to index
        %swap3A_256 = arith.constant 0 : index
        %swap3A_257 = tpu.vector_load %arg14[%swap3A, %swap3A_256] {strides = array<i32>} : memref<80x128xf32, #tpu.memory_space<vmem>>, vector<1x16xf32>,
        %swap3A_258 = vector.shape_cast %swap3A_257 : vector<1x16xf32> to vector<16xf32>
        %swap3A_259 = vector.shape_cast %add3A_255 : vector<16xf32> to vector<1x16xf32>
        tpu.vector_store %arg14[%swap3A, %swap3A_256], %swap3A_259 {strides = array<i32>} : memref<80x128xf32, #tpu.memory_space<vmem>>, vector<1x16xf32>,
        %get3A_260 = arith.index_cast %add3A_247 : i32 to index
        %get3A_261 = arith.constant 16 : index
        %get3A_262 = tpu.vector_load %arg12[%get3A_260, %get3A_261] {strides = array<i32>} : memref<80x128xf32, #tpu.memory_space<vmem>>, vector<1x16xf32>,
        %get3A_263 = vector.shape_cast %get3A_262 : vector<1x16xf32> to vector<16xf32>
        %get3A_264 = arith.index_cast %add3A_247 : i32 to index
        %get3A_265 = arith.constant 16 : index
        %get3A_266 = tpu.vector_load %arg13[%get3A_264, %get3A_265] {strides = array<i32>} : memref<80x128xf32, #tpu.memory_space<vmem>>, vector<1x16xf32>,
        %get3A_267 = vector.shape_cast %get3A_266 : vector<1x16xf32> to vector<16xf32>
        %add3A_268 = arith.addf %get3A_263, %get3A_267 : vector<16xf32>
        %swap3A_269 = arith.index_cast %add3A_247 : i32 to index
        %swap3A_270 = arith.constant 16 : index
        %swap3A_271 = tpu.vector_load %arg14[%swap3A_269, %swap3A_270] {strides = array<i32>} : memref<80x128xf32, #tpu.memory_space<vmem>>, vector<1x16xf32>,
        %swap3A_272 = vector.shape_cast %swap3A_271 : vector<1x16xf32> to vector<16xf32>
        %swap3A_273 = vector.shape_cast %add3A_268 : vector<16xf32> to vector<1x16xf32>
        tpu.vector_store %arg14[%swap3A_269, %swap3A_270], %swap3A_273 {strides = array<i32>} : memref<80x128xf32, #tpu.memory_space<vmem>>, vector<1x16xf32>,
        %get3A_274 = arith.index_cast %add3A_247 : i32 to index
        %get3A_275 = arith.constant 32 : index
        %get3A_276 = tpu.vector_load %arg12[%get3A_274, %get3A_275] {strides = array<i32>} : memref<80x128xf32, #tpu.memory_space<vmem>>, vector<1x16xf32>,
        %get3A_277 = vector.shape_cast %get3A_276 : vector<1x16xf32> to vector<16xf32>
        %get3A_278 = arith.index_cast %add3A_247 : i32 to index
        %get3A_279 = arith.constant 32 : index
        %get3A_280 = tpu.vector_load %arg13[%get3A_278, %get3A_279] {strides = array<i32>} : memref<80x128xf32, #tpu.memory_space<vmem>>, vector<1x16xf32>,
        %get3A_281 = vector.shape_cast %get3A_280 : vector<1x16xf32> to vector<16xf32>
        %add3A_282 = arith.addf %get3A_277, %get3A_281 : vector<16xf32>
        %swap3A_283 = arith.index_cast %add3A_247 : i32 to index
        %swap3A_284 = arith.constant 32 : index
        %swap3A_285 = tpu.vector_load %arg14[%swap3A_283, %swap3A_284] {strides = array<i32>} : memref<80x128xf32, #tpu.memory_space<vmem>>, vector<1x16xf32>,
        %swap3A_286 = vector.shape_cast %swap3A_285 : vector<1x16xf32> to vector<16xf32>
        %swap3A_287 = vector.shape_cast %add3A_282 : vector<16xf32> to vector<1x16xf32>
        tpu.vector_store %arg14[%swap3A_283, %swap3A_284], %swap3A_287 {strides = array<i32>} : memref<80x128xf32, #tpu.memory_space<vmem>>, vector<1x16xf32>,
        %get3A_288 = arith.index_cast %add3A_247 : i32 to index
        %get3A_289 = arith.constant 48 : index
        %get3A_290 = tpu.vector_load %arg12[%get3A_288, %get3A_289] {strides = array<i32>} : memref<80x128xf32, #tpu.memory_space<vmem>>, vector<1x16xf32>,
        %get3A_291 = vector.shape_cast %get3A_290 : vector<1x16xf32> to vector<16xf32>
        %get3A_292 = arith.index_cast %add3A_247 : i32 to index
        %get3A_293 = arith.constant 48 : index
        %get3A_294 = tpu.vector_load %arg13[%get3A_292, %get3A_293] {strides = array<i32>} : memref<80x128xf32, #tpu.memory_space<vmem>>, vector<1x16xf32>,
        %get3A_295 = vector.shape_cast %get3A_294 : vector<1x16xf32> to vector<16xf32>
        %add3A_296 = arith.addf %get3A_291, %get3A_295 : vector<16xf32>
        %swap3A_297 = arith.index_cast %add3A_247 : i32 to index
        %swap3A_298 = arith.constant 48 : index
        %swap3A_299 = tpu.vector_load %arg14[%swap3A_297, %swap3A_298] {strides = array<i32>} : memref<80x128xf32, #tpu.memory_space<vmem>>, vector<1x16xf32>,
        %swap3A_300 = vector.shape_cast %swap3A_299 : vector<1x16xf32> to vector<16xf32>
        %swap3A_301 = vector.shape_cast %add3A_296 : vector<16xf32> to vector<1x16xf32>
        tpu.vector_store %arg14[%swap3A_297, %swap3A_298], %swap3A_301 {strides = array<i32>} : memref<80x128xf32, #tpu.memory_space<vmem>>, vector<1x16xf32>,
        %get3A_302 = arith.index_cast %add3A_247 : i32 to index
        %get3A_303 = arith.constant 64 : index
        %get3A_304 = tpu.vector_load %arg12[%get3A_302, %get3A_303] {strides = array<i32>} : memref<80x128xf32, #tpu.memory_space<vmem>>, vector<1x16xf32>,
        %get3A_305 = vector.shape_cast %get3A_304 : vector<1x16xf32> to vector<16xf32>
        %get3A_306 = arith.index_cast %add3A_247 : i32 to index
        %get3A_307 = arith.constant 64 : index
        %get3A_308 = tpu.vector_load %arg13[%get3A_306, %get3A_307] {strides = array<i32>} : memref<80x128xf32, #tpu.memory_space<vmem>>, vector<1x16xf32>,
        %get3A_309 = vector.shape_cast %get3A_308 : vector<1x16xf32> to vector<16xf32>
        %add3A_310 = arith.addf %get3A_305, %get3A_309 : vector<16xf32>
        %swap3A_311 = arith.index_cast %add3A_247 : i32 to index
        %swap3A_312 = arith.constant 64 : index
        %swap3A_313 = tpu.vector_load %arg14[%swap3A_311, %swap3A_312] {strides = array<i32>} : memref<80x128xf32, #tpu.memory_space<vmem>>, vector<1x16xf32>,
        %swap3A_314 = vector.shape_cast %swap3A_313 : vector<1x16xf32> to vector<16xf32>
        %swap3A_315 = vector.shape_cast %add3A_310 : vector<16xf32> to vector<1x16xf32>
        tpu.vector_store %arg14[%swap3A_311, %swap3A_312], %swap3A_315 {strides = array<i32>} : memref<80x128xf32, #tpu.memory_space<vmem>>, vector<1x16xf32>,
        %get3A_316 = arith.index_cast %add3A_247 : i32 to index
        %get3A_317 = arith.constant 80 : index
        %get3A_318 = tpu.vector_load %arg12[%get3A_316, %get3A_317] {strides = array<i32>} : memref<80x128xf32, #tpu.memory_space<vmem>>, vector<1x16xf32>,
        %get3A_319 = vector.shape_cast %get3A_318 : vector<1x16xf32> to vector<16xf32>
        %get3A_320 = arith.index_cast %add3A_247 : i32 to index
        %get3A_321 = arith.constant 80 : index
        %get3A_322 = tpu.vector_load %arg13[%get3A_320, %get3A_321] {strides = array<i32>} : memref<80x128xf32, #tpu.memory_space<vmem>>, vector<1x16xf32>,
        %get3A_323 = vector.shape_cast %get3A_322 : vector<1x16xf32> to vector<16xf32>
        %add3A_324 = arith.addf %get3A_319, %get3A_323 : vector<16xf32>
        %swap3A_325 = arith.index_cast %add3A_247 : i32 to index
        %swap3A_326 = arith.constant 80 : index
        %swap3A_327 = tpu.vector_load %arg14[%swap3A_325, %swap3A_326] {strides = array<i32>} : memref<80x128xf32, #tpu.memory_space<vmem>>, vector<1x16xf32>,
        %swap3A_328 = vector.shape_cast %swap3A_327 : vector<1x16xf32> to vector<16xf32>
        %swap3A_329 = vector.shape_cast %add3A_324 : vector<16xf32> to vector<1x16xf32>
        tpu.vector_store %arg14[%swap3A_325, %swap3A_326], %swap3A_329 {strides = array<i32>} : memref<80x128xf32, #tpu.memory_space<vmem>>, vector<1x16xf32>,
        %get3A_330 = arith.index_cast %add3A_247 : i32 to index
        %get3A_331 = arith.constant 96 : index
        %get3A_332 = tpu.vector_load %arg12[%get3A_330, %get3A_331] {strides = array<i32>} : memref<80x128xf32, #tpu.memory_space<vmem>>, vector<1x16xf32>,
        %get3A_333 = vector.shape_cast %get3A_332 : vector<1x16xf32> to vector<16xf32>
        %get3A_334 = arith.index_cast %add3A_247 : i32 to index
        %get3A_335 = arith.constant 96 : index
        %get3A_336 = tpu.vector_load %arg13[%get3A_334, %get3A_335] {strides = array<i32>} : memref<80x128xf32, #tpu.memory_space<vmem>>, vector<1x16xf32>,
        %get3A_337 = vector.shape_cast %get3A_336 : vector<1x16xf32> to vector<16xf32>
        %add3A_338 = arith.addf %get3A_333, %get3A_337 : vector<16xf32>
        %swap3A_339 = arith.index_cast %add3A_247 : i32 to index
        %swap3A_340 = arith.constant 96 : index
        %swap3A_341 = tpu.vector_load %arg14[%swap3A_339, %swap3A_340] {strides = array<i32>} : memref<80x128xf32, #tpu.memory_space<vmem>>, vector<1x16xf32>,
        %swap3A_342 = vector.shape_cast %swap3A_341 : vector<1x16xf32> to vector<16xf32>
        %swap3A_343 = vector.shape_cast %add3A_338 : vector<16xf32> to vector<1x16xf32>
        tpu.vector_store %arg14[%swap3A_339, %swap3A_340], %swap3A_343 {strides = array<i32>} : memref<80x128xf32, #tpu.memory_space<vmem>>, vector<1x16xf32>,
        %get3A_344 = arith.index_cast %add3A_247 : i32 to index
        %get3A_345 = arith.constant 112 : index
        %get3A_346 = tpu.vector_load %arg12[%get3A_344, %get3A_345] {strides = array<i32>} : memref<80x128xf32, #tpu.memory_space<vmem>>, vector<1x16xf32>,
        %get3A_347 = vector.shape_cast %get3A_346 : vector<1x16xf32> to vector<16xf32>
        %get3A_348 = arith.index_cast %add3A_247 : i32 to index
        %get3A_349 = arith.constant 112 : index
        %get3A_350 = tpu.vector_load %arg13[%get3A_348, %get3A_349] {strides = array<i32>} : memref<80x128xf32, #tpu.memory_space<vmem>>, vector<1x16xf32>,
        %get3A_351 = vector.shape_cast %get3A_350 : vector<1x16xf32> to vector<16xf32>
        %add3A_352 = arith.addf %get3A_347, %get3A_351 : vector<16xf32>
        %swap3A_353 = arith.index_cast %add3A_247 : i32 to index
        %swap3A_354 = arith.constant 112 : index
        %swap3A_355 = tpu.vector_load %arg14[%swap3A_353, %swap3A_354] {strides = array<i32>} : memref<80x128xf32, #tpu.memory_space<vmem>>, vector<1x16xf32>,
        %swap3A_356 = vector.shape_cast %swap3A_355 : vector<1x16xf32> to vector<16xf32>
        %swap3A_357 = vector.shape_cast %add3A_352 : vector<16xf32> to vector<1x16xf32>
        tpu.vector_store %arg14[%swap3A_353, %swap3A_354], %swap3A_357 {strides = array<i32>} : memref<80x128xf32, #tpu.memory_space<vmem>>, vector<1x16xf32>,
        %mul3A_358 = arith.constant 4 : i32
        %mul3A_359 = arith.muli %scan3A_243, %mul3A_358 : i32
        %add3A_360 = arith.constant 1 : i32
        %add3A_361 = arith.addi %mul3A_359, %add3A_360 : i32
        %get3A_362 = arith.index_cast %add3A_361 : i32 to index
        %get3A_363 = arith.constant 0 : index
        %get3A_364 = tpu.vector_load %arg12[%get3A_362, %get3A_363] {strides = array<i32>} : memref<80x128xf32, #tpu.memory_space<vmem>>, vector<1x16xf32>,
        %get3A_365 = vector.shape_cast %get3A_364 : vector<1x16xf32> to vector<16xf32>
        %get3A_366 = arith.index_cast %add3A_361 : i32 to index
        %get3A_367 = arith.constant 0 : index
        %get3A_368 = tpu.vector_load %arg13[%get3A_366, %get3A_367] {strides = array<i32>} : memref<80x128xf32, #tpu.memory_space<vmem>>, vector<1x16xf32>,
        %get3A_369 = vector.shape_cast %get3A_368 : vector<1x16xf32> to vector<16xf32>
        %add3A_370 = arith.addf %get3A_365, %get3A_369 : vector<16xf32>
        %swap3A_371 = arith.index_cast %add3A_361 : i32 to index
        %swap3A_372 = arith.constant 0 : index
        %swap3A_373 = tpu.vector_load %arg14[%swap3A_371, %swap3A_372] {strides = array<i32>} : memref<80x128xf32, #tpu.memory_space<vmem>>, vector<1x16xf32>,
        %swap3A_374 = vector.shape_cast %swap3A_373 : vector<1x16xf32> to vector<16xf32>
        %swap3A_375 = vector.shape_cast %add3A_370 : vector<16xf32> to vector<1x16xf32>
        tpu.vector_store %arg14[%swap3A_371, %swap3A_372], %swap3A_375 {strides = array<i32>} : memref<80x128xf32, #tpu.memory_space<vmem>>, vector<1x16xf32>,
        %get3A_376 = arith.index_cast %add3A_361 : i32 to index
        %get3A_377 = arith.constant 16 : index
        %get3A_378 = tpu.vector_load %arg12[%get3A_376, %get3A_377] {strides = array<i32>} : memref<80x128xf32, #tpu.memory_space<vmem>>, vector<1x16xf32>,
        %get3A_379 = vector.shape_cast %get3A_378 : vector<1x16xf32> to vector<16xf32>
        %get3A_380 = arith.index_cast %add3A_361 : i32 to index
        %get3A_381 = arith.constant 16 : index
        %get3A_382 = tpu.vector_load %arg13[%get3A_380, %get3A_381] {strides = array<i32>} : memref<80x128xf32, #tpu.memory_space<vmem>>, vector<1x16xf32>,
        %get3A_383 = vector.shape_cast %get3A_382 : vector<1x16xf32> to vector<16xf32>
        %add3A_384 = arith.addf %get3A_379, %get3A_383 : vector<16xf32>
        %swap3A_385 = arith.index_cast %add3A_361 : i32 to index
        %swap3A_386 = arith.constant 16 : index
        %swap3A_387 = tpu.vector_load %arg14[%swap3A_385, %swap3A_386] {strides = array<i32>} : memref<80x128xf32, #tpu.memory_space<vmem>>, vector<1x16xf32>,
        %swap3A_388 = vector.shape_cast %swap3A_387 : vector<1x16xf32> to vector<16xf32>
        %swap3A_389 = vector.shape_cast %add3A_384 : vector<16xf32> to vector<1x16xf32>
        tpu.vector_store %arg14[%swap3A_385, %swap3A_386], %swap3A_389 {strides = array<i32>} : memref<80x128xf32, #tpu.memory_space<vmem>>, vector<1x16xf32>,
        %get3A_390 = arith.index_cast %add3A_361 : i32 to index
        %get3A_391 = arith.constant 32 : index
        %get3A_392 = tpu.vector_load %arg12[%get3A_390, %get3A_391] {strides = array<i32>} : memref<80x128xf32, #tpu.memory_space<vmem>>, vector<1x16xf32>,
        %get3A_393 = vector.shape_cast %get3A_392 : vector<1x16xf32> to vector<16xf32>
        %get3A_394 = arith.index_cast %add3A_361 : i32 to index
        %get3A_395 = arith.constant 32 : index
        %get3A_396 = tpu.vector_load %arg13[%get3A_394, %get3A_395] {strides = array<i32>} : memref<80x128xf32, #tpu.memory_space<vmem>>, vector<1x16xf32>,
        %get3A_397 = vector.shape_cast %get3A_396 : vector<1x16xf32> to vector<16xf32>
        %add3A_398 = arith.addf %get3A_393, %get3A_397 : vector<16xf32>
        %swap3A_399 = arith.index_cast %add3A_361 : i32 to index
        %swap3A_400 = arith.constant 32 : index
        %swap3A_401 = tpu.vector_load %arg14[%swap3A_399, %swap3A_400] {strides = array<i32>} : memref<80x128xf32, #tpu.memory_space<vmem>>, vector<1x16xf32>,
        %swap3A_402 = vector.shape_cast %swap3A_401 : vector<1x16xf32> to vector<16xf32>
        %swap3A_403 = vector.shape_cast %add3A_398 : vector<16xf32> to vector<1x16xf32>
        tpu.vector_store %arg14[%swap3A_399, %swap3A_400], %swap3A_403 {strides = array<i32>} : memref<80x128xf32, #tpu.memory_space<vmem>>, vector<1x16xf32>,
        %get3A_404 = arith.index_cast %add3A_361 : i32 to index
        %get3A_405 = arith.constant 48 : index
        %get3A_406 = tpu.vector_load %arg12[%get3A_404, %get3A_405] {strides = array<i32>} : memref<80x128xf32, #tpu.memory_space<vmem>>, vector<1x16xf32>,
        %get3A_407 = vector.shape_cast %get3A_406 : vector<1x16xf32> to vector<16xf32>
        %get3A_408 = arith.index_cast %add3A_361 : i32 to index
        %get3A_409 = arith.constant 48 : index
        %get3A_410 = tpu.vector_load %arg13[%get3A_408, %get3A_409] {strides = array<i32>} : memref<80x128xf32, #tpu.memory_space<vmem>>, vector<1x16xf32>,
        %get3A_411 = vector.shape_cast %get3A_410 : vector<1x16xf32> to vector<16xf32>
        %add3A_412 = arith.addf %get3A_407, %get3A_411 : vector<16xf32>
        %swap3A_413 = arith.index_cast %add3A_361 : i32 to index
        %swap3A_414 = arith.constant 48 : index
        %swap3A_415 = tpu.vector_load %arg14[%swap3A_413, %swap3A_414] {strides = array<i32>} : memref<80x128xf32, #tpu.memory_space<vmem>>, vector<1x16xf32>,
        %swap3A_416 = vector.shape_cast %swap3A_415 : vector<1x16xf32> to vector<16xf32>
        %swap3A_417 = vector.shape_cast %add3A_412 : vector<16xf32> to vector<1x16xf32>
        tpu.vector_store %arg14[%swap3A_413, %swap3A_414], %swap3A_417 {strides = array<i32>} : memref<80x128xf32, #tpu.memory_space<vmem>>, vector<1x16xf32>,
        %get3A_418 = arith.index_cast %add3A_361 : i32 to index
        %get3A_419 = arith.constant 64 : index
        %get3A_420 = tpu.vector_load %arg12[%get3A_418, %get3A_419] {strides = array<i32>} : memref<80x128xf32, #tpu.memory_space<vmem>>, vector<1x16xf32>,
        %get3A_421 = vector.shape_cast %get3A_420 : vector<1x16xf32> to vector<16xf32>
        %get3A_422 = arith.index_cast %add3A_361 : i32 to index
        %get3A_423 = arith.constant 64 : index
        %get3A_424 = tpu.vector_load %arg13[%get3A_422, %get3A_423] {strides = array<i32>} : memref<80x128xf32, #tpu.memory_space<vmem>>, vector<1x16xf32>,
        %get3A_425 = vector.shape_cast %get3A_424 : vector<1x16xf32> to vector<16xf32>
        %add3A_426 = arith.addf %get3A_421, %get3A_425 : vector<16xf32>
        %swap3A_427 = arith.index_cast %add3A_361 : i32 to index
        %swap3A_428 = arith.constant 64 : index
        %swap3A_429 = tpu.vector_load %arg14[%swap3A_427, %swap3A_428] {strides = array<i32>} : memref<80x128xf32, #tpu.memory_space<vmem>>, vector<1x16xf32>,
        %swap3A_430 = vector.shape_cast %swap3A_429 : vector<1x16xf32> to vector<16xf32>
        %swap3A_431 = vector.shape_cast %add3A_426 : vector<16xf32> to vector<1x16xf32>
        tpu.vector_store %arg14[%swap3A_427, %swap3A_428], %swap3A_431 {strides = array<i32>} : memref<80x128xf32, #tpu.memory_space<vmem>>, vector<1x16xf32>,
        %get3A_432 = arith.index_cast %add3A_361 : i32 to index
        %get3A_433 = arith.constant 80 : index
        %get3A_434 = tpu.vector_load %arg12[%get3A_432, %get3A_433] {strides = array<i32>} : memref<80x128xf32, #tpu.memory_space<vmem>>, vector<1x16xf32>,
        %get3A_435 = vector.shape_cast %get3A_434 : vector<1x16xf32> to vector<16xf32>
        %get3A_436 = arith.index_cast %add3A_361 : i32 to index
        %get3A_437 = arith.constant 80 : index
        %get3A_438 = tpu.vector_load %arg13[%get3A_436, %get3A_437] {strides = array<i32>} : memref<80x128xf32, #tpu.memory_space<vmem>>, vector<1x16xf32>,
        %get3A_439 = vector.shape_cast %get3A_438 : vector<1x16xf32> to vector<16xf32>
        %add3A_440 = arith.addf %get3A_435, %get3A_439 : vector<16xf32>
        %swap3A_441 = arith.index_cast %add3A_361 : i32 to index
        %swap3A_442 = arith.constant 80 : index
        %swap3A_443 = tpu.vector_load %arg14[%swap3A_441, %swap3A_442] {strides = array<i32>} : memref<80x128xf32, #tpu.memory_space<vmem>>, vector<1x16xf32>,
        %swap3A_444 = vector.shape_cast %swap3A_443 : vector<1x16xf32> to vector<16xf32>
        %swap3A_445 = vector.shape_cast %add3A_440 : vector<16xf32> to vector<1x16xf32>
        tpu.vector_store %arg14[%swap3A_441, %swap3A_442], %swap3A_445 {strides = array<i32>} : memref<80x128xf32, #tpu.memory_space<vmem>>, vector<1x16xf32>,
        %get3A_446 = arith.index_cast %add3A_361 : i32 to index
        %get3A_447 = arith.constant 96 : index
        %get3A_448 = tpu.vector_load %arg12[%get3A_446, %get3A_447] {strides = array<i32>} : memref<80x128xf32, #tpu.memory_space<vmem>>, vector<1x16xf32>,
        %get3A_449 = vector.shape_cast %get3A_448 : vector<1x16xf32> to vector<16xf32>
        %get3A_450 = arith.index_cast %add3A_361 : i32 to index
        %get3A_451 = arith.constant 96 : index
        %get3A_452 = tpu.vector_load %arg13[%get3A_450, %get3A_451] {strides = array<i32>} : memref<80x128xf32, #tpu.memory_space<vmem>>, vector<1x16xf32>,
        %get3A_453 = vector.shape_cast %get3A_452 : vector<1x16xf32> to vector<16xf32>
        %add3A_454 = arith.addf %get3A_449, %get3A_453 : vector<16xf32>
        %swap3A_455 = arith.index_cast %add3A_361 : i32 to index
        %swap3A_456 = arith.constant 96 : index
        %swap3A_457 = tpu.vector_load %arg14[%swap3A_455, %swap3A_456] {strides = array<i32>} : memref<80x128xf32, #tpu.memory_space<vmem>>, vector<1x16xf32>,
        %swap3A_458 = vector.shape_cast %swap3A_457 : vector<1x16xf32> to vector<16xf32>
        %swap3A_459 = vector.shape_cast %add3A_454 : vector<16xf32> to vector<1x16xf32>
        tpu.vector_store %arg14[%swap3A_455, %swap3A_456], %swap3A_459 {strides = array<i32>} : memref<80x128xf32, #tpu.memory_space<vmem>>, vector<1x16xf32>,
        %get3A_460 = arith.index_cast %add3A_361 : i32 to index
        %get3A_461 = arith.constant 112 : index
        %get3A_462 = tpu.vector_load %arg12[%get3A_460, %get3A_461] {strides = array<i32>} : memref<80x128xf32, #tpu.memory_space<vmem>>, vector<1x16xf32>,
        %get3A_463 = vector.shape_cast %get3A_462 : vector<1x16xf32> to vector<16xf32>
        %get3A_464 = arith.index_cast %add3A_361 : i32 to index
        %get3A_465 = arith.constant 112 : index
        %get3A_466 = tpu.vector_load %arg13[%get3A_464, %get3A_465] {strides = array<i32>} : memref<80x128xf32, #tpu.memory_space<vmem>>, vector<1x16xf32>,
        %get3A_467 = vector.shape_cast %get3A_466 : vector<1x16xf32> to vector<16xf32>
        %add3A_468 = arith.addf %get3A_463, %get3A_467 : vector<16xf32>
        %swap3A_469 = arith.index_cast %add3A_361 : i32 to index
        %swap3A_470 = arith.constant 112 : index
        %swap3A_471 = tpu.vector_load %arg14[%swap3A_469, %swap3A_470] {strides = array<i32>} : memref<80x128xf32, #tpu.memory_space<vmem>>, vector<1x16xf32>,
        %swap3A_472 = vector.shape_cast %swap3A_471 : vector<1x16xf32> to vector<16xf32>
        %swap3A_473 = vector.shape_cast %add3A_468 : vector<16xf32> to vector<1x16xf32>
        tpu.vector_store %arg14[%swap3A_469, %swap3A_470], %swap3A_473 {strides = array<i32>} : memref<80x128xf32, #tpu.memory_space<vmem>>, vector<1x16xf32>,
        %mul3A_474 = arith.constant 4 : i32
        %mul3A_475 = arith.muli %scan3A_243, %mul3A_474 : i32
        %add3A_476 = arith.constant 2 : i32
        %add3A_477 = arith.addi %mul3A_475, %add3A_476 : i32
        %get3A_478 = arith.index_cast %add3A_477 : i32 to index
        %get3A_479 = arith.constant 0 : index
        %get3A_480 = tpu.vector_load %arg12[%get3A_478, %get3A_479] {strides = array<i32>} : memref<80x128xf32, #tpu.memory_space<vmem>>, vector<1x16xf32>,
        %get3A_481 = vector.shape_cast %get3A_480 : vector<1x16xf32> to vector<16xf32>
        %get3A_482 = arith.index_cast %add3A_477 : i32 to index
        %get3A_483 = arith.constant 0 : index
        %get3A_484 = tpu.vector_load %arg13[%get3A_482, %get3A_483] {strides = array<i32>} : memref<80x128xf32, #tpu.memory_space<vmem>>, vector<1x16xf32>,
        %get3A_485 = vector.shape_cast %get3A_484 : vector<1x16xf32> to vector<16xf32>
        %add3A_486 = arith.addf %get3A_481, %get3A_485 : vector<16xf32>
        %swap3A_487 = arith.index_cast %add3A_477 : i32 to index
        %swap3A_488 = arith.constant 0 : index
        %swap3A_489 = tpu.vector_load %arg14[%swap3A_487, %swap3A_488] {strides = array<i32>} : memref<80x128xf32, #tpu.memory_space<vmem>>, vector<1x16xf32>,
        %swap3A_490 = vector.shape_cast %swap3A_489 : vector<1x16xf32> to vector<16xf32>
        %swap3A_491 = vector.shape_cast %add3A_486 : vector<16xf32> to vector<1x16xf32>
        tpu.vector_store %arg14[%swap3A_487, %swap3A_488], %swap3A_491 {strides = array<i32>} : memref<80x128xf32, #tpu.memory_space<vmem>>, vector<1x16xf32>,
        %get3A_492 = arith.index_cast %add3A_477 : i32 to index
        %get3A_493 = arith.constant 16 : index
        %get3A_494 = tpu.vector_load %arg12[%get3A_492, %get3A_493] {strides = array<i32>} : memref<80x128xf32, #tpu.memory_space<vmem>>, vector<1x16xf32>,
        %get3A_495 = vector.shape_cast %get3A_494 : vector<1x16xf32> to vector<16xf32>
        %get3A_496 = arith.index_cast %add3A_477 : i32 to index
        %get3A_497 = arith.constant 16 : index
        %get3A_498 = tpu.vector_load %arg13[%get3A_496, %get3A_497] {strides = array<i32>} : memref<80x128xf32, #tpu.memory_space<vmem>>, vector<1x16xf32>,
        %get3A_499 = vector.shape_cast %get3A_498 : vector<1x16xf32> to vector<16xf32>
        %add3A_500 = arith.addf %get3A_495, %get3A_499 : vector<16xf32>
        %swap3A_501 = arith.index_cast %add3A_477 : i32 to index
        %swap3A_502 = arith.constant 16 : index
        %swap3A_503 = tpu.vector_load %arg14[%swap3A_501, %swap3A_502] {strides = array<i32>} : memref<80x128xf32, #tpu.memory_space<vmem>>, vector<1x16xf32>,
        %swap3A_504 = vector.shape_cast %swap3A_503 : vector<1x16xf32> to vector<16xf32>
        %swap3A_505 = vector.shape_cast %add3A_500 : vector<16xf32> to vector<1x16xf32>
        tpu.vector_store %arg14[%swap3A_501, %swap3A_502], %swap3A_505 {strides = array<i32>} : memref<80x128xf32, #tpu.memory_space<vmem>>, vector<1x16xf32>,
        %get3A_506 = arith.index_cast %add3A_477 : i32 to index
        %get3A_507 = arith.constant 32 : index
        %get3A_508 = tpu.vector_load %arg12[%get3A_506, %get3A_507] {strides = array<i32>} : memref<80x128xf32, #tpu.memory_space<vmem>>, vector<1x16xf32>,
        %get3A_509 = vector.shape_cast %get3A_508 : vector<1x16xf32> to vector<16xf32>
        %get3A_510 = arith.index_cast %add3A_477 : i32 to index
        %get3A_511 = arith.constant 32 : index
        %get3A_512 = tpu.vector_load %arg13[%get3A_510, %get3A_511] {strides = array<i32>} : memref<80x128xf32, #tpu.memory_space<vmem>>, vector<1x16xf32>,
        %get3A_513 = vector.shape_cast %get3A_512 : vector<1x16xf32> to vector<16xf32>
        %add3A_514 = arith.addf %get3A_509, %get3A_513 : vector<16xf32>
        %swap3A_515 = arith.index_cast %add3A_477 : i32 to index
        %swap3A_516 = arith.constant 32 : index
        %swap3A_517 = tpu.vector_load %arg14[%swap3A_515, %swap3A_516] {strides = array<i32>} : memref<80x128xf32, #tpu.memory_space<vmem>>, vector<1x16xf32>,
        %swap3A_518 = vector.shape_cast %swap3A_517 : vector<1x16xf32> to vector<16xf32>
        %swap3A_519 = vector.shape_cast %add3A_514 : vector<16xf32> to vector<1x16xf32>
        tpu.vector_store %arg14[%swap3A_515, %swap3A_516], %swap3A_519 {strides = array<i32>} : memref<80x128xf32, #tpu.memory_space<vmem>>, vector<1x16xf32>,
        %get3A_520 = arith.index_cast %add3A_477 : i32 to index
        %get3A_521 = arith.constant 48 : index
        %get3A_522 = tpu.vector_load %arg12[%get3A_520, %get3A_521] {strides = array<i32>} : memref<80x128xf32, #tpu.memory_space<vmem>>, vector<1x16xf32>,
        %get3A_523 = vector.shape_cast %get3A_522 : vector<1x16xf32> to vector<16xf32>
        %get3A_524 = arith.index_cast %add3A_477 : i32 to index
        %get3A_525 = arith.constant 48 : index
        %get3A_526 = tpu.vector_load %arg13[%get3A_524, %get3A_525] {strides = array<i32>} : memref<80x128xf32, #tpu.memory_space<vmem>>, vector<1x16xf32>,
        %get3A_527 = vector.shape_cast %get3A_526 : vector<1x16xf32> to vector<16xf32>
        %add3A_528 = arith.addf %get3A_523, %get3A_527 : vector<16xf32>
        %swap3A_529 = arith.index_cast %add3A_477 : i32 to index
        %swap3A_530 = arith.constant 48 : index
        %swap3A_531 = tpu.vector_load %arg14[%swap3A_529, %swap3A_530] {strides = array<i32>} : memref<80x128xf32, #tpu.memory_space<vmem>>, vector<1x16xf32>,
        %swap3A_532 = vector.shape_cast %swap3A_531 : vector<1x16xf32> to vector<16xf32>
        %swap3A_533 = vector.shape_cast %add3A_528 : vector<16xf32> to vector<1x16xf32>
        tpu.vector_store %arg14[%swap3A_529, %swap3A_530], %swap3A_533 {strides = array<i32>} : memref<80x128xf32, #tpu.memory_space<vmem>>, vector<1x16xf32>,
        %get3A_534 = arith.index_cast %add3A_477 : i32 to index
        %get3A_535 = arith.constant 64 : index
        %get3A_536 = tpu.vector_load %arg12[%get3A_534, %get3A_535] {strides = array<i32>} : memref<80x128xf32, #tpu.memory_space<vmem>>, vector<1x16xf32>,
        %get3A_537 = vector.shape_cast %get3A_536 : vector<1x16xf32> to vector<16xf32>
        %get3A_538 = arith.index_cast %add3A_477 : i32 to index
        %get3A_539 = arith.constant 64 : index
        %get3A_540 = tpu.vector_load %arg13[%get3A_538, %get3A_539] {strides = array<i32>} : memref<80x128xf32, #tpu.memory_space<vmem>>, vector<1x16xf32>,
        %get3A_541 = vector.shape_cast %get3A_540 : vector<1x16xf32> to vector<16xf32>
        %add3A_542 = arith.addf %get3A_537, %get3A_541 : vector<16xf32>
        %swap3A_543 = arith.index_cast %add3A_477 : i32 to index
        %swap3A_544 = arith.constant 64 : index
        %swap3A_545 = tpu.vector_load %arg14[%swap3A_543, %swap3A_544] {strides = array<i32>} : memref<80x128xf32, #tpu.memory_space<vmem>>, vector<1x16xf32>,
        %swap3A_546 = vector.shape_cast %swap3A_545 : vector<1x16xf32> to vector<16xf32>
        %swap3A_547 = vector.shape_cast %add3A_542 : vector<16xf32> to vector<1x16xf32>
        tpu.vector_store %arg14[%swap3A_543, %swap3A_544], %swap3A_547 {strides = array<i32>} : memref<80x128xf32, #tpu.memory_space<vmem>>, vector<1x16xf32>,
        %get3A_548 = arith.index_cast %add3A_477 : i32 to index
        %get3A_549 = arith.constant 80 : index
        %get3A_550 = tpu.vector_load %arg12[%get3A_548, %get3A_549] {strides = array<i32>} : memref<80x128xf32, #tpu.memory_space<vmem>>, vector<1x16xf32>,
        %get3A_551 = vector.shape_cast %get3A_550 : vector<1x16xf32> to vector<16xf32>
        %get3A_552 = arith.index_cast %add3A_477 : i32 to index
        %get3A_553 = arith.constant 80 : index
        %get3A_554 = tpu.vector_load %arg13[%get3A_552, %get3A_553] {strides = array<i32>} : memref<80x128xf32, #tpu.memory_space<vmem>>, vector<1x16xf32>,
        %get3A_555 = vector.shape_cast %get3A_554 : vector<1x16xf32> to vector<16xf32>
        %add3A_556 = arith.addf %get3A_551, %get3A_555 : vector<16xf32>
        %swap3A_557 = arith.index_cast %add3A_477 : i32 to index
        %swap3A_558 = arith.constant 80 : index
        %swap3A_559 = tpu.vector_load %arg14[%swap3A_557, %swap3A_558] {strides = array<i32>} : memref<80x128xf32, #tpu.memory_space<vmem>>, vector<1x16xf32>,
        %swap3A_560 = vector.shape_cast %swap3A_559 : vector<1x16xf32> to vector<16xf32>
        %swap3A_561 = vector.shape_cast %add3A_556 : vector<16xf32> to vector<1x16xf32>
        tpu.vector_store %arg14[%swap3A_557, %swap3A_558], %swap3A_561 {strides = array<i32>} : memref<80x128xf32, #tpu.memory_space<vmem>>, vector<1x16xf32>,
        %get3A_562 = arith.index_cast %add3A_477 : i32 to index
        %get3A_563 = arith.constant 96 : index
        %get3A_564 = tpu.vector_load %arg12[%get3A_562, %get3A_563] {strides = array<i32>} : memref<80x128xf32, #tpu.memory_space<vmem>>, vector<1x16xf32>,
        %get3A_565 = vector.shape_cast %get3A_564 : vector<1x16xf32> to vector<16xf32>
        %get3A_566 = arith.index_cast %add3A_477 : i32 to index
        %get3A_567 = arith.constant 96 : index
        %get3A_568 = tpu.vector_load %arg13[%get3A_566, %get3A_567] {strides = array<i32>} : memref<80x128xf32, #tpu.memory_space<vmem>>, vector<1x16xf32>,
        %get3A_569 = vector.shape_cast %get3A_568 : vector<1x16xf32> to vector<16xf32>
        %add3A_570 = arith.addf %get3A_565, %get3A_569 : vector<16xf32>
        %swap3A_571 = arith.index_cast %add3A_477 : i32 to index
        %swap3A_572 = arith.constant 96 : index
        %swap3A_573 = tpu.vector_load %arg14[%swap3A_571, %swap3A_572] {strides = array<i32>} : memref<80x128xf32, #tpu.memory_space<vmem>>, vector<1x16xf32>,
        %swap3A_574 = vector.shape_cast %swap3A_573 : vector<1x16xf32> to vector<16xf32>
        %swap3A_575 = vector.shape_cast %add3A_570 : vector<16xf32> to vector<1x16xf32>
        tpu.vector_store %arg14[%swap3A_571, %swap3A_572], %swap3A_575 {strides = array<i32>} : memref<80x128xf32, #tpu.memory_space<vmem>>, vector<1x16xf32>,
        %get3A_576 = arith.index_cast %add3A_477 : i32 to index
        %get3A_577 = arith.constant 112 : index
        %get3A_578 = tpu.vector_load %arg12[%get3A_576, %get3A_577] {strides = array<i32>} : memref<80x128xf32, #tpu.memory_space<vmem>>, vector<1x16xf32>,
        %get3A_579 = vector.shape_cast %get3A_578 : vector<1x16xf32> to vector<16xf32>
        %get3A_580 = arith.index_cast %add3A_477 : i32 to index
        %get3A_581 = arith.constant 112 : index
        %get3A_582 = tpu.vector_load %arg13[%get3A_580, %get3A_581] {strides = array<i32>} : memref<80x128xf32, #tpu.memory_space<vmem>>, vector<1x16xf32>,
        %get3A_583 = vector.shape_cast %get3A_582 : vector<1x16xf32> to vector<16xf32>
        %add3A_584 = arith.addf %get3A_579, %get3A_583 : vector<16xf32>
        %swap3A_585 = arith.index_cast %add3A_477 : i32 to index
        %swap3A_586 = arith.constant 112 : index
        %swap3A_587 = tpu.vector_load %arg14[%swap3A_585, %swap3A_586] {strides = array<i32>} : memref<80x128xf32, #tpu.memory_space<vmem>>, vector<1x16xf32>,
        %swap3A_588 = vector.shape_cast %swap3A_587 : vector<1x16xf32> to vector<16xf32>
        %swap3A_589 = vector.shape_cast %add3A_584 : vector<16xf32> to vector<1x16xf32>
        tpu.vector_store %arg14[%swap3A_585, %swap3A_586], %swap3A_589 {strides = array<i32>} : memref<80x128xf32, #tpu.memory_space<vmem>>, vector<1x16xf32>,
        %mul3A_590 = arith.constant 4 : i32
        %mul3A_591 = arith.muli %scan3A_243, %mul3A_590 : i32
        %add3A_592 = arith.constant 3 : i32
        %add3A_593 = arith.addi %mul3A_591, %add3A_592 : i32
        %get3A_594 = arith.index_cast %add3A_593 : i32 to index
        %get3A_595 = arith.constant 0 : index
        %get3A_596 = tpu.vector_load %arg12[%get3A_594, %get3A_595] {strides = array<i32>} : memref<80x128xf32, #tpu.memory_space<vmem>>, vector<1x16xf32>,
        %get3A_597 = vector.shape_cast %get3A_596 : vector<1x16xf32> to vector<16xf32>
        %get3A_598 = arith.index_cast %add3A_593 : i32 to index
        %get3A_599 = arith.constant 0 : index
        %get3A_600 = tpu.vector_load %arg13[%get3A_598, %get3A_599] {strides = array<i32>} : memref<80x128xf32, #tpu.memory_space<vmem>>, vector<1x16xf32>,
        %get3A_601 = vector.shape_cast %get3A_600 : vector<1x16xf32> to vector<16xf32>
        %add3A_602 = arith.addf %get3A_597, %get3A_601 : vector<16xf32>
        %swap3A_603 = arith.index_cast %add3A_593 : i32 to index
        %swap3A_604 = arith.constant 0 : index
        %swap3A_605 = tpu.vector_load %arg14[%swap3A_603, %swap3A_604] {strides = array<i32>} : memref<80x128xf32, #tpu.memory_space<vmem>>, vector<1x16xf32>,
        %swap3A_606 = vector.shape_cast %swap3A_605 : vector<1x16xf32> to vector<16xf32>
        %swap3A_607 = vector.shape_cast %add3A_602 : vector<16xf32> to vector<1x16xf32>
        tpu.vector_store %arg14[%swap3A_603, %swap3A_604], %swap3A_607 {strides = array<i32>} : memref<80x128xf32, #tpu.memory_space<vmem>>, vector<1x16xf32>,
        %get3A_608 = arith.index_cast %add3A_593 : i32 to index
        %get3A_609 = arith.constant 16 : index
        %get3A_610 = tpu.vector_load %arg12[%get3A_608, %get3A_609] {strides = array<i32>} : memref<80x128xf32, #tpu.memory_space<vmem>>, vector<1x16xf32>,
        %get3A_611 = vector.shape_cast %get3A_610 : vector<1x16xf32> to vector<16xf32>
        %get3A_612 = arith.index_cast %add3A_593 : i32 to index
        %get3A_613 = arith.constant 16 : index
        %get3A_614 = tpu.vector_load %arg13[%get3A_612, %get3A_613] {strides = array<i32>} : memref<80x128xf32, #tpu.memory_space<vmem>>, vector<1x16xf32>,
        %get3A_615 = vector.shape_cast %get3A_614 : vector<1x16xf32> to vector<16xf32>
        %add3A_616 = arith.addf %get3A_611, %get3A_615 : vector<16xf32>
        %swap3A_617 = arith.index_cast %add3A_593 : i32 to index
        %swap3A_618 = arith.constant 16 : index
        %swap3A_619 = tpu.vector_load %arg14[%swap3A_617, %swap3A_618] {strides = array<i32>} : memref<80x128xf32, #tpu.memory_space<vmem>>, vector<1x16xf32>,
        %swap3A_620 = vector.shape_cast %swap3A_619 : vector<1x16xf32> to vector<16xf32>
        %swap3A_621 = vector.shape_cast %add3A_616 : vector<16xf32> to vector<1x16xf32>
        tpu.vector_store %arg14[%swap3A_617, %swap3A_618], %swap3A_621 {strides = array<i32>} : memref<80x128xf32, #tpu.memory_space<vmem>>, vector<1x16xf32>,
        %get3A_622 = arith.index_cast %add3A_593 : i32 to index
        %get3A_623 = arith.constant 32 : index
        %get3A_624 = tpu.vector_load %arg12[%get3A_622, %get3A_623] {strides = array<i32>} : memref<80x128xf32, #tpu.memory_space<vmem>>, vector<1x16xf32>,
        %get3A_625 = vector.shape_cast %get3A_624 : vector<1x16xf32> to vector<16xf32>
        %get3A_626 = arith.index_cast %add3A_593 : i32 to index
        %get3A_627 = arith.constant 32 : index
        %get3A_628 = tpu.vector_load %arg13[%get3A_626, %get3A_627] {strides = array<i32>} : memref<80x128xf32, #tpu.memory_space<vmem>>, vector<1x16xf32>,
        %get3A_629 = vector.shape_cast %get3A_628 : vector<1x16xf32> to vector<16xf32>
        %add3A_630 = arith.addf %get3A_625, %get3A_629 : vector<16xf32>
        %swap3A_631 = arith.index_cast %add3A_593 : i32 to index
        %swap3A_632 = arith.constant 32 : index
        %swap3A_633 = tpu.vector_load %arg14[%swap3A_631, %swap3A_632] {strides = array<i32>} : memref<80x128xf32, #tpu.memory_space<vmem>>, vector<1x16xf32>,
        %swap3A_634 = vector.shape_cast %swap3A_633 : vector<1x16xf32> to vector<16xf32>
        %swap3A_635 = vector.shape_cast %add3A_630 : vector<16xf32> to vector<1x16xf32>
        tpu.vector_store %arg14[%swap3A_631, %swap3A_632], %swap3A_635 {strides = array<i32>} : memref<80x128xf32, #tpu.memory_space<vmem>>, vector<1x16xf32>,
        %get3A_636 = arith.index_cast %add3A_593 : i32 to index
        %get3A_637 = arith.constant 48 : index
        %get3A_638 = tpu.vector_load %arg12[%get3A_636, %get3A_637] {strides = array<i32>} : memref<80x128xf32, #tpu.memory_space<vmem>>, vector<1x16xf32>,
        %get3A_639 = vector.shape_cast %get3A_638 : vector<1x16xf32> to vector<16xf32>
        %get3A_640 = arith.index_cast %add3A_593 : i32 to index
        %get3A_641 = arith.constant 48 : index
        %get3A_642 = tpu.vector_load %arg13[%get3A_640, %get3A_641] {strides = array<i32>} : memref<80x128xf32, #tpu.memory_space<vmem>>, vector<1x16xf32>,
        %get3A_643 = vector.shape_cast %get3A_642 : vector<1x16xf32> to vector<16xf32>
        %add3A_644 = arith.addf %get3A_639, %get3A_643 : vector<16xf32>
        %swap3A_645 = arith.index_cast %add3A_593 : i32 to index
        %swap3A_646 = arith.constant 48 : index
        %swap3A_647 = tpu.vector_load %arg14[%swap3A_645, %swap3A_646] {strides = array<i32>} : memref<80x128xf32, #tpu.memory_space<vmem>>, vector<1x16xf32>,
        %swap3A_648 = vector.shape_cast %swap3A_647 : vector<1x16xf32> to vector<16xf32>
        %swap3A_649 = vector.shape_cast %add3A_644 : vector<16xf32> to vector<1x16xf32>
        tpu.vector_store %arg14[%swap3A_645, %swap3A_646], %swap3A_649 {strides = array<i32>} : memref<80x128xf32, #tpu.memory_space<vmem>>, vector<1x16xf32>,
        %get3A_650 = arith.index_cast %add3A_593 : i32 to index
        %get3A_651 = arith.constant 64 : index
        %get3A_652 = tpu.vector_load %arg12[%get3A_650, %get3A_651] {strides = array<i32>} : memref<80x128xf32, #tpu.memory_space<vmem>>, vector<1x16xf32>,
        %get3A_653 = vector.shape_cast %get3A_652 : vector<1x16xf32> to vector<16xf32>
        %get3A_654 = arith.index_cast %add3A_593 : i32 to index
        %get3A_655 = arith.constant 64 : index
        %get3A_656 = tpu.vector_load %arg13[%get3A_654, %get3A_655] {strides = array<i32>} : memref<80x128xf32, #tpu.memory_space<vmem>>, vector<1x16xf32>,
        %get3A_657 = vector.shape_cast %get3A_656 : vector<1x16xf32> to vector<16xf32>
        %add3A_658 = arith.addf %get3A_653, %get3A_657 : vector<16xf32>
        %swap3A_659 = arith.index_cast %add3A_593 : i32 to index
        %swap3A_660 = arith.constant 64 : index
        %swap3A_661 = tpu.vector_load %arg14[%swap3A_659, %swap3A_660] {strides = array<i32>} : memref<80x128xf32, #tpu.memory_space<vmem>>, vector<1x16xf32>,
        %swap3A_662 = vector.shape_cast %swap3A_661 : vector<1x16xf32> to vector<16xf32>
        %swap3A_663 = vector.shape_cast %add3A_658 : vector<16xf32> to vector<1x16xf32>
        tpu.vector_store %arg14[%swap3A_659, %swap3A_660], %swap3A_663 {strides = array<i32>} : memref<80x128xf32, #tpu.memory_space<vmem>>, vector<1x16xf32>,
        %get3A_664 = arith.index_cast %add3A_593 : i32 to index
        %get3A_665 = arith.constant 80 : index
        %get3A_666 = tpu.vector_load %arg12[%get3A_664, %get3A_665] {strides = array<i32>} : memref<80x128xf32, #tpu.memory_space<vmem>>, vector<1x16xf32>,
        %get3A_667 = vector.shape_cast %get3A_666 : vector<1x16xf32> to vector<16xf32>
        %get3A_668 = arith.index_cast %add3A_593 : i32 to index
        %get3A_669 = arith.constant 80 : index
        %get3A_670 = tpu.vector_load %arg13[%get3A_668, %get3A_669] {strides = array<i32>} : memref<80x128xf32, #tpu.memory_space<vmem>>, vector<1x16xf32>,
        %get3A_671 = vector.shape_cast %get3A_670 : vector<1x16xf32> to vector<16xf32>
        %add3A_672 = arith.addf %get3A_667, %get3A_671 : vector<16xf32>
        %swap3A_673 = arith.index_cast %add3A_593 : i32 to index
        %swap3A_674 = arith.constant 80 : index
        %swap3A_675 = tpu.vector_load %arg14[%swap3A_673, %swap3A_674] {strides = array<i32>} : memref<80x128xf32, #tpu.memory_space<vmem>>, vector<1x16xf32>,
        %swap3A_676 = vector.shape_cast %swap3A_675 : vector<1x16xf32> to vector<16xf32>
        %swap3A_677 = vector.shape_cast %add3A_672 : vector<16xf32> to vector<1x16xf32>
        tpu.vector_store %arg14[%swap3A_673, %swap3A_674], %swap3A_677 {strides = array<i32>} : memref<80x128xf32, #tpu.memory_space<vmem>>, vector<1x16xf32>,
        %get3A_678 = arith.index_cast %add3A_593 : i32 to index
        %get3A_679 = arith.constant 96 : index
        %get3A_680 = tpu.vector_load %arg12[%get3A_678, %get3A_679] {strides = array<i32>} : memref<80x128xf32, #tpu.memory_space<vmem>>, vector<1x16xf32>,
        %get3A_681 = vector.shape_cast %get3A_680 : vector<1x16xf32> to vector<16xf32>
        %get3A_682 = arith.index_cast %add3A_593 : i32 to index
        %get3A_683 = arith.constant 96 : index
        %get3A_684 = tpu.vector_load %arg13[%get3A_682, %get3A_683] {strides = array<i32>} : memref<80x128xf32, #tpu.memory_space<vmem>>, vector<1x16xf32>,
        %get3A_685 = vector.shape_cast %get3A_684 : vector<1x16xf32> to vector<16xf32>
        %add3A_686 = arith.addf %get3A_681, %get3A_685 : vector<16xf32>
        %swap3A_687 = arith.index_cast %add3A_593 : i32 to index
        %swap3A_688 = arith.constant 96 : index
        %swap3A_689 = tpu.vector_load %arg14[%swap3A_687, %swap3A_688] {strides = array<i32>} : memref<80x128xf32, #tpu.memory_space<vmem>>, vector<1x16xf32>,
        %swap3A_690 = vector.shape_cast %swap3A_689 : vector<1x16xf32> to vector<16xf32>
        %swap3A_691 = vector.shape_cast %add3A_686 : vector<16xf32> to vector<1x16xf32>
        tpu.vector_store %arg14[%swap3A_687, %swap3A_688], %swap3A_691 {strides = array<i32>} : memref<80x128xf32, #tpu.memory_space<vmem>>, vector<1x16xf32>,
        %get3A_692 = arith.index_cast %add3A_593 : i32 to index
        %get3A_693 = arith.constant 112 : index
        %get3A_694 = tpu.vector_load %arg12[%get3A_692, %get3A_693] {strides = array<i32>} : memref<80x128xf32, #tpu.memory_space<vmem>>, vector<1x16xf32>,
        %get3A_695 = vector.shape_cast %get3A_694 : vector<1x16xf32> to vector<16xf32>
        %get3A_696 = arith.index_cast %add3A_593 : i32 to index
        %get3A_697 = arith.constant 112 : index
        %get3A_698 = tpu.vector_load %arg13[%get3A_696, %get3A_697] {strides = array<i32>} : memref<80x128xf32, #tpu.memory_space<vmem>>, vector<1x16xf32>,
        %get3A_699 = vector.shape_cast %get3A_698 : vector<1x16xf32> to vector<16xf32>
        %add3A_700 = arith.addf %get3A_695, %get3A_699 : vector<16xf32>
        %swap3A_701 = arith.index_cast %add3A_593 : i32 to index
        %swap3A_702 = arith.constant 112 : index
        %swap3A_703 = tpu.vector_load %arg14[%swap3A_701, %swap3A_702] {strides = array<i32>} : memref<80x128xf32, #tpu.memory_space<vmem>>, vector<1x16xf32>,
        %swap3A_704 = vector.shape_cast %swap3A_703 : vector<1x16xf32> to vector<16xf32>
        %swap3A_705 = vector.shape_cast %add3A_700 : vector<16xf32> to vector<1x16xf32>
        tpu.vector_store %arg14[%swap3A_701, %swap3A_702], %swap3A_705 {strides = array<i32>} : memref<80x128xf32, #tpu.memory_space<vmem>>, vector<1x16xf32>,
      }
      %scan3A_228 = arith.constant 20 : i32
      %mul3A_229 = arith.constant 80 : i32
      %mul3A_230 = arith.muli %add3A_201, %mul3A_229 : i32
      %add3A_231 = arith.addi %mul3A_2, %mul3A_230 : i32
      %dma_start3A_232 = arith.constant 0 : i32
      %dma_start3A_233 = tpu.memref_slice %arg6[%add3A_231, %dma_start3A_232] : memref<320000x128xf32, #tpu.memory_space<hbm>> -> memref<80x128xf32, #tpu.memory_space<hbm>>
      %dma_start3A_234 = arith.constant 0 : i32
      %dma_start3A_235 = tpu.memref_slice %arg6[%add3A_231, %dma_start3A_234] : memref<320000x128xf32, #tpu.memory_space<hbm>> -> memref<80x128xf32, #tpu.memory_space<hbm>>
      tpu.enqueue_dma source(%arg14 : memref<80x128xf32, #tpu.memory_space<vmem>>) target(%dma_start3A_235 : memref<80x128xf32, #tpu.memory_space<hbm>>) target_semaphore(%arg20 : memref<!tpu.dma_semaphore, #tpu.memory_space<semaphore_mem>>)
      %add3A_236 = arith.constant 2 : i32
      %add3A_237 = arith.addi %add3A_201, %add3A_236 : i32
      %lt3A_238 = arith.constant 125 : i32
      %lt3A_239 = arith.cmpi slt, %add3A_237, %lt3A_238 : i32
      %convert_element_type3A_240 = arith.extui %lt3A_239 : i1 to i32
      %cond3A_241 = arith.constant 0 : i32
      %cond3A_242 = arith.cmpi ne, %convert_element_type3A_240, %cond3A_241 : i32
      scf.if %cond3A_242 {
        %add3A_243 = arith.constant 2 : i32
        %add3A_244 = arith.addi %add3A_201, %add3A_243 : i32
        %dma_start3A_245 = arith.constant 0 : i32
        %dma_start3A_246 = tpu.memref_slice %arg7[%add3A_244, %dma_start3A_245] : memref<125x80xi32, #tpu.memory_space<vmem>> -> memref<1x80xi32, #tpu.memory_space<vmem>>
        %dma_start3A_247 = tpu.memref_squeeze %dma_start3A_246 : memref<1x80xi32, #tpu.memory_space<vmem>> -> memref<80xi32, #tpu.memory_space<vmem>>
        %dma_start3A_248 = arith.constant 0 : i32
        %dma_start3A_249 = arith.constant 0 : i32
        %dma_start3A_250 = tpu.memref_slice %arg2[%dma_start3A_248, %dma_start3A_249] : memref<10000x128xf32, #tpu.memory_space<hbm>> -> memref<10000x128xf32, #tpu.memory_space<hbm>>
        tpu.enqueue_indirect_dma source(%dma_start3A_250 : memref<10000x128xf32, #tpu.memory_space<hbm>>) target(%arg12 : memref<80x128xf32, #tpu.memory_space<vmem>>) offsets(%dma_start3A_247 : memref<80xi32, #tpu.memory_space<vmem>>) semaphore(%arg18 : memref<!tpu.dma_semaphore, #tpu.memory_space<semaphore_mem>>)
        %dma_start3A_251 = arith.constant 0 : i32
        %dma_start3A_252 = tpu.memref_slice %arg8[%add3A_244, %dma_start3A_251] : memref<125x80xi32, #tpu.memory_space<vmem>> -> memref<1x80xi32, #tpu.memory_space<vmem>>
        %dma_start3A_253 = tpu.memref_squeeze %dma_start3A_252 : memref<1x80xi32, #tpu.memory_space<vmem>> -> memref<80xi32, #tpu.memory_space<vmem>>
        %dma_start3A_254 = arith.constant 0 : i32
        %dma_start3A_255 = arith.constant 0 : i32
        %dma_start3A_256 = tpu.memref_slice %arg3[%dma_start3A_254, %dma_start3A_255] : memref<10000x128xf32, #tpu.memory_space<hbm>> -> memref<10000x128xf32, #tpu.memory_space<hbm>>
        tpu.enqueue_indirect_dma source(%dma_start3A_256 : memref<10000x128xf32, #tpu.memory_space<hbm>>) target(%arg13 : memref<80x128xf32, #tpu.memory_space<vmem>>) offsets(%dma_start3A_253 : memref<80xi32, #tpu.memory_space<vmem>>) semaphore(%arg19 : memref<!tpu.dma_semaphore, #tpu.memory_space<semaphore_mem>>)
      } else {
      }
    }
    %scan3A_113 = arith.constant 61 : i32
    %dma_wait3A_114 = arith.constant 124 : i32
    %dma_wait3A_115 = arith.constant 0 : i32
    %dma_wait3A_116 = tpu.memref_slice %arg7[%dma_wait3A_114, %dma_wait3A_115] : memref<125x80xi32, #tpu.memory_space<vmem>> -> memref<1x80xi32, #tpu.memory_space<vmem>>
    %dma_wait3A_117 = tpu.memref_squeeze %dma_wait3A_116 : memref<1x80xi32, #tpu.memory_space<vmem>> -> memref<80xi32, #tpu.memory_space<vmem>>
    %dma_wait3A_118 = arith.constant 0 : i32
    %dma_wait3A_119 = arith.constant 0 : i32
    %dma_wait3A_120 = tpu.memref_slice %arg2[%dma_wait3A_118, %dma_wait3A_119] : memref<10000x128xf32, #tpu.memory_space<hbm>> -> memref<10000x128xf32, #tpu.memory_space<hbm>>
    tpu.wait_indirect_dma semaphore(%arg15 : memref<!tpu.dma_semaphore, #tpu.memory_space<semaphore_mem>>) src(%dma_wait3A_120 : memref<10000x128xf32, #tpu.memory_space<hbm>>) dst(%arg9 : memref<80x128xf32, #tpu.memory_space<vmem>>)
    %dma_wait3A_121 = arith.constant 124 : i32
    %dma_wait3A_122 = arith.constant 0 : i32
    %dma_wait3A_123 = tpu.memref_slice %arg8[%dma_wait3A_121, %dma_wait3A_122] : memref<125x80xi32, #tpu.memory_space<vmem>> -> memref<1x80xi32, #tpu.memory_space<vmem>>
    %dma_wait3A_124 = tpu.memref_squeeze %dma_wait3A_123 : memref<1x80xi32, #tpu.memory_space<vmem>> -> memref<80xi32, #tpu.memory_space<vmem>>
    %dma_wait3A_125 = arith.constant 0 : i32
    %dma_wait3A_126 = arith.constant 0 : i32
    %dma_wait3A_127 = tpu.memref_slice %arg3[%dma_wait3A_125, %dma_wait3A_126] : memref<10000x128xf32, #tpu.memory_space<hbm>> -> memref<10000x128xf32, #tpu.memory_space<hbm>>
    tpu.wait_indirect_dma semaphore(%arg16 : memref<!tpu.dma_semaphore, #tpu.memory_space<semaphore_mem>>) src(%dma_wait3A_127 : memref<10000x128xf32, #tpu.memory_space<hbm>>) dst(%arg10 : memref<80x128xf32, #tpu.memory_space<vmem>>)
    %add3A_128 = arith.constant 9760 : i32
    %add3A_129 = arith.addi %mul3A_2, %add3A_128 : i32
    %dma_wait3A_130 = arith.constant 0 : i32
    %dma_wait3A_131 = tpu.memref_slice %arg6[%add3A_129, %dma_wait3A_130] : memref<320000x128xf32, #tpu.memory_space<hbm>> -> memref<80x128xf32, #tpu.memory_space<hbm>>
    %dma_wait3A_132 = arith.constant 0 : i32
    %dma_wait3A_133 = tpu.memref_slice %arg6[%add3A_129, %dma_wait3A_132] : memref<320000x128xf32, #tpu.memory_space<hbm>> -> memref<80x128xf32, #tpu.memory_space<hbm>>
    tpu.wait_dma2 semaphore(%arg17 : memref<!tpu.dma_semaphore, #tpu.memory_space<semaphore_mem>>) src(%arg11 : memref<80x128xf32, #tpu.memory_space<vmem>>) dst(%dma_wait3A_133 : memref<80x128xf32, #tpu.memory_space<hbm>>)
    %scan3A_134 = arith.constant 0 : i32
    %scan3A_135 = arith.constant 0 : i32
    %scan3A_136 = arith.constant 20 : i32
    %scan3A_137 = arith.addi %scan3A_135, %scan3A_136 : i32
    %scan3A_138 = arith.constant 1 : i32
    scf.for %scan3A_158 = %scan3A_135 to %scan3A_137 step %scan3A_138  : i32 {
      %mul3A_159 = arith.constant 4 : i32
      %mul3A_160 = arith.muli %scan3A_158, %mul3A_159 : i32
      %add3A_161 = arith.constant 0 : i32
      %add3A_162 = arith.addi %mul3A_160, %add3A_161 : i32
      %get3A = arith.index_cast %add3A_162 : i32 to index
      %get3A_163 = arith.constant 0 : index
      %get3A_164 = tpu.vector_load %arg9[%get3A, %get3A_163] {strides = array<i32>} : memref<80x128xf32, #tpu.memory_space<vmem>>, vector<1x16xf32>,
      %get3A_165 = vector.shape_cast %get3A_164 : vector<1x16xf32> to vector<16xf32>
      %get3A_166 = arith.index_cast %add3A_162 : i32 to index
      %get3A_167 = arith.constant 0 : index
      %get3A_168 = tpu.vector_load %arg10[%get3A_166, %get3A_167] {strides = array<i32>} : memref<80x128xf32, #tpu.memory_space<vmem>>, vector<1x16xf32>,
      %get3A_169 = vector.shape_cast %get3A_168 : vector<1x16xf32> to vector<16xf32>
      %add3A_170 = arith.addf %get3A_165, %get3A_169 : vector<16xf32>
      %swap3A = arith.index_cast %add3A_162 : i32 to index
      %swap3A_171 = arith.constant 0 : index
      %swap3A_172 = tpu.vector_load %arg11[%swap3A, %swap3A_171] {strides = array<i32>} : memref<80x128xf32, #tpu.memory_space<vmem>>, vector<1x16xf32>,
      %swap3A_173 = vector.shape_cast %swap3A_172 : vector<1x16xf32> to vector<16xf32>
      %swap3A_174 = vector.shape_cast %add3A_170 : vector<16xf32> to vector<1x16xf32>
      tpu.vector_store %arg11[%swap3A, %swap3A_171], %swap3A_174 {strides = array<i32>} : memref<80x128xf32, #tpu.memory_space<vmem>>, vector<1x16xf32>,
      %get3A_175 = arith.index_cast %add3A_162 : i32 to index
      %get3A_176 = arith.constant 16 : index
      %get3A_177 = tpu.vector_load %arg9[%get3A_175, %get3A_176] {strides = array<i32>} : memref<80x128xf32, #tpu.memory_space<vmem>>, vector<1x16xf32>,
      %get3A_178 = vector.shape_cast %get3A_177 : vector<1x16xf32> to vector<16xf32>
      %get3A_179 = arith.index_cast %add3A_162 : i32 to index
      %get3A_180 = arith.constant 16 : index
      %get3A_181 = tpu.vector_load %arg10[%get3A_179, %get3A_180] {strides = array<i32>} : memref<80x128xf32, #tpu.memory_space<vmem>>, vector<1x16xf32>,
      %get3A_182 = vector.shape_cast %get3A_181 : vector<1x16xf32> to vector<16xf32>
      %add3A_183 = arith.addf %get3A_178, %get3A_182 : vector<16xf32>
      %swap3A_184 = arith.index_cast %add3A_162 : i32 to index
      %swap3A_185 = arith.constant 16 : index
      %swap3A_186 = tpu.vector_load %arg11[%swap3A_184, %swap3A_185] {strides = array<i32>} : memref<80x128xf32, #tpu.memory_space<vmem>>, vector<1x16xf32>,
      %swap3A_187 = vector.shape_cast %swap3A_186 : vector<1x16xf32> to vector<16xf32>
      %swap3A_188 = vector.shape_cast %add3A_183 : vector<16xf32> to vector<1x16xf32>
      tpu.vector_store %arg11[%swap3A_184, %swap3A_185], %swap3A_188 {strides = array<i32>} : memref<80x128xf32, #tpu.memory_space<vmem>>, vector<1x16xf32>,
      %get3A_189 = arith.index_cast %add3A_162 : i32 to index
      %get3A_190 = arith.constant 32 : index
      %get3A_191 = tpu.vector_load %arg9[%get3A_189, %get3A_190] {strides = array<i32>} : memref<80x128xf32, #tpu.memory_space<vmem>>, vector<1x16xf32>,
      %get3A_192 = vector.shape_cast %get3A_191 : vector<1x16xf32> to vector<16xf32>
      %get3A_193 = arith.index_cast %add3A_162 : i32 to index
      %get3A_194 = arith.constant 32 : index
      %get3A_195 = tpu.vector_load %arg10[%get3A_193, %get3A_194] {strides = array<i32>} : memref<80x128xf32, #tpu.memory_space<vmem>>, vector<1x16xf32>,
      %get3A_196 = vector.shape_cast %get3A_195 : vector<1x16xf32> to vector<16xf32>
      %add3A_197 = arith.addf %get3A_192, %get3A_196 : vector<16xf32>
      %swap3A_198 = arith.index_cast %add3A_162 : i32 to index
      %swap3A_199 = arith.constant 32 : index
      %swap3A_200 = tpu.vector_load %arg11[%swap3A_198, %swap3A_199] {strides = array<i32>} : memref<80x128xf32, #tpu.memory_space<vmem>>, vector<1x16xf32>,
      %swap3A_201 = vector.shape_cast %swap3A_200 : vector<1x16xf32> to vector<16xf32>
      %swap3A_202 = vector.shape_cast %add3A_197 : vector<16xf32> to vector<1x16xf32>
      tpu.vector_store %arg11[%swap3A_198, %swap3A_199], %swap3A_202 {strides = array<i32>} : memref<80x128xf32, #tpu.memory_space<vmem>>, vector<1x16xf32>,
      %get3A_203 = arith.index_cast %add3A_162 : i32 to index
      %get3A_204 = arith.constant 48 : index
      %get3A_205 = tpu.vector_load %arg9[%get3A_203, %get3A_204] {strides = array<i32>} : memref<80x128xf32, #tpu.memory_space<vmem>>, vector<1x16xf32>,
      %get3A_206 = vector.shape_cast %get3A_205 : vector<1x16xf32> to vector<16xf32>
      %get3A_207 = arith.index_cast %add3A_162 : i32 to index
      %get3A_208 = arith.constant 48 : index
      %get3A_209 = tpu.vector_load %arg10[%get3A_207, %get3A_208] {strides = array<i32>} : memref<80x128xf32, #tpu.memory_space<vmem>>, vector<1x16xf32>,
      %get3A_210 = vector.shape_cast %get3A_209 : vector<1x16xf32> to vector<16xf32>
      %add3A_211 = arith.addf %get3A_206, %get3A_210 : vector<16xf32>
      %swap3A_212 = arith.index_cast %add3A_162 : i32 to index
      %swap3A_213 = arith.constant 48 : index
      %swap3A_214 = tpu.vector_load %arg11[%swap3A_212, %swap3A_213] {strides = array<i32>} : memref<80x128xf32, #tpu.memory_space<vmem>>, vector<1x16xf32>,
      %swap3A_215 = vector.shape_cast %swap3A_214 : vector<1x16xf32> to vector<16xf32>
      %swap3A_216 = vector.shape_cast %add3A_211 : vector<16xf32> to vector<1x16xf32>
      tpu.vector_store %arg11[%swap3A_212, %swap3A_213], %swap3A_216 {strides = array<i32>} : memref<80x128xf32, #tpu.memory_space<vmem>>, vector<1x16xf32>,
      %get3A_217 = arith.index_cast %add3A_162 : i32 to index
      %get3A_218 = arith.constant 64 : index
      %get3A_219 = tpu.vector_load %arg9[%get3A_217, %get3A_218] {strides = array<i32>} : memref<80x128xf32, #tpu.memory_space<vmem>>, vector<1x16xf32>,
      %get3A_220 = vector.shape_cast %get3A_219 : vector<1x16xf32> to vector<16xf32>
      %get3A_221 = arith.index_cast %add3A_162 : i32 to index
      %get3A_222 = arith.constant 64 : index
      %get3A_223 = tpu.vector_load %arg10[%get3A_221, %get3A_222] {strides = array<i32>} : memref<80x128xf32, #tpu.memory_space<vmem>>, vector<1x16xf32>,
      %get3A_224 = vector.shape_cast %get3A_223 : vector<1x16xf32> to vector<16xf32>
      %add3A_225 = arith.addf %get3A_220, %get3A_224 : vector<16xf32>
      %swap3A_226 = arith.index_cast %add3A_162 : i32 to index
      %swap3A_227 = arith.constant 64 : index
      %swap3A_228 = tpu.vector_load %arg11[%swap3A_226, %swap3A_227] {strides = array<i32>} : memref<80x128xf32, #tpu.memory_space<vmem>>, vector<1x16xf32>,
      %swap3A_229 = vector.shape_cast %swap3A_228 : vector<1x16xf32> to vector<16xf32>
      %swap3A_230 = vector.shape_cast %add3A_225 : vector<16xf32> to vector<1x16xf32>
      tpu.vector_store %arg11[%swap3A_226, %swap3A_227], %swap3A_230 {strides = array<i32>} : memref<80x128xf32, #tpu.memory_space<vmem>>, vector<1x16xf32>,
      %get3A_231 = arith.index_cast %add3A_162 : i32 to index
      %get3A_232 = arith.constant 80 : index
      %get3A_233 = tpu.vector_load %arg9[%get3A_231, %get3A_232] {strides = array<i32>} : memref<80x128xf32, #tpu.memory_space<vmem>>, vector<1x16xf32>,
      %get3A_234 = vector.shape_cast %get3A_233 : vector<1x16xf32> to vector<16xf32>
      %get3A_235 = arith.index_cast %add3A_162 : i32 to index
      %get3A_236 = arith.constant 80 : index
      %get3A_237 = tpu.vector_load %arg10[%get3A_235, %get3A_236] {strides = array<i32>} : memref<80x128xf32, #tpu.memory_space<vmem>>, vector<1x16xf32>,
      %get3A_238 = vector.shape_cast %get3A_237 : vector<1x16xf32> to vector<16xf32>
      %add3A_239 = arith.addf %get3A_234, %get3A_238 : vector<16xf32>
      %swap3A_240 = arith.index_cast %add3A_162 : i32 to index
      %swap3A_241 = arith.constant 80 : index
      %swap3A_242 = tpu.vector_load %arg11[%swap3A_240, %swap3A_241] {strides = array<i32>} : memref<80x128xf32, #tpu.memory_space<vmem>>, vector<1x16xf32>,
      %swap3A_243 = vector.shape_cast %swap3A_242 : vector<1x16xf32> to vector<16xf32>
      %swap3A_244 = vector.shape_cast %add3A_239 : vector<16xf32> to vector<1x16xf32>
      tpu.vector_store %arg11[%swap3A_240, %swap3A_241], %swap3A_244 {strides = array<i32>} : memref<80x128xf32, #tpu.memory_space<vmem>>, vector<1x16xf32>,
      %get3A_245 = arith.index_cast %add3A_162 : i32 to index
      %get3A_246 = arith.constant 96 : index
      %get3A_247 = tpu.vector_load %arg9[%get3A_245, %get3A_246] {strides = array<i32>} : memref<80x128xf32, #tpu.memory_space<vmem>>, vector<1x16xf32>,
      %get3A_248 = vector.shape_cast %get3A_247 : vector<1x16xf32> to vector<16xf32>
      %get3A_249 = arith.index_cast %add3A_162 : i32 to index
      %get3A_250 = arith.constant 96 : index
      %get3A_251 = tpu.vector_load %arg10[%get3A_249, %get3A_250] {strides = array<i32>} : memref<80x128xf32, #tpu.memory_space<vmem>>, vector<1x16xf32>,
      %get3A_252 = vector.shape_cast %get3A_251 : vector<1x16xf32> to vector<16xf32>
      %add3A_253 = arith.addf %get3A_248, %get3A_252 : vector<16xf32>
      %swap3A_254 = arith.index_cast %add3A_162 : i32 to index
      %swap3A_255 = arith.constant 96 : index
      %swap3A_256 = tpu.vector_load %arg11[%swap3A_254, %swap3A_255] {strides = array<i32>} : memref<80x128xf32, #tpu.memory_space<vmem>>, vector<1x16xf32>,
      %swap3A_257 = vector.shape_cast %swap3A_256 : vector<1x16xf32> to vector<16xf32>
      %swap3A_258 = vector.shape_cast %add3A_253 : vector<16xf32> to vector<1x16xf32>
      tpu.vector_store %arg11[%swap3A_254, %swap3A_255], %swap3A_258 {strides = array<i32>} : memref<80x128xf32, #tpu.memory_space<vmem>>, vector<1x16xf32>,
      %get3A_259 = arith.index_cast %add3A_162 : i32 to index
      %get3A_260 = arith.constant 112 : index
      %get3A_261 = tpu.vector_load %arg9[%get3A_259, %get3A_260] {strides = array<i32>} : memref<80x128xf32, #tpu.memory_space<vmem>>, vector<1x16xf32>,
      %get3A_262 = vector.shape_cast %get3A_261 : vector<1x16xf32> to vector<16xf32>
      %get3A_263 = arith.index_cast %add3A_162 : i32 to index
      %get3A_264 = arith.constant 112 : index
      %get3A_265 = tpu.vector_load %arg10[%get3A_263, %get3A_264] {strides = array<i32>} : memref<80x128xf32, #tpu.memory_space<vmem>>, vector<1x16xf32>,
      %get3A_266 = vector.shape_cast %get3A_265 : vector<1x16xf32> to vector<16xf32>
      %add3A_267 = arith.addf %get3A_262, %get3A_266 : vector<16xf32>
      %swap3A_268 = arith.index_cast %add3A_162 : i32 to index
      %swap3A_269 = arith.constant 112 : index
      %swap3A_270 = tpu.vector_load %arg11[%swap3A_268, %swap3A_269] {strides = array<i32>} : memref<80x128xf32, #tpu.memory_space<vmem>>, vector<1x16xf32>,
      %swap3A_271 = vector.shape_cast %swap3A_270 : vector<1x16xf32> to vector<16xf32>
      %swap3A_272 = vector.shape_cast %add3A_267 : vector<16xf32> to vector<1x16xf32>
      tpu.vector_store %arg11[%swap3A_268, %swap3A_269], %swap3A_272 {strides = array<i32>} : memref<80x128xf32, #tpu.memory_space<vmem>>, vector<1x16xf32>,
      %mul3A_273 = arith.constant 4 : i32
      %mul3A_274 = arith.muli %scan3A_158, %mul3A_273 : i32
      %add3A_275 = arith.constant 1 : i32
      %add3A_276 = arith.addi %mul3A_274, %add3A_275 : i32
      %get3A_277 = arith.index_cast %add3A_276 : i32 to index
      %get3A_278 = arith.constant 0 : index
      %get3A_279 = tpu.vector_load %arg9[%get3A_277, %get3A_278] {strides = array<i32>} : memref<80x128xf32, #tpu.memory_space<vmem>>, vector<1x16xf32>,
      %get3A_280 = vector.shape_cast %get3A_279 : vector<1x16xf32> to vector<16xf32>
      %get3A_281 = arith.index_cast %add3A_276 : i32 to index
      %get3A_282 = arith.constant 0 : index
      %get3A_283 = tpu.vector_load %arg10[%get3A_281, %get3A_282] {strides = array<i32>} : memref<80x128xf32, #tpu.memory_space<vmem>>, vector<1x16xf32>,
      %get3A_284 = vector.shape_cast %get3A_283 : vector<1x16xf32> to vector<16xf32>
      %add3A_285 = arith.addf %get3A_280, %get3A_284 : vector<16xf32>
      %swap3A_286 = arith.index_cast %add3A_276 : i32 to index
      %swap3A_287 = arith.constant 0 : index
      %swap3A_288 = tpu.vector_load %arg11[%swap3A_286, %swap3A_287] {strides = array<i32>} : memref<80x128xf32, #tpu.memory_space<vmem>>, vector<1x16xf32>,
      %swap3A_289 = vector.shape_cast %swap3A_288 : vector<1x16xf32> to vector<16xf32>
      %swap3A_290 = vector.shape_cast %add3A_285 : vector<16xf32> to vector<1x16xf32>
      tpu.vector_store %arg11[%swap3A_286, %swap3A_287], %swap3A_290 {strides = array<i32>} : memref<80x128xf32, #tpu.memory_space<vmem>>, vector<1x16xf32>,
      %get3A_291 = arith.index_cast %add3A_276 : i32 to index
      %get3A_292 = arith.constant 16 : index
      %get3A_293 = tpu.vector_load %arg9[%get3A_291, %get3A_292] {strides = array<i32>} : memref<80x128xf32, #tpu.memory_space<vmem>>, vector<1x16xf32>,
      %get3A_294 = vector.shape_cast %get3A_293 : vector<1x16xf32> to vector<16xf32>
      %get3A_295 = arith.index_cast %add3A_276 : i32 to index
      %get3A_296 = arith.constant 16 : index
      %get3A_297 = tpu.vector_load %arg10[%get3A_295, %get3A_296] {strides = array<i32>} : memref<80x128xf32, #tpu.memory_space<vmem>>, vector<1x16xf32>,
      %get3A_298 = vector.shape_cast %get3A_297 : vector<1x16xf32> to vector<16xf32>
      %add3A_299 = arith.addf %get3A_294, %get3A_298 : vector<16xf32>
      %swap3A_300 = arith.index_cast %add3A_276 : i32 to index
      %swap3A_301 = arith.constant 16 : index
      %swap3A_302 = tpu.vector_load %arg11[%swap3A_300, %swap3A_301] {strides = array<i32>} : memref<80x128xf32, #tpu.memory_space<vmem>>, vector<1x16xf32>,
      %swap3A_303 = vector.shape_cast %swap3A_302 : vector<1x16xf32> to vector<16xf32>
      %swap3A_304 = vector.shape_cast %add3A_299 : vector<16xf32> to vector<1x16xf32>
      tpu.vector_store %arg11[%swap3A_300, %swap3A_301], %swap3A_304 {strides = array<i32>} : memref<80x128xf32, #tpu.memory_space<vmem>>, vector<1x16xf32>,
      %get3A_305 = arith.index_cast %add3A_276 : i32 to index
      %get3A_306 = arith.constant 32 : index
      %get3A_307 = tpu.vector_load %arg9[%get3A_305, %get3A_306] {strides = array<i32>} : memref<80x128xf32, #tpu.memory_space<vmem>>, vector<1x16xf32>,
      %get3A_308 = vector.shape_cast %get3A_307 : vector<1x16xf32> to vector<16xf32>
      %get3A_309 = arith.index_cast %add3A_276 : i32 to index
      %get3A_310 = arith.constant 32 : index
      %get3A_311 = tpu.vector_load %arg10[%get3A_309, %get3A_310] {strides = array<i32>} : memref<80x128xf32, #tpu.memory_space<vmem>>, vector<1x16xf32>,
      %get3A_312 = vector.shape_cast %get3A_311 : vector<1x16xf32> to vector<16xf32>
      %add3A_313 = arith.addf %get3A_308, %get3A_312 : vector<16xf32>
      %swap3A_314 = arith.index_cast %add3A_276 : i32 to index
      %swap3A_315 = arith.constant 32 : index
      %swap3A_316 = tpu.vector_load %arg11[%swap3A_314, %swap3A_315] {strides = array<i32>} : memref<80x128xf32, #tpu.memory_space<vmem>>, vector<1x16xf32>,
      %swap3A_317 = vector.shape_cast %swap3A_316 : vector<1x16xf32> to vector<16xf32>
      %swap3A_318 = vector.shape_cast %add3A_313 : vector<16xf32> to vector<1x16xf32>
      tpu.vector_store %arg11[%swap3A_314, %swap3A_315], %swap3A_318 {strides = array<i32>} : memref<80x128xf32, #tpu.memory_space<vmem>>, vector<1x16xf32>,
      %get3A_319 = arith.index_cast %add3A_276 : i32 to index
      %get3A_320 = arith.constant 48 : index
      %get3A_321 = tpu.vector_load %arg9[%get3A_319, %get3A_320] {strides = array<i32>} : memref<80x128xf32, #tpu.memory_space<vmem>>, vector<1x16xf32>,
      %get3A_322 = vector.shape_cast %get3A_321 : vector<1x16xf32> to vector<16xf32>
      %get3A_323 = arith.index_cast %add3A_276 : i32 to index
      %get3A_324 = arith.constant 48 : index
      %get3A_325 = tpu.vector_load %arg10[%get3A_323, %get3A_324] {strides = array<i32>} : memref<80x128xf32, #tpu.memory_space<vmem>>, vector<1x16xf32>,
      %get3A_326 = vector.shape_cast %get3A_325 : vector<1x16xf32> to vector<16xf32>
      %add3A_327 = arith.addf %get3A_322, %get3A_326 : vector<16xf32>
      %swap3A_328 = arith.index_cast %add3A_276 : i32 to index
      %swap3A_329 = arith.constant 48 : index
      %swap3A_330 = tpu.vector_load %arg11[%swap3A_328, %swap3A_329] {strides = array<i32>} : memref<80x128xf32, #tpu.memory_space<vmem>>, vector<1x16xf32>,
      %swap3A_331 = vector.shape_cast %swap3A_330 : vector<1x16xf32> to vector<16xf32>
      %swap3A_332 = vector.shape_cast %add3A_327 : vector<16xf32> to vector<1x16xf32>
      tpu.vector_store %arg11[%swap3A_328, %swap3A_329], %swap3A_332 {strides = array<i32>} : memref<80x128xf32, #tpu.memory_space<vmem>>, vector<1x16xf32>,
      %get3A_333 = arith.index_cast %add3A_276 : i32 to index
      %get3A_334 = arith.constant 64 : index
      %get3A_335 = tpu.vector_load %arg9[%get3A_333, %get3A_334] {strides = array<i32>} : memref<80x128xf32, #tpu.memory_space<vmem>>, vector<1x16xf32>,
      %get3A_336 = vector.shape_cast %get3A_335 : vector<1x16xf32> to vector<16xf32>
      %get3A_337 = arith.index_cast %add3A_276 : i32 to index
      %get3A_338 = arith.constant 64 : index
      %get3A_339 = tpu.vector_load %arg10[%get3A_337, %get3A_338] {strides = array<i32>} : memref<80x128xf32, #tpu.memory_space<vmem>>, vector<1x16xf32>,
      %get3A_340 = vector.shape_cast %get3A_339 : vector<1x16xf32> to vector<16xf32>
      %add3A_341 = arith.addf %get3A_336, %get3A_340 : vector<16xf32>
      %swap3A_342 = arith.index_cast %add3A_276 : i32 to index
      %swap3A_343 = arith.constant 64 : index
      %swap3A_344 = tpu.vector_load %arg11[%swap3A_342, %swap3A_343] {strides = array<i32>} : memref<80x128xf32, #tpu.memory_space<vmem>>, vector<1x16xf32>,
      %swap3A_345 = vector.shape_cast %swap3A_344 : vector<1x16xf32> to vector<16xf32>
      %swap3A_346 = vector.shape_cast %add3A_341 : vector<16xf32> to vector<1x16xf32>
      tpu.vector_store %arg11[%swap3A_342, %swap3A_343], %swap3A_346 {strides = array<i32>} : memref<80x128xf32, #tpu.memory_space<vmem>>, vector<1x16xf32>,
      %get3A_347 = arith.index_cast %add3A_276 : i32 to index
      %get3A_348 = arith.constant 80 : index
      %get3A_349 = tpu.vector_load %arg9[%get3A_347, %get3A_348] {strides = array<i32>} : memref<80x128xf32, #tpu.memory_space<vmem>>, vector<1x16xf32>,
      %get3A_350 = vector.shape_cast %get3A_349 : vector<1x16xf32> to vector<16xf32>
      %get3A_351 = arith.index_cast %add3A_276 : i32 to index
      %get3A_352 = arith.constant 80 : index
      %get3A_353 = tpu.vector_load %arg10[%get3A_351, %get3A_352] {strides = array<i32>} : memref<80x128xf32, #tpu.memory_space<vmem>>, vector<1x16xf32>,
      %get3A_354 = vector.shape_cast %get3A_353 : vector<1x16xf32> to vector<16xf32>
      %add3A_355 = arith.addf %get3A_350, %get3A_354 : vector<16xf32>
      %swap3A_356 = arith.index_cast %add3A_276 : i32 to index
      %swap3A_357 = arith.constant 80 : index
      %swap3A_358 = tpu.vector_load %arg11[%swap3A_356, %swap3A_357] {strides = array<i32>} : memref<80x128xf32, #tpu.memory_space<vmem>>, vector<1x16xf32>,
      %swap3A_359 = vector.shape_cast %swap3A_358 : vector<1x16xf32> to vector<16xf32>
      %swap3A_360 = vector.shape_cast %add3A_355 : vector<16xf32> to vector<1x16xf32>
      tpu.vector_store %arg11[%swap3A_356, %swap3A_357], %swap3A_360 {strides = array<i32>} : memref<80x128xf32, #tpu.memory_space<vmem>>, vector<1x16xf32>,
      %get3A_361 = arith.index_cast %add3A_276 : i32 to index
      %get3A_362 = arith.constant 96 : index
      %get3A_363 = tpu.vector_load %arg9[%get3A_361, %get3A_362] {strides = array<i32>} : memref<80x128xf32, #tpu.memory_space<vmem>>, vector<1x16xf32>,
      %get3A_364 = vector.shape_cast %get3A_363 : vector<1x16xf32> to vector<16xf32>
      %get3A_365 = arith.index_cast %add3A_276 : i32 to index
      %get3A_366 = arith.constant 96 : index
      %get3A_367 = tpu.vector_load %arg10[%get3A_365, %get3A_366] {strides = array<i32>} : memref<80x128xf32, #tpu.memory_space<vmem>>, vector<1x16xf32>,
      %get3A_368 = vector.shape_cast %get3A_367 : vector<1x16xf32> to vector<16xf32>
      %add3A_369 = arith.addf %get3A_364, %get3A_368 : vector<16xf32>
      %swap3A_370 = arith.index_cast %add3A_276 : i32 to index
      %swap3A_371 = arith.constant 96 : index
      %swap3A_372 = tpu.vector_load %arg11[%swap3A_370, %swap3A_371] {strides = array<i32>} : memref<80x128xf32, #tpu.memory_space<vmem>>, vector<1x16xf32>,
      %swap3A_373 = vector.shape_cast %swap3A_372 : vector<1x16xf32> to vector<16xf32>
      %swap3A_374 = vector.shape_cast %add3A_369 : vector<16xf32> to vector<1x16xf32>
      tpu.vector_store %arg11[%swap3A_370, %swap3A_371], %swap3A_374 {strides = array<i32>} : memref<80x128xf32, #tpu.memory_space<vmem>>, vector<1x16xf32>,
      %get3A_375 = arith.index_cast %add3A_276 : i32 to index
      %get3A_376 = arith.constant 112 : index
      %get3A_377 = tpu.vector_load %arg9[%get3A_375, %get3A_376] {strides = array<i32>} : memref<80x128xf32, #tpu.memory_space<vmem>>, vector<1x16xf32>,
      %get3A_378 = vector.shape_cast %get3A_377 : vector<1x16xf32> to vector<16xf32>
      %get3A_379 = arith.index_cast %add3A_276 : i32 to index
      %get3A_380 = arith.constant 112 : index
      %get3A_381 = tpu.vector_load %arg10[%get3A_379, %get3A_380] {strides = array<i32>} : memref<80x128xf32, #tpu.memory_space<vmem>>, vector<1x16xf32>,
      %get3A_382 = vector.shape_cast %get3A_381 : vector<1x16xf32> to vector<16xf32>
      %add3A_383 = arith.addf %get3A_378, %get3A_382 : vector<16xf32>
      %swap3A_384 = arith.index_cast %add3A_276 : i32 to index
      %swap3A_385 = arith.constant 112 : index
      %swap3A_386 = tpu.vector_load %arg11[%swap3A_384, %swap3A_385] {strides = array<i32>} : memref<80x128xf32, #tpu.memory_space<vmem>>, vector<1x16xf32>,
      %swap3A_387 = vector.shape_cast %swap3A_386 : vector<1x16xf32> to vector<16xf32>
      %swap3A_388 = vector.shape_cast %add3A_383 : vector<16xf32> to vector<1x16xf32>
      tpu.vector_store %arg11[%swap3A_384, %swap3A_385], %swap3A_388 {strides = array<i32>} : memref<80x128xf32, #tpu.memory_space<vmem>>, vector<1x16xf32>,
      %mul3A_389 = arith.constant 4 : i32
      %mul3A_390 = arith.muli %scan3A_158, %mul3A_389 : i32
      %add3A_391 = arith.constant 2 : i32
      %add3A_392 = arith.addi %mul3A_390, %add3A_391 : i32
      %get3A_393 = arith.index_cast %add3A_392 : i32 to index
      %get3A_394 = arith.constant 0 : index
      %get3A_395 = tpu.vector_load %arg9[%get3A_393, %get3A_394] {strides = array<i32>} : memref<80x128xf32, #tpu.memory_space<vmem>>, vector<1x16xf32>,
      %get3A_396 = vector.shape_cast %get3A_395 : vector<1x16xf32> to vector<16xf32>
      %get3A_397 = arith.index_cast %add3A_392 : i32 to index
      %get3A_398 = arith.constant 0 : index
      %get3A_399 = tpu.vector_load %arg10[%get3A_397, %get3A_398] {strides = array<i32>} : memref<80x128xf32, #tpu.memory_space<vmem>>, vector<1x16xf32>,
      %get3A_400 = vector.shape_cast %get3A_399 : vector<1x16xf32> to vector<16xf32>
      %add3A_401 = arith.addf %get3A_396, %get3A_400 : vector<16xf32>
      %swap3A_402 = arith.index_cast %add3A_392 : i32 to index
      %swap3A_403 = arith.constant 0 : index
      %swap3A_404 = tpu.vector_load %arg11[%swap3A_402, %swap3A_403] {strides = array<i32>} : memref<80x128xf32, #tpu.memory_space<vmem>>, vector<1x16xf32>,
      %swap3A_405 = vector.shape_cast %swap3A_404 : vector<1x16xf32> to vector<16xf32>
      %swap3A_406 = vector.shape_cast %add3A_401 : vector<16xf32> to vector<1x16xf32>
      tpu.vector_store %arg11[%swap3A_402, %swap3A_403], %swap3A_406 {strides = array<i32>} : memref<80x128xf32, #tpu.memory_space<vmem>>, vector<1x16xf32>,
      %get3A_407 = arith.index_cast %add3A_392 : i32 to index
      %get3A_408 = arith.constant 16 : index
      %get3A_409 = tpu.vector_load %arg9[%get3A_407, %get3A_408] {strides = array<i32>} : memref<80x128xf32, #tpu.memory_space<vmem>>, vector<1x16xf32>,
      %get3A_410 = vector.shape_cast %get3A_409 : vector<1x16xf32> to vector<16xf32>
      %get3A_411 = arith.index_cast %add3A_392 : i32 to index
      %get3A_412 = arith.constant 16 : index
      %get3A_413 = tpu.vector_load %arg10[%get3A_411, %get3A_412] {strides = array<i32>} : memref<80x128xf32, #tpu.memory_space<vmem>>, vector<1x16xf32>,
      %get3A_414 = vector.shape_cast %get3A_413 : vector<1x16xf32> to vector<16xf32>
      %add3A_415 = arith.addf %get3A_410, %get3A_414 : vector<16xf32>
      %swap3A_416 = arith.index_cast %add3A_392 : i32 to index
      %swap3A_417 = arith.constant 16 : index
      %swap3A_418 = tpu.vector_load %arg11[%swap3A_416, %swap3A_417] {strides = array<i32>} : memref<80x128xf32, #tpu.memory_space<vmem>>, vector<1x16xf32>,
      %swap3A_419 = vector.shape_cast %swap3A_418 : vector<1x16xf32> to vector<16xf32>
      %swap3A_420 = vector.shape_cast %add3A_415 : vector<16xf32> to vector<1x16xf32>
      tpu.vector_store %arg11[%swap3A_416, %swap3A_417], %swap3A_420 {strides = array<i32>} : memref<80x128xf32, #tpu.memory_space<vmem>>, vector<1x16xf32>,
      %get3A_421 = arith.index_cast %add3A_392 : i32 to index
      %get3A_422 = arith.constant 32 : index
      %get3A_423 = tpu.vector_load %arg9[%get3A_421, %get3A_422] {strides = array<i32>} : memref<80x128xf32, #tpu.memory_space<vmem>>, vector<1x16xf32>,
      %get3A_424 = vector.shape_cast %get3A_423 : vector<1x16xf32> to vector<16xf32>
      %get3A_425 = arith.index_cast %add3A_392 : i32 to index
      %get3A_426 = arith.constant 32 : index
      %get3A_427 = tpu.vector_load %arg10[%get3A_425, %get3A_426] {strides = array<i32>} : memref<80x128xf32, #tpu.memory_space<vmem>>, vector<1x16xf32>,
      %get3A_428 = vector.shape_cast %get3A_427 : vector<1x16xf32> to vector<16xf32>
      %add3A_429 = arith.addf %get3A_424, %get3A_428 : vector<16xf32>
      %swap3A_430 = arith.index_cast %add3A_392 : i32 to index
      %swap3A_431 = arith.constant 32 : index
      %swap3A_432 = tpu.vector_load %arg11[%swap3A_430, %swap3A_431] {strides = array<i32>} : memref<80x128xf32, #tpu.memory_space<vmem>>, vector<1x16xf32>,
      %swap3A_433 = vector.shape_cast %swap3A_432 : vector<1x16xf32> to vector<16xf32>
      %swap3A_434 = vector.shape_cast %add3A_429 : vector<16xf32> to vector<1x16xf32>
      tpu.vector_store %arg11[%swap3A_430, %swap3A_431], %swap3A_434 {strides = array<i32>} : memref<80x128xf32, #tpu.memory_space<vmem>>, vector<1x16xf32>,
      %get3A_435 = arith.index_cast %add3A_392 : i32 to index
      %get3A_436 = arith.constant 48 : index
      %get3A_437 = tpu.vector_load %arg9[%get3A_435, %get3A_436] {strides = array<i32>} : memref<80x128xf32, #tpu.memory_space<vmem>>, vector<1x16xf32>,
      %get3A_438 = vector.shape_cast %get3A_437 : vector<1x16xf32> to vector<16xf32>
      %get3A_439 = arith.index_cast %add3A_392 : i32 to index
      %get3A_440 = arith.constant 48 : index
      %get3A_441 = tpu.vector_load %arg10[%get3A_439, %get3A_440] {strides = array<i32>} : memref<80x128xf32, #tpu.memory_space<vmem>>, vector<1x16xf32>,
      %get3A_442 = vector.shape_cast %get3A_441 : vector<1x16xf32> to vector<16xf32>
      %add3A_443 = arith.addf %get3A_438, %get3A_442 : vector<16xf32>
      %swap3A_444 = arith.index_cast %add3A_392 : i32 to index
      %swap3A_445 = arith.constant 48 : index
      %swap3A_446 = tpu.vector_load %arg11[%swap3A_444, %swap3A_445] {strides = array<i32>} : memref<80x128xf32, #tpu.memory_space<vmem>>, vector<1x16xf32>,
      %swap3A_447 = vector.shape_cast %swap3A_446 : vector<1x16xf32> to vector<16xf32>
      %swap3A_448 = vector.shape_cast %add3A_443 : vector<16xf32> to vector<1x16xf32>
      tpu.vector_store %arg11[%swap3A_444, %swap3A_445], %swap3A_448 {strides = array<i32>} : memref<80x128xf32, #tpu.memory_space<vmem>>, vector<1x16xf32>,
      %get3A_449 = arith.index_cast %add3A_392 : i32 to index
      %get3A_450 = arith.constant 64 : index
      %get3A_451 = tpu.vector_load %arg9[%get3A_449, %get3A_450] {strides = array<i32>} : memref<80x128xf32, #tpu.memory_space<vmem>>, vector<1x16xf32>,
      %get3A_452 = vector.shape_cast %get3A_451 : vector<1x16xf32> to vector<16xf32>
      %get3A_453 = arith.index_cast %add3A_392 : i32 to index
      %get3A_454 = arith.constant 64 : index
      %get3A_455 = tpu.vector_load %arg10[%get3A_453, %get3A_454] {strides = array<i32>} : memref<80x128xf32, #tpu.memory_space<vmem>>, vector<1x16xf32>,
      %get3A_456 = vector.shape_cast %get3A_455 : vector<1x16xf32> to vector<16xf32>
      %add3A_457 = arith.addf %get3A_452, %get3A_456 : vector<16xf32>
      %swap3A_458 = arith.index_cast %add3A_392 : i32 to index
      %swap3A_459 = arith.constant 64 : index
      %swap3A_460 = tpu.vector_load %arg11[%swap3A_458, %swap3A_459] {strides = array<i32>} : memref<80x128xf32, #tpu.memory_space<vmem>>, vector<1x16xf32>,
      %swap3A_461 = vector.shape_cast %swap3A_460 : vector<1x16xf32> to vector<16xf32>
      %swap3A_462 = vector.shape_cast %add3A_457 : vector<16xf32> to vector<1x16xf32>
      tpu.vector_store %arg11[%swap3A_458, %swap3A_459], %swap3A_462 {strides = array<i32>} : memref<80x128xf32, #tpu.memory_space<vmem>>, vector<1x16xf32>,
      %get3A_463 = arith.index_cast %add3A_392 : i32 to index
      %get3A_464 = arith.constant 80 : index
      %get3A_465 = tpu.vector_load %arg9[%get3A_463, %get3A_464] {strides = array<i32>} : memref<80x128xf32, #tpu.memory_space<vmem>>, vector<1x16xf32>,
      %get3A_466 = vector.shape_cast %get3A_465 : vector<1x16xf32> to vector<16xf32>
      %get3A_467 = arith.index_cast %add3A_392 : i32 to index
      %get3A_468 = arith.constant 80 : index
      %get3A_469 = tpu.vector_load %arg10[%get3A_467, %get3A_468] {strides = array<i32>} : memref<80x128xf32, #tpu.memory_space<vmem>>, vector<1x16xf32>,
      %get3A_470 = vector.shape_cast %get3A_469 : vector<1x16xf32> to vector<16xf32>
      %add3A_471 = arith.addf %get3A_466, %get3A_470 : vector<16xf32>
      %swap3A_472 = arith.index_cast %add3A_392 : i32 to index
      %swap3A_473 = arith.constant 80 : index
      %swap3A_474 = tpu.vector_load %arg11[%swap3A_472, %swap3A_473] {strides = array<i32>} : memref<80x128xf32, #tpu.memory_space<vmem>>, vector<1x16xf32>,
      %swap3A_475 = vector.shape_cast %swap3A_474 : vector<1x16xf32> to vector<16xf32>
      %swap3A_476 = vector.shape_cast %add3A_471 : vector<16xf32> to vector<1x16xf32>
      tpu.vector_store %arg11[%swap3A_472, %swap3A_473], %swap3A_476 {strides = array<i32>} : memref<80x128xf32, #tpu.memory_space<vmem>>, vector<1x16xf32>,
      %get3A_477 = arith.index_cast %add3A_392 : i32 to index
      %get3A_478 = arith.constant 96 : index
      %get3A_479 = tpu.vector_load %arg9[%get3A_477, %get3A_478] {strides = array<i32>} : memref<80x128xf32, #tpu.memory_space<vmem>>, vector<1x16xf32>,
      %get3A_480 = vector.shape_cast %get3A_479 : vector<1x16xf32> to vector<16xf32>
      %get3A_481 = arith.index_cast %add3A_392 : i32 to index
      %get3A_482 = arith.constant 96 : index
      %get3A_483 = tpu.vector_load %arg10[%get3A_481, %get3A_482] {strides = array<i32>} : memref<80x128xf32, #tpu.memory_space<vmem>>, vector<1x16xf32>,
      %get3A_484 = vector.shape_cast %get3A_483 : vector<1x16xf32> to vector<16xf32>
      %add3A_485 = arith.addf %get3A_480, %get3A_484 : vector<16xf32>
      %swap3A_486 = arith.index_cast %add3A_392 : i32 to index
      %swap3A_487 = arith.constant 96 : index
      %swap3A_488 = tpu.vector_load %arg11[%swap3A_486, %swap3A_487] {strides = array<i32>} : memref<80x128xf32, #tpu.memory_space<vmem>>, vector<1x16xf32>,
      %swap3A_489 = vector.shape_cast %swap3A_488 : vector<1x16xf32> to vector<16xf32>
      %swap3A_490 = vector.shape_cast %add3A_485 : vector<16xf32> to vector<1x16xf32>
      tpu.vector_store %arg11[%swap3A_486, %swap3A_487], %swap3A_490 {strides = array<i32>} : memref<80x128xf32, #tpu.memory_space<vmem>>, vector<1x16xf32>,
      %get3A_491 = arith.index_cast %add3A_392 : i32 to index
      %get3A_492 = arith.constant 112 : index
      %get3A_493 = tpu.vector_load %arg9[%get3A_491, %get3A_492] {strides = array<i32>} : memref<80x128xf32, #tpu.memory_space<vmem>>, vector<1x16xf32>,
      %get3A_494 = vector.shape_cast %get3A_493 : vector<1x16xf32> to vector<16xf32>
      %get3A_495 = arith.index_cast %add3A_392 : i32 to index
      %get3A_496 = arith.constant 112 : index
      %get3A_497 = tpu.vector_load %arg10[%get3A_495, %get3A_496] {strides = array<i32>} : memref<80x128xf32, #tpu.memory_space<vmem>>, vector<1x16xf32>,
      %get3A_498 = vector.shape_cast %get3A_497 : vector<1x16xf32> to vector<16xf32>
      %add3A_499 = arith.addf %get3A_494, %get3A_498 : vector<16xf32>
      %swap3A_500 = arith.index_cast %add3A_392 : i32 to index
      %swap3A_501 = arith.constant 112 : index
      %swap3A_502 = tpu.vector_load %arg11[%swap3A_500, %swap3A_501] {strides = array<i32>} : memref<80x128xf32, #tpu.memory_space<vmem>>, vector<1x16xf32>,
      %swap3A_503 = vector.shape_cast %swap3A_502 : vector<1x16xf32> to vector<16xf32>
      %swap3A_504 = vector.shape_cast %add3A_499 : vector<16xf32> to vector<1x16xf32>
      tpu.vector_store %arg11[%swap3A_500, %swap3A_501], %swap3A_504 {strides = array<i32>} : memref<80x128xf32, #tpu.memory_space<vmem>>, vector<1x16xf32>,
      %mul3A_505 = arith.constant 4 : i32
      %mul3A_506 = arith.muli %scan3A_158, %mul3A_505 : i32
      %add3A_507 = arith.constant 3 : i32
      %add3A_508 = arith.addi %mul3A_506, %add3A_507 : i32
      %get3A_509 = arith.index_cast %add3A_508 : i32 to index
      %get3A_510 = arith.constant 0 : index
      %get3A_511 = tpu.vector_load %arg9[%get3A_509, %get3A_510] {strides = array<i32>} : memref<80x128xf32, #tpu.memory_space<vmem>>, vector<1x16xf32>,
      %get3A_512 = vector.shape_cast %get3A_511 : vector<1x16xf32> to vector<16xf32>
      %get3A_513 = arith.index_cast %add3A_508 : i32 to index
      %get3A_514 = arith.constant 0 : index
      %get3A_515 = tpu.vector_load %arg10[%get3A_513, %get3A_514] {strides = array<i32>} : memref<80x128xf32, #tpu.memory_space<vmem>>, vector<1x16xf32>,
      %get3A_516 = vector.shape_cast %get3A_515 : vector<1x16xf32> to vector<16xf32>
      %add3A_517 = arith.addf %get3A_512, %get3A_516 : vector<16xf32>
      %swap3A_518 = arith.index_cast %add3A_508 : i32 to index
      %swap3A_519 = arith.constant 0 : index
      %swap3A_520 = tpu.vector_load %arg11[%swap3A_518, %swap3A_519] {strides = array<i32>} : memref<80x128xf32, #tpu.memory_space<vmem>>, vector<1x16xf32>,
      %swap3A_521 = vector.shape_cast %swap3A_520 : vector<1x16xf32> to vector<16xf32>
      %swap3A_522 = vector.shape_cast %add3A_517 : vector<16xf32> to vector<1x16xf32>
      tpu.vector_store %arg11[%swap3A_518, %swap3A_519], %swap3A_522 {strides = array<i32>} : memref<80x128xf32, #tpu.memory_space<vmem>>, vector<1x16xf32>,
      %get3A_523 = arith.index_cast %add3A_508 : i32 to index
      %get3A_524 = arith.constant 16 : index
      %get3A_525 = tpu.vector_load %arg9[%get3A_523, %get3A_524] {strides = array<i32>} : memref<80x128xf32, #tpu.memory_space<vmem>>, vector<1x16xf32>,
      %get3A_526 = vector.shape_cast %get3A_525 : vector<1x16xf32> to vector<16xf32>
      %get3A_527 = arith.index_cast %add3A_508 : i32 to index
      %get3A_528 = arith.constant 16 : index
      %get3A_529 = tpu.vector_load %arg10[%get3A_527, %get3A_528] {strides = array<i32>} : memref<80x128xf32, #tpu.memory_space<vmem>>, vector<1x16xf32>,
      %get3A_530 = vector.shape_cast %get3A_529 : vector<1x16xf32> to vector<16xf32>
      %add3A_531 = arith.addf %get3A_526, %get3A_530 : vector<16xf32>
      %swap3A_532 = arith.index_cast %add3A_508 : i32 to index
      %swap3A_533 = arith.constant 16 : index
      %swap3A_534 = tpu.vector_load %arg11[%swap3A_532, %swap3A_533] {strides = array<i32>} : memref<80x128xf32, #tpu.memory_space<vmem>>, vector<1x16xf32>,
      %swap3A_535 = vector.shape_cast %swap3A_534 : vector<1x16xf32> to vector<16xf32>
      %swap3A_536 = vector.shape_cast %add3A_531 : vector<16xf32> to vector<1x16xf32>
      tpu.vector_store %arg11[%swap3A_532, %swap3A_533], %swap3A_536 {strides = array<i32>} : memref<80x128xf32, #tpu.memory_space<vmem>>, vector<1x16xf32>,
      %get3A_537 = arith.index_cast %add3A_508 : i32 to index
      %get3A_538 = arith.constant 32 : index
      %get3A_539 = tpu.vector_load %arg9[%get3A_537, %get3A_538] {strides = array<i32>} : memref<80x128xf32, #tpu.memory_space<vmem>>, vector<1x16xf32>,
      %get3A_540 = vector.shape_cast %get3A_539 : vector<1x16xf32> to vector<16xf32>
      %get3A_541 = arith.index_cast %add3A_508 : i32 to index
      %get3A_542 = arith.constant 32 : index
      %get3A_543 = tpu.vector_load %arg10[%get3A_541, %get3A_542] {strides = array<i32>} : memref<80x128xf32, #tpu.memory_space<vmem>>, vector<1x16xf32>,
      %get3A_544 = vector.shape_cast %get3A_543 : vector<1x16xf32> to vector<16xf32>
      %add3A_545 = arith.addf %get3A_540, %get3A_544 : vector<16xf32>
      %swap3A_546 = arith.index_cast %add3A_508 : i32 to index
      %swap3A_547 = arith.constant 32 : index
      %swap3A_548 = tpu.vector_load %arg11[%swap3A_546, %swap3A_547] {strides = array<i32>} : memref<80x128xf32, #tpu.memory_space<vmem>>, vector<1x16xf32>,
      %swap3A_549 = vector.shape_cast %swap3A_548 : vector<1x16xf32> to vector<16xf32>
      %swap3A_550 = vector.shape_cast %add3A_545 : vector<16xf32> to vector<1x16xf32>
      tpu.vector_store %arg11[%swap3A_546, %swap3A_547], %swap3A_550 {strides = array<i32>} : memref<80x128xf32, #tpu.memory_space<vmem>>, vector<1x16xf32>,
      %get3A_551 = arith.index_cast %add3A_508 : i32 to index
      %get3A_552 = arith.constant 48 : index
      %get3A_553 = tpu.vector_load %arg9[%get3A_551, %get3A_552] {strides = array<i32>} : memref<80x128xf32, #tpu.memory_space<vmem>>, vector<1x16xf32>,
      %get3A_554 = vector.shape_cast %get3A_553 : vector<1x16xf32> to vector<16xf32>
      %get3A_555 = arith.index_cast %add3A_508 : i32 to index
      %get3A_556 = arith.constant 48 : index
      %get3A_557 = tpu.vector_load %arg10[%get3A_555, %get3A_556] {strides = array<i32>} : memref<80x128xf32, #tpu.memory_space<vmem>>, vector<1x16xf32>,
      %get3A_558 = vector.shape_cast %get3A_557 : vector<1x16xf32> to vector<16xf32>
      %add3A_559 = arith.addf %get3A_554, %get3A_558 : vector<16xf32>
      %swap3A_560 = arith.index_cast %add3A_508 : i32 to index
      %swap3A_561 = arith.constant 48 : index
      %swap3A_562 = tpu.vector_load %arg11[%swap3A_560, %swap3A_561] {strides = array<i32>} : memref<80x128xf32, #tpu.memory_space<vmem>>, vector<1x16xf32>,
      %swap3A_563 = vector.shape_cast %swap3A_562 : vector<1x16xf32> to vector<16xf32>
      %swap3A_564 = vector.shape_cast %add3A_559 : vector<16xf32> to vector<1x16xf32>
      tpu.vector_store %arg11[%swap3A_560, %swap3A_561], %swap3A_564 {strides = array<i32>} : memref<80x128xf32, #tpu.memory_space<vmem>>, vector<1x16xf32>,
      %get3A_565 = arith.index_cast %add3A_508 : i32 to index
      %get3A_566 = arith.constant 64 : index
      %get3A_567 = tpu.vector_load %arg9[%get3A_565, %get3A_566] {strides = array<i32>} : memref<80x128xf32, #tpu.memory_space<vmem>>, vector<1x16xf32>,
      %get3A_568 = vector.shape_cast %get3A_567 : vector<1x16xf32> to vector<16xf32>
      %get3A_569 = arith.index_cast %add3A_508 : i32 to index
      %get3A_570 = arith.constant 64 : index
      %get3A_571 = tpu.vector_load %arg10[%get3A_569, %get3A_570] {strides = array<i32>} : memref<80x128xf32, #tpu.memory_space<vmem>>, vector<1x16xf32>,
      %get3A_572 = vector.shape_cast %get3A_571 : vector<1x16xf32> to vector<16xf32>
      %add3A_573 = arith.addf %get3A_568, %get3A_572 : vector<16xf32>
      %swap3A_574 = arith.index_cast %add3A_508 : i32 to index
      %swap3A_575 = arith.constant 64 : index
      %swap3A_576 = tpu.vector_load %arg11[%swap3A_574, %swap3A_575] {strides = array<i32>} : memref<80x128xf32, #tpu.memory_space<vmem>>, vector<1x16xf32>,
      %swap3A_577 = vector.shape_cast %swap3A_576 : vector<1x16xf32> to vector<16xf32>
      %swap3A_578 = vector.shape_cast %add3A_573 : vector<16xf32> to vector<1x16xf32>
      tpu.vector_store %arg11[%swap3A_574, %swap3A_575], %swap3A_578 {strides = array<i32>} : memref<80x128xf32, #tpu.memory_space<vmem>>, vector<1x16xf32>,
      %get3A_579 = arith.index_cast %add3A_508 : i32 to index
      %get3A_580 = arith.constant 80 : index
      %get3A_581 = tpu.vector_load %arg9[%get3A_579, %get3A_580] {strides = array<i32>} : memref<80x128xf32, #tpu.memory_space<vmem>>, vector<1x16xf32>,
      %get3A_582 = vector.shape_cast %get3A_581 : vector<1x16xf32> to vector<16xf32>
      %get3A_583 = arith.index_cast %add3A_508 : i32 to index
      %get3A_584 = arith.constant 80 : index
      %get3A_585 = tpu.vector_load %arg10[%get3A_583, %get3A_584] {strides = array<i32>} : memref<80x128xf32, #tpu.memory_space<vmem>>, vector<1x16xf32>,
      %get3A_586 = vector.shape_cast %get3A_585 : vector<1x16xf32> to vector<16xf32>
      %add3A_587 = arith.addf %get3A_582, %get3A_586 : vector<16xf32>
      %swap3A_588 = arith.index_cast %add3A_508 : i32 to index
      %swap3A_589 = arith.constant 80 : index
      %swap3A_590 = tpu.vector_load %arg11[%swap3A_588, %swap3A_589] {strides = array<i32>} : memref<80x128xf32, #tpu.memory_space<vmem>>, vector<1x16xf32>,
      %swap3A_591 = vector.shape_cast %swap3A_590 : vector<1x16xf32> to vector<16xf32>
      %swap3A_592 = vector.shape_cast %add3A_587 : vector<16xf32> to vector<1x16xf32>
      tpu.vector_store %arg11[%swap3A_588, %swap3A_589], %swap3A_592 {strides = array<i32>} : memref<80x128xf32, #tpu.memory_space<vmem>>, vector<1x16xf32>,
      %get3A_593 = arith.index_cast %add3A_508 : i32 to index
      %get3A_594 = arith.constant 96 : index
      %get3A_595 = tpu.vector_load %arg9[%get3A_593, %get3A_594] {strides = array<i32>} : memref<80x128xf32, #tpu.memory_space<vmem>>, vector<1x16xf32>,
      %get3A_596 = vector.shape_cast %get3A_595 : vector<1x16xf32> to vector<16xf32>
      %get3A_597 = arith.index_cast %add3A_508 : i32 to index
      %get3A_598 = arith.constant 96 : index
      %get3A_599 = tpu.vector_load %arg10[%get3A_597, %get3A_598] {strides = array<i32>} : memref<80x128xf32, #tpu.memory_space<vmem>>, vector<1x16xf32>,
      %get3A_600 = vector.shape_cast %get3A_599 : vector<1x16xf32> to vector<16xf32>
      %add3A_601 = arith.addf %get3A_596, %get3A_600 : vector<16xf32>
      %swap3A_602 = arith.index_cast %add3A_508 : i32 to index
      %swap3A_603 = arith.constant 96 : index
      %swap3A_604 = tpu.vector_load %arg11[%swap3A_602, %swap3A_603] {strides = array<i32>} : memref<80x128xf32, #tpu.memory_space<vmem>>, vector<1x16xf32>,
      %swap3A_605 = vector.shape_cast %swap3A_604 : vector<1x16xf32> to vector<16xf32>
      %swap3A_606 = vector.shape_cast %add3A_601 : vector<16xf32> to vector<1x16xf32>
      tpu.vector_store %arg11[%swap3A_602, %swap3A_603], %swap3A_606 {strides = array<i32>} : memref<80x128xf32, #tpu.memory_space<vmem>>, vector<1x16xf32>,
      %get3A_607 = arith.index_cast %add3A_508 : i32 to index
      %get3A_608 = arith.constant 112 : index
      %get3A_609 = tpu.vector_load %arg9[%get3A_607, %get3A_608] {strides = array<i32>} : memref<80x128xf32, #tpu.memory_space<vmem>>, vector<1x16xf32>,
      %get3A_610 = vector.shape_cast %get3A_609 : vector<1x16xf32> to vector<16xf32>
      %get3A_611 = arith.index_cast %add3A_508 : i32 to index
      %get3A_612 = arith.constant 112 : index
      %get3A_613 = tpu.vector_load %arg10[%get3A_611, %get3A_612] {strides = array<i32>} : memref<80x128xf32, #tpu.memory_space<vmem>>, vector<1x16xf32>,
      %get3A_614 = vector.shape_cast %get3A_613 : vector<1x16xf32> to vector<16xf32>
      %add3A_615 = arith.addf %get3A_610, %get3A_614 : vector<16xf32>
      %swap3A_616 = arith.index_cast %add3A_508 : i32 to index
      %swap3A_617 = arith.constant 112 : index
      %swap3A_618 = tpu.vector_load %arg11[%swap3A_616, %swap3A_617] {strides = array<i32>} : memref<80x128xf32, #tpu.memory_space<vmem>>, vector<1x16xf32>,
      %swap3A_619 = vector.shape_cast %swap3A_618 : vector<1x16xf32> to vector<16xf32>
      %swap3A_620 = vector.shape_cast %add3A_615 : vector<16xf32> to vector<1x16xf32>
      tpu.vector_store %arg11[%swap3A_616, %swap3A_617], %swap3A_620 {strides = array<i32>} : memref<80x128xf32, #tpu.memory_space<vmem>>, vector<1x16xf32>,
    }
    %scan3A_139 = arith.constant 20 : i32
    %add3A_140 = arith.constant 9920 : i32
    %add3A_141 = arith.addi %mul3A_2, %add3A_140 : i32
    %dma_start3A_142 = arith.constant 0 : i32
    %dma_start3A_143 = tpu.memref_slice %arg6[%add3A_141, %dma_start3A_142] : memref<320000x128xf32, #tpu.memory_space<hbm>> -> memref<80x128xf32, #tpu.memory_space<hbm>>
    %dma_start3A_144 = arith.constant 0 : i32
    %dma_start3A_145 = tpu.memref_slice %arg6[%add3A_141, %dma_start3A_144] : memref<320000x128xf32, #tpu.memory_space<hbm>> -> memref<80x128xf32, #tpu.memory_space<hbm>>
    tpu.enqueue_dma source(%arg11 : memref<80x128xf32, #tpu.memory_space<vmem>>) target(%dma_start3A_145 : memref<80x128xf32, #tpu.memory_space<hbm>>) target_semaphore(%arg17 : memref<!tpu.dma_semaphore, #tpu.memory_space<semaphore_mem>>)
    %add3A_146 = arith.constant 9840 : i32
    %add3A_147 = arith.addi %mul3A_2, %add3A_146 : i32
    %dma_wait3A_148 = arith.constant 0 : i32
    %dma_wait3A_149 = tpu.memref_slice %arg6[%add3A_147, %dma_wait3A_148] : memref<320000x128xf32, #tpu.memory_space<hbm>> -> memref<80x128xf32, #tpu.memory_space<hbm>>
    %dma_wait3A_150 = arith.constant 0 : i32
    %dma_wait3A_151 = tpu.memref_slice %arg6[%add3A_147, %dma_wait3A_150] : memref<320000x128xf32, #tpu.memory_space<hbm>> -> memref<80x128xf32, #tpu.memory_space<hbm>>
    tpu.wait_dma2 semaphore(%arg20 : memref<!tpu.dma_semaphore, #tpu.memory_space<semaphore_mem>>) src(%arg14 : memref<80x128xf32, #tpu.memory_space<vmem>>) dst(%dma_wait3A_151 : memref<80x128xf32, #tpu.memory_space<hbm>>)
    %add3A_152 = arith.constant 9920 : i32
    %add3A_153 = arith.addi %mul3A_2, %add3A_152 : i32
    %dma_wait3A_154 = arith.constant 0 : i32
    %dma_wait3A_155 = tpu.memref_slice %arg6[%add3A_153, %dma_wait3A_154] : memref<320000x128xf32, #tpu.memory_space<hbm>> -> memref<80x128xf32, #tpu.memory_space<hbm>>
    %dma_wait3A_156 = arith.constant 0 : i32
    %dma_wait3A_157 = tpu.memref_slice %arg6[%add3A_153, %dma_wait3A_156] : memref<320000x128xf32, #tpu.memory_space<hbm>> -> memref<80x128xf32, #tpu.memory_space<hbm>>
    tpu.wait_dma2 semaphore(%arg17 : memref<!tpu.dma_semaphore, #tpu.memory_space<semaphore_mem>>) src(%arg11 : memref<80x128xf32, #tpu.memory_space<vmem>>) dst(%dma_wait3A_157 : memref<80x128xf32, #tpu.memory_space<hbm>>)
    return
  }
}

module attributes {stable_mosaic.version = 14 : i64} {
  func.func @_ab_body(%arg0: i32, %arg1: memref<2000x128xf32, #tpu.memory_space<vmem>>, %arg2: memref<128x128xf32, #tpu.memory_space<vmem>>, %arg3: memref<128x128xf32, #tpu.memory_space<vmem>>, %arg4: memref<2000x128xf32, #tpu.memory_space<vmem>>, %arg5: memref<2000x128xf32, #tpu.memory_space<vmem>>) attributes {dimension_semantics = [#tpu.dimension_semantics<arbitrary>], iteration_bounds = array<i64: 5>, scalar_prefetch = 0 : i64, scratch_operands = 0 : i64, tpu.core_type = #tpu.core_type<tc>, window_params = [{transform_indices = @transform_0, window_bounds = array<i64: 2000, 128>}, {pipeline_mode = #tpu.pipeline_mode<synchronous>, transform_indices = @transform_1, window_bounds = array<i64: 128, 128>}, {pipeline_mode = #tpu.pipeline_mode<synchronous>, transform_indices = @transform_2, window_bounds = array<i64: 128, 128>}, {transform_indices = @transform_3, window_bounds = array<i64: 2000, 128>}, {transform_indices = @transform_4, window_bounds = array<i64: 2000, 128>}]} {
    %get3A = arith.constant 0 : index
    %get3A_0 = arith.constant 0 : index
    %get3A_1 = vector.load %arg1[%get3A, %get3A_0] : memref<2000x128xf32, #tpu.memory_space<vmem>>, vector<2000x128xf32>
    %get3A_2 = arith.constant 0 : index
    %get3A_3 = arith.constant 0 : index
    %get3A_4 = vector.load %arg2[%get3A_2, %get3A_3] : memref<128x128xf32, #tpu.memory_space<vmem>>, vector<128x128xf32>
    %dot_general3A = arith.constant dense<0.000000e+00> : vector<2000x128xf32>
    %dot_general3A_5 = tpu.matmul %get3A_1, %get3A_4, %dot_general3A {dimension_numbers = #tpu.dot_dimension_numbers<[1], [0], [0], [1], [0, 0, 1, 1], [], []>, transpose_lhs_hint = false} : vector<2000x128xf32>, vector<128x128xf32>, vector<2000x128xf32> -> vector<2000x128xf32>
    %swap3A = arith.constant 0 : index
    %swap3A_6 = arith.constant 0 : index
    %swap3A_7 = vector.load %arg4[%swap3A, %swap3A_6] : memref<2000x128xf32, #tpu.memory_space<vmem>>, vector<2000x128xf32>
    tpu.vector_store %arg4[%swap3A, %swap3A_6], %dot_general3A_5 {strides = array<i32>} : memref<2000x128xf32, #tpu.memory_space<vmem>>, vector<2000x128xf32>,
    %get3A_8 = arith.constant 0 : index
    %get3A_9 = arith.constant 0 : index
    %get3A_10 = vector.load %arg3[%get3A_8, %get3A_9] : memref<128x128xf32, #tpu.memory_space<vmem>>, vector<128x128xf32>
    %dot_general3A_11 = arith.constant dense<0.000000e+00> : vector<2000x128xf32>
    %dot_general3A_12 = tpu.matmul %get3A_1, %get3A_10, %dot_general3A_11 {dimension_numbers = #tpu.dot_dimension_numbers<[1], [0], [0], [1], [0, 0, 1, 1], [], []>, transpose_lhs_hint = false} : vector<2000x128xf32>, vector<128x128xf32>, vector<2000x128xf32> -> vector<2000x128xf32>
    %swap3A_13 = arith.constant 0 : index
    %swap3A_14 = arith.constant 0 : index
    %swap3A_15 = vector.load %arg5[%swap3A_13, %swap3A_14] : memref<2000x128xf32, #tpu.memory_space<vmem>>, vector<2000x128xf32>
    tpu.vector_store %arg5[%swap3A_13, %swap3A_14], %dot_general3A_12 {strides = array<i32>} : memref<2000x128xf32, #tpu.memory_space<vmem>>, vector<2000x128xf32>,
    return
  }
  func.func @transform_0(%arg0: i32) -> (i32, i32) {
    %c0_i32 = arith.constant 0 : i32
    %c0_i32_0 = arith.constant 0 : i32
    return %arg0, %c0_i32 : i32, i32
  }
  func.func @transform_1(%arg0: i32) -> (i32, i32) {
    %c0_i32 = arith.constant 0 : i32
    %c0_i32_0 = arith.constant 0 : i32
    %c0_i32_1 = arith.constant 0 : i32
    return %c0_i32, %c0_i32_0 : i32, i32
  }
  func.func @transform_2(%arg0: i32) -> (i32, i32) {
    %c0_i32 = arith.constant 0 : i32
    %c0_i32_0 = arith.constant 0 : i32
    %c0_i32_1 = arith.constant 0 : i32
    return %c0_i32, %c0_i32_0 : i32, i32
  }
  func.func @transform_3(%arg0: i32) -> (i32, i32) {
    %c0_i32 = arith.constant 0 : i32
    %c0_i32_0 = arith.constant 0 : i32
    return %arg0, %c0_i32 : i32, i32
  }
  func.func @transform_4(%arg0: i32) -> (i32, i32) {
    %c0_i32 = arith.constant 0 : i32
    %c0_i32_0 = arith.constant 0 : i32
    return %arg0, %c0_i32 : i32, i32
  }
}

module attributes {stable_mosaic.version = 14 : i64} {
  func.func @_edge_body(%arg0: i32, %arg1: memref<3200x128xf32, #tpu.memory_space<vmem>>, %arg2: memref<3200x16xf32, #tpu.memory_space<vmem>>, %arg3: memref<3200x1xf32, #tpu.memory_space<vmem>>, %arg4: memref<16x128xf32, #tpu.memory_space<vmem>>, %arg5: memref<1x128xf32, #tpu.memory_space<vmem>>, %arg6: memref<128x128xf32, #tpu.memory_space<vmem>>, %arg7: memref<1x128xf32, #tpu.memory_space<vmem>>, %arg8: memref<3200x128xf32, #tpu.memory_space<vmem>>) attributes {dimension_semantics = [#tpu.dimension_semantics<arbitrary>], iteration_bounds = array<i64: 100>, scalar_prefetch = 0 : i64, scratch_operands = 0 : i64, tpu.core_type = #tpu.core_type<tc>, window_params = [{transform_indices = @transform_0, window_bounds = array<i64: 3200, 128>}, {transform_indices = @transform_1, window_bounds = array<i64: 3200, 16>}, {transform_indices = @transform_2, window_bounds = array<i64: 3200, 1>}, {pipeline_mode = #tpu.pipeline_mode<synchronous>, transform_indices = @transform_3, window_bounds = array<i64: 16, 128>}, {pipeline_mode = #tpu.pipeline_mode<synchronous>, transform_indices = @transform_4, window_bounds = array<i64: 1, 128>}, {pipeline_mode = #tpu.pipeline_mode<synchronous>, transform_indices = @transform_5, window_bounds = array<i64: 128, 128>}, {pipeline_mode = #tpu.pipeline_mode<synchronous>, transform_indices = @transform_6, window_bounds = array<i64: 1, 128>}, {transform_indices = @transform_7, window_bounds = array<i64: 3200, 128>}]} {
    %get3A = arith.constant 0 : index
    %get3A_0 = arith.constant 0 : index
    %get3A_1 = vector.load %arg1[%get3A, %get3A_0] : memref<3200x128xf32, #tpu.memory_space<vmem>>, vector<3200x128xf32>
    %get3A_2 = arith.constant 0 : index
    %get3A_3 = arith.constant 0 : index
    %get3A_4 = vector.load %arg2[%get3A_2, %get3A_3] : memref<3200x16xf32, #tpu.memory_space<vmem>>, vector<3200x16xf32>
    %get3A_5 = arith.constant 0 : index
    %get3A_6 = arith.constant 0 : index
    %get3A_7 = vector.load %arg4[%get3A_5, %get3A_6] : memref<16x128xf32, #tpu.memory_space<vmem>>, vector<16x128xf32>
    %dot_general3A = arith.constant dense<0.000000e+00> : vector<3200x128xf32>
    %dot_general3A_8 = tpu.matmul %get3A_4, %get3A_7, %dot_general3A {dimension_numbers = #tpu.dot_dimension_numbers<[1], [0], [0], [1], [0, 0, 1, 1], [], []>, transpose_lhs_hint = false} : vector<3200x16xf32>, vector<16x128xf32>, vector<3200x128xf32> -> vector<3200x128xf32>
    %add3A = arith.addf %get3A_1, %dot_general3A_8 : vector<3200x128xf32>
    %get3A_9 = arith.constant 0 : index
    %get3A_10 = arith.constant 0 : index
    %get3A_11 = vector.load %arg5[%get3A_9, %get3A_10] : memref<1x128xf32, #tpu.memory_space<vmem>>, vector<1x128xf32>
    %add3A_12 = vector.broadcast %get3A_11 : vector<1x128xf32> to vector<3200x128xf32>
    %add3A_13 = arith.addf %add3A, %add3A_12 : vector<3200x128xf32>
    %max3A = arith.constant 0.000000e+00 : f32
    %max3A_14 = vector.broadcast %max3A : f32 to vector<3200x128xf32>
    %max3A_15 = arith.maximumf %add3A_13, %max3A_14 : vector<3200x128xf32>
    %get3A_16 = arith.constant 0 : index
    %get3A_17 = arith.constant 0 : index
    %get3A_18 = vector.load %arg6[%get3A_16, %get3A_17] : memref<128x128xf32, #tpu.memory_space<vmem>>, vector<128x128xf32>
    %dot_general3A_19 = arith.constant dense<0.000000e+00> : vector<3200x128xf32>
    %dot_general3A_20 = tpu.matmul %max3A_15, %get3A_18, %dot_general3A_19 {dimension_numbers = #tpu.dot_dimension_numbers<[1], [0], [0], [1], [0, 0, 1, 1], [], []>, transpose_lhs_hint = false} : vector<3200x128xf32>, vector<128x128xf32>, vector<3200x128xf32> -> vector<3200x128xf32>
    %get3A_21 = arith.constant 0 : index
    %get3A_22 = arith.constant 0 : index
    %get3A_23 = vector.load %arg7[%get3A_21, %get3A_22] : memref<1x128xf32, #tpu.memory_space<vmem>>, vector<1x128xf32>
    %add3A_24 = vector.broadcast %get3A_23 : vector<1x128xf32> to vector<3200x128xf32>
    %add3A_25 = arith.addf %dot_general3A_20, %add3A_24 : vector<3200x128xf32>
    %get3A_26 = arith.constant 0 : index
    %get3A_27 = arith.constant 0 : index
    %get3A_28 = vector.load %arg3[%get3A_26, %get3A_27] : memref<3200x1xf32, #tpu.memory_space<vmem>>, vector<3200x1xf32>
    %mul3A = vector.broadcast %get3A_28 : vector<3200x1xf32> to vector<3200x128xf32>
    %mul3A_29 = arith.mulf %add3A_25, %mul3A : vector<3200x128xf32>
    %swap3A = arith.constant 0 : index
    %swap3A_30 = arith.constant 0 : index
    %swap3A_31 = vector.load %arg8[%swap3A, %swap3A_30] : memref<3200x128xf32, #tpu.memory_space<vmem>>, vector<3200x128xf32>
    tpu.vector_store %arg8[%swap3A, %swap3A_30], %mul3A_29 {strides = array<i32>} : memref<3200x128xf32, #tpu.memory_space<vmem>>, vector<3200x128xf32>,
    return
  }
  func.func @transform_0(%arg0: i32) -> (i32, i32) {
    %c0_i32 = arith.constant 0 : i32
    %c0_i32_0 = arith.constant 0 : i32
    return %arg0, %c0_i32 : i32, i32
  }
  func.func @transform_1(%arg0: i32) -> (i32, i32) {
    %c0_i32 = arith.constant 0 : i32
    %c0_i32_0 = arith.constant 0 : i32
    return %arg0, %c0_i32 : i32, i32
  }
  func.func @transform_2(%arg0: i32) -> (i32, i32) {
    %c0_i32 = arith.constant 0 : i32
    %c0_i32_0 = arith.constant 0 : i32
    return %arg0, %c0_i32 : i32, i32
  }
  func.func @transform_3(%arg0: i32) -> (i32, i32) {
    %c0_i32 = arith.constant 0 : i32
    %c0_i32_0 = arith.constant 0 : i32
    %c0_i32_1 = arith.constant 0 : i32
    return %c0_i32, %c0_i32_0 : i32, i32
  }
  func.func @transform_4(%arg0: i32) -> (i32, i32) {
    %c0_i32 = arith.constant 0 : i32
    %c0_i32_0 = arith.constant 0 : i32
    %c0_i32_1 = arith.constant 0 : i32
    return %c0_i32, %c0_i32_0 : i32, i32
  }
  func.func @transform_5(%arg0: i32) -> (i32, i32) {
    %c0_i32 = arith.constant 0 : i32
    %c0_i32_0 = arith.constant 0 : i32
    %c0_i32_1 = arith.constant 0 : i32
    return %c0_i32, %c0_i32_0 : i32, i32
  }
  func.func @transform_6(%arg0: i32) -> (i32, i32) {
    %c0_i32 = arith.constant 0 : i32
    %c0_i32_0 = arith.constant 0 : i32
    %c0_i32_1 = arith.constant 0 : i32
    return %c0_i32, %c0_i32_0 : i32, i32
  }
  func.func @transform_7(%arg0: i32) -> (i32, i32) {
    %c0_i32 = arith.constant 0 : i32
    %c0_i32_0 = arith.constant 0 : i32
    return %arg0, %c0_i32 : i32, i32
  }
}

module attributes {stable_mosaic.version = 14 : i64} {
  func.func @_node_body(%arg0: i32, %arg1: memref<2000x128xf32, #tpu.memory_space<vmem>>, %arg2: memref<2x2000x128xf32, #tpu.memory_space<vmem>>, %arg3: memref<128x128xf32, #tpu.memory_space<vmem>>, %arg4: memref<128x128xf32, #tpu.memory_space<vmem>>, %arg5: memref<1x128xf32, #tpu.memory_space<vmem>>, %arg6: memref<128x128xf32, #tpu.memory_space<vmem>>, %arg7: memref<1x128xf32, #tpu.memory_space<vmem>>, %arg8: memref<2000x128xf32, #tpu.memory_space<vmem>>) attributes {dimension_semantics = [#tpu.dimension_semantics<arbitrary>], iteration_bounds = array<i64: 5>, scalar_prefetch = 0 : i64, scratch_operands = 0 : i64, tpu.core_type = #tpu.core_type<tc>, window_params = [{transform_indices = @transform_0, window_bounds = array<i64: 2000, 128>}, {transform_indices = @transform_1, window_bounds = array<i64: 2, 2000, 128>}, {pipeline_mode = #tpu.pipeline_mode<synchronous>, transform_indices = @transform_2, window_bounds = array<i64: 128, 128>}, {pipeline_mode = #tpu.pipeline_mode<synchronous>, transform_indices = @transform_3, window_bounds = array<i64: 128, 128>}, {pipeline_mode = #tpu.pipeline_mode<synchronous>, transform_indices = @transform_4, window_bounds = array<i64: 1, 128>}, {pipeline_mode = #tpu.pipeline_mode<synchronous>, transform_indices = @transform_5, window_bounds = array<i64: 128, 128>}, {pipeline_mode = #tpu.pipeline_mode<synchronous>, transform_indices = @transform_6, window_bounds = array<i64: 1, 128>}, {transform_indices = @transform_7, window_bounds = array<i64: 2000, 128>}]} {
    %get3A = arith.constant 0 : index
    %get3A_0 = arith.constant 0 : index
    %get3A_1 = arith.constant 0 : index
    %get3A_2 = vector.load %arg2[%get3A, %get3A_0, %get3A_1] : memref<2x2000x128xf32, #tpu.memory_space<vmem>>, vector<2x2000x128xf32>
    %slice3A = vector.extract_strided_slice %get3A_2 {offsets = [0, 0, 0], sizes = [1, 2000, 128], strides = [1, 1, 1]} : vector<2x2000x128xf32> to vector<1x2000x128xf32>
    %squeeze3A = vector.shape_cast %slice3A : vector<1x2000x128xf32> to vector<2000x128xf32>
    %slice3A_3 = vector.extract_strided_slice %get3A_2 {offsets = [1, 0, 0], sizes = [1, 2000, 128], strides = [1, 1, 1]} : vector<2x2000x128xf32> to vector<1x2000x128xf32>
    %squeeze3A_4 = vector.shape_cast %slice3A_3 : vector<1x2000x128xf32> to vector<2000x128xf32>
    %add3A = arith.addf %squeeze3A, %squeeze3A_4 : vector<2000x128xf32>
    %get3A_5 = arith.constant 0 : index
    %get3A_6 = arith.constant 0 : index
    %get3A_7 = vector.load %arg1[%get3A_5, %get3A_6] : memref<2000x128xf32, #tpu.memory_space<vmem>>, vector<2000x128xf32>
    %get3A_8 = arith.constant 0 : index
    %get3A_9 = arith.constant 0 : index
    %get3A_10 = vector.load %arg3[%get3A_8, %get3A_9] : memref<128x128xf32, #tpu.memory_space<vmem>>, vector<128x128xf32>
    %dot_general3A = arith.constant dense<0.000000e+00> : vector<2000x128xf32>
    %dot_general3A_11 = tpu.matmul %get3A_7, %get3A_10, %dot_general3A {dimension_numbers = #tpu.dot_dimension_numbers<[1], [0], [0], [1], [0, 0, 1, 1], [], []>, transpose_lhs_hint = false} : vector<2000x128xf32>, vector<128x128xf32>, vector<2000x128xf32> -> vector<2000x128xf32>
    %get3A_12 = arith.constant 0 : index
    %get3A_13 = arith.constant 0 : index
    %get3A_14 = vector.load %arg4[%get3A_12, %get3A_13] : memref<128x128xf32, #tpu.memory_space<vmem>>, vector<128x128xf32>
    %dot_general3A_15 = arith.constant dense<0.000000e+00> : vector<2000x128xf32>
    %dot_general3A_16 = tpu.matmul %add3A, %get3A_14, %dot_general3A_15 {dimension_numbers = #tpu.dot_dimension_numbers<[1], [0], [0], [1], [0, 0, 1, 1], [], []>, transpose_lhs_hint = false} : vector<2000x128xf32>, vector<128x128xf32>, vector<2000x128xf32> -> vector<2000x128xf32>
    %add3A_17 = arith.addf %dot_general3A_11, %dot_general3A_16 : vector<2000x128xf32>
    %get3A_18 = arith.constant 0 : index
    %get3A_19 = arith.constant 0 : index
    %get3A_20 = vector.load %arg5[%get3A_18, %get3A_19] : memref<1x128xf32, #tpu.memory_space<vmem>>, vector<1x128xf32>
    %add3A_21 = vector.broadcast %get3A_20 : vector<1x128xf32> to vector<2000x128xf32>
    %add3A_22 = arith.addf %add3A_17, %add3A_21 : vector<2000x128xf32>
    %max3A = arith.constant 0.000000e+00 : f32
    %max3A_23 = vector.broadcast %max3A : f32 to vector<2000x128xf32>
    %max3A_24 = arith.maximumf %add3A_22, %max3A_23 : vector<2000x128xf32>
    %get3A_25 = arith.constant 0 : index
    %get3A_26 = arith.constant 0 : index
    %get3A_27 = vector.load %arg6[%get3A_25, %get3A_26] : memref<128x128xf32, #tpu.memory_space<vmem>>, vector<128x128xf32>
    %dot_general3A_28 = arith.constant dense<0.000000e+00> : vector<2000x128xf32>
    %dot_general3A_29 = tpu.matmul %max3A_24, %get3A_27, %dot_general3A_28 {dimension_numbers = #tpu.dot_dimension_numbers<[1], [0], [0], [1], [0, 0, 1, 1], [], []>, transpose_lhs_hint = false} : vector<2000x128xf32>, vector<128x128xf32>, vector<2000x128xf32> -> vector<2000x128xf32>
    %get3A_30 = arith.constant 0 : index
    %get3A_31 = arith.constant 0 : index
    %get3A_32 = vector.load %arg7[%get3A_30, %get3A_31] : memref<1x128xf32, #tpu.memory_space<vmem>>, vector<1x128xf32>
    %add3A_33 = vector.broadcast %get3A_32 : vector<1x128xf32> to vector<2000x128xf32>
    %add3A_34 = arith.addf %dot_general3A_29, %add3A_33 : vector<2000x128xf32>
    %swap3A = arith.constant 0 : index
    %swap3A_35 = arith.constant 0 : index
    %swap3A_36 = vector.load %arg8[%swap3A, %swap3A_35] : memref<2000x128xf32, #tpu.memory_space<vmem>>, vector<2000x128xf32>
    tpu.vector_store %arg8[%swap3A, %swap3A_35], %add3A_34 {strides = array<i32>} : memref<2000x128xf32, #tpu.memory_space<vmem>>, vector<2000x128xf32>,
    return
  }
  func.func @transform_0(%arg0: i32) -> (i32, i32) {
    %c0_i32 = arith.constant 0 : i32
    %c0_i32_0 = arith.constant 0 : i32
    return %arg0, %c0_i32 : i32, i32
  }
  func.func @transform_1(%arg0: i32) -> (i32, i32, i32) {
    %c0_i32 = arith.constant 0 : i32
    %c0_i32_0 = arith.constant 0 : i32
    %c0_i32_1 = arith.constant 0 : i32
    return %c0_i32, %arg0, %c0_i32_0 : i32, i32, i32
  }
  func.func @transform_2(%arg0: i32) -> (i32, i32) {
    %c0_i32 = arith.constant 0 : i32
    %c0_i32_0 = arith.constant 0 : i32
    %c0_i32_1 = arith.constant 0 : i32
    return %c0_i32, %c0_i32_0 : i32, i32
  }
  func.func @transform_3(%arg0: i32) -> (i32, i32) {
    %c0_i32 = arith.constant 0 : i32
    %c0_i32_0 = arith.constant 0 : i32
    %c0_i32_1 = arith.constant 0 : i32
    return %c0_i32, %c0_i32_0 : i32, i32
  }
  func.func @transform_4(%arg0: i32) -> (i32, i32) {
    %c0_i32 = arith.constant 0 : i32
    %c0_i32_0 = arith.constant 0 : i32
    %c0_i32_1 = arith.constant 0 : i32
    return %c0_i32, %c0_i32_0 : i32, i32
  }
  func.func @transform_5(%arg0: i32) -> (i32, i32) {
    %c0_i32 = arith.constant 0 : i32
    %c0_i32_0 = arith.constant 0 : i32
    %c0_i32_1 = arith.constant 0 : i32
    return %c0_i32, %c0_i32_0 : i32, i32
  }
  func.func @transform_6(%arg0: i32) -> (i32, i32) {
    %c0_i32 = arith.constant 0 : i32
    %c0_i32_0 = arith.constant 0 : i32
    %c0_i32_1 = arith.constant 0 : i32
    return %c0_i32, %c0_i32_0 : i32, i32
  }
  func.func @transform_7(%arg0: i32) -> (i32, i32) {
    %c0_i32 = arith.constant 0 : i32
    %c0_i32_0 = arith.constant 0 : i32
    return %arg0, %c0_i32 : i32, i32
  }
}

</mosaic_0001>

<sc_bundles>
// kernel: kernel.10.cloned.1.call-start
scs
__scs_entry_jumppad:
0x0: {  	(pc) =	sbr.rel $0x88, $3  }
0x1: {  	(tag) =	ssettag $0x0;
	lr =	simm.s32 $0x1  }
0x2: {  	[smem:$0x3F95] =	sst lr;
	_ =	strace $0xD0000000  }
0x3: {  	_ = 	snop  }
0x4: {  	_ = 	snop  }
0x5: {  	_ = 	snop  }
0x6: {  	_ = 	snop  }
0x7: {  	_ = 	snop  }
__scs_overlays_trampoline_lowered:
0x8: {  	[smem:$0x3FA4] =	sst s0  }
0x9: {  	[smem:$0x3FA5] =	sst s1  }
0xa: {  	[smem:$0x3FA6] =	sst s2  }
0xb: {  	[smem:$0x3FA7] =	sst s3  }
0xc: {  	[smem:$0x3FA8] =	sst s4  }
0xd: {  	[smem:$0x3FA9] =	sst s5  }
0xe: {  	[smem:$0x3FAA] =	sst s6  }
0xf: {  	[smem:$0x3FAB] =	sst s7  }
0x10: {  	[smem:$0x3FAC] =	sst s8  }
0x11: {  	[smem:$0x3FAD] =	sst s9;
	s0 =	simm.s32 @!p0 $0x0  }
0x12: {  	s1 =	sld [smem:$0x3F93];
	s0 =	simm.s32 @p0 $0x1  }
0x13: {  	[smem:$0x3FAE] =	sst s0;
	s0 =	simm.s32 @!p1 $0x0  }
0x14: {  	s2 =	sld [smem:$0x3F92];
	s0 =	simm.s32 @p1 $0x1  }
0x15: {  	[smem:$0x3FAF] =	sst s0;
	s0 =	simm.s32 @!p2 $0x0  }
0x16: {  	s3 =	sld [smem:$0x3FDB];
	s0 =	simm.s32 @p2 $0x1  }
0x17: {  	s4 =	simm.s32 $0x1BF5;
	[smem:$0x3FB1] =	sst s0  }
0x18: {  	s0 =	sld [smem:$0x3F94];
	_ =	swait.ge [sflag:s4], $0x0  }
0x19: {  	s7 =	sld [smem:$0x3F95]  }
0x1a: {  	s8 =	sadd.s32 $0xFFFFE003, lr  }
0x1b: {  	s9 =	sadd.s32 $0xFFFFFEF7, lr;
	s5 =	simm.s32 $0xFFFFFFFF;
	p2 =	slt.u32 s8, $0xFFFFF086  }
0x1c: {  	p1 =	slt.u32 s9, $0xF7A;
	s5 =	simm.s32 @!p2 $0x0  }
0x1d: {  	s5 =	simm.s32 @p1 $0x1;
	p0 =	seq.s32 s7, s2  }
0x1e: {  	s7 =	smul.u32 @!p0 $0xF7A, s2;
	p2 =	seq.s32 @!p0 s5, $0x0  }
0x1f: {  	s9 =	smul.u32 $0xF7A, s1;
	s8 =	simm.s32 @!p0 $0x1BF5;
	p2 =	por !p2, p0  }
0x20: {  	[sflag:s8] =	ssyncset.s32 @!p0 $0xFFFFF086;
	s6 =	sadd.s32 @!p0 s3, s7;
	s7 =	simm.s32 @!p0 $0x108  }
0x21: {  	s3 =	sadd.s32 s3, s9;
	s6 =	sadd.s32 @!p0 $0x88, s6;
	s7 =	simm.s32 @p2 $0x1082  }
0x22: {  	[simem:s7], [sflag:s8] =	dma.local @!p0 [hbm:s6], $0xF7A  }
0x23: {  	s9 =	sor.u32 $0xD0000000, s2;
	s6 =	simm.s32 $0x108;
	_ =	swait.ge @!p0 [sflag:s8], $0x0  }
0x24: {  	s3 =	sadd.s32 $0x88, s3;
	s6 =	simm.s32 @!p1 $0x1082;
	[sflag:s4] =	ssyncset.s32 $0xFFFFF086  }
0x25: {  	[simem:s6], [sflag:s4] =	dma.local [hbm:s3], $0xF7A  }
0x26: {  	[smem:$0x3F95] =	sst s1;
	(tag) =	ssettag s2;
	_ =	strace s9  }
0x27: {  	s1 =	sld [smem:$0x3FA5]  }
0x28: {  	s2 =	sld [smem:$0x3FA6]  }
0x29: {  	s4 =	sld [smem:$0x3FA8]  }
0x2a: {  	p0 =	seq.s32 s5, $0x0;
	s5 =	sld [smem:$0x3FA9]  }
0x2b: {  	s6 =	sld [smem:$0x3FAA]  }
0x2c: {  	s7 =	sld [smem:$0x3FAB]  }
0x2d: {  	s3 =	simm.s32 $0x108;
	s8 =	sld [smem:$0x3FAC]  }
0x2e: {  	s3 =	simm.s32 @!p0 $0x1082;
	s9 =	sld [smem:$0x3FAD]  }
0x2f: {  	lr =	sadd.s32 s0, s3;
	s0 =	sld [smem:$0x3FA4]  }
0x30: {  	s3 =	sld [smem:$0x3FA7]  }
0x31: {  	[smem:$0x3FB0] =	sst s10  }
0x32: {  	s10 =	sld [smem:$0x3FAE];
	_ =	sdelay $0x3  }
0x33: {  	p0 =	seq.s32 s10, $0x1;
	s10 =	sld [smem:$0x3FB0];
	_ =	sdelay $0x3  }
0x34: {  	[smem:$0x3FB0] =	sst s10  }
0x35: {  	s10 =	sld [smem:$0x3FAF];
	_ =	sdelay $0x3  }
0x36: {  	p1 =	seq.s32 s10, $0x1;
	s10 =	sld [smem:$0x3FB0];
	_ =	sdelay $0x3  }
0x37: {  	[smem:$0x3FB0] =	sst s10  }
0x38: {  	s10 =	sld [smem:$0x3FB1]  }
0x39: {  	_ = 	snop;
	(pc) =	sbr.ind lr, $3  }
0x3a: {  	_ = 	snop  }
0x3b: {  	_ = 	snop  }
0x3c: {  	p2 =	seq.s32 s10, $0x1;
	s10 =	sld [smem:$0x3FB0]  }
0x3d: {  	_ =	shalt  }
0x3e: {  	_ =	shalt  }
0x3f: {  	_ =	shalt  }
0x40: {  	_ =	shalt  }
0x41: {  	_ =	shalt  }
0x42: {  	_ =	shalt  }
0x43: {  	_ =	shalt  }
0x44: {  	_ =	shalt  }
0x45: {  	_ =	shalt  }
0x46: {  	_ =	shalt  }
0x47: {  	_ =	shalt  }
0x48: {  	_ =	shalt  }
0x49: {  	_ =	shalt  }
0x4a: {  	_ =	shalt  }
0x4b: {  	_ =	shalt  }
0x4c: {  	_ =	shalt  }
0x4d: {  	_ =	shalt  }
0x4e: {  	_ =	shalt  }
0x4f: {  	_ =	shalt  }
0x50: {  	_ =	shalt  }
0x51: {  	_ =	shalt  }
0x52: {  	_ =	shalt  }
0x53: {  	_ =	shalt  }
0x54: {  	_ =	shalt  }
0x55: {  	_ =	shalt  }
0x56: {  	_ =	shalt  }
0x57: {  	_ =	shalt  }
0x58: {  	_ =	shalt  }
0x59: {  	_ =	shalt  }
0x5a: {  	_ =	shalt  }
0x5b: {  	_ =	shalt  }
0x5c: {  	_ =	shalt  }
0x5d: {  	_ =	shalt  }
0x5e: {  	_ =	shalt  }
0x5f: {  	_ =	shalt  }
0x60: {  	_ =	shalt  }
0x61: {  	_ =	shalt  }
0x62: {  	_ =	shalt  }
0x63: {  	_ =	shalt  }
0x64: {  	_ =	shalt  }
0x65: {  	_ =	shalt  }
0x66: {  	_ =	shalt  }
0x67: {  	_ =	shalt  }
0x68: {  	_ =	shalt  }
0x69: {  	_ =	shalt  }
0x6a: {  	_ =	shalt  }
0x6b: {  	_ =	shalt  }
0x6c: {  	_ =	shalt  }
0x6d: {  	_ =	shalt  }
0x6e: {  	_ =	shalt  }
0x6f: {  	_ =	shalt  }
0x70: {  	_ =	shalt  }
0x71: {  	_ =	shalt  }
0x72: {  	_ =	shalt  }
0x73: {  	_ =	shalt  }
0x74: {  	_ =	shalt  }
0x75: {  	_ =	shalt  }
0x76: {  	_ =	shalt  }
0x77: {  	_ =	shalt  }
0x78: {  	_ =	shalt  }
0x79: {  	_ =	shalt  }
0x7a: {  	_ =	shalt  }
0x7b: {  	_ =	shalt  }
0x7c: {  	_ =	shalt  }
0x7d: {  	_ =	shalt  }
0x7e: {  	_ =	shalt  }
0x7f: {  	_ =	shalt  }
0x80: {  	_ =	shalt  }
0x81: {  	_ =	shalt  }
0x82: {  	_ =	shalt  }
0x83: {  	_ =	shalt  }
0x84: {  	_ =	shalt  }
0x85: {  	_ =	shalt  }
0x86: {  	_ =	shalt  }
0x87: {  	_ =	shalt  }
.Lfunc_end0:
.L_simem_size_0:
called_computation.1_lowered:
.L_overlay_start_0:
0x88: {  	s2 =	sld [smem:$0x3FD9]  }
0x89: {  	s3 =	sld [smem:$0x3FFE];
	_ =	sdelay $0x1  }
0x8a: {  	s1 =	srdreg.scid  }
0x8b: {  	s0 =	sand.u32 $0x1, s1  }
0x8c: {  	s14 =	sshll.u32 s0, $0xA;
	s2 =	sadd.s32 s3, s2  }
0x8d: {  	s2 =	sadd.s32 s2, s14  }
0x8e: {  	[smem:$0x3FBC] =	sst s2  }
0x8f: {  	_ = 	snop  }
0x90: {  	s2 =	sld [smem:$0x3FD0];
	_ =	sdelay $0x2  }
0x91: {  	s15 =	simm.s32 $0xA;
	s4 =	simm.s32 $0x10  }
0x92: {  	[smem:s4], [sflag:s15] =	dma.local [hbm:s2], $0x1  }
0x93: {  	_ =	swait.eq [sflag:s15], $0x1  }
0x94: {  	[sflag:s15] =	ssyncset.done $0x0  }
0x95: {  	[sflag:s15] =	ssyncadd.s32 $0xFFFFFFFF  }
0x96: {  	s16 =	sld [smem:$0x11];
	(tm) =	ssettm $0x1  }
0x97: {  	s17 =	sld [smem:$0x3FFB];
	_ =	sdelay $0x3  }
0x98: {  	_ =	strace s17  }
0x99: {  	s3 =	sld [smem:$0x3FFC];
	_ =	sdelay $0x3  }
0x9a: {  	_ =	strace s3  }
0x9b: {  	s3 =	sld [smem:$0x3FFD];
	_ =	sdelay $0x3  }
0x9c: {  	_ =	strace s3  }
0x9d: {  	_ =	strace $0x8FFFFFFF  }
0x9e: {  	s18 =	sld [smem:$0x3FDB];
	_ =	sdelay $0x1  }
0x9f: {  	s19 =	simm.s32 $_scs_section_size  }
0xa0: {  	s5 =	simm.s32 $_size__tile_overlayer_lowered;
	s6 =	simm.s32 $_tile_overlayer_lowered  }
0xa1: {  	s22 =	simm.s32 $0x1BFF;
	s21 =	sshll.u32 s6, $0x1;
	s3 =	sadd.s32 s19, s18  }
0xa2: {  	s7 =	simm.s32 $0x0;
	s20 =	sshll.u32 s5, $0x1;
	s5 =	sadd.s32 s21, s3  }
0xa3: {  	[timem:s7], [sflag:s22] =	dma.local [hbm:s5], s20  }
0xa4: {  	_ =	swait.ge [sflag:s22], s20  }
0xa5: {  	s4 =	ssub.s32 $0x0, s20;
	[sflag:s22] =	ssyncset.done $0x0  }
0xa6: {  	[sflag:s22] =	ssyncadd.s32 s4;
	_ =	sdelay $0x1  }
0xa7: {  	s23 =	simm.s32 $0x1B8B  }
0xa8: {  	_ =	swait.ge [sflag:s23], $0x1  }
0xa9: {  	[sflag:s23] =	ssyncset.done $0x0  }
0xaa: {  	s25 =	simm.s32 $0x1B8E;
	s24 =	sld [smem:$0x3FFE];
	[sflag:s23] =	ssyncadd.s32 $0xFFFFFFFF  }
0xab: {  	s26 =	simm.s32 $execute0_lowered;
	[smem:$0x3FD2] =	sst s25  }
0xac: {  	s5 =	sshll.u32 s26, $0x1;
	_ =	strace $0x80000049;
	[dreg:$0x1] =	wrdreg $0xFFFFFFFF  }
0xad: {  	s28 =	simm.s32 $_size_execute0_lowered;
	s3 =	sadd.s32 s3, s5;
	[dreg:$0x0] =	wrdreg $0x0  }
0xae: {  	s5 =	sshll.u32 s28, $0x1;
	[dreg:$0x2] =	wrdreg s3  }
0xaf: {  	[dreg:$0x3] =	wrdreg s5  }
0xb0: {  	[dreg:$0x4] =	wrdreg $0xC0  }
0xb1: {  	_ =	task [dreg:s7], $0x5FFFF  }
0xb2: {  	[dreg:$0x1] =	wrdreg $0xFFFFFFFF  }
0xb3: {  	[dreg:$0x0] =	wrdreg $0x60  }
0xb4: {  	[dreg:$0x2] =	wrdreg s16  }
0xb5: {  	[dreg:$0x3] =	wrdreg s24  }
0xb6: {  	[dreg:$0x4] =	wrdreg $0x7E800  }
0xb7: {  	[dreg:$0x5] =	wrdreg $0x9  }
0xb8: {  	_ =	task.clear_ibuf [dreg:s7], $0x6FFFF;
	_ =	strace $0x90000049  }
0xb9: {  	s29 =	simm.s32 $0x9;
	_ =	strace $0x8000004B  }
0xba: {  	_ =	swait.ge [sflag:s29], $0x1  }
0xbb: {  	[sflag:s29] =	ssyncadd.s32 $0xFFFFFFFF  }
0xbc: {  	_ =	strace $0x9000004B  }
0xbd: {  	_ =	sfence  }
0xbe: {  	s30 =	sld [smem:$0x0];
	_ =	sdelay $0x2  }
0xbf: {  	s31 =	sshll.u32 s1, $0xD;
	s1 =	sshrl.u32 s1, $0x2  }
0xc0: {  	s3 =	sand.u32 $0x4000, s31;
	s1 =	sadd.s32 s1, s30  }
0xc1: {  	s0 =	sor.u32 s3, s0;
	s1 =	sshll.u32 s1, $0x11  }
0xc2: {  	s0 =	sor.u32 s1, s0  }
0xc3: {  	s0 =	sadd.s32 $0x8F2B, s0  }
0xc4: {  	[sflag:s0] =	ssyncadd.remote.s32 $0x1  }
0xc5: {  	_ =	sfence.sel $0xFFFF  }
0xc6: {  	[dreg:$0x0] =	wrdreg $0xFFFFFFFF;
	(pc) =	sbr.abs _section_cstart, $3  }
0xc7: {  	[dreg:$0x1] =	wrdreg $0xFFFFFFFF  }
0xc8: {  	_ =	task.clear_ibuf [dreg:s7], $0x2FFFF;
	_ =	strace $0x9FFFFFFF  }
0xc9: {  	(tm) =	ssettm $0x7FFFFFFF  }
tec
execute0_lowered:
.L_overlay_start_1:
0x0: {  	(tag) =	ssettag $0x1  }
0x1: {  	s0 =	rddreg [dreg:$0x0]  }
0x2: {  	s1 =	rddreg [dreg:$0x1]  }
0x3: {  	s2 =	rddreg [dreg:$0x2];
	s3 =	simm.s32 $0x0;
	s13 =	stileid.u32  }
0x4: {  	s5 =	srdreg.scid;
	s31 =	simm.s32 $0x6680;
	[smem:$0x7FF] =	sst s3  }
0x5: {  	s6 =	smul.u32 $0x4E000, s13;
	s4 =	sadd.s32 $0x50E200, s1;
	s7 =	sand.u32 $0x1, s5  }
0x6: {  	s1 =	sadd.s32 $0x2400, s1;
	s9 =	sshll.u32 s13, $0x1;
	s16 =	smul.u32 $0x13800, s13  }
0x7: {  	s20 =	smul.u32 $0x4E200, s13;
	p0 =	sne.s32 s13, $0xF;
	s23 =	sshrl.u32 s6, $0x2  }
0x8: {  	s28 =	sadd.s32 $0x138000, s2;
	s13 =	simm.s32 $0x6580;
	s5 =	sadd.s32 s23, s2  }
0x9: {  	_ =	strace $0x8000004A;
	s8 =	ssub.s32 $0x2, s7;
	s26 =	sadd.s32 $0x1800, s5  }
0xa: {  	s25 =	sor.u32 s7, s9;
	s29 =	sadd.s32 $0x3000, s5;
	[dreg:$0x4] =	wrdreg s26  }
0xb: {  	s14 =	smul.u32 $0x138800, s7;
	s30 =	sadd.s32 $0x4800, s5;
	[dreg:$0x5] =	wrdreg s29  }
0xc: {  	s7 =	smul.u32 $0x27100, s7;
	s10 =	sadd.s32 $0x6000, s5;
	[dreg:$0x6] =	wrdreg s30  }
0xd: {  	s24 =	sshrl.u32 s8, $0x1;
	s11 =	sadd.s32 $0x7800, s5;
	[dreg:$0x7] =	wrdreg s10  }
0xe: {  	s18 =	smul.u32 $0x138800, s25;
	s12 =	sadd.s32 $0x9000, s5;
	[dreg:$0x8] =	wrdreg s11  }
0xf: {  	s19 =	smul.u32 $0x27100, s25;
	s15 =	sadd.s32 $0xC000, s5;
	[dreg:$0x9] =	wrdreg s12  }
0x10: {  	s6 =	ssub.s32 s8, s24;
	s17 =	sadd.s32 $0xF000, s5;
	[dreg:$0xb] =	wrdreg s15  }
0x11: {  	s8 =	sshll.u32 s25, $0xC;
	s21 =	sadd.s32 s0, s19;
	[dreg:$0xd] =	wrdreg s17  }
0x12: {  	s19 =	sshll.u32 s25, $0xF;
	s25 =	smax.u32 s6, $0x1;
	[dreg:$0x10] =	wrdreg s21  }
0x13: {  	s9 =	sshrl.u32 s14, $0x3;
	s8 =	sadd.s32 s4, s8;
	[dreg:$0x15] =	wrdreg s25  }
0x14: {  	s6 =	simm.s32 $0x1400;
	s10 =	sadd.s32 $0xA800, s5;
	[dreg:$0x11] =	wrdreg s8  }
0x15: {  	s11 =	sadd.s32 $0xD800, s5;
	s12 =	sadd.s32 $0x10800, s5;
	[dreg:$0xa] =	wrdreg s10  }
0x16: {  	s26 =	sadd.s32 $0x12000, s5;
	s29 =	sadd.s32 $0x10, s8;
	[dreg:$0xc] =	wrdreg s11  }
0x17: {  	s30 =	sadd.s32 $0x20, s8;
	s8 =	simm.s32 $0x2800;
	[dreg:$0xe] =	wrdreg s12  }
0x18: {  	s15 =	simm.s32 $0x5000;
	s17 =	simm.s32 $0x3;
	[dreg:$0x17] =	wrdreg s26  }
0x19: {  	s21 =	simm.s32 $0x5;
	s10 =	sadd.s32 s16, s14;
	[dreg:$0x18] =	wrdreg s29  }
0x1a: {  	s11 =	sshrl.u32 s18, $0x3;
	[dreg:$0x19] =	wrdreg s30;
	s12 =	simm.s32 $0x3C00  }
0x1b: {  	s14 =	simm.s32 $0x2;
	s16 =	simm.s32 $0x6600;
	s18 =	simm.s32 $0x6  }
0x1c: {  	s26 =	simm.s32 $0x0;
	s10 =	sshrl.u32 s10, $0x3;
	s22 =	sadd.s32 s0, s11  }
0x1d: {  	s0 =	sadd.s32 s20, s0;
	s11 =	simm.s32 $0x28;
	s10 =	sadd.s32 s1, s10  }
0x1e: {  	s1 =	sadd.s32 s1, s9;
	s0 =	sadd.s32 s7, s0;
	s23 =	sadd.s32 $0x280, s22  }
.Ltmp0:
0x1f: {  	s24 =	sadd.s32 $0x500, s22;
	[dreg:$0xf] =	wrdreg s10;
	(pc) =	sbr.rel .LBB2_1-.Ltmp0, $4  }
0x20: {  	s7 =	simm.s32 $0x6480;
	s9 =	simm.s32 $0x6500;
	[dreg:$0x12] =	wrdreg s23  }
0x21: {  	s22 =	simm.s32 $0x8;
	[dreg:$0x13] =	wrdreg s24;
	s1 =	sadd.s32 $0x27000, s1  }
0x22: {  	s0 =	sadd.s32 $0x1180, s0;
	s10 =	simm.s32 $0x1;
	[dreg:$0x14] =	wrdreg s1  }
0x23: {  	v0 =	vimm.f32 $0.0e+00;
	[dreg:$0x16] =	wrdreg s0;
	s0 =	simm.s32 $0xB;
	s1 =	simm.s32 $0x6400  }
.LBB2_6:
0x24: {  	s20 =	simm.s32 $0x9  }
0x25: {  	_ =	swait.ge [sflag:s20], $0x1400  }
0x26: {  	[sflag:s20] =	ssyncset.done $0x0  }
0x27: {  	s25 =	simm.s32 $0xA;
	[sflag:s20] =	ssyncadd.s32 $0xFFFFEC00  }
0x28: {  	_ =	swait.ge [sflag:s25], $0x1400  }
0x29: {  	[sflag:s25] =	ssyncset.done $0x0  }
0x2a: {  	s29 =	stileid.u32;
	[sflag:s25] =	ssyncadd.s32 $0xFFFFEC00  }
0x2b: {  	s20 =	sshll.u32 s29, $0x6;
	[bflag:$0x0] =	sbarrier.arrive $0xFFFF  }
0x2c: {  	s23 =	sshrl.u32 s5, $0x3;
	s20 =	sor.u32 $0x1C0B, s20;
	s24 =	rddreg [dreg:$0xf]  }
0x2d: {  	[hbm:s24], [sflag:s20] =	dma.local [spmem:s23], $0x2700  }
0x2e: {  	_ =	swait.ge [sflag:s0], $0x2700  }
0x2f: {  	[sflag:s0] =	ssyncset.done $0x0  }
0x30: {  	s23 =	sshrl.u32 @!p0 s28, $0x3;
	s24 =	rddreg [dreg:$0x14];
	[sflag:s0] =	ssyncadd.s32 $0xFFFFD900  }
0x31: {  	[hbm:s24], [sflag:s20] =	dma.local @!p0 [spmem:s23], $0x100  }
0x32: {  	s20 =	simm.s32 @!p0 $0xB  }
0x33: {  	_ =	swait.ge @!p0 [sflag:s20], $0x100  }
0x34: {  	s26 =	sadd.s32 $0x1, s26;
	s30 =	rddreg [dreg:$0x15]  }
0x35: {  	p1 =	sne.s32 s26, s30  }
.Ltmp1:
0x36: {  	_ = 	snop;
	(pc) =	sbr.rel @!p1 .LBB2_7-.Ltmp1, $3  }
0x37: {  	_ =	sdelay $0x1  }
0x38: {  	[sflag:s20] =	ssyncset.done @!p0 $0x0  }
0x39: {  	[sflag:s20] =	ssyncadd.s32 @!p0 $0xFFFFFF00  }
.LBB2_1:
0x3a: {  	s25 =	simm.s32 $0x0;
	s29 =	simm.s32 $0x200  }
.LBB2_2:
0x3b: {  	p1 =	sne.s32 s29, $0x5E00;
	[tilespmem:s25+$0x66F0] =	vst v0  }
0x3c: {  	[tilespmem:s25+$0x6680] =	vst v0  }
0x3d: {  	[tilespmem:s25+$0x6690] =	vst v0  }
.Ltmp2:
0x3e: {  	[tilespmem:s25+$0x66A0] =	vst v0;
	(pc) =	sbr.rel @p1 .LBB2_2-.Ltmp2, $4  }
0x3f: {  	[tilespmem:s25+$0x66B0] =	vst v0  }
0x40: {  	[tilespmem:s25+$0x66C0] =	vst v0  }
0x41: {  	[tilespmem:s25+$0x66D0] =	vst v0  }
0x42: {  	[tilespmem:s25+$0x66E0] =	vst v0;
	s25 =	sshra.s32 s29, $0x2;
	s29 =	sadd.s32 $0x200, s29  }
0x43: {  	[tilespmem:s25+$0x66F0] =	vst v0  }
0x44: {  	[tilespmem:s25+$0x6680] =	vst v0  }
0x45: {  	[tilespmem:s25+$0x6690] =	vst v0  }
0x46: {  	[tilespmem:s25+$0x66A0] =	vst v0  }
0x47: {  	[tilespmem:s25+$0x66B0] =	vst v0  }
0x48: {  	[tilespmem:s25+$0x66C0] =	vst v0  }
0x49: {  	[tilespmem:s25+$0x66D0] =	vst v0  }
0x4a: {  	[tilespmem:s25+$0x66E0] =	vst v0  }
0x4b: {  	[spmem:s5] =	stream.linear.scatter [tilespmem:s31], [sflag:$0xB], $0x1800, $0x38;
	[tilespmem:$0x1B700] =	vst v63  }
0x4c: {  	_ =	swait.ge [sflag:s0], $0x1800  }
0x4d: {  	[sflag:s0] =	ssyncset.done $0x0  }
0x4e: {  	s20 =	rddreg [dreg:$0x4];
	[sflag:s0] =	ssyncadd.s32 $0xFFFFE800  }
0x4f: {  	[spmem:s20] =	stream.linear.scatter [tilespmem:s31], [sflag:$0xB], $0x1800, $0x38;
	[tilespmem:$0x1B700] =	vst v63  }
0x50: {  	_ =	swait.ge [sflag:s0], $0x1800  }
0x51: {  	[sflag:s0] =	ssyncset.done $0x0  }
0x52: {  	s30 =	rddreg [dreg:$0x5];
	[sflag:s0] =	ssyncadd.s32 $0xFFFFE800  }
0x53: {  	[spmem:s30] =	stream.linear.scatter [tilespmem:s31], [sflag:$0xB], $0x1800, $0x38;
	[tilespmem:$0x1B700] =	vst v63  }
0x54: {  	_ =	swait.ge [sflag:s0], $0x1800  }
0x55: {  	[sflag:s0] =	ssyncset.done $0x0  }
0x56: {  	s23 =	rddreg [dreg:$0x6];
	[sflag:s0] =	ssyncadd.s32 $0xFFFFE800  }
0x57: {  	[spmem:s23] =	stream.linear.scatter [tilespmem:s31], [sflag:$0xB], $0x1800, $0x38;
	[tilespmem:$0x1B700] =	vst v63  }
0x58: {  	_ =	swait.ge [sflag:s0], $0x1800  }
0x59: {  	[sflag:s0] =	ssyncset.done $0x0  }
0x5a: {  	s24 =	rddreg [dreg:$0x7];
	[sflag:s0] =	ssyncadd.s32 $0xFFFFE800  }
0x5b: {  	[spmem:s24] =	stream.linear.scatter [tilespmem:s31], [sflag:$0xB], $0x1800, $0x38;
	[tilespmem:$0x1B700] =	vst v63  }
0x5c: {  	_ =	swait.ge [sflag:s0], $0x1800  }
0x5d: {  	[sflag:s0] =	ssyncset.done $0x0  }
0x5e: {  	s25 =	rddreg [dreg:$0x8];
	[sflag:s0] =	ssyncadd.s32 $0xFFFFE800  }
0x5f: {  	[spmem:s25] =	stream.linear.scatter [tilespmem:s31], [sflag:$0xB], $0x1800, $0x38;
	[tilespmem:$0x1B700] =	vst v63  }
0x60: {  	_ =	swait.ge [sflag:s0], $0x1800  }
0x61: {  	[sflag:s0] =	ssyncset.done $0x0  }
0x62: {  	s30 =	rddreg [dreg:$0x9];
	[sflag:s0] =	ssyncadd.s32 $0xFFFFE800  }
0x63: {  	[spmem:s30] =	stream.linear.scatter [tilespmem:s31], [sflag:$0xB], $0x1800, $0x38;
	[tilespmem:$0x1B700] =	vst v63  }
0x64: {  	_ =	swait.ge [sflag:s0], $0x1800  }
0x65: {  	[sflag:s0] =	ssyncset.done $0x0  }
0x66: {  	s23 =	rddreg [dreg:$0xa];
	[sflag:s0] =	ssyncadd.s32 $0xFFFFE800  }
0x67: {  	[spmem:s23] =	stream.linear.scatter [tilespmem:s31], [sflag:$0xB], $0x1800, $0x38;
	[tilespmem:$0x1B700] =	vst v63  }
0x68: {  	_ =	swait.ge [sflag:s0], $0x1800  }
0x69: {  	[sflag:s0] =	ssyncset.done $0x0  }
0x6a: {  	s24 =	rddreg [dreg:$0xb];
	[sflag:s0] =	ssyncadd.s32 $0xFFFFE800  }
0x6b: {  	[spmem:s24] =	stream.linear.scatter [tilespmem:s31], [sflag:$0xB], $0x1800, $0x38;
	[tilespmem:$0x1B700] =	vst v63  }
0x6c: {  	_ =	swait.ge [sflag:s0], $0x1800  }
0x6d: {  	[sflag:s0] =	ssyncset.done $0x0  }
0x6e: {  	s25 =	rddreg [dreg:$0xc];
	[sflag:s0] =	ssyncadd.s32 $0xFFFFE800  }
0x6f: {  	[spmem:s25] =	stream.linear.scatter [tilespmem:s31], [sflag:$0xB], $0x1800, $0x38;
	[tilespmem:$0x1B700] =	vst v63  }
0x70: {  	_ =	swait.ge [sflag:s0], $0x1800  }
0x71: {  	[sflag:s0] =	ssyncset.done $0x0  }
0x72: {  	s30 =	rddreg [dreg:$0xd];
	[sflag:s0] =	ssyncadd.s32 $0xFFFFE800  }
0x73: {  	[spmem:s30] =	stream.linear.scatter [tilespmem:s31], [sflag:$0xB], $0x1800, $0x38;
	[tilespmem:$0x1B700] =	vst v63  }
0x74: {  	_ =	swait.ge [sflag:s0], $0x1800  }
0x75: {  	[sflag:s0] =	ssyncset.done $0x0  }
0x76: {  	s23 =	rddreg [dreg:$0xe];
	[sflag:s0] =	ssyncadd.s32 $0xFFFFE800  }
0x77: {  	[spmem:s23] =	stream.linear.scatter [tilespmem:s31], [sflag:$0xB], $0x1800, $0x38;
	[tilespmem:$0x1B700] =	vst v63  }
0x78: {  	_ =	swait.ge [sflag:s0], $0x1800  }
0x79: {  	[sflag:s0] =	ssyncset.done $0x0  }
0x7a: {  	s24 =	rddreg [dreg:$0x17];
	[sflag:s0] =	ssyncadd.s32 $0xFFFFE800  }
0x7b: {  	[spmem:s24] =	stream.linear.scatter [tilespmem:s31], [sflag:$0xB], $0x1800, $0x38;
	[tilespmem:$0x1B700] =	vst v63  }
0x7c: {  	_ =	swait.ge [sflag:s0], $0x1800  }
0x7d: {  	[sflag:s0] =	ssyncset.done $0x0  }
0x7e: {  	s25 =	simm.s32 @!p0 $0x6680;
	[sflag:s0] =	ssyncadd.s32 $0xFFFFE800  }
0x7f: {  	[spmem:s28] =	stream.linear.scatter @!p0 [tilespmem:s25], [sflag:$0xB], $0x800, $0x38;
	[tilespmem:$0x1B700] =	vst v63  }
0x80: {  	s25 =	simm.s32 @!p0 $0xB  }
0x81: {  	_ =	swait.ge @!p0 [sflag:s25], $0x800  }
0x82: {  	[sflag:s25] =	ssyncset.done @!p0 $0x0  }
0x83: {  	[sflag:s25] =	ssyncadd.s32 @!p0 $0xFFFFF800  }
0x84: {  	[bflag:$0x0] =	sbarrier.arrive $0xFFFF  }
0x85: {  	s25 =	rddreg [dreg:$0x10]  }
0x86: {  	s30 =	rddreg [dreg:$0x11]  }
0x87: {  	[tilespmem:s3], [sflag:$0x1] =	stream.linear.gather [hbm4b:s25+s3], $0x1400, $0x38;
	[tilespmem:$0x1B700] =	vst v63  }
0x88: {  	s23 =	rddreg [dreg:$0x12]  }
0x89: {  	[tilespmem:s1], [sflag:$0x1] =	stream.linear.gather [hbm4b:s30+s3], $0x80, $0x38;
	[tilespmem:$0x1B700] =	vst v63  }
0x8a: {  	s24 =	rddreg [dreg:$0x18]  }
0x8b: {  	[tilespmem:s6], [sflag:$0x2] =	stream.linear.gather [hbm4b:s23+s3], $0x1400, $0x38;
	[tilespmem:$0x1B700] =	vst v63  }
0x8c: {  	s29 =	rddreg [dreg:$0x16]  }
0x8d: {  	[tilespmem:s7], [sflag:$0x2] =	stream.linear.gather [hbm4b:s24+s3], $0x80, $0x38;
	[tilespmem:$0x1B700] =	vst v63  }
0x8e: {  	s25 =	rddreg [dreg:$0x13]  }
0x8f: {  	[tilespmem:s8], [sflag:$0x3] =	stream.linear.gather [hbm4b:s25+s3], $0x1400, $0x38;
	[tilespmem:$0x1B700] =	vst v63  }
0x90: {  	s30 =	rddreg [dreg:$0x19];
	s25 =	simm.s32 $0x380  }
0x91: {  	[tilespmem:s9], [sflag:$0x3] =	stream.linear.gather [hbm4b:s30+s3], $0x80, $0x38;
	[tilespmem:$0x1B700] =	vst v63  }
.LBB2_4:
0x92: {  	_ =	swait.ge [sflag:s10], $0x1400  }
0x93: {  	[sflag:s10] =	ssyncset.done $0x0  }
0x94: {  	[sflag:s10] =	ssyncadd.s32 $0xFFFFEC00  }
0x95: {  	_ =	swait.ge [sflag:s10], $0x80  }
0x96: {  	p1 =	seq.s32 s25, $0x380;
	[sflag:s10] =	ssyncset.done $0x0  }
0x97: {  	s30 =	simm.s32 @!p1 $0x9;
	[sflag:s10] =	ssyncadd.s32 $0xFFFFFF80  }
0x98: {  	[spmem:s2] =	stream.indirect.scatter.add.f32 [tilespmem:s3], [sflag:$0x6], $0x80, s1, s11, $0xb8;
	[tilespmem:$0x1B700] =	vst v63  }
0x99: {  	s24 =	sadd.s32 $0xFFFFFE00, s25;
	_ =	swait.ge @!p1 [sflag:s30], $0x1400  }
0x9a: {  	s23 =	sadd.s32 $0xFFFFF600, s29;
	s20 =	sand.u32 $0x1FC00, s24;
	[sflag:s30] =	ssyncset.done @!p1 $0x0  }
0x9b: {  	s20 =	sadd.s32 s19, s20;
	[sflag:s30] =	ssyncadd.s32 @!p1 $0xFFFFEC00;
	s30 =	sand.u32 $0x380, s24  }
0x9c: {  	[tilespmem:s12], [sflag:$0x4] =	stream.linear.gather [hbm4b:s23+s3], $0x1400, $0x38;
	[tilespmem:$0x1B700] =	vst v63  }
0x9d: {  	s20 =	sor.u32 s30, s20  }
0x9e: {  	s20 =	sshrl.u32 s20, $0x3  }
0x9f: {  	s20 =	sadd.s32 s4, s20  }
0xa0: {  	[tilespmem:s13], [sflag:$0x4] =	stream.linear.gather [hbm4b:s20+s3], $0x80, $0x38;
	[tilespmem:$0x1B700] =	vst v63  }
0xa1: {  	_ =	swait.ge [sflag:s14], $0x1400  }
0xa2: {  	[sflag:s14] =	ssyncset.done $0x0  }
0xa3: {  	[sflag:s14] =	ssyncadd.s32 $0xFFFFEC00  }
0xa4: {  	_ =	swait.ge [sflag:s14], $0x80  }
0xa5: {  	[sflag:s14] =	ssyncset.done $0x0  }
0xa6: {  	s20 =	simm.s32 @!p1 $0xA;
	[sflag:s14] =	ssyncadd.s32 $0xFFFFFF80  }
0xa7: {  	[spmem:s2] =	stream.indirect.scatter.add.f32 [tilespmem:s6], [sflag:$0x7], $0x80, s7, s11, $0xb8;
	[tilespmem:$0x1B700] =	vst v63  }
0xa8: {  	_ =	swait.ge @!p1 [sflag:s20], $0x1400  }
0xa9: {  	s23 =	sadd.s32 $0xFFFFFE80, s25;
	[sflag:s20] =	ssyncset.done @!p1 $0x0  }
0xaa: {  	s30 =	sadd.s32 $0xFFFFF880, s29;
	s24 =	sand.u32 $0x1FC00, s23;
	[sflag:s20] =	ssyncadd.s32 @!p1 $0xFFFFEC00  }
0xab: {  	[tilespmem:s15], [sflag:$0x5] =	stream.linear.gather [hbm4b:s30+s3], $0x1400, $0x38;
	[tilespmem:$0x1B700] =	vst v63  }
0xac: {  	s20 =	sand.u32 $0x380, s23;
	s30 =	sadd.s32 s19, s24  }
0xad: {  	s20 =	sor.u32 s20, s30  }
0xae: {  	s20 =	sshrl.u32 s20, $0x3  }
0xaf: {  	s20 =	sadd.s32 s4, s20  }
0xb0: {  	[tilespmem:s16], [sflag:$0x5] =	stream.linear.gather [hbm4b:s20+s3], $0x80, $0x38;
	[tilespmem:$0x1B700] =	vst v63  }
0xb1: {  	_ =	swait.ge [sflag:s17], $0x1400  }
0xb2: {  	[sflag:s17] =	ssyncset.done $0x0  }
0xb3: {  	[sflag:s17] =	ssyncadd.s32 $0xFFFFEC00  }
0xb4: {  	_ =	swait.ge [sflag:s17], $0x80  }
0xb5: {  	[sflag:s17] =	ssyncset.done $0x0  }
0xb6: {  	[sflag:s17] =	ssyncadd.s32 $0xFFFFFF80  }
0xb7: {  	[spmem:s2] =	stream.indirect.scatter.add.f32 [tilespmem:s8], [sflag:$0x8], $0x80, s9, s11, $0xb8;
	[tilespmem:$0x1B700] =	vst v63  }
0xb8: {  	_ =	swait.ge [sflag:s18], $0x1400  }
0xb9: {  	p1 =	seq.s32 s25, $0x7E00;
	[sflag:s18] =	ssyncset.done $0x0  }
0xba: {  	s20 =	simm.s32 @p1 $0x4;
	[sflag:s18] =	ssyncadd.s32 $0xFFFFEC00  }
0xbb: {  	_ =	swait.ge @p1 [sflag:s20], $0x1400  }
0xbc: {  	[sflag:s20] =	ssyncset.done @p1 $0x0  }
0xbd: {  	[sflag:s20] =	ssyncadd.s32 @p1 $0xFFFFEC00  }
0xbe: {  	_ =	swait.ge @p1 [sflag:s20], $0x80  }
0xbf: {  	s23 =	simm.s32 @p1 $0x3C00;
	[sflag:s20] =	ssyncset.done @p1 $0x0  }
0xc0: {  	s30 =	simm.s32 @p1 $0x6580;
	[sflag:s20] =	ssyncadd.s32 @p1 $0xFFFFFF80;
	s20 =	simm.s32 @p1 $0x28  }
0xc1: {  	[spmem:s2] =	stream.indirect.scatter.add.f32 @p1 [tilespmem:s23], [sflag:$0x9], $0x80, s30, s20, $0xb8;
	[tilespmem:$0x1B700] =	vst v63  }
0xc2: {  	s20 =	simm.s32 @p1 $0x7  }
0xc3: {  	_ =	swait.ge @p1 [sflag:s20], $0x1400  }
0xc4: {  	[sflag:s20] =	ssyncset.done @p1 $0x0  }
0xc5: {  	s23 =	simm.s32 @!p1 $0x0;
	[sflag:s20] =	ssyncadd.s32 @p1 $0xFFFFEC00;
	s20 =	sadd.s32 @!p1 $0xFFFFFB00, s29  }
0xc6: {  	[tilespmem:s23], [sflag:$0x1] =	stream.linear.gather @!p1 [hbm4b:s20+s23], $0x1400, $0x38;
	[tilespmem:$0x1B700] =	vst v63  }
0xc7: {  	s20 =	sadd.s32 @!p1 $0xFFFFFF00, s25  }
0xc8: {  	s30 =	sand.u32 @!p1 $0x1FC00, s20  }
0xc9: {  	s20 =	sand.u32 @!p1 $0x380, s20;
	s30 =	sadd.s32 @!p1 s19, s30  }
0xca: {  	s20 =	sor.u32 @!p1 s20, s30  }
0xcb: {  	s20 =	sshrl.u32 @!p1 s20, $0x3  }
0xcc: {  	s30 =	simm.s32 @!p1 $0x6400;
	s20 =	sadd.s32 @!p1 s4, s20  }
0xcd: {  	[tilespmem:s30], [sflag:$0x1] =	stream.linear.gather @!p1 [hbm4b:s20+s23], $0x80, $0x38;
	[tilespmem:$0x1B700] =	vst v63  }
0xce: {  	s20 =	simm.s32 @!p1 $0x4  }
0xcf: {  	_ =	swait.ge @!p1 [sflag:s20], $0x1400  }
0xd0: {  	[sflag:s20] =	ssyncset.done @!p1 $0x0  }
0xd1: {  	[sflag:s20] =	ssyncadd.s32 @!p1 $0xFFFFEC00  }
0xd2: {  	_ =	swait.ge @!p1 [sflag:s20], $0x80  }
0xd3: {  	s24 =	simm.s32 @!p1 $0x3C00;
	[sflag:s20] =	ssyncset.done @!p1 $0x0  }
0xd4: {  	s30 =	simm.s32 @!p1 $0x6580;
	[sflag:s20] =	ssyncadd.s32 @!p1 $0xFFFFFF80;
	s20 =	simm.s32 @!p1 $0x28  }
0xd5: {  	[spmem:s2] =	stream.indirect.scatter.add.f32 @!p1 [tilespmem:s24], [sflag:$0x9], $0x80, s30, s20, $0xb8;
	[tilespmem:$0x1B700] =	vst v63  }
0xd6: {  	s20 =	simm.s32 @!p1 $0x7  }
0xd7: {  	_ =	swait.ge @!p1 [sflag:s20], $0x1400  }
0xd8: {  	[sflag:s20] =	ssyncset.done @!p1 $0x0  }
0xd9: {  	s24 =	simm.s32 @!p1 $0x1400;
	[sflag:s20] =	ssyncadd.s32 @!p1 $0xFFFFEC00;
	s20 =	sadd.s32 @!p1 $0xFFFFFD80, s29  }
0xda: {  	[tilespmem:s24], [sflag:$0x2] =	stream.linear.gather @!p1 [hbm4b:s20+s23], $0x1400, $0x38;
	[tilespmem:$0x1B700] =	vst v63  }
0xdb: {  	s20 =	sadd.s32 @!p1 $0xFFFFFF80, s25  }
0xdc: {  	s24 =	sand.u32 @!p1 $0x1FC00, s20  }
0xdd: {  	s20 =	sand.u32 @!p1 $0x380, s20;
	s24 =	sadd.s32 @!p1 s19, s24  }
0xde: {  	s20 =	sor.u32 @!p1 s20, s24  }
0xdf: {  	s20 =	sshrl.u32 @!p1 s20, $0x3  }
0xe0: {  	s24 =	simm.s32 @!p1 $0x6480;
	s20 =	sadd.s32 @!p1 s4, s20  }
0xe1: {  	[tilespmem:s24], [sflag:$0x2] =	stream.linear.gather @!p1 [hbm4b:s20+s23], $0x80, $0x38;
	[tilespmem:$0x1B700] =	vst v63  }
0xe2: {  	_ =	swait.ge [sflag:s21], $0x1400  }
0xe3: {  	[sflag:s21] =	ssyncset.done $0x0  }
0xe4: {  	[sflag:s21] =	ssyncadd.s32 $0xFFFFEC00  }
0xe5: {  	_ =	swait.ge [sflag:s21], $0x80  }
0xe6: {  	[sflag:s21] =	ssyncset.done $0x0  }
.Ltmp3:
0xe7: {  	[sflag:s21] =	ssyncadd.s32 $0xFFFFFF80;
	(pc) =	sbr.rel @p1 .LBB2_6-.Ltmp3, $4  }
0xe8: {  	[spmem:s2] =	stream.indirect.scatter.add.f32 [tilespmem:s15], [sflag:$0xA], $0x80, s16, s11, $0xb8;
	[tilespmem:$0x1B700] =	vst v63  }
0xe9: {  	_ =	swait.ge [sflag:s22], $0x1400  }
0xea: {  	[sflag:s22] =	ssyncset.done $0x0  }
0xeb: {  	[sflag:s22] =	ssyncadd.s32 $0xFFFFEC00  }
0xec: {  	[tilespmem:s8], [sflag:$0x3] =	stream.linear.gather [hbm4b:s29+s3], $0x1400, $0x38;
	[tilespmem:$0x1B700] =	vst v63  }
0xed: {  	s20 =	sand.u32 $0x1FC00, s25  }
.Ltmp4:
0xee: {  	s23 =	sand.u32 $0x380, s25;
	s20 =	sadd.s32 s19, s20;
	(pc) =	sbr.rel .LBB2_4-.Ltmp4, $4  }
0xef: {  	s20 =	sor.u32 s23, s20  }
0xf0: {  	s20 =	sshrl.u32 s20, $0x3  }
0xf1: {  	s29 =	sadd.s32 $0xC80, s29;
	s25 =	sadd.s32 $0x280, s25;
	s20 =	sadd.s32 s4, s20  }
0xf2: {  	[tilespmem:s9], [sflag:$0x3] =	stream.linear.gather [hbm4b:s20+s3], $0x80, $0x38;
	[tilespmem:$0x1B700] =	vst v63  }
.LBB2_7:
0xf3: {  	_ =	sfence.sel $0x180000  }
0xf4: {  	[bflag:$0x0] =	sbarrier.arrive $0xFFFF  }
0xf5: {  	_ =	strace $0x9000004A  }
0xf6: {  	s0 =	stileid.u32;
	[bflag:$0x2] =	sbarrier.arrive $0xFFFF  }
0xf7: {  	p0 =	sne.s32 s0, $0x0;
	s0 =	rddreg [dreg:$0x3]  }
0xf8: {  	s0 =	sadd.s32 @!p0 $0x100000, s0  }
0xf9: {  	[sflag:s0] =	ssyncadd.tile.s32 @!p0 $0x1;
	_ =	shalt  }
.Lfunc_end2:
_tile_overlayer_lowered:
.L_overlay_start_2:
0xfa: {  	(tag) =	ssettag $0x2  }
0xfb: {  	s0 =	rddreg [dreg:$0x0];
	s2 =	stileid.u32  }
0xfc: {  	s1 =	rddreg [dreg:$0x1];
	p0 =	sne.s32 s2, $0x0  }
0xfd: {  	s3 =	rddreg [dreg:$0x2];
	[bflag:$0x3] =	sbarrier.arrive $0xFFFF;
	s2 =	simm.s32 @!p0 $0x1C0B  }
0xfe: {  	[timem:s3], [sflag:s2] =	dma.local @!p0 [hbm:s0], s1  }
0xff: {  	s0 =	simm.s32 @!p0 $0xB  }
0x100: {  	_ =	swait.ge @!p0 [sflag:s0], s1  }
0x101: {  	s1 =	ssub.s32 @!p0 $0x0, s1;
	[sflag:s0] =	ssyncset.done @!p0 $0x0  }
0x102: {  	[sflag:s0] =	ssyncadd.s32 @!p0 s1  }
0x103: {  	[bflag:$0x3] =	sbarrier.arrive $0xFFFF  }
0x104: {  	_ =	shalt  }

// kernel: kernel.7.cloned.1.call-start
scs
__scs_entry_jumppad:
0x0: {  	(pc) =	sbr.rel $0x88, $3  }
0x1: {  	(tag) =	ssettag $0x0;
	lr =	simm.s32 $0x1  }
0x2: {  	[smem:$0x3F95] =	sst lr;
	_ =	strace $0xD0000000  }
0x3: {  	_ = 	snop  }
0x4: {  	_ = 	snop  }
0x5: {  	_ = 	snop  }
0x6: {  	_ = 	snop  }
0x7: {  	_ = 	snop  }
__scs_overlays_trampoline_lowered:
0x8: {  	[smem:$0x3FA4] =	sst s0  }
0x9: {  	[smem:$0x3FA5] =	sst s1  }
0xa: {  	[smem:$0x3FA6] =	sst s2  }
0xb: {  	[smem:$0x3FA7] =	sst s3  }
0xc: {  	[smem:$0x3FA8] =	sst s4  }
0xd: {  	[smem:$0x3FA9] =	sst s5  }
0xe: {  	[smem:$0x3FAA] =	sst s6  }
0xf: {  	[smem:$0x3FAB] =	sst s7  }
0x10: {  	[smem:$0x3FAC] =	sst s8  }
0x11: {  	[smem:$0x3FAD] =	sst s9;
	s0 =	simm.s32 @!p0 $0x0  }
0x12: {  	s1 =	sld [smem:$0x3F93];
	s0 =	simm.s32 @p0 $0x1  }
0x13: {  	[smem:$0x3FAE] =	sst s0;
	s0 =	simm.s32 @!p1 $0x0  }
0x14: {  	s2 =	sld [smem:$0x3F92];
	s0 =	simm.s32 @p1 $0x1  }
0x15: {  	[smem:$0x3FAF] =	sst s0;
	s0 =	simm.s32 @!p2 $0x0  }
0x16: {  	s3 =	sld [smem:$0x3FDB];
	s0 =	simm.s32 @p2 $0x1  }
0x17: {  	s4 =	simm.s32 $0x1BF5;
	[smem:$0x3FB1] =	sst s0  }
0x18: {  	s0 =	sld [smem:$0x3F94];
	_ =	swait.ge [sflag:s4], $0x0  }
0x19: {  	s7 =	sld [smem:$0x3F95]  }
0x1a: {  	s8 =	sadd.s32 $0xFFFFE003, lr  }
0x1b: {  	s9 =	sadd.s32 $0xFFFFFEF7, lr;
	s5 =	simm.s32 $0xFFFFFFFF;
	p2 =	slt.u32 s8, $0xFFFFF086  }
0x1c: {  	p1 =	slt.u32 s9, $0xF7A;
	s5 =	simm.s32 @!p2 $0x0  }
0x1d: {  	s5 =	simm.s32 @p1 $0x1;
	p0 =	seq.s32 s7, s2  }
0x1e: {  	s7 =	smul.u32 @!p0 $0xF7A, s2;
	p2 =	seq.s32 @!p0 s5, $0x0  }
0x1f: {  	s9 =	smul.u32 $0xF7A, s1;
	s8 =	simm.s32 @!p0 $0x1BF5;
	p2 =	por !p2, p0  }
0x20: {  	[sflag:s8] =	ssyncset.s32 @!p0 $0xFFFFF086;
	s6 =	sadd.s32 @!p0 s3, s7;
	s7 =	simm.s32 @!p0 $0x108  }
0x21: {  	s3 =	sadd.s32 s3, s9;
	s6 =	sadd.s32 @!p0 $0x88, s6;
	s7 =	simm.s32 @p2 $0x1082  }
0x22: {  	[simem:s7], [sflag:s8] =	dma.local @!p0 [hbm:s6], $0xF7A  }
0x23: {  	s9 =	sor.u32 $0xD0000000, s2;
	s6 =	simm.s32 $0x108;
	_ =	swait.ge @!p0 [sflag:s8], $0x0  }
0x24: {  	s3 =	sadd.s32 $0x88, s3;
	s6 =	simm.s32 @!p1 $0x1082;
	[sflag:s4] =	ssyncset.s32 $0xFFFFF086  }
0x25: {  	[simem:s6], [sflag:s4] =	dma.local [hbm:s3], $0xF7A  }
0x26: {  	[smem:$0x3F95] =	sst s1;
	(tag) =	ssettag s2;
	_ =	strace s9  }
0x27: {  	s1 =	sld [smem:$0x3FA5]  }
0x28: {  	s2 =	sld [smem:$0x3FA6]  }
0x29: {  	s4 =	sld [smem:$0x3FA8]  }
0x2a: {  	p0 =	seq.s32 s5, $0x0;
	s5 =	sld [smem:$0x3FA9]  }
0x2b: {  	s6 =	sld [smem:$0x3FAA]  }
0x2c: {  	s7 =	sld [smem:$0x3FAB]  }
0x2d: {  	s3 =	simm.s32 $0x108;
	s8 =	sld [smem:$0x3FAC]  }
0x2e: {  	s3 =	simm.s32 @!p0 $0x1082;
	s9 =	sld [smem:$0x3FAD]  }
0x2f: {  	lr =	sadd.s32 s0, s3;
	s0 =	sld [smem:$0x3FA4]  }
0x30: {  	s3 =	sld [smem:$0x3FA7]  }
0x31: {  	[smem:$0x3FB0] =	sst s10  }
0x32: {  	s10 =	sld [smem:$0x3FAE];
	_ =	sdelay $0x3  }
0x33: {  	p0 =	seq.s32 s10, $0x1;
	s10 =	sld [smem:$0x3FB0];
	_ =	sdelay $0x3  }
0x34: {  	[smem:$0x3FB0] =	sst s10  }
0x35: {  	s10 =	sld [smem:$0x3FAF];
	_ =	sdelay $0x3  }
0x36: {  	p1 =	seq.s32 s10, $0x1;
	s10 =	sld [smem:$0x3FB0];
	_ =	sdelay $0x3  }
0x37: {  	[smem:$0x3FB0] =	sst s10  }
0x38: {  	s10 =	sld [smem:$0x3FB1]  }
0x39: {  	_ = 	snop;
	(pc) =	sbr.ind lr, $3  }
0x3a: {  	_ = 	snop  }
0x3b: {  	_ = 	snop  }
0x3c: {  	p2 =	seq.s32 s10, $0x1;
	s10 =	sld [smem:$0x3FB0]  }
0x3d: {  	_ =	shalt  }
0x3e: {  	_ =	shalt  }
0x3f: {  	_ =	shalt  }
0x40: {  	_ =	shalt  }
0x41: {  	_ =	shalt  }
0x42: {  	_ =	shalt  }
0x43: {  	_ =	shalt  }
0x44: {  	_ =	shalt  }
0x45: {  	_ =	shalt  }
0x46: {  	_ =	shalt  }
0x47: {  	_ =	shalt  }
0x48: {  	_ =	shalt  }
0x49: {  	_ =	shalt  }
0x4a: {  	_ =	shalt  }
0x4b: {  	_ =	shalt  }
0x4c: {  	_ =	shalt  }
0x4d: {  	_ =	shalt  }
0x4e: {  	_ =	shalt  }
0x4f: {  	_ =	shalt  }
0x50: {  	_ =	shalt  }
0x51: {  	_ =	shalt  }
0x52: {  	_ =	shalt  }
0x53: {  	_ =	shalt  }
0x54: {  	_ =	shalt  }
0x55: {  	_ =	shalt  }
0x56: {  	_ =	shalt  }
0x57: {  	_ =	shalt  }
0x58: {  	_ =	shalt  }
0x59: {  	_ =	shalt  }
0x5a: {  	_ =	shalt  }
0x5b: {  	_ =	shalt  }
0x5c: {  	_ =	shalt  }
0x5d: {  	_ =	shalt  }
0x5e: {  	_ =	shalt  }
0x5f: {  	_ =	shalt  }
0x60: {  	_ =	shalt  }
0x61: {  	_ =	shalt  }
0x62: {  	_ =	shalt  }
0x63: {  	_ =	shalt  }
0x64: {  	_ =	shalt  }
0x65: {  	_ =	shalt  }
0x66: {  	_ =	shalt  }
0x67: {  	_ =	shalt  }
0x68: {  	_ =	shalt  }
0x69: {  	_ =	shalt  }
0x6a: {  	_ =	shalt  }
0x6b: {  	_ =	shalt  }
0x6c: {  	_ =	shalt  }
0x6d: {  	_ =	shalt  }
0x6e: {  	_ =	shalt  }
0x6f: {  	_ =	shalt  }
0x70: {  	_ =	shalt  }
0x71: {  	_ =	shalt  }
0x72: {  	_ =	shalt  }
0x73: {  	_ =	shalt  }
0x74: {  	_ =	shalt  }
0x75: {  	_ =	shalt  }
0x76: {  	_ =	shalt  }
0x77: {  	_ =	shalt  }
0x78: {  	_ =	shalt  }
0x79: {  	_ =	shalt  }
0x7a: {  	_ =	shalt  }
0x7b: {  	_ =	shalt  }
0x7c: {  	_ =	shalt  }
0x7d: {  	_ =	shalt  }
0x7e: {  	_ =	shalt  }
0x7f: {  	_ =	shalt  }
0x80: {  	_ =	shalt  }
0x81: {  	_ =	shalt  }
0x82: {  	_ =	shalt  }
0x83: {  	_ =	shalt  }
0x84: {  	_ =	shalt  }
0x85: {  	_ =	shalt  }
0x86: {  	_ =	shalt  }
0x87: {  	_ =	shalt  }
.Lfunc_end0:
.L_simem_size_0:
called_computation_lowered:
.L_overlay_start_0:
0x88: {  	s2 =	sld [smem:$0x3FD9]  }
0x89: {  	s3 =	sld [smem:$0x3FFE];
	_ =	sdelay $0x1  }
0x8a: {  	s1 =	srdreg.scid  }
0x8b: {  	s0 =	sand.u32 $0x1, s1  }
0x8c: {  	s14 =	sshll.u32 s0, $0xA;
	s2 =	sadd.s32 s3, s2  }
0x8d: {  	s2 =	sadd.s32 s2, s14  }
0x8e: {  	[smem:$0x3FBC] =	sst s2  }
0x8f: {  	_ = 	snop  }
0x90: {  	s2 =	sld [smem:$0x3FD0];
	_ =	sdelay $0x2  }
0x91: {  	s15 =	simm.s32 $0xA;
	s4 =	simm.s32 $0x10  }
0x92: {  	[smem:s4], [sflag:s15] =	dma.local [hbm:s2], $0x1  }
0x93: {  	_ =	swait.eq [sflag:s15], $0x1  }
0x94: {  	[sflag:s15] =	ssyncset.done $0x0  }
0x95: {  	s16 =	sld [smem:$0x10];
	[sflag:s15] =	ssyncadd.s32 $0xFFFFFFFF  }
0x96: {  	s17 =	sld [smem:$0x11];
	(tm) =	ssettm $0x1  }
0x97: {  	s18 =	sld [smem:$0x3FFB];
	_ =	sdelay $0x3  }
0x98: {  	_ =	strace s18  }
0x99: {  	s4 =	sld [smem:$0x3FFC];
	_ =	sdelay $0x3  }
0x9a: {  	_ =	strace s4  }
0x9b: {  	s4 =	sld [smem:$0x3FFD];
	_ =	sdelay $0x3  }
0x9c: {  	_ =	strace s4  }
0x9d: {  	_ =	strace $0x8FFFFFFF  }
0x9e: {  	s19 =	sld [smem:$0x3FDB];
	_ =	sdelay $0x1  }
0x9f: {  	s5 =	simm.s32 $_scs_section_size  }
0xa0: {  	s6 =	simm.s32 $_size__tile_overlayer_lowered;
	s7 =	simm.s32 $_tile_overlayer_lowered  }
0xa1: {  	s22 =	simm.s32 $0x1BFF;
	s21 =	sshll.u32 s7, $0x1;
	s4 =	sadd.s32 s5, s19  }
0xa2: {  	s8 =	simm.s32 $0x0;
	s20 =	sshll.u32 s6, $0x1;
	s6 =	sadd.s32 s21, s4  }
0xa3: {  	[timem:s8], [sflag:s22] =	dma.local [hbm:s6], s20  }
0xa4: {  	_ =	swait.ge [sflag:s22], s20  }
0xa5: {  	s5 =	ssub.s32 $0x0, s20;
	[sflag:s22] =	ssyncset.done $0x0  }
0xa6: {  	[sflag:s22] =	ssyncadd.s32 s5;
	_ =	sdelay $0x1  }
0xa7: {  	s23 =	simm.s32 $0x1B8B  }
0xa8: {  	_ =	swait.ge [sflag:s23], $0x1  }
0xa9: {  	[sflag:s23] =	ssyncset.done $0x0  }
0xaa: {  	s25 =	simm.s32 $0x1B8E;
	s24 =	sld [smem:$0x3FFE];
	[sflag:s23] =	ssyncadd.s32 $0xFFFFFFFF  }
0xab: {  	s26 =	simm.s32 $execute0_lowered;
	[smem:$0x3FD2] =	sst s25  }
0xac: {  	s6 =	sshll.u32 s26, $0x1;
	_ =	strace $0x80000046;
	[dreg:$0x1] =	wrdreg $0xFFFFFFFF  }
0xad: {  	s28 =	simm.s32 $_size_execute0_lowered;
	s4 =	sadd.s32 s4, s6;
	[dreg:$0x0] =	wrdreg $0x0  }
0xae: {  	s6 =	sshll.u32 s28, $0x1;
	[dreg:$0x2] =	wrdreg s4  }
0xaf: {  	[dreg:$0x3] =	wrdreg s6  }
0xb0: {  	[dreg:$0x4] =	wrdreg $0xC0  }
0xb1: {  	_ =	task [dreg:s8], $0x5FFFF  }
0xb2: {  	[dreg:$0x1] =	wrdreg $0xFFFFFFFF  }
0xb3: {  	[dreg:$0x0] =	wrdreg $0x60  }
0xb4: {  	[dreg:$0x2] =	wrdreg s16  }
0xb5: {  	[dreg:$0x3] =	wrdreg s17  }
0xb6: {  	[dreg:$0x4] =	wrdreg s24  }
0xb7: {  	[dreg:$0x5] =	wrdreg $0x9  }
0xb8: {  	_ =	task.clear_ibuf [dreg:s8], $0x6FFFF;
	_ =	strace $0x90000046  }
0xb9: {  	s29 =	simm.s32 $0x9;
	_ =	strace $0x80000048  }
0xba: {  	_ =	swait.ge [sflag:s29], $0x1  }
0xbb: {  	[sflag:s29] =	ssyncadd.s32 $0xFFFFFFFF  }
0xbc: {  	_ =	strace $0x90000048  }
0xbd: {  	_ =	sfence  }
0xbe: {  	s30 =	sld [smem:$0x0];
	_ =	sdelay $0x2  }
0xbf: {  	s31 =	sshll.u32 s1, $0xD;
	s1 =	sshrl.u32 s1, $0x2  }
0xc0: {  	s3 =	sand.u32 $0x4000, s31;
	s1 =	sadd.s32 s1, s30  }
0xc1: {  	s0 =	sor.u32 s3, s0;
	s1 =	sshll.u32 s1, $0x11  }
0xc2: {  	s0 =	sor.u32 s1, s0  }
0xc3: {  	s0 =	sadd.s32 $0x8F2B, s0  }
0xc4: {  	[sflag:s0] =	ssyncadd.remote.s32 $0x1  }
0xc5: {  	_ =	sfence.sel $0xFFFF  }
0xc6: {  	[dreg:$0x0] =	wrdreg $0xFFFFFFFF;
	(pc) =	sbr.abs _section_cstart, $3  }
0xc7: {  	[dreg:$0x1] =	wrdreg $0xFFFFFFFF  }
0xc8: {  	_ =	task.clear_ibuf [dreg:s8], $0x2FFFF;
	_ =	strace $0x9FFFFFFF  }
0xc9: {  	(tm) =	ssettm $0x7FFFFFFF  }
tec
execute0_lowered:
.L_overlay_start_1:
0x0: {  	(tag) =	ssettag $0x1  }
0x1: {  	s1 =	rddreg [dreg:$0x0]  }
0x2: {  	s3 =	rddreg [dreg:$0x1]  }
0x3: {  	s0 =	rddreg [dreg:$0x2]  }
0x4: {  	s2 =	srdreg.scid;
	s5 =	stileid.u32  }
0x5: {  	s4 =	simm.s32 $0x0;
	s14 =	simm.s32 $0x7;
	s16 =	simm.s32 $0x50  }
0x6: {  	s17 =	simm.s32 $0x8000;
	s18 =	simm.s32 $0xA800;
	s20 =	simm.s32 $0xF800  }
0x7: {  	s22 =	simm.s32 $0x12000;
	s23 =	simm.s32 $0x1;
	s29 =	simm.s32 $0x4  }
0x8: {  	s30 =	simm.s32 $0x5;
	s2 =	sand.u32 $0x1, s2;
	s5 =	sshll.u32 s5, $0x1  }
0x9: {  	s31 =	simm.s32 $0x14800;
	s19 =	simm.s32 $0x3;
	s6 =	sor.u32 s2, s5  }
0xa: {  	s21 =	simm.s32 $0x6;
	[smem:$0x7FF] =	sst s4;
	s9 =	smul.u32 $0x138800, s6  }
0xb: {  	_ =	strace $0x80000047;
	s2 =	ssub.s32 $0x2, s2;
	s25 =	smul.u32 $0x27100, s6  }
0xc: {  	s5 =	sshll.u32 s6, $0xB;
	s8 =	sshrl.u32 s2, $0x1;
	s6 =	smul.u32 $0x2710, s6  }
0xd: {  	s7 =	sadd.s32 s5, s0;
	s5 =	sadd.s32 $0x2C200, s0;
	s24 =	ssub.s32 s2, s8  }
0xe: {  	s26 =	sadd.s32 $0xC200, s7;
	s9 =	sshrl.u32 s9, $0x3;
	s7 =	sadd.s32 $0x1C200, s7  }
0xf: {  	s8 =	sadd.s32 s5, s25;
	s10 =	sadd.s32 $0xA0, s6;
	s11 =	sadd.s32 $0xF0, s6  }
0x10: {  	s13 =	smax.u32 s24, $0x1;
	s24 =	simm.s32 $0x2;
	[dreg:$0x4] =	wrdreg s26  }
0x11: {  	s25 =	simm.s32 $0xD000;
	[dreg:$0x5] =	wrdreg s7;
	s28 =	sadd.s32 s5, s9  }
0x12: {  	s26 =	simm.s32 $0x0;
	s9 =	sadd.s32 $0x500, s28;
	s12 =	sadd.s32 $0x26C00, s28  }
.LBB2_1:
0x13: {  	s0 =	rddreg [dreg:$0x4]  }
0x14: {  	[tilespmem:s4], [sflag:$0x7] =	stream.linear.gather [hbm4b:s0+s4], $0x3E80, $0x38;
	[tilespmem:$0x17000] =	vst v63  }
0x15: {  	_ =	swait.ge [sflag:s14], $0x3E80  }
0x16: {  	[sflag:s14] =	ssyncset.done $0x0  }
0x17: {  	s2 =	simm.s32 $0x4000;
	s7 =	rddreg [dreg:$0x5];
	[sflag:s14] =	ssyncadd.s32 $0xFFFFC180  }
0x18: {  	[tilespmem:s2], [sflag:$0x7] =	stream.linear.gather [hbm4b:s7+s4], $0x3E80, $0x38;
	[tilespmem:$0x17000] =	vst v63  }
0x19: {  	_ =	swait.ge [sflag:s14], $0x3E80  }
0x1a: {  	[sflag:s14] =	ssyncset.done $0x0  }
0x1b: {  	[sflag:s14] =	ssyncadd.s32 $0xFFFFC180  }
0x1c: {  	[tilespmem:s17], [sflag:$0x1] =	stream.indirect.gather [hbm4b:s1+s16], $0x80, s4, s16, $0xb8;
	[tilespmem:$0x17000] =	vst v63  }
0x1d: {  	_ = 	snop  }
0x1e: {  	[tilespmem:s18], [sflag:$0x2] =	stream.indirect.gather [hbm4b:s3+s16], $0x80, s2, s16, $0xb8;
	[tilespmem:$0x17000] =	vst v63  }
0x1f: {  	s15 =	simm.s32 $0x80  }
0x20: {  	[tilespmem:s20], [sflag:$0x4] =	stream.indirect.gather [hbm4b:s1+s16], $0x80, s15, s16, $0xb8;
	[tilespmem:$0x17000] =	vst v63  }
0x21: {  	s28 =	simm.s32 $0x4080  }
0x22: {  	[tilespmem:s22], [sflag:$0x5] =	stream.indirect.gather [hbm4b:s3+s16], $0x80, s28, s16, $0xb8;
	[tilespmem:$0x17000] =	vst v63  }
0x23: {  	_ =	swait.ge [sflag:s23], $0x2800  }
0x24: {  	[sflag:s23] =	ssyncset.done $0x0  }
0x25: {  	[sflag:s23] =	ssyncadd.s32 $0xFFFFD800  }
0x26: {  	_ =	swait.ge [sflag:s24], $0x2800  }
0x27: {  	[sflag:s24] =	ssyncset.done $0x0  }
0x28: {  	s0 =	simm.s32 $0x0;
	[sflag:s24] =	ssyncadd.s32 $0xFFFFD800  }
0x29: {  	v0 =	vld [tilespmem:s0+$0x81F0]  }
0x2a: {  	v1 =	vld [tilespmem:s0+$0xA9F0]  }
0x2b: {  	v2 =	vld [tilespmem:s0+$0x8000]  }
0x2c: {  	v3 =	vld [tilespmem:s0+$0xA800]  }
0x2d: {  	v4 =	vld [tilespmem:s0+$0x8010]  }
0x2e: {  	v5 =	vld [tilespmem:s0+$0xA810]  }
0x2f: {  	v6 =	vld [tilespmem:s0+$0x8020]  }
0x30: {  	v7 =	vld [tilespmem:s0+$0x8030];
	v0 =	vadd.f32 v1, v0  }
0x31: {  	v1 =	vld [tilespmem:s0+$0xA820]  }
0x32: {  	v2 =	vadd.f32 v3, v2;
	[tilespmem:s0+$0xD1F0] =	vst v0;
	v0 =	vld [tilespmem:s0+$0xA830]  }
0x33: {  	v3 =	vld [tilespmem:s0+$0x8040]  }
0x34: {  	[tilespmem:s0+$0xD000] =	vst v2;
	v2 =	vadd.f32 v5, v4;
	v4 =	vld [tilespmem:s0+$0xA840]  }
0x35: {  	v5 =	vld [tilespmem:s0+$0xA850]  }
0x36: {  	[tilespmem:s0+$0xD010] =	vst v2;
	v2 =	vld [tilespmem:s0+$0x8050];
	v1 =	vadd.f32 v1, v6  }
0x37: {  	v6 =	vld [tilespmem:s0+$0xA860];
	v0 =	vadd.f32 v0, v7  }
0x38: {  	[tilespmem:s0+$0xD020] =	vst v1;
	v1 =	vld [tilespmem:s0+$0x8060]  }
0x39: {  	[tilespmem:s0+$0xD030] =	vst v0;
	v0 =	vadd.f32 v4, v3;
	v3 =	vld [tilespmem:s0+$0x8070]  }
0x3a: {  	v4 =	vld [tilespmem:s0+$0xA870]  }
0x3b: {  	[tilespmem:s0+$0xD040] =	vst v0;
	v0 =	vadd.f32 v5, v2;
	v2 =	vld [tilespmem:s0+$0x8080]  }
0x3c: {  	v5 =	vld [tilespmem:s0+$0xA880]  }
0x3d: {  	[tilespmem:s0+$0xD050] =	vst v0;
	v0 =	vadd.f32 v6, v1;
	v1 =	vld [tilespmem:s0+$0x8090]  }
0x3e: {  	v6 =	vld [tilespmem:s0+$0xA890]  }
0x3f: {  	[tilespmem:s0+$0xD060] =	vst v0;
	v0 =	vadd.f32 v4, v3;
	v3 =	vld [tilespmem:s0+$0x80A0]  }
0x40: {  	v4 =	vld [tilespmem:s0+$0xA8A0]  }
0x41: {  	[tilespmem:s0+$0xD070] =	vst v0;
	v0 =	vadd.f32 v5, v2;
	v2 =	vld [tilespmem:s0+$0x80B0]  }
0x42: {  	v5 =	vld [tilespmem:s0+$0xA8B0]  }
0x43: {  	[tilespmem:s0+$0xD080] =	vst v0;
	v0 =	vadd.f32 v6, v1;
	v1 =	vld [tilespmem:s0+$0x80C0]  }
0x44: {  	v6 =	vld [tilespmem:s0+$0xA8C0]  }
0x45: {  	[tilespmem:s0+$0xD090] =	vst v0;
	v0 =	vadd.f32 v4, v3;
	v3 =	vld [tilespmem:s0+$0x80D0]  }
0x46: {  	v4 =	vld [tilespmem:s0+$0xA8D0]  }
0x47: {  	[tilespmem:s0+$0xD0A0] =	vst v0;
	v0 =	vadd.f32 v5, v2;
	v2 =	vld [tilespmem:s0+$0x80E0]  }
0x48: {  	v5 =	vld [tilespmem:s0+$0xA8E0]  }
0x49: {  	[tilespmem:s0+$0xD0B0] =	vst v0;
	v0 =	vadd.f32 v6, v1;
	v1 =	vld [tilespmem:s0+$0x80F0]  }
0x4a: {  	v6 =	vld [tilespmem:s0+$0xA8F0]  }
0x4b: {  	[tilespmem:s0+$0xD0C0] =	vst v0;
	v0 =	vadd.f32 v4, v3;
	v3 =	vld [tilespmem:s0+$0x8100]  }
0x4c: {  	v4 =	vld [tilespmem:s0+$0xA900]  }
0x4d: {  	[tilespmem:s0+$0xD0D0] =	vst v0;
	v0 =	vadd.f32 v5, v2;
	v2 =	vld [tilespmem:s0+$0x8110]  }
0x4e: {  	v5 =	vld [tilespmem:s0+$0xA910]  }
0x4f: {  	[tilespmem:s0+$0xD0E0] =	vst v0;
	v0 =	vadd.f32 v6, v1;
	v1 =	vld [tilespmem:s0+$0x8120]  }
0x50: {  	v6 =	vld [tilespmem:s0+$0xA920]  }
0x51: {  	[tilespmem:s0+$0xD0F0] =	vst v0;
	v0 =	vadd.f32 v4, v3;
	v3 =	vld [tilespmem:s0+$0x8130]  }
0x52: {  	v4 =	vld [tilespmem:s0+$0xA930]  }
0x53: {  	[tilespmem:s0+$0xD100] =	vst v0;
	v0 =	vadd.f32 v5, v2;
	v2 =	vld [tilespmem:s0+$0x8140]  }
0x54: {  	v5 =	vld [tilespmem:s0+$0xA940]  }
0x55: {  	[tilespmem:s0+$0xD110] =	vst v0;
	v0 =	vadd.f32 v6, v1;
	v1 =	vld [tilespmem:s0+$0x8150]  }
0x56: {  	v6 =	vld [tilespmem:s0+$0xA950]  }
0x57: {  	[tilespmem:s0+$0xD120] =	vst v0;
	v0 =	vadd.f32 v4, v3;
	v3 =	vld [tilespmem:s0+$0x8160]  }
0x58: {  	v4 =	vld [tilespmem:s0+$0xA960]  }
0x59: {  	[tilespmem:s0+$0xD130] =	vst v0;
	v0 =	vadd.f32 v5, v2;
	v2 =	vld [tilespmem:s0+$0x8170]  }
0x5a: {  	v5 =	vld [tilespmem:s0+$0xA970]  }
0x5b: {  	[tilespmem:s0+$0xD140] =	vst v0;
	v0 =	vadd.f32 v6, v1;
	v1 =	vld [tilespmem:s0+$0x8180]  }
0x5c: {  	v6 =	vld [tilespmem:s0+$0xA980]  }
0x5d: {  	[tilespmem:s0+$0xD150] =	vst v0;
	v0 =	vadd.f32 v4, v3;
	v3 =	vld [tilespmem:s0+$0x8190]  }
0x5e: {  	v4 =	vld [tilespmem:s0+$0xA990]  }
0x5f: {  	[tilespmem:s0+$0xD160] =	vst v0;
	v0 =	vadd.f32 v5, v2;
	v2 =	vld [tilespmem:s0+$0x81A0]  }
0x60: {  	v5 =	vld [tilespmem:s0+$0xA9A0]  }
0x61: {  	[tilespmem:s0+$0xD170] =	vst v0;
	v0 =	vadd.f32 v6, v1;
	v1 =	vld [tilespmem:s0+$0x81B0]  }
0x62: {  	v6 =	vld [tilespmem:s0+$0xA9B0]  }
0x63: {  	v8 =	vld [tilespmem:s0+$0xA9C0]  }
0x64: {  	v7 =	vld [tilespmem:s0+$0x81C0];
	[tilespmem:s0+$0xD180] =	vst v0;
	v0 =	vadd.f32 v4, v3  }
0x65: {  	v3 =	vld [tilespmem:s0+$0xA9D0]  }
0x66: {  	[tilespmem:s0+$0xD190] =	vst v0;
	v0 =	vadd.f32 v5, v2;
	v2 =	vld [tilespmem:s0+$0x81D0]  }
0x67: {  	v4 =	vld [tilespmem:s0+$0xA9E0];
	v5 =	vadd.f32 v6, v1  }
0x68: {  	s6 =	simm.s32 $0x200;
	[tilespmem:s0+$0xD1A0] =	vst v0;
	v0 =	vld [tilespmem:s0+$0x81E0]  }
0x69: {  	s2 =	simm.s32 $0x1000;
	v1 =	vld [tilespmem:s6+$0x81F0];
	[tilespmem:s0+$0xD1B0] =	vst v5;
	v5 =	vadd.f32 v8, v7  }
.LBB2_2:
0x6a: {  	p0 =	sne.s32 s2, $0x9800;
	v6 =	vld [tilespmem:s6+$0xA9F0]  }
0x6b: {  	v7 =	vld [tilespmem:s6+$0x8000];
	[tilespmem:s0+$0xD1C0] =	vst v5;
	v2 =	vadd.f32 v3, v2  }
0x6c: {  	v3 =	vld [tilespmem:s6+$0xA800]  }
0x6d: {  	v5 =	vld [tilespmem:s6+$0x8010];
	[tilespmem:s0+$0xD1D0] =	vst v2;
	v0 =	vadd.f32 v4, v0  }
0x6e: {  	v2 =	vld [tilespmem:s6+$0xA810]  }
0x6f: {  	v4 =	vld [tilespmem:s6+$0x8020];
	v1 =	vadd.f32 v6, v1;
	[tilespmem:s0+$0xD1E0] =	vst v0;
	s0 =	smov.u32 s6  }
0x70: {  	v0 =	vld [tilespmem:s0+$0xA820]  }
0x71: {  	v3 =	vadd.f32 v3, v7;
	v6 =	vld [tilespmem:s0+$0x8030];
	[tilespmem:s0+$0xD1F0] =	vst v1  }
0x72: {  	v1 =	vld [tilespmem:s0+$0xA830]  }
0x73: {  	[tilespmem:s0+$0xD000] =	vst v3;
	v2 =	vadd.f32 v2, v5;
	v3 =	vld [tilespmem:s0+$0x8040]  }
0x74: {  	v5 =	vld [tilespmem:s0+$0xA840]  }
0x75: {  	[tilespmem:s0+$0xD010] =	vst v2;
	v0 =	vadd.f32 v0, v4;
	v2 =	vld [tilespmem:s0+$0x8050]  }
0x76: {  	v4 =	vld [tilespmem:s0+$0xA850]  }
0x77: {  	[tilespmem:s0+$0xD020] =	vst v0;
	v0 =	vadd.f32 v1, v6;
	v1 =	vld [tilespmem:s0+$0x8060]  }
0x78: {  	v6 =	vld [tilespmem:s0+$0xA860]  }
0x79: {  	[tilespmem:s0+$0xD030] =	vst v0;
	v0 =	vadd.f32 v5, v3;
	v3 =	vld [tilespmem:s0+$0x8070]  }
0x7a: {  	v5 =	vld [tilespmem:s0+$0xA870]  }
0x7b: {  	[tilespmem:s0+$0xD040] =	vst v0;
	v0 =	vadd.f32 v4, v2;
	v2 =	vld [tilespmem:s0+$0x8080]  }
0x7c: {  	v4 =	vld [tilespmem:s0+$0xA880]  }
0x7d: {  	[tilespmem:s0+$0xD050] =	vst v0;
	v0 =	vadd.f32 v6, v1;
	v1 =	vld [tilespmem:s0+$0x8090]  }
0x7e: {  	v6 =	vld [tilespmem:s0+$0xA890]  }
0x7f: {  	[tilespmem:s0+$0xD060] =	vst v0;
	v0 =	vadd.f32 v5, v3;
	v3 =	vld [tilespmem:s0+$0x80A0]  }
0x80: {  	v5 =	vld [tilespmem:s0+$0xA8A0]  }
0x81: {  	[tilespmem:s0+$0xD070] =	vst v0;
	v0 =	vadd.f32 v4, v2;
	v2 =	vld [tilespmem:s0+$0x80B0]  }
0x82: {  	v4 =	vld [tilespmem:s0+$0xA8B0]  }
0x83: {  	[tilespmem:s0+$0xD080] =	vst v0;
	v0 =	vadd.f32 v6, v1;
	v1 =	vld [tilespmem:s0+$0x80C0]  }
0x84: {  	v6 =	vld [tilespmem:s0+$0xA8C0]  }
0x85: {  	[tilespmem:s0+$0xD090] =	vst v0;
	v0 =	vadd.f32 v5, v3;
	v3 =	vld [tilespmem:s0+$0x80D0]  }
0x86: {  	v5 =	vld [tilespmem:s0+$0xA8D0]  }
0x87: {  	[tilespmem:s0+$0xD0A0] =	vst v0;
	v0 =	vadd.f32 v4, v2;
	v2 =	vld [tilespmem:s0+$0x80E0]  }
0x88: {  	v4 =	vld [tilespmem:s0+$0xA8E0]  }
0x89: {  	[tilespmem:s0+$0xD0B0] =	vst v0;
	v0 =	vadd.f32 v6, v1;
	v1 =	vld [tilespmem:s0+$0x80F0]  }
0x8a: {  	v6 =	vld [tilespmem:s0+$0xA8F0]  }
0x8b: {  	[tilespmem:s0+$0xD0C0] =	vst v0;
	v0 =	vadd.f32 v5, v3;
	v3 =	vld [tilespmem:s0+$0x8100]  }
0x8c: {  	v5 =	vld [tilespmem:s0+$0xA900]  }
0x8d: {  	[tilespmem:s0+$0xD0D0] =	vst v0;
	v0 =	vadd.f32 v4, v2;
	v2 =	vld [tilespmem:s0+$0x8110]  }
0x8e: {  	v4 =	vld [tilespmem:s0+$0xA910]  }
0x8f: {  	[tilespmem:s0+$0xD0E0] =	vst v0;
	v0 =	vadd.f32 v6, v1;
	v1 =	vld [tilespmem:s0+$0x8120]  }
0x90: {  	v6 =	vld [tilespmem:s0+$0xA920]  }
0x91: {  	[tilespmem:s0+$0xD0F0] =	vst v0;
	v0 =	vadd.f32 v5, v3;
	v3 =	vld [tilespmem:s0+$0x8130]  }
0x92: {  	v5 =	vld [tilespmem:s0+$0xA930]  }
0x93: {  	[tilespmem:s0+$0xD100] =	vst v0;
	v0 =	vadd.f32 v4, v2;
	v2 =	vld [tilespmem:s0+$0x8140]  }
0x94: {  	v4 =	vld [tilespmem:s0+$0xA940]  }
0x95: {  	[tilespmem:s0+$0xD110] =	vst v0;
	v0 =	vadd.f32 v6, v1;
	v1 =	vld [tilespmem:s0+$0x8150]  }
0x96: {  	v6 =	vld [tilespmem:s0+$0xA950]  }
0x97: {  	[tilespmem:s0+$0xD120] =	vst v0;
	v0 =	vadd.f32 v5, v3;
	v3 =	vld [tilespmem:s0+$0x8160]  }
0x98: {  	v5 =	vld [tilespmem:s0+$0xA960]  }
0x99: {  	[tilespmem:s0+$0xD130] =	vst v0;
	v0 =	vadd.f32 v4, v2;
	v2 =	vld [tilespmem:s0+$0x8170]  }
0x9a: {  	v4 =	vld [tilespmem:s0+$0xA970]  }
0x9b: {  	[tilespmem:s0+$0xD140] =	vst v0;
	v0 =	vadd.f32 v6, v1;
	v1 =	vld [tilespmem:s0+$0x8180]  }
0x9c: {  	v6 =	vld [tilespmem:s0+$0xA980]  }
0x9d: {  	[tilespmem:s0+$0xD150] =	vst v0;
	v0 =	vadd.f32 v5, v3;
	v3 =	vld [tilespmem:s0+$0x8190]  }
0x9e: {  	v5 =	vld [tilespmem:s0+$0xA990]  }
0x9f: {  	[tilespmem:s0+$0xD160] =	vst v0;
	v0 =	vadd.f32 v4, v2;
	v2 =	vld [tilespmem:s0+$0x81A0]  }
0xa0: {  	v4 =	vld [tilespmem:s0+$0xA9A0]  }
0xa1: {  	[tilespmem:s0+$0xD170] =	vst v0;
	v0 =	vadd.f32 v6, v1;
	v1 =	vld [tilespmem:s0+$0x81B0]  }
0xa2: {  	v6 =	vld [tilespmem:s0+$0xA9B0]  }
0xa3: {  	[tilespmem:s0+$0xD180] =	vst v0;
	v0 =	vadd.f32 v5, v3;
	v5 =	vld [tilespmem:s0+$0x81C0]  }
0xa4: {  	v7 =	vld [tilespmem:s0+$0xA9C0]  }
.Ltmp0:
0xa5: {  	[tilespmem:s0+$0xD190] =	vst v0;
	v0 =	vadd.f32 v4, v2;
	v2 =	vld [tilespmem:s0+$0x81D0];
	(pc) =	sbr.rel @p0 .LBB2_2-.Ltmp0, $4  }
0xa6: {  	v3 =	vld [tilespmem:s0+$0xA9D0]  }
0xa7: {  	[tilespmem:s0+$0xD1A0] =	vst v0;
	v6 =	vadd.f32 v6, v1;
	v0 =	vld [tilespmem:s0+$0x81E0]  }
0xa8: {  	s6 =	sshra.s32 s2, $0x2;
	v4 =	vld [tilespmem:s0+$0xA9E0]  }
0xa9: {  	s2 =	sadd.s32 $0x800, s2;
	v1 =	vld [tilespmem:s6+$0x81F0];
	[tilespmem:s0+$0xD1B0] =	vst v6;
	v5 =	vadd.f32 v7, v5  }
0xaa: {  	v6 =	vld [tilespmem:s6+$0xA9F0]  }
0xab: {  	v7 =	vld [tilespmem:s6+$0x8000];
	[tilespmem:s0+$0xD1C0] =	vst v5;
	v2 =	vadd.f32 v3, v2  }
0xac: {  	v3 =	vld [tilespmem:s6+$0xA800]  }
0xad: {  	v5 =	vld [tilespmem:s6+$0x8010];
	[tilespmem:s0+$0xD1D0] =	vst v2;
	v0 =	vadd.f32 v4, v0  }
0xae: {  	v2 =	vld [tilespmem:s6+$0xA810]  }
0xaf: {  	v4 =	vld [tilespmem:s6+$0x8020];
	[tilespmem:s0+$0xD1E0] =	vst v0  }
0xb0: {  	v0 =	vadd.f32 v6, v1;
	v1 =	vld [tilespmem:s6+$0xA820]  }
0xb1: {  	v6 =	vld [tilespmem:s6+$0x8030]  }
0xb2: {  	v3 =	vadd.f32 v3, v7;
	[tilespmem:s6+$0xD1F0] =	vst v0;
	v0 =	vld [tilespmem:s6+$0xA830]  }
0xb3: {  	v7 =	vld [tilespmem:s6+$0xA9E0]  }
0xb4: {  	[tilespmem:s6+$0xD000] =	vst v3;
	v2 =	vadd.f32 v2, v5;
	v3 =	vld [tilespmem:s6+$0x8040]  }
0xb5: {  	v5 =	vld [tilespmem:s6+$0xA840]  }
0xb6: {  	[tilespmem:s6+$0xD010] =	vst v2;
	v2 =	vld [tilespmem:s6+$0x8050]  }
0xb7: {  	v1 =	vadd.f32 v1, v4;
	v4 =	vld [tilespmem:s6+$0xA850]  }
0xb8: {  	v0 =	vadd.f32 v0, v6;
	v6 =	vld [tilespmem:s6+$0xA860]  }
0xb9: {  	[tilespmem:s6+$0xD020] =	vst v1;
	v1 =	vld [tilespmem:s6+$0x8060]  }
0xba: {  	[tilespmem:s6+$0xD030] =	vst v0;
	v0 =	vadd.f32 v5, v3;
	v3 =	vld [tilespmem:s6+$0x8070]  }
0xbb: {  	v5 =	vld [tilespmem:s6+$0xA870]  }
0xbc: {  	[tilespmem:s6+$0xD040] =	vst v0;
	v0 =	vadd.f32 v4, v2;
	v2 =	vld [tilespmem:s6+$0x8080]  }
0xbd: {  	v4 =	vld [tilespmem:s6+$0xA880]  }
0xbe: {  	[tilespmem:s6+$0xD050] =	vst v0;
	v0 =	vadd.f32 v6, v1;
	v1 =	vld [tilespmem:s6+$0x8090]  }
0xbf: {  	v6 =	vld [tilespmem:s6+$0xA890]  }
0xc0: {  	[tilespmem:s6+$0xD060] =	vst v0;
	v0 =	vadd.f32 v5, v3;
	v3 =	vld [tilespmem:s6+$0x80A0]  }
0xc1: {  	v5 =	vld [tilespmem:s6+$0xA8A0]  }
0xc2: {  	[tilespmem:s6+$0xD070] =	vst v0;
	v0 =	vadd.f32 v4, v2;
	v2 =	vld [tilespmem:s6+$0x80B0]  }
0xc3: {  	v4 =	vld [tilespmem:s6+$0xA8B0]  }
0xc4: {  	[tilespmem:s6+$0xD080] =	vst v0;
	v0 =	vadd.f32 v6, v1;
	v1 =	vld [tilespmem:s6+$0x80C0]  }
0xc5: {  	v6 =	vld [tilespmem:s6+$0xA8C0]  }
0xc6: {  	[tilespmem:s6+$0xD090] =	vst v0;
	v0 =	vadd.f32 v5, v3;
	v3 =	vld [tilespmem:s6+$0x80D0]  }
0xc7: {  	v5 =	vld [tilespmem:s6+$0xA8D0]  }
0xc8: {  	[tilespmem:s6+$0xD0A0] =	vst v0;
	v0 =	vadd.f32 v4, v2;
	v2 =	vld [tilespmem:s6+$0x80E0]  }
0xc9: {  	v4 =	vld [tilespmem:s6+$0xA8E0]  }
0xca: {  	[tilespmem:s6+$0xD0B0] =	vst v0;
	v0 =	vadd.f32 v6, v1;
	v1 =	vld [tilespmem:s6+$0x80F0]  }
0xcb: {  	v6 =	vld [tilespmem:s6+$0xA8F0]  }
0xcc: {  	[tilespmem:s6+$0xD0C0] =	vst v0;
	v0 =	vadd.f32 v5, v3;
	v3 =	vld [tilespmem:s6+$0x8100]  }
0xcd: {  	v5 =	vld [tilespmem:s6+$0xA900]  }
0xce: {  	[tilespmem:s6+$0xD0D0] =	vst v0;
	v0 =	vadd.f32 v4, v2;
	v2 =	vld [tilespmem:s6+$0x8110]  }
0xcf: {  	v4 =	vld [tilespmem:s6+$0xA910]  }
0xd0: {  	[tilespmem:s6+$0xD0E0] =	vst v0;
	v0 =	vadd.f32 v6, v1;
	v1 =	vld [tilespmem:s6+$0x8120]  }
0xd1: {  	v6 =	vld [tilespmem:s6+$0xA920]  }
0xd2: {  	[tilespmem:s6+$0xD0F0] =	vst v0;
	v0 =	vadd.f32 v5, v3;
	v3 =	vld [tilespmem:s6+$0x8130]  }
0xd3: {  	v5 =	vld [tilespmem:s6+$0xA930]  }
0xd4: {  	[tilespmem:s6+$0xD100] =	vst v0;
	v0 =	vadd.f32 v4, v2;
	v2 =	vld [tilespmem:s6+$0x8140]  }
0xd5: {  	v4 =	vld [tilespmem:s6+$0xA940]  }
0xd6: {  	[tilespmem:s6+$0xD110] =	vst v0;
	v0 =	vadd.f32 v6, v1;
	v1 =	vld [tilespmem:s6+$0x8150]  }
0xd7: {  	v6 =	vld [tilespmem:s6+$0xA950]  }
0xd8: {  	[tilespmem:s6+$0xD120] =	vst v0;
	v0 =	vadd.f32 v5, v3;
	v3 =	vld [tilespmem:s6+$0x8160]  }
0xd9: {  	v5 =	vld [tilespmem:s6+$0xA960]  }
0xda: {  	[tilespmem:s6+$0xD130] =	vst v0;
	v0 =	vadd.f32 v4, v2;
	v2 =	vld [tilespmem:s6+$0x8170]  }
0xdb: {  	v4 =	vld [tilespmem:s6+$0xA970]  }
0xdc: {  	[tilespmem:s6+$0xD140] =	vst v0;
	v0 =	vadd.f32 v6, v1;
	v1 =	vld [tilespmem:s6+$0x8180]  }
0xdd: {  	v6 =	vld [tilespmem:s6+$0xA980]  }
0xde: {  	[tilespmem:s6+$0xD150] =	vst v0;
	v0 =	vadd.f32 v5, v3;
	v3 =	vld [tilespmem:s6+$0x8190]  }
0xdf: {  	v5 =	vld [tilespmem:s6+$0xA990]  }
0xe0: {  	[tilespmem:s6+$0xD160] =	vst v0;
	v0 =	vadd.f32 v4, v2;
	v2 =	vld [tilespmem:s6+$0x81A0]  }
0xe1: {  	v4 =	vld [tilespmem:s6+$0xA9A0]  }
0xe2: {  	[tilespmem:s6+$0xD170] =	vst v0;
	v0 =	vadd.f32 v6, v1;
	v1 =	vld [tilespmem:s6+$0x81B0]  }
0xe3: {  	v6 =	vld [tilespmem:s6+$0xA9B0]  }
0xe4: {  	[tilespmem:s6+$0xD180] =	vst v0;
	v0 =	vadd.f32 v5, v3;
	v3 =	vld [tilespmem:s6+$0x81C0]  }
0xe5: {  	v5 =	vld [tilespmem:s6+$0xA9C0]  }
0xe6: {  	[tilespmem:s6+$0xD190] =	vst v0;
	v0 =	vadd.f32 v4, v2;
	v2 =	vld [tilespmem:s6+$0x81D0]  }
0xe7: {  	v4 =	vld [tilespmem:s6+$0xA9D0]  }
0xe8: {  	[tilespmem:s6+$0xD1A0] =	vst v0;
	v0 =	vld [tilespmem:s6+$0x81E0];
	_ =	sdelay $0x1  }
0xe9: {  	v1 =	vadd.f32 v6, v1  }
0xea: {  	v3 =	vadd.f32 v5, v3  }
0xeb: {  	[tilespmem:s6+$0xD1B0] =	vst v1;
	v1 =	vadd.f32 v4, v2  }
0xec: {  	[tilespmem:s6+$0xD1C0] =	vst v3;
	v0 =	vadd.f32 v7, v0  }
0xed: {  	[tilespmem:s6+$0xD1D0] =	vst v1  }
0xee: {  	s7 =	simm.s32 $0x0;
	[tilespmem:s6+$0xD1E0] =	vst v0  }
0xef: {  	[hbm4b:s8+s7] =	stream.linear.scatter [tilespmem:s25], [sflag:$0x3], $0x2800, $0x38;
	[tilespmem:$0x17000] =	vst v63  }
0xf0: {  	s15 =	simm.s32 $0x100  }
0xf1: {  	[tilespmem:s17], [sflag:$0x1] =	stream.indirect.gather [hbm4b:s1+s16], $0x80, s15, s16, $0xb8;
	[tilespmem:$0x17000] =	vst v63  }
0xf2: {  	s28 =	simm.s32 $0x4100  }
0xf3: {  	[tilespmem:s18], [sflag:$0x2] =	stream.indirect.gather [hbm4b:s3+s16], $0x80, s28, s16, $0xb8;
	[tilespmem:$0x17000] =	vst v63  }
0xf4: {  	_ =	swait.ge [sflag:s29], $0x2800  }
0xf5: {  	[sflag:s29] =	ssyncset.done $0x0  }
0xf6: {  	[sflag:s29] =	ssyncadd.s32 $0xFFFFD800  }
0xf7: {  	_ =	swait.ge [sflag:s30], $0x2800  }
0xf8: {  	[sflag:s30] =	ssyncset.done $0x0  }
0xf9: {  	s0 =	simm.s32 $0x0;
	[sflag:s30] =	ssyncadd.s32 $0xFFFFD800  }
0xfa: {  	v0 =	vld [tilespmem:s0+$0xF9F0]  }
0xfb: {  	v1 =	vld [tilespmem:s0+$0x121F0]  }
0xfc: {  	v2 =	vld [tilespmem:s0+$0xF800]  }
0xfd: {  	v3 =	vld [tilespmem:s0+$0x12000]  }
0xfe: {  	v4 =	vld [tilespmem:s0+$0xF810]  }
0xff: {  	v5 =	vld [tilespmem:s0+$0x12010]  }
0x100: {  	v6 =	vld [tilespmem:s0+$0xF820]  }
0x101: {  	v7 =	vld [tilespmem:s0+$0xF830];
	v0 =	vadd.f32 v1, v0  }
0x102: {  	v1 =	vld [tilespmem:s0+$0x12020]  }
0x103: {  	v2 =	vadd.f32 v3, v2;
	[tilespmem:s0+$0x149F0] =	vst v0;
	v0 =	vld [tilespmem:s0+$0x12030]  }
0x104: {  	v3 =	vld [tilespmem:s0+$0xF840]  }
0x105: {  	[tilespmem:s0+$0x14800] =	vst v2;
	v2 =	vadd.f32 v5, v4;
	v4 =	vld [tilespmem:s0+$0x12040]  }
0x106: {  	v5 =	vld [tilespmem:s0+$0x12050]  }
0x107: {  	[tilespmem:s0+$0x14810] =	vst v2;
	v2 =	vld [tilespmem:s0+$0xF850];
	v1 =	vadd.f32 v1, v6  }
0x108: {  	v6 =	vld [tilespmem:s0+$0x12060];
	v0 =	vadd.f32 v0, v7  }
0x109: {  	[tilespmem:s0+$0x14820] =	vst v1;
	v1 =	vld [tilespmem:s0+$0xF860]  }
0x10a: {  	[tilespmem:s0+$0x14830] =	vst v0;
	v0 =	vadd.f32 v4, v3;
	v3 =	vld [tilespmem:s0+$0xF870]  }
0x10b: {  	v4 =	vld [tilespmem:s0+$0x12070]  }
0x10c: {  	[tilespmem:s0+$0x14840] =	vst v0;
	v0 =	vadd.f32 v5, v2;
	v2 =	vld [tilespmem:s0+$0xF880]  }
0x10d: {  	v5 =	vld [tilespmem:s0+$0x12080]  }
0x10e: {  	[tilespmem:s0+$0x14850] =	vst v0;
	v0 =	vadd.f32 v6, v1;
	v1 =	vld [tilespmem:s0+$0xF890]  }
0x10f: {  	v6 =	vld [tilespmem:s0+$0x12090]  }
0x110: {  	[tilespmem:s0+$0x14860] =	vst v0;
	v0 =	vadd.f32 v4, v3;
	v3 =	vld [tilespmem:s0+$0xF8A0]  }
0x111: {  	v4 =	vld [tilespmem:s0+$0x120A0]  }
0x112: {  	[tilespmem:s0+$0x14870] =	vst v0;
	v0 =	vadd.f32 v5, v2;
	v2 =	vld [tilespmem:s0+$0xF8B0]  }
0x113: {  	v5 =	vld [tilespmem:s0+$0x120B0]  }
0x114: {  	[tilespmem:s0+$0x14880] =	vst v0;
	v0 =	vadd.f32 v6, v1;
	v1 =	vld [tilespmem:s0+$0xF8C0]  }
0x115: {  	v6 =	vld [tilespmem:s0+$0x120C0]  }
0x116: {  	[tilespmem:s0+$0x14890] =	vst v0;
	v0 =	vadd.f32 v4, v3;
	v3 =	vld [tilespmem:s0+$0xF8D0]  }
0x117: {  	v4 =	vld [tilespmem:s0+$0x120D0]  }
0x118: {  	[tilespmem:s0+$0x148A0] =	vst v0;
	v0 =	vadd.f32 v5, v2;
	v2 =	vld [tilespmem:s0+$0xF8E0]  }
0x119: {  	v5 =	vld [tilespmem:s0+$0x120E0]  }
0x11a: {  	[tilespmem:s0+$0x148B0] =	vst v0;
	v0 =	vadd.f32 v6, v1;
	v1 =	vld [tilespmem:s0+$0xF8F0]  }
0x11b: {  	v6 =	vld [tilespmem:s0+$0x120F0]  }
0x11c: {  	[tilespmem:s0+$0x148C0] =	vst v0;
	v0 =	vadd.f32 v4, v3;
	v3 =	vld [tilespmem:s0+$0xF900]  }
0x11d: {  	v4 =	vld [tilespmem:s0+$0x12100]  }
0x11e: {  	[tilespmem:s0+$0x148D0] =	vst v0;
	v0 =	vadd.f32 v5, v2;
	v2 =	vld [tilespmem:s0+$0xF910]  }
0x11f: {  	v5 =	vld [tilespmem:s0+$0x12110]  }
0x120: {  	[tilespmem:s0+$0x148E0] =	vst v0;
	v0 =	vadd.f32 v6, v1;
	v1 =	vld [tilespmem:s0+$0xF920]  }
0x121: {  	v6 =	vld [tilespmem:s0+$0x12120]  }
0x122: {  	[tilespmem:s0+$0x148F0] =	vst v0;
	v0 =	vadd.f32 v4, v3;
	v3 =	vld [tilespmem:s0+$0xF930]  }
0x123: {  	v4 =	vld [tilespmem:s0+$0x12130]  }
0x124: {  	[tilespmem:s0+$0x14900] =	vst v0;
	v0 =	vadd.f32 v5, v2;
	v2 =	vld [tilespmem:s0+$0xF940]  }
0x125: {  	v5 =	vld [tilespmem:s0+$0x12140]  }
0x126: {  	[tilespmem:s0+$0x14910] =	vst v0;
	v0 =	vadd.f32 v6, v1;
	v1 =	vld [tilespmem:s0+$0xF950]  }
0x127: {  	v6 =	vld [tilespmem:s0+$0x12150]  }
0x128: {  	[tilespmem:s0+$0x14920] =	vst v0;
	v0 =	vadd.f32 v4, v3;
	v3 =	vld [tilespmem:s0+$0xF960]  }
0x129: {  	v4 =	vld [tilespmem:s0+$0x12160]  }
0x12a: {  	[tilespmem:s0+$0x14930] =	vst v0;
	v0 =	vadd.f32 v5, v2;
	v2 =	vld [tilespmem:s0+$0xF970]  }
0x12b: {  	v5 =	vld [tilespmem:s0+$0x12170]  }
0x12c: {  	[tilespmem:s0+$0x14940] =	vst v0;
	v0 =	vadd.f32 v6, v1;
	v1 =	vld [tilespmem:s0+$0xF980]  }
0x12d: {  	v6 =	vld [tilespmem:s0+$0x12180]  }
0x12e: {  	[tilespmem:s0+$0x14950] =	vst v0;
	v0 =	vadd.f32 v4, v3;
	v3 =	vld [tilespmem:s0+$0xF990]  }
0x12f: {  	v4 =	vld [tilespmem:s0+$0x12190]  }
0x130: {  	[tilespmem:s0+$0x14960] =	vst v0;
	v0 =	vadd.f32 v5, v2;
	v2 =	vld [tilespmem:s0+$0xF9A0]  }
0x131: {  	v5 =	vld [tilespmem:s0+$0x121A0]  }
0x132: {  	[tilespmem:s0+$0x14970] =	vst v0;
	v0 =	vadd.f32 v6, v1;
	v1 =	vld [tilespmem:s0+$0xF9B0]  }
0x133: {  	v6 =	vld [tilespmem:s0+$0x121B0]  }
0x134: {  	v8 =	vld [tilespmem:s0+$0x121C0]  }
0x135: {  	v7 =	vld [tilespmem:s0+$0xF9C0];
	[tilespmem:s0+$0x14980] =	vst v0;
	v0 =	vadd.f32 v4, v3  }
0x136: {  	v3 =	vld [tilespmem:s0+$0x121D0]  }
0x137: {  	[tilespmem:s0+$0x14990] =	vst v0;
	v0 =	vadd.f32 v5, v2;
	v2 =	vld [tilespmem:s0+$0xF9D0]  }
0x138: {  	v4 =	vld [tilespmem:s0+$0x121E0];
	v5 =	vadd.f32 v6, v1  }
0x139: {  	s6 =	simm.s32 $0x200;
	[tilespmem:s0+$0x149A0] =	vst v0;
	v0 =	vld [tilespmem:s0+$0xF9E0]  }
0x13a: {  	s2 =	simm.s32 $0x1000;
	v1 =	vld [tilespmem:s6+$0xF9F0];
	[tilespmem:s0+$0x149B0] =	vst v5;
	v5 =	vadd.f32 v8, v7  }
.LBB2_4:
0x13b: {  	p0 =	sne.s32 s2, $0x9800;
	v6 =	vld [tilespmem:s6+$0x121F0]  }
0x13c: {  	v7 =	vld [tilespmem:s6+$0xF800];
	[tilespmem:s0+$0x149C0] =	vst v5;
	v2 =	vadd.f32 v3, v2  }
0x13d: {  	v3 =	vld [tilespmem:s6+$0x12000]  }
0x13e: {  	v5 =	vld [tilespmem:s6+$0xF810];
	[tilespmem:s0+$0x149D0] =	vst v2;
	v0 =	vadd.f32 v4, v0  }
0x13f: {  	v2 =	vld [tilespmem:s6+$0x12010]  }
0x140: {  	v4 =	vld [tilespmem:s6+$0xF820];
	v1 =	vadd.f32 v6, v1;
	[tilespmem:s0+$0x149E0] =	vst v0;
	s0 =	smov.u32 s6  }
0x141: {  	v0 =	vld [tilespmem:s0+$0x12020]  }
0x142: {  	v3 =	vadd.f32 v3, v7;
	v6 =	vld [tilespmem:s0+$0xF830];
	[tilespmem:s0+$0x149F0] =	vst v1  }
0x143: {  	v1 =	vld [tilespmem:s0+$0x12030]  }
0x144: {  	[tilespmem:s0+$0x14800] =	vst v3;
	v2 =	vadd.f32 v2, v5;
	v3 =	vld [tilespmem:s0+$0xF840]  }
0x145: {  	v5 =	vld [tilespmem:s0+$0x12040]  }
0x146: {  	[tilespmem:s0+$0x14810] =	vst v2;
	v0 =	vadd.f32 v0, v4;
	v2 =	vld [tilespmem:s0+$0xF850]  }
0x147: {  	v4 =	vld [tilespmem:s0+$0x12050]  }
0x148: {  	[tilespmem:s0+$0x14820] =	vst v0;
	v0 =	vadd.f32 v1, v6;
	v1 =	vld [tilespmem:s0+$0xF860]  }
0x149: {  	v6 =	vld [tilespmem:s0+$0x12060]  }
0x14a: {  	[tilespmem:s0+$0x14830] =	vst v0;
	v0 =	vadd.f32 v5, v3;
	v3 =	vld [tilespmem:s0+$0xF870]  }
0x14b: {  	v5 =	vld [tilespmem:s0+$0x12070]  }
0x14c: {  	[tilespmem:s0+$0x14840] =	vst v0;
	v0 =	vadd.f32 v4, v2;
	v2 =	vld [tilespmem:s0+$0xF880]  }
0x14d: {  	v4 =	vld [tilespmem:s0+$0x12080]  }
0x14e: {  	[tilespmem:s0+$0x14850] =	vst v0;
	v0 =	vadd.f32 v6, v1;
	v1 =	vld [tilespmem:s0+$0xF890]  }
0x14f: {  	v6 =	vld [tilespmem:s0+$0x12090]  }
0x150: {  	[tilespmem:s0+$0x14860] =	vst v0;
	v0 =	vadd.f32 v5, v3;
	v3 =	vld [tilespmem:s0+$0xF8A0]  }
0x151: {  	v5 =	vld [tilespmem:s0+$0x120A0]  }
0x152: {  	[tilespmem:s0+$0x14870] =	vst v0;
	v0 =	vadd.f32 v4, v2;
	v2 =	vld [tilespmem:s0+$0xF8B0]  }
0x153: {  	v4 =	vld [tilespmem:s0+$0x120B0]  }
0x154: {  	[tilespmem:s0+$0x14880] =	vst v0;
	v0 =	vadd.f32 v6, v1;
	v1 =	vld [tilespmem:s0+$0xF8C0]  }
0x155: {  	v6 =	vld [tilespmem:s0+$0x120C0]  }
0x156: {  	[tilespmem:s0+$0x14890] =	vst v0;
	v0 =	vadd.f32 v5, v3;
	v3 =	vld [tilespmem:s0+$0xF8D0]  }
0x157: {  	v5 =	vld [tilespmem:s0+$0x120D0]  }
0x158: {  	[tilespmem:s0+$0x148A0] =	vst v0;
	v0 =	vadd.f32 v4, v2;
	v2 =	vld [tilespmem:s0+$0xF8E0]  }
0x159: {  	v4 =	vld [tilespmem:s0+$0x120E0]  }
0x15a: {  	[tilespmem:s0+$0x148B0] =	vst v0;
	v0 =	vadd.f32 v6, v1;
	v1 =	vld [tilespmem:s0+$0xF8F0]  }
0x15b: {  	v6 =	vld [tilespmem:s0+$0x120F0]  }
0x15c: {  	[tilespmem:s0+$0x148C0] =	vst v0;
	v0 =	vadd.f32 v5, v3;
	v3 =	vld [tilespmem:s0+$0xF900]  }
0x15d: {  	v5 =	vld [tilespmem:s0+$0x12100]  }
0x15e: {  	[tilespmem:s0+$0x148D0] =	vst v0;
	v0 =	vadd.f32 v4, v2;
	v2 =	vld [tilespmem:s0+$0xF910]  }
0x15f: {  	v4 =	vld [tilespmem:s0+$0x12110]  }
0x160: {  	[tilespmem:s0+$0x148E0] =	vst v0;
	v0 =	vadd.f32 v6, v1;
	v1 =	vld [tilespmem:s0+$0xF920]  }
0x161: {  	v6 =	vld [tilespmem:s0+$0x12120]  }
0x162: {  	[tilespmem:s0+$0x148F0] =	vst v0;
	v0 =	vadd.f32 v5, v3;
	v3 =	vld [tilespmem:s0+$0xF930]  }
0x163: {  	v5 =	vld [tilespmem:s0+$0x12130]  }
0x164: {  	[tilespmem:s0+$0x14900] =	vst v0;
	v0 =	vadd.f32 v4, v2;
	v2 =	vld [tilespmem:s0+$0xF940]  }
0x165: {  	v4 =	vld [tilespmem:s0+$0x12140]  }
0x166: {  	[tilespmem:s0+$0x14910] =	vst v0;
	v0 =	vadd.f32 v6, v1;
	v1 =	vld [tilespmem:s0+$0xF950]  }
0x167: {  	v6 =	vld [tilespmem:s0+$0x12150]  }
0x168: {  	[tilespmem:s0+$0x14920] =	vst v0;
	v0 =	vadd.f32 v5, v3;
	v3 =	vld [tilespmem:s0+$0xF960]  }
0x169: {  	v5 =	vld [tilespmem:s0+$0x12160]  }
0x16a: {  	[tilespmem:s0+$0x14930] =	vst v0;
	v0 =	vadd.f32 v4, v2;
	v2 =	vld [tilespmem:s0+$0xF970]  }
0x16b: {  	v4 =	vld [tilespmem:s0+$0x12170]  }
0x16c: {  	[tilespmem:s0+$0x14940] =	vst v0;
	v0 =	vadd.f32 v6, v1;
	v1 =	vld [tilespmem:s0+$0xF980]  }
0x16d: {  	v6 =	vld [tilespmem:s0+$0x12180]  }
0x16e: {  	[tilespmem:s0+$0x14950] =	vst v0;
	v0 =	vadd.f32 v5, v3;
	v3 =	vld [tilespmem:s0+$0xF990]  }
0x16f: {  	v5 =	vld [tilespmem:s0+$0x12190]  }
0x170: {  	[tilespmem:s0+$0x14960] =	vst v0;
	v0 =	vadd.f32 v4, v2;
	v2 =	vld [tilespmem:s0+$0xF9A0]  }
0x171: {  	v4 =	vld [tilespmem:s0+$0x121A0]  }
0x172: {  	[tilespmem:s0+$0x14970] =	vst v0;
	v0 =	vadd.f32 v6, v1;
	v1 =	vld [tilespmem:s0+$0xF9B0]  }
0x173: {  	v6 =	vld [tilespmem:s0+$0x121B0]  }
0x174: {  	[tilespmem:s0+$0x14980] =	vst v0;
	v0 =	vadd.f32 v5, v3;
	v5 =	vld [tilespmem:s0+$0xF9C0]  }
0x175: {  	v7 =	vld [tilespmem:s0+$0x121C0]  }
.Ltmp1:
0x176: {  	[tilespmem:s0+$0x14990] =	vst v0;
	v0 =	vadd.f32 v4, v2;
	v2 =	vld [tilespmem:s0+$0xF9D0];
	(pc) =	sbr.rel @p0 .LBB2_4-.Ltmp1, $4  }
0x177: {  	v3 =	vld [tilespmem:s0+$0x121D0]  }
0x178: {  	[tilespmem:s0+$0x149A0] =	vst v0;
	v6 =	vadd.f32 v6, v1;
	v0 =	vld [tilespmem:s0+$0xF9E0]  }
0x179: {  	s6 =	sshra.s32 s2, $0x2;
	v4 =	vld [tilespmem:s0+$0x121E0]  }
0x17a: {  	s2 =	sadd.s32 $0x800, s2;
	v1 =	vld [tilespmem:s6+$0xF9F0];
	[tilespmem:s0+$0x149B0] =	vst v6;
	v5 =	vadd.f32 v7, v5  }
0x17b: {  	v6 =	vld [tilespmem:s6+$0x121F0]  }
0x17c: {  	v7 =	vld [tilespmem:s6+$0xF800];
	[tilespmem:s0+$0x149C0] =	vst v5;
	v2 =	vadd.f32 v3, v2  }
0x17d: {  	v35 =	vld [tilespmem:s6+$0x12000]  }
0x17e: {  	v5 =	vld [tilespmem:s6+$0xF810];
	[tilespmem:s0+$0x149D0] =	vst v2;
	v0 =	vadd.f32 v4, v0  }
0x17f: {  	v2 =	vld [tilespmem:s6+$0x12010]  }
0x180: {  	v36 =	vld [tilespmem:s6+$0xF820];
	[tilespmem:s0+$0x149E0] =	vst v0  }
0x181: {  	v38 =	vld [tilespmem:s6+$0x12020]  }
0x182: {  	v39 =	vld [tilespmem:s6+$0xF830]  }
0x183: {  	v40 =	vld [tilespmem:s6+$0x12030]  }
0x184: {  	v41 =	vld [tilespmem:s6+$0xF840]  }
0x185: {  	v42 =	vld [tilespmem:s6+$0x12040]  }
0x186: {  	v43 =	vld [tilespmem:s6+$0xF850]  }
0x187: {  	v44 =	vld [tilespmem:s6+$0x12050]  }
0x188: {  	v45 =	vld [tilespmem:s6+$0xF860]  }
0x189: {  	v46 =	vld [tilespmem:s6+$0x12060]  }
0x18a: {  	v48 =	vld [tilespmem:s6+$0xF870]  }
0x18b: {  	v49 =	vld [tilespmem:s6+$0x12070]  }
0x18c: {  	v51 =	vld [tilespmem:s6+$0xF880]  }
0x18d: {  	v52 =	vld [tilespmem:s6+$0x12080]  }
0x18e: {  	v54 =	vld [tilespmem:s6+$0xF890]  }
0x18f: {  	v55 =	vld [tilespmem:s6+$0x12090]  }
0x190: {  	v57 =	vld [tilespmem:s6+$0xF8A0]  }
0x191: {  	v58 =	vld [tilespmem:s6+$0x120A0]  }
0x192: {  	v60 =	vld [tilespmem:s6+$0xF8B0]  }
0x193: {  	v61 =	vld [tilespmem:s6+$0x120B0]  }
0x194: {  	v63 =	vld [tilespmem:s6+$0xF8C0]  }
0x195: {  	v9 =	vld [tilespmem:s6+$0x120C0]  }
0x196: {  	v11 =	vld [tilespmem:s6+$0xF8D0]  }
0x197: {  	v12 =	vld [tilespmem:s6+$0x120D0]  }
0x198: {  	v14 =	vld [tilespmem:s6+$0xF8E0]  }
0x199: {  	v15 =	vld [tilespmem:s6+$0x120E0]  }
0x19a: {  	v17 =	vld [tilespmem:s6+$0xF8F0]  }
0x19b: {  	v18 =	vld [tilespmem:s6+$0x120F0]  }
0x19c: {  	v20 =	vld [tilespmem:s6+$0xF900]  }
0x19d: {  	v21 =	vld [tilespmem:s6+$0x12100]  }
0x19e: {  	v23 =	vld [tilespmem:s6+$0xF910]  }
0x19f: {  	v37 =	vadd.f32 v6, v1;
	v24 =	vld [tilespmem:s6+$0x12110]  }
0x1a0: {  	v26 =	vld [tilespmem:s6+$0xF920];
	v3 =	vadd.f32 v35, v7  }
0x1a1: {  	v27 =	vld [tilespmem:s6+$0x12120];
	[tilespmem:s6+$0x149F0] =	vst v37;
	v2 =	vadd.f32 v2, v5  }
0x1a2: {  	v29 =	vld [tilespmem:s6+$0xF930];
	[tilespmem:s6+$0x14800] =	vst v3;
	v1 =	vadd.f32 v38, v36  }
0x1a3: {  	v30 =	vld [tilespmem:s6+$0x12130];
	[tilespmem:s6+$0x14810] =	vst v2;
	v0 =	vadd.f32 v40, v39  }
0x1a4: {  	v32 =	vld [tilespmem:s6+$0xF940];
	v47 =	vadd.f32 v42, v41;
	[tilespmem:s6+$0x14820] =	vst v1  }
0x1a5: {  	v33 =	vld [tilespmem:s6+$0x12140];
	v50 =	vadd.f32 v44, v43;
	[tilespmem:s6+$0x14830] =	vst v0  }
0x1a6: {  	v35 =	vld [tilespmem:s6+$0xF950];
	v53 =	vadd.f32 v46, v45;
	[tilespmem:s6+$0x14840] =	vst v47  }
0x1a7: {  	v56 =	vadd.f32 v49, v48;
	v36 =	vld [tilespmem:s6+$0x12150];
	[tilespmem:s6+$0x14850] =	vst v50  }
0x1a8: {  	v59 =	vadd.f32 v52, v51;
	v38 =	vld [tilespmem:s6+$0xF960];
	[tilespmem:s6+$0x14860] =	vst v53  }
0x1a9: {  	v62 =	vadd.f32 v55, v54;
	v39 =	vld [tilespmem:s6+$0x12160];
	[tilespmem:s6+$0x14870] =	vst v56  }
0x1aa: {  	v10 =	vadd.f32 v58, v57;
	v41 =	vld [tilespmem:s6+$0xF970];
	[tilespmem:s6+$0x14880] =	vst v59  }
0x1ab: {  	v13 =	vadd.f32 v61, v60;
	v42 =	vld [tilespmem:s6+$0x12170];
	[tilespmem:s6+$0x14890] =	vst v62  }
0x1ac: {  	v16 =	vadd.f32 v9, v63;
	v44 =	vld [tilespmem:s6+$0xF980];
	[tilespmem:s6+$0x148A0] =	vst v10  }
0x1ad: {  	v19 =	vadd.f32 v12, v11;
	v45 =	vld [tilespmem:s6+$0x12180];
	[tilespmem:s6+$0x148B0] =	vst v13  }
0x1ae: {  	v22 =	vadd.f32 v15, v14;
	v48 =	vld [tilespmem:s6+$0x12190];
	[tilespmem:s6+$0x148C0] =	vst v16  }
0x1af: {  	v25 =	vadd.f32 v18, v17;
	v51 =	vld [tilespmem:s6+$0x121A0];
	[tilespmem:s6+$0x148D0] =	vst v19  }
0x1b0: {  	v28 =	vadd.f32 v21, v20;
	v54 =	vld [tilespmem:s6+$0x121B0];
	[tilespmem:s6+$0x148E0] =	vst v22  }
0x1b1: {  	v31 =	vadd.f32 v24, v23;
	v57 =	vld [tilespmem:s6+$0x121C0];
	[tilespmem:s6+$0x148F0] =	vst v25  }
0x1b2: {  	v34 =	vadd.f32 v27, v26;
	v60 =	vld [tilespmem:s6+$0x121D0];
	[tilespmem:s6+$0x14900] =	vst v28  }
0x1b3: {  	v37 =	vadd.f32 v30, v29;
	v61 =	vld [tilespmem:s6+$0xF9E0];
	[tilespmem:s6+$0x14910] =	vst v31  }
0x1b4: {  	v40 =	vadd.f32 v33, v32;
	[tilespmem:s6+$0x14920] =	vst v34;
	v47 =	vld [tilespmem:s6+$0xF990]  }
0x1b5: {  	[tilespmem:s6+$0x14930] =	vst v37;
	v50 =	vld [tilespmem:s6+$0xF9A0];
	v43 =	vadd.f32 v36, v35  }
0x1b6: {  	[tilespmem:s6+$0x14940] =	vst v40;
	v53 =	vld [tilespmem:s6+$0xF9B0];
	v46 =	vadd.f32 v39, v38  }
0x1b7: {  	v56 =	vld [tilespmem:s6+$0xF9C0];
	v49 =	vadd.f32 v42, v41;
	[tilespmem:s6+$0x14950] =	vst v43  }
0x1b8: {  	v59 =	vld [tilespmem:s6+$0xF9D0];
	v52 =	vadd.f32 v45, v44;
	[tilespmem:s6+$0x14960] =	vst v46  }
0x1b9: {  	v62 =	vld [tilespmem:s6+$0x121E0];
	[tilespmem:s6+$0x14970] =	vst v49;
	v55 =	vadd.f32 v48, v47  }
0x1ba: {  	[tilespmem:s6+$0x14980] =	vst v52;
	v58 =	vadd.f32 v51, v50  }
0x1bb: {  	v1 =	vadd.f32 v54, v53;
	[tilespmem:s6+$0x14990] =	vst v55  }
0x1bc: {  	v3 =	vadd.f32 v57, v56;
	[tilespmem:s6+$0x149A0] =	vst v58  }
0x1bd: {  	v63 =	vadd.f32 v60, v59;
	[tilespmem:s6+$0x149B0] =	vst v1  }
0x1be: {  	v0 =	vadd.f32 v62, v61;
	[tilespmem:s6+$0x149C0] =	vst v3  }
0x1bf: {  	[tilespmem:s6+$0x149D0] =	vst v63  }
0x1c0: {  	s28 =	simm.s32 $0x0;
	[tilespmem:s6+$0x149E0] =	vst v0  }
0x1c1: {  	[hbm4b:s9+s28] =	stream.linear.scatter [tilespmem:s31], [sflag:$0x6], $0x2800, $0x38;
	[tilespmem:$0x17000] =	vst v63  }
0x1c2: {  	s7 =	simm.s32 $0x180  }
0x1c3: {  	[tilespmem:s20], [sflag:$0x4] =	stream.indirect.gather [hbm4b:s1+s16], $0x80, s7, s16, $0xb8;
	[tilespmem:$0x17000] =	vst v63  }
0x1c4: {  	s15 =	simm.s32 $0x4180  }
0x1c5: {  	[tilespmem:s22], [sflag:$0x5] =	stream.indirect.gather [hbm4b:s3+s16], $0x80, s15, s16, $0xb8;
	[tilespmem:$0x17000] =	vst v63  }
.LBB2_6:
0x1c6: {  	_ =	swait.ge [sflag:s23], $0x2800  }
0x1c7: {  	[sflag:s23] =	ssyncset.done $0x0  }
0x1c8: {  	[sflag:s23] =	ssyncadd.s32 $0xFFFFD800  }
0x1c9: {  	_ =	swait.ge [sflag:s24], $0x2800  }
0x1ca: {  	[sflag:s24] =	ssyncset.done $0x0  }
0x1cb: {  	[sflag:s24] =	ssyncadd.s32 $0xFFFFD800  }
0x1cc: {  	_ =	swait.ge [sflag:s19], $0x2800  }
0x1cd: {  	[sflag:s19] =	ssyncset.done $0x0  }
0x1ce: {  	s0 =	simm.s32 $0x0;
	[sflag:s19] =	ssyncadd.s32 $0xFFFFD800  }
0x1cf: {  	v0 =	vld [tilespmem:s0+$0x81F0]  }
0x1d0: {  	v1 =	vld [tilespmem:s0+$0xA9F0]  }
0x1d1: {  	v2 =	vld [tilespmem:s0+$0x8000]  }
0x1d2: {  	v3 =	vld [tilespmem:s0+$0xA800]  }
0x1d3: {  	v4 =	vld [tilespmem:s0+$0x8010]  }
0x1d4: {  	v5 =	vld [tilespmem:s0+$0xA810]  }
0x1d5: {  	v6 =	vld [tilespmem:s0+$0x8020]  }
0x1d6: {  	v7 =	vld [tilespmem:s0+$0x8030];
	v0 =	vadd.f32 v1, v0  }
0x1d7: {  	v1 =	vld [tilespmem:s0+$0xA820]  }
0x1d8: {  	v2 =	vadd.f32 v3, v2;
	[tilespmem:s0+$0xD1F0] =	vst v0;
	v0 =	vld [tilespmem:s0+$0xA830]  }
0x1d9: {  	v3 =	vld [tilespmem:s0+$0x8040]  }
0x1da: {  	[tilespmem:s0+$0xD000] =	vst v2;
	v2 =	vadd.f32 v5, v4;
	v4 =	vld [tilespmem:s0+$0xA840]  }
0x1db: {  	v5 =	vld [tilespmem:s0+$0xA850]  }
0x1dc: {  	[tilespmem:s0+$0xD010] =	vst v2;
	v2 =	vld [tilespmem:s0+$0x8050];
	v1 =	vadd.f32 v1, v6  }
0x1dd: {  	v6 =	vld [tilespmem:s0+$0xA860];
	v0 =	vadd.f32 v0, v7  }
0x1de: {  	[tilespmem:s0+$0xD020] =	vst v1;
	v1 =	vld [tilespmem:s0+$0x8060]  }
0x1df: {  	[tilespmem:s0+$0xD030] =	vst v0;
	v0 =	vadd.f32 v4, v3;
	v3 =	vld [tilespmem:s0+$0x8070]  }
0x1e0: {  	v4 =	vld [tilespmem:s0+$0xA870]  }
0x1e1: {  	[tilespmem:s0+$0xD040] =	vst v0;
	v0 =	vadd.f32 v5, v2;
	v2 =	vld [tilespmem:s0+$0x8080]  }
0x1e2: {  	v5 =	vld [tilespmem:s0+$0xA880]  }
0x1e3: {  	[tilespmem:s0+$0xD050] =	vst v0;
	v0 =	vadd.f32 v6, v1;
	v1 =	vld [tilespmem:s0+$0x8090]  }
0x1e4: {  	v6 =	vld [tilespmem:s0+$0xA890]  }
0x1e5: {  	[tilespmem:s0+$0xD060] =	vst v0;
	v0 =	vadd.f32 v4, v3;
	v3 =	vld [tilespmem:s0+$0x80A0]  }
0x1e6: {  	v4 =	vld [tilespmem:s0+$0xA8A0]  }
0x1e7: {  	[tilespmem:s0+$0xD070] =	vst v0;
	v0 =	vadd.f32 v5, v2;
	v2 =	vld [tilespmem:s0+$0x80B0]  }
0x1e8: {  	v5 =	vld [tilespmem:s0+$0xA8B0]  }
0x1e9: {  	[tilespmem:s0+$0xD080] =	vst v0;
	v0 =	vadd.f32 v6, v1;
	v1 =	vld [tilespmem:s0+$0x80C0]  }
0x1ea: {  	v6 =	vld [tilespmem:s0+$0xA8C0]  }
0x1eb: {  	[tilespmem:s0+$0xD090] =	vst v0;
	v0 =	vadd.f32 v4, v3;
	v3 =	vld [tilespmem:s0+$0x80D0]  }
0x1ec: {  	v4 =	vld [tilespmem:s0+$0xA8D0]  }
0x1ed: {  	[tilespmem:s0+$0xD0A0] =	vst v0;
	v0 =	vadd.f32 v5, v2;
	v2 =	vld [tilespmem:s0+$0x80E0]  }
0x1ee: {  	v5 =	vld [tilespmem:s0+$0xA8E0]  }
0x1ef: {  	[tilespmem:s0+$0xD0B0] =	vst v0;
	v0 =	vadd.f32 v6, v1;
	v1 =	vld [tilespmem:s0+$0x80F0]  }
0x1f0: {  	v6 =	vld [tilespmem:s0+$0xA8F0]  }
0x1f1: {  	[tilespmem:s0+$0xD0C0] =	vst v0;
	v0 =	vadd.f32 v4, v3;
	v3 =	vld [tilespmem:s0+$0x8100]  }
0x1f2: {  	v4 =	vld [tilespmem:s0+$0xA900]  }
0x1f3: {  	[tilespmem:s0+$0xD0D0] =	vst v0;
	v0 =	vadd.f32 v5, v2;
	v2 =	vld [tilespmem:s0+$0x8110]  }
0x1f4: {  	v5 =	vld [tilespmem:s0+$0xA910]  }
0x1f5: {  	[tilespmem:s0+$0xD0E0] =	vst v0;
	v0 =	vadd.f32 v6, v1;
	v1 =	vld [tilespmem:s0+$0x8120]  }
0x1f6: {  	v6 =	vld [tilespmem:s0+$0xA920]  }
0x1f7: {  	[tilespmem:s0+$0xD0F0] =	vst v0;
	v0 =	vadd.f32 v4, v3;
	v3 =	vld [tilespmem:s0+$0x8130]  }
0x1f8: {  	v4 =	vld [tilespmem:s0+$0xA930]  }
0x1f9: {  	[tilespmem:s0+$0xD100] =	vst v0;
	v0 =	vadd.f32 v5, v2;
	v2 =	vld [tilespmem:s0+$0x8140]  }
0x1fa: {  	v5 =	vld [tilespmem:s0+$0xA940]  }
0x1fb: {  	[tilespmem:s0+$0xD110] =	vst v0;
	v0 =	vadd.f32 v6, v1;
	v1 =	vld [tilespmem:s0+$0x8150]  }
0x1fc: {  	v6 =	vld [tilespmem:s0+$0xA950]  }
0x1fd: {  	[tilespmem:s0+$0xD120] =	vst v0;
	v0 =	vadd.f32 v4, v3;
	v3 =	vld [tilespmem:s0+$0x8160]  }
0x1fe: {  	v4 =	vld [tilespmem:s0+$0xA960]  }
0x1ff: {  	[tilespmem:s0+$0xD130] =	vst v0;
	v0 =	vadd.f32 v5, v2;
	v2 =	vld [tilespmem:s0+$0x8170]  }
0x200: {  	v5 =	vld [tilespmem:s0+$0xA970]  }
0x201: {  	[tilespmem:s0+$0xD140] =	vst v0;
	v0 =	vadd.f32 v6, v1;
	v1 =	vld [tilespmem:s0+$0x8180]  }
0x202: {  	v6 =	vld [tilespmem:s0+$0xA980]  }
0x203: {  	[tilespmem:s0+$0xD150] =	vst v0;
	v0 =	vadd.f32 v4, v3;
	v3 =	vld [tilespmem:s0+$0x8190]  }
0x204: {  	v4 =	vld [tilespmem:s0+$0xA990]  }
0x205: {  	[tilespmem:s0+$0xD160] =	vst v0;
	v0 =	vadd.f32 v5, v2;
	v2 =	vld [tilespmem:s0+$0x81A0]  }
0x206: {  	v5 =	vld [tilespmem:s0+$0xA9A0]  }
0x207: {  	[tilespmem:s0+$0xD170] =	vst v0;
	v0 =	vadd.f32 v6, v1;
	v1 =	vld [tilespmem:s0+$0x81B0]  }
0x208: {  	v6 =	vld [tilespmem:s0+$0xA9B0]  }
0x209: {  	v8 =	vld [tilespmem:s0+$0xA9C0]  }
0x20a: {  	v7 =	vld [tilespmem:s0+$0x81C0];
	[tilespmem:s0+$0xD180] =	vst v0;
	v0 =	vadd.f32 v4, v3  }
0x20b: {  	v3 =	vld [tilespmem:s0+$0xA9D0]  }
0x20c: {  	[tilespmem:s0+$0xD190] =	vst v0;
	v0 =	vadd.f32 v5, v2;
	v2 =	vld [tilespmem:s0+$0x81D0]  }
0x20d: {  	v4 =	vld [tilespmem:s0+$0xA9E0];
	v5 =	vadd.f32 v6, v1  }
0x20e: {  	s6 =	simm.s32 $0x200;
	[tilespmem:s0+$0xD1A0] =	vst v0;
	v0 =	vld [tilespmem:s0+$0x81E0]  }
0x20f: {  	s2 =	simm.s32 $0x1000;
	v1 =	vld [tilespmem:s6+$0x81F0];
	[tilespmem:s0+$0xD1B0] =	vst v5;
	v5 =	vadd.f32 v8, v7  }
.LBB2_7:
0x210: {  	p0 =	sne.s32 s2, $0x9800;
	v6 =	vld [tilespmem:s6+$0xA9F0]  }
0x211: {  	v7 =	vld [tilespmem:s6+$0x8000];
	[tilespmem:s0+$0xD1C0] =	vst v5;
	v2 =	vadd.f32 v3, v2  }
0x212: {  	v3 =	vld [tilespmem:s6+$0xA800]  }
0x213: {  	v5 =	vld [tilespmem:s6+$0x8010];
	[tilespmem:s0+$0xD1D0] =	vst v2;
	v0 =	vadd.f32 v4, v0  }
0x214: {  	v2 =	vld [tilespmem:s6+$0xA810]  }
0x215: {  	v4 =	vld [tilespmem:s6+$0x8020];
	v1 =	vadd.f32 v6, v1;
	[tilespmem:s0+$0xD1E0] =	vst v0;
	s0 =	smov.u32 s6  }
0x216: {  	v0 =	vld [tilespmem:s0+$0xA820]  }
0x217: {  	v3 =	vadd.f32 v3, v7;
	v6 =	vld [tilespmem:s0+$0x8030];
	[tilespmem:s0+$0xD1F0] =	vst v1  }
0x218: {  	v1 =	vld [tilespmem:s0+$0xA830]  }
0x219: {  	[tilespmem:s0+$0xD000] =	vst v3;
	v2 =	vadd.f32 v2, v5;
	v3 =	vld [tilespmem:s0+$0x8040]  }
0x21a: {  	v5 =	vld [tilespmem:s0+$0xA840]  }
0x21b: {  	[tilespmem:s0+$0xD010] =	vst v2;
	v0 =	vadd.f32 v0, v4;
	v2 =	vld [tilespmem:s0+$0x8050]  }
0x21c: {  	v4 =	vld [tilespmem:s0+$0xA850]  }
0x21d: {  	[tilespmem:s0+$0xD020] =	vst v0;
	v0 =	vadd.f32 v1, v6;
	v1 =	vld [tilespmem:s0+$0x8060]  }
0x21e: {  	v6 =	vld [tilespmem:s0+$0xA860]  }
0x21f: {  	[tilespmem:s0+$0xD030] =	vst v0;
	v0 =	vadd.f32 v5, v3;
	v3 =	vld [tilespmem:s0+$0x8070]  }
0x220: {  	v5 =	vld [tilespmem:s0+$0xA870]  }
0x221: {  	[tilespmem:s0+$0xD040] =	vst v0;
	v0 =	vadd.f32 v4, v2;
	v2 =	vld [tilespmem:s0+$0x8080]  }
0x222: {  	v4 =	vld [tilespmem:s0+$0xA880]  }
0x223: {  	[tilespmem:s0+$0xD050] =	vst v0;
	v0 =	vadd.f32 v6, v1;
	v1 =	vld [tilespmem:s0+$0x8090]  }
0x224: {  	v6 =	vld [tilespmem:s0+$0xA890]  }
0x225: {  	[tilespmem:s0+$0xD060] =	vst v0;
	v0 =	vadd.f32 v5, v3;
	v3 =	vld [tilespmem:s0+$0x80A0]  }
0x226: {  	v5 =	vld [tilespmem:s0+$0xA8A0]  }
0x227: {  	[tilespmem:s0+$0xD070] =	vst v0;
	v0 =	vadd.f32 v4, v2;
	v2 =	vld [tilespmem:s0+$0x80B0]  }
0x228: {  	v4 =	vld [tilespmem:s0+$0xA8B0]  }
0x229: {  	[tilespmem:s0+$0xD080] =	vst v0;
	v0 =	vadd.f32 v6, v1;
	v1 =	vld [tilespmem:s0+$0x80C0]  }
0x22a: {  	v6 =	vld [tilespmem:s0+$0xA8C0]  }
0x22b: {  	[tilespmem:s0+$0xD090] =	vst v0;
	v0 =	vadd.f32 v5, v3;
	v3 =	vld [tilespmem:s0+$0x80D0]  }
0x22c: {  	v5 =	vld [tilespmem:s0+$0xA8D0]  }
0x22d: {  	[tilespmem:s0+$0xD0A0] =	vst v0;
	v0 =	vadd.f32 v4, v2;
	v2 =	vld [tilespmem:s0+$0x80E0]  }
0x22e: {  	v4 =	vld [tilespmem:s0+$0xA8E0]  }
0x22f: {  	[tilespmem:s0+$0xD0B0] =	vst v0;
	v0 =	vadd.f32 v6, v1;
	v1 =	vld [tilespmem:s0+$0x80F0]  }
0x230: {  	v6 =	vld [tilespmem:s0+$0xA8F0]  }
0x231: {  	[tilespmem:s0+$0xD0C0] =	vst v0;
	v0 =	vadd.f32 v5, v3;
	v3 =	vld [tilespmem:s0+$0x8100]  }
0x232: {  	v5 =	vld [tilespmem:s0+$0xA900]  }
0x233: {  	[tilespmem:s0+$0xD0D0] =	vst v0;
	v0 =	vadd.f32 v4, v2;
	v2 =	vld [tilespmem:s0+$0x8110]  }
0x234: {  	v4 =	vld [tilespmem:s0+$0xA910]  }
0x235: {  	[tilespmem:s0+$0xD0E0] =	vst v0;
	v0 =	vadd.f32 v6, v1;
	v1 =	vld [tilespmem:s0+$0x8120]  }
0x236: {  	v6 =	vld [tilespmem:s0+$0xA920]  }
0x237: {  	[tilespmem:s0+$0xD0F0] =	vst v0;
	v0 =	vadd.f32 v5, v3;
	v3 =	vld [tilespmem:s0+$0x8130]  }
0x238: {  	v5 =	vld [tilespmem:s0+$0xA930]  }
0x239: {  	[tilespmem:s0+$0xD100] =	vst v0;
	v0 =	vadd.f32 v4, v2;
	v2 =	vld [tilespmem:s0+$0x8140]  }
0x23a: {  	v4 =	vld [tilespmem:s0+$0xA940]  }
0x23b: {  	[tilespmem:s0+$0xD110] =	vst v0;
	v0 =	vadd.f32 v6, v1;
	v1 =	vld [tilespmem:s0+$0x8150]  }
0x23c: {  	v6 =	vld [tilespmem:s0+$0xA950]  }
0x23d: {  	[tilespmem:s0+$0xD120] =	vst v0;
	v0 =	vadd.f32 v5, v3;
	v3 =	vld [tilespmem:s0+$0x8160]  }
0x23e: {  	v5 =	vld [tilespmem:s0+$0xA960]  }
0x23f: {  	[tilespmem:s0+$0xD130] =	vst v0;
	v0 =	vadd.f32 v4, v2;
	v2 =	vld [tilespmem:s0+$0x8170]  }
0x240: {  	v4 =	vld [tilespmem:s0+$0xA970]  }
0x241: {  	[tilespmem:s0+$0xD140] =	vst v0;
	v0 =	vadd.f32 v6, v1;
	v1 =	vld [tilespmem:s0+$0x8180]  }
0x242: {  	v6 =	vld [tilespmem:s0+$0xA980]  }
0x243: {  	[tilespmem:s0+$0xD150] =	vst v0;
	v0 =	vadd.f32 v5, v3;
	v3 =	vld [tilespmem:s0+$0x8190]  }
0x244: {  	v5 =	vld [tilespmem:s0+$0xA990]  }
0x245: {  	[tilespmem:s0+$0xD160] =	vst v0;
	v0 =	vadd.f32 v4, v2;
	v2 =	vld [tilespmem:s0+$0x81A0]  }
0x246: {  	v4 =	vld [tilespmem:s0+$0xA9A0]  }
0x247: {  	[tilespmem:s0+$0xD170] =	vst v0;
	v0 =	vadd.f32 v6, v1;
	v1 =	vld [tilespmem:s0+$0x81B0]  }
0x248: {  	v6 =	vld [tilespmem:s0+$0xA9B0]  }
0x249: {  	[tilespmem:s0+$0xD180] =	vst v0;
	v0 =	vadd.f32 v5, v3;
	v5 =	vld [tilespmem:s0+$0x81C0]  }
0x24a: {  	v7 =	vld [tilespmem:s0+$0xA9C0]  }
.Ltmp2:
0x24b: {  	[tilespmem:s0+$0xD190] =	vst v0;
	v0 =	vadd.f32 v4, v2;
	v2 =	vld [tilespmem:s0+$0x81D0];
	(pc) =	sbr.rel @p0 .LBB2_7-.Ltmp2, $4  }
0x24c: {  	v3 =	vld [tilespmem:s0+$0xA9D0]  }
0x24d: {  	[tilespmem:s0+$0xD1A0] =	vst v0;
	v6 =	vadd.f32 v6, v1;
	v0 =	vld [tilespmem:s0+$0x81E0]  }
0x24e: {  	s6 =	sshra.s32 s2, $0x2;
	v4 =	vld [tilespmem:s0+$0xA9E0]  }
0x24f: {  	s2 =	sadd.s32 $0x800, s2;
	v1 =	vld [tilespmem:s6+$0x81F0];
	[tilespmem:s0+$0xD1B0] =	vst v6;
	v5 =	vadd.f32 v7, v5  }
0x250: {  	v6 =	vld [tilespmem:s6+$0xA9F0]  }
0x251: {  	v7 =	vld [tilespmem:s6+$0x8000];
	[tilespmem:s0+$0xD1C0] =	vst v5;
	v2 =	vadd.f32 v3, v2  }
0x252: {  	v3 =	vld [tilespmem:s6+$0xA800]  }
0x253: {  	v5 =	vld [tilespmem:s6+$0x8010];
	[tilespmem:s0+$0xD1D0] =	vst v2;
	v0 =	vadd.f32 v4, v0  }
0x254: {  	v2 =	vld [tilespmem:s6+$0xA810]  }
0x255: {  	v4 =	vld [tilespmem:s6+$0x8020];
	[tilespmem:s0+$0xD1E0] =	vst v0  }
0x256: {  	v0 =	vadd.f32 v6, v1;
	v1 =	vld [tilespmem:s6+$0xA820]  }
0x257: {  	v6 =	vld [tilespmem:s6+$0x8030]  }
0x258: {  	v3 =	vadd.f32 v3, v7;
	[tilespmem:s6+$0xD1F0] =	vst v0;
	v0 =	vld [tilespmem:s6+$0xA830]  }
0x259: {  	v7 =	vld [tilespmem:s6+$0xA9E0]  }
0x25a: {  	[tilespmem:s6+$0xD000] =	vst v3;
	v2 =	vadd.f32 v2, v5;
	v3 =	vld [tilespmem:s6+$0x8040]  }
0x25b: {  	v5 =	vld [tilespmem:s6+$0xA840]  }
0x25c: {  	[tilespmem:s6+$0xD010] =	vst v2;
	v2 =	vld [tilespmem:s6+$0x8050]  }
0x25d: {  	v1 =	vadd.f32 v1, v4;
	v4 =	vld [tilespmem:s6+$0xA850]  }
0x25e: {  	v0 =	vadd.f32 v0, v6;
	v6 =	vld [tilespmem:s6+$0xA860]  }
0x25f: {  	[tilespmem:s6+$0xD020] =	vst v1;
	v1 =	vld [tilespmem:s6+$0x8060]  }
0x260: {  	[tilespmem:s6+$0xD030] =	vst v0;
	v0 =	vadd.f32 v5, v3;
	v3 =	vld [tilespmem:s6+$0x8070]  }
0x261: {  	v5 =	vld [tilespmem:s6+$0xA870]  }
0x262: {  	[tilespmem:s6+$0xD040] =	vst v0;
	v0 =	vadd.f32 v4, v2;
	v2 =	vld [tilespmem:s6+$0x8080]  }
0x263: {  	v4 =	vld [tilespmem:s6+$0xA880]  }
0x264: {  	[tilespmem:s6+$0xD050] =	vst v0;
	v0 =	vadd.f32 v6, v1;
	v1 =	vld [tilespmem:s6+$0x8090]  }
0x265: {  	v6 =	vld [tilespmem:s6+$0xA890]  }
0x266: {  	[tilespmem:s6+$0xD060] =	vst v0;
	v0 =	vadd.f32 v5, v3;
	v3 =	vld [tilespmem:s6+$0x80A0]  }
0x267: {  	v5 =	vld [tilespmem:s6+$0xA8A0]  }
0x268: {  	[tilespmem:s6+$0xD070] =	vst v0;
	v0 =	vadd.f32 v4, v2;
	v2 =	vld [tilespmem:s6+$0x80B0]  }
0x269: {  	v4 =	vld [tilespmem:s6+$0xA8B0]  }
0x26a: {  	[tilespmem:s6+$0xD080] =	vst v0;
	v0 =	vadd.f32 v6, v1;
	v1 =	vld [tilespmem:s6+$0x80C0]  }
0x26b: {  	v6 =	vld [tilespmem:s6+$0xA8C0]  }
0x26c: {  	[tilespmem:s6+$0xD090] =	vst v0;
	v0 =	vadd.f32 v5, v3;
	v3 =	vld [tilespmem:s6+$0x80D0]  }
0x26d: {  	v5 =	vld [tilespmem:s6+$0xA8D0]  }
0x26e: {  	[tilespmem:s6+$0xD0A0] =	vst v0;
	v0 =	vadd.f32 v4, v2;
	v2 =	vld [tilespmem:s6+$0x80E0]  }
0x26f: {  	v4 =	vld [tilespmem:s6+$0xA8E0]  }
0x270: {  	[tilespmem:s6+$0xD0B0] =	vst v0;
	v0 =	vadd.f32 v6, v1;
	v1 =	vld [tilespmem:s6+$0x80F0]  }
0x271: {  	v6 =	vld [tilespmem:s6+$0xA8F0]  }
0x272: {  	[tilespmem:s6+$0xD0C0] =	vst v0;
	v0 =	vadd.f32 v5, v3;
	v3 =	vld [tilespmem:s6+$0x8100]  }
0x273: {  	v5 =	vld [tilespmem:s6+$0xA900]  }
0x274: {  	[tilespmem:s6+$0xD0D0] =	vst v0;
	v0 =	vadd.f32 v4, v2;
	v2 =	vld [tilespmem:s6+$0x8110]  }
0x275: {  	v4 =	vld [tilespmem:s6+$0xA910]  }
0x276: {  	[tilespmem:s6+$0xD0E0] =	vst v0;
	v0 =	vadd.f32 v6, v1;
	v1 =	vld [tilespmem:s6+$0x8120]  }
0x277: {  	v6 =	vld [tilespmem:s6+$0xA920]  }
0x278: {  	[tilespmem:s6+$0xD0F0] =	vst v0;
	v0 =	vadd.f32 v5, v3;
	v3 =	vld [tilespmem:s6+$0x8130]  }
0x279: {  	v5 =	vld [tilespmem:s6+$0xA930]  }
0x27a: {  	[tilespmem:s6+$0xD100] =	vst v0;
	v0 =	vadd.f32 v4, v2;
	v2 =	vld [tilespmem:s6+$0x8140]  }
0x27b: {  	v4 =	vld [tilespmem:s6+$0xA940]  }
0x27c: {  	[tilespmem:s6+$0xD110] =	vst v0;
	v0 =	vadd.f32 v6, v1;
	v1 =	vld [tilespmem:s6+$0x8150]  }
0x27d: {  	v6 =	vld [tilespmem:s6+$0xA950]  }
0x27e: {  	[tilespmem:s6+$0xD120] =	vst v0;
	v0 =	vadd.f32 v5, v3;
	v3 =	vld [tilespmem:s6+$0x8160]  }
0x27f: {  	v5 =	vld [tilespmem:s6+$0xA960]  }
0x280: {  	[tilespmem:s6+$0xD130] =	vst v0;
	v0 =	vadd.f32 v4, v2;
	v2 =	vld [tilespmem:s6+$0x8170]  }
0x281: {  	v4 =	vld [tilespmem:s6+$0xA970]  }
0x282: {  	[tilespmem:s6+$0xD140] =	vst v0;
	v0 =	vadd.f32 v6, v1;
	v1 =	vld [tilespmem:s6+$0x8180]  }
0x283: {  	v6 =	vld [tilespmem:s6+$0xA980]  }
0x284: {  	[tilespmem:s6+$0xD150] =	vst v0;
	v0 =	vadd.f32 v5, v3;
	v3 =	vld [tilespmem:s6+$0x8190]  }
0x285: {  	v5 =	vld [tilespmem:s6+$0xA990]  }
0x286: {  	[tilespmem:s6+$0xD160] =	vst v0;
	v0 =	vadd.f32 v4, v2;
	v2 =	vld [tilespmem:s6+$0x81A0]  }
0x287: {  	v4 =	vld [tilespmem:s6+$0xA9A0]  }
0x288: {  	[tilespmem:s6+$0xD170] =	vst v0;
	v0 =	vadd.f32 v6, v1;
	v1 =	vld [tilespmem:s6+$0x81B0]  }
0x289: {  	v6 =	vld [tilespmem:s6+$0xA9B0]  }
0x28a: {  	[tilespmem:s6+$0xD180] =	vst v0;
	v0 =	vadd.f32 v5, v3;
	v3 =	vld [tilespmem:s6+$0x81C0]  }
0x28b: {  	v5 =	vld [tilespmem:s6+$0xA9C0]  }
0x28c: {  	[tilespmem:s6+$0xD190] =	vst v0;
	v0 =	vadd.f32 v4, v2;
	v2 =	vld [tilespmem:s6+$0x81D0]  }
0x28d: {  	v4 =	vld [tilespmem:s6+$0xA9D0]  }
0x28e: {  	[tilespmem:s6+$0xD1A0] =	vst v0;
	v0 =	vld [tilespmem:s6+$0x81E0];
	_ =	sdelay $0x1  }
0x28f: {  	v1 =	vadd.f32 v6, v1  }
0x290: {  	s2 =	smul.u32 $0xA0, s28;
	v3 =	vadd.f32 v5, v3  }
0x291: {  	[tilespmem:s6+$0xD1B0] =	vst v1;
	v1 =	vadd.f32 v4, v2  }
0x292: {  	s15 =	sadd.s32 s2, s10;
	[tilespmem:s6+$0xD1C0] =	vst v3;
	v0 =	vadd.f32 v7, v0  }
0x293: {  	s7 =	sshll.u32 s15, $0x4;
	[tilespmem:s6+$0xD1D0] =	vst v1  }
0x294: {  	s15 =	simm.s32 $0x0;
	s7 =	sadd.s32 s5, s7;
	s0 =	sshll.u32 s28, $0x8;
	[tilespmem:s6+$0xD1E0] =	vst v0  }
0x295: {  	[hbm4b:s7+s15] =	stream.linear.scatter [tilespmem:s25], [sflag:$0x3], $0x2800, $0x38;
	[tilespmem:$0x17000] =	vst v63  }
0x296: {  	s7 =	sadd.s32 $0x200, s0  }
0x297: {  	[tilespmem:s17], [sflag:$0x1] =	stream.indirect.gather [hbm4b:s1+s16], $0x80, s7, s16, $0xb8;
	[tilespmem:$0x17000] =	vst v63  }
0x298: {  	s15 =	sadd.s32 $0x4200, s0  }
0x299: {  	[tilespmem:s18], [sflag:$0x2] =	stream.indirect.gather [hbm4b:s3+s16], $0x80, s15, s16, $0xb8;
	[tilespmem:$0x17000] =	vst v63  }
0x29a: {  	_ =	swait.ge [sflag:s29], $0x2800  }
0x29b: {  	[sflag:s29] =	ssyncset.done $0x0  }
0x29c: {  	[sflag:s29] =	ssyncadd.s32 $0xFFFFD800  }
0x29d: {  	_ =	swait.ge [sflag:s30], $0x2800  }
0x29e: {  	[sflag:s30] =	ssyncset.done $0x0  }
0x29f: {  	[sflag:s30] =	ssyncadd.s32 $0xFFFFD800  }
0x2a0: {  	_ =	swait.ge [sflag:s21], $0x2800  }
0x2a1: {  	[sflag:s21] =	ssyncset.done $0x0  }
0x2a2: {  	s15 =	simm.s32 $0x0;
	[sflag:s21] =	ssyncadd.s32 $0xFFFFD800  }
0x2a3: {  	v0 =	vld [tilespmem:s15+$0xF9F0]  }
0x2a4: {  	v1 =	vld [tilespmem:s15+$0x121F0]  }
0x2a5: {  	v2 =	vld [tilespmem:s15+$0xF800]  }
0x2a6: {  	v3 =	vld [tilespmem:s15+$0x12000]  }
0x2a7: {  	v4 =	vld [tilespmem:s15+$0xF810]  }
0x2a8: {  	v5 =	vld [tilespmem:s15+$0x12010]  }
0x2a9: {  	v6 =	vld [tilespmem:s15+$0xF820]  }
0x2aa: {  	v7 =	vld [tilespmem:s15+$0xF830];
	v0 =	vadd.f32 v1, v0  }
0x2ab: {  	v1 =	vld [tilespmem:s15+$0x12020]  }
0x2ac: {  	v2 =	vadd.f32 v3, v2;
	[tilespmem:s15+$0x149F0] =	vst v0;
	v0 =	vld [tilespmem:s15+$0x12030]  }
0x2ad: {  	v3 =	vld [tilespmem:s15+$0xF840]  }
0x2ae: {  	[tilespmem:s15+$0x14800] =	vst v2;
	v2 =	vadd.f32 v5, v4;
	v4 =	vld [tilespmem:s15+$0x12040]  }
0x2af: {  	v5 =	vld [tilespmem:s15+$0x12050]  }
0x2b0: {  	[tilespmem:s15+$0x14810] =	vst v2;
	v2 =	vld [tilespmem:s15+$0xF850];
	v1 =	vadd.f32 v1, v6  }
0x2b1: {  	v6 =	vld [tilespmem:s15+$0x12060];
	v0 =	vadd.f32 v0, v7  }
0x2b2: {  	[tilespmem:s15+$0x14820] =	vst v1;
	v1 =	vld [tilespmem:s15+$0xF860]  }
0x2b3: {  	[tilespmem:s15+$0x14830] =	vst v0;
	v0 =	vadd.f32 v4, v3;
	v3 =	vld [tilespmem:s15+$0xF870]  }
0x2b4: {  	v4 =	vld [tilespmem:s15+$0x12070]  }
0x2b5: {  	[tilespmem:s15+$0x14840] =	vst v0;
	v0 =	vadd.f32 v5, v2;
	v2 =	vld [tilespmem:s15+$0xF880]  }
0x2b6: {  	v5 =	vld [tilespmem:s15+$0x12080]  }
0x2b7: {  	[tilespmem:s15+$0x14850] =	vst v0;
	v0 =	vadd.f32 v6, v1;
	v1 =	vld [tilespmem:s15+$0xF890]  }
0x2b8: {  	v6 =	vld [tilespmem:s15+$0x12090]  }
0x2b9: {  	[tilespmem:s15+$0x14860] =	vst v0;
	v0 =	vadd.f32 v4, v3;
	v3 =	vld [tilespmem:s15+$0xF8A0]  }
0x2ba: {  	v4 =	vld [tilespmem:s15+$0x120A0]  }
0x2bb: {  	[tilespmem:s15+$0x14870] =	vst v0;
	v0 =	vadd.f32 v5, v2;
	v2 =	vld [tilespmem:s15+$0xF8B0]  }
0x2bc: {  	v5 =	vld [tilespmem:s15+$0x120B0]  }
0x2bd: {  	[tilespmem:s15+$0x14880] =	vst v0;
	v0 =	vadd.f32 v6, v1;
	v1 =	vld [tilespmem:s15+$0xF8C0]  }
0x2be: {  	v6 =	vld [tilespmem:s15+$0x120C0]  }
0x2bf: {  	[tilespmem:s15+$0x14890] =	vst v0;
	v0 =	vadd.f32 v4, v3;
	v3 =	vld [tilespmem:s15+$0xF8D0]  }
0x2c0: {  	v4 =	vld [tilespmem:s15+$0x120D0]  }
0x2c1: {  	[tilespmem:s15+$0x148A0] =	vst v0;
	v0 =	vadd.f32 v5, v2;
	v2 =	vld [tilespmem:s15+$0xF8E0]  }
0x2c2: {  	v5 =	vld [tilespmem:s15+$0x120E0]  }
0x2c3: {  	[tilespmem:s15+$0x148B0] =	vst v0;
	v0 =	vadd.f32 v6, v1;
	v1 =	vld [tilespmem:s15+$0xF8F0]  }
0x2c4: {  	v6 =	vld [tilespmem:s15+$0x120F0]  }
0x2c5: {  	[tilespmem:s15+$0x148C0] =	vst v0;
	v0 =	vadd.f32 v4, v3;
	v3 =	vld [tilespmem:s15+$0xF900]  }
0x2c6: {  	v4 =	vld [tilespmem:s15+$0x12100]  }
0x2c7: {  	[tilespmem:s15+$0x148D0] =	vst v0;
	v0 =	vadd.f32 v5, v2;
	v2 =	vld [tilespmem:s15+$0xF910]  }
0x2c8: {  	v5 =	vld [tilespmem:s15+$0x12110]  }
0x2c9: {  	[tilespmem:s15+$0x148E0] =	vst v0;
	v0 =	vadd.f32 v6, v1;
	v1 =	vld [tilespmem:s15+$0xF920]  }
0x2ca: {  	v6 =	vld [tilespmem:s15+$0x12120]  }
0x2cb: {  	[tilespmem:s15+$0x148F0] =	vst v0;
	v0 =	vadd.f32 v4, v3;
	v3 =	vld [tilespmem:s15+$0xF930]  }
0x2cc: {  	v4 =	vld [tilespmem:s15+$0x12130]  }
0x2cd: {  	[tilespmem:s15+$0x14900] =	vst v0;
	v0 =	vadd.f32 v5, v2;
	v2 =	vld [tilespmem:s15+$0xF940]  }
0x2ce: {  	v5 =	vld [tilespmem:s15+$0x12140]  }
0x2cf: {  	[tilespmem:s15+$0x14910] =	vst v0;
	v0 =	vadd.f32 v6, v1;
	v1 =	vld [tilespmem:s15+$0xF950]  }
0x2d0: {  	v6 =	vld [tilespmem:s15+$0x12150]  }
0x2d1: {  	[tilespmem:s15+$0x14920] =	vst v0;
	v0 =	vadd.f32 v4, v3;
	v3 =	vld [tilespmem:s15+$0xF960]  }
0x2d2: {  	v4 =	vld [tilespmem:s15+$0x12160]  }
0x2d3: {  	[tilespmem:s15+$0x14930] =	vst v0;
	v0 =	vadd.f32 v5, v2;
	v2 =	vld [tilespmem:s15+$0xF970]  }
0x2d4: {  	v5 =	vld [tilespmem:s15+$0x12170]  }
0x2d5: {  	[tilespmem:s15+$0x14940] =	vst v0;
	v0 =	vadd.f32 v6, v1;
	v1 =	vld [tilespmem:s15+$0xF980]  }
0x2d6: {  	v6 =	vld [tilespmem:s15+$0x12180]  }
0x2d7: {  	[tilespmem:s15+$0x14950] =	vst v0;
	v0 =	vadd.f32 v4, v3;
	v3 =	vld [tilespmem:s15+$0xF990]  }
0x2d8: {  	v4 =	vld [tilespmem:s15+$0x12190]  }
0x2d9: {  	[tilespmem:s15+$0x14960] =	vst v0;
	v0 =	vadd.f32 v5, v2;
	v2 =	vld [tilespmem:s15+$0xF9A0]  }
0x2da: {  	v5 =	vld [tilespmem:s15+$0x121A0]  }
0x2db: {  	[tilespmem:s15+$0x14970] =	vst v0;
	v0 =	vadd.f32 v6, v1;
	v1 =	vld [tilespmem:s15+$0xF9B0]  }
0x2dc: {  	v6 =	vld [tilespmem:s15+$0x121B0]  }
0x2dd: {  	v8 =	vld [tilespmem:s15+$0x121C0]  }
0x2de: {  	v7 =	vld [tilespmem:s15+$0xF9C0];
	[tilespmem:s15+$0x14980] =	vst v0;
	v0 =	vadd.f32 v4, v3  }
0x2df: {  	v3 =	vld [tilespmem:s15+$0x121D0]  }
0x2e0: {  	[tilespmem:s15+$0x14990] =	vst v0;
	v0 =	vadd.f32 v5, v2;
	v2 =	vld [tilespmem:s15+$0xF9D0]  }
0x2e1: {  	v4 =	vld [tilespmem:s15+$0x121E0];
	v5 =	vadd.f32 v6, v1  }
0x2e2: {  	s7 =	simm.s32 $0x200;
	[tilespmem:s15+$0x149A0] =	vst v0;
	v0 =	vld [tilespmem:s15+$0xF9E0]  }
0x2e3: {  	s6 =	simm.s32 $0x1000;
	v1 =	vld [tilespmem:s7+$0xF9F0];
	[tilespmem:s15+$0x149B0] =	vst v5;
	v5 =	vadd.f32 v8, v7  }
.LBB2_9:
0x2e4: {  	p0 =	sne.s32 s6, $0x9800;
	v6 =	vld [tilespmem:s7+$0x121F0]  }
0x2e5: {  	v7 =	vld [tilespmem:s7+$0xF800];
	[tilespmem:s15+$0x149C0] =	vst v5;
	v2 =	vadd.f32 v3, v2  }
0x2e6: {  	v3 =	vld [tilespmem:s7+$0x12000]  }
0x2e7: {  	v5 =	vld [tilespmem:s7+$0xF810];
	[tilespmem:s15+$0x149D0] =	vst v2;
	v0 =	vadd.f32 v4, v0  }
0x2e8: {  	v2 =	vld [tilespmem:s7+$0x12010]  }
0x2e9: {  	v4 =	vld [tilespmem:s7+$0xF820];
	v1 =	vadd.f32 v6, v1;
	[tilespmem:s15+$0x149E0] =	vst v0;
	s15 =	smov.u32 s7  }
0x2ea: {  	v0 =	vld [tilespmem:s15+$0x12020]  }
0x2eb: {  	v3 =	vadd.f32 v3, v7;
	v6 =	vld [tilespmem:s15+$0xF830];
	[tilespmem:s15+$0x149F0] =	vst v1  }
0x2ec: {  	v1 =	vld [tilespmem:s15+$0x12030]  }
0x2ed: {  	[tilespmem:s15+$0x14800] =	vst v3;
	v2 =	vadd.f32 v2, v5;
	v3 =	vld [tilespmem:s15+$0xF840]  }
0x2ee: {  	v5 =	vld [tilespmem:s15+$0x12040]  }
0x2ef: {  	[tilespmem:s15+$0x14810] =	vst v2;
	v0 =	vadd.f32 v0, v4;
	v2 =	vld [tilespmem:s15+$0xF850]  }
0x2f0: {  	v4 =	vld [tilespmem:s15+$0x12050]  }
0x2f1: {  	[tilespmem:s15+$0x14820] =	vst v0;
	v0 =	vadd.f32 v1, v6;
	v1 =	vld [tilespmem:s15+$0xF860]  }
0x2f2: {  	v6 =	vld [tilespmem:s15+$0x12060]  }
0x2f3: {  	[tilespmem:s15+$0x14830] =	vst v0;
	v0 =	vadd.f32 v5, v3;
	v3 =	vld [tilespmem:s15+$0xF870]  }
0x2f4: {  	v5 =	vld [tilespmem:s15+$0x12070]  }
0x2f5: {  	[tilespmem:s15+$0x14840] =	vst v0;
	v0 =	vadd.f32 v4, v2;
	v2 =	vld [tilespmem:s15+$0xF880]  }
0x2f6: {  	v4 =	vld [tilespmem:s15+$0x12080]  }
0x2f7: {  	[tilespmem:s15+$0x14850] =	vst v0;
	v0 =	vadd.f32 v6, v1;
	v1 =	vld [tilespmem:s15+$0xF890]  }
0x2f8: {  	v6 =	vld [tilespmem:s15+$0x12090]  }
0x2f9: {  	[tilespmem:s15+$0x14860] =	vst v0;
	v0 =	vadd.f32 v5, v3;
	v3 =	vld [tilespmem:s15+$0xF8A0]  }
0x2fa: {  	v5 =	vld [tilespmem:s15+$0x120A0]  }
0x2fb: {  	[tilespmem:s15+$0x14870] =	vst v0;
	v0 =	vadd.f32 v4, v2;
	v2 =	vld [tilespmem:s15+$0xF8B0]  }
0x2fc: {  	v4 =	vld [tilespmem:s15+$0x120B0]  }
0x2fd: {  	[tilespmem:s15+$0x14880] =	vst v0;
	v0 =	vadd.f32 v6, v1;
	v1 =	vld [tilespmem:s15+$0xF8C0]  }
0x2fe: {  	v6 =	vld [tilespmem:s15+$0x120C0]  }
0x2ff: {  	[tilespmem:s15+$0x14890] =	vst v0;
	v0 =	vadd.f32 v5, v3;
	v3 =	vld [tilespmem:s15+$0xF8D0]  }
0x300: {  	v5 =	vld [tilespmem:s15+$0x120D0]  }
0x301: {  	[tilespmem:s15+$0x148A0] =	vst v0;
	v0 =	vadd.f32 v4, v2;
	v2 =	vld [tilespmem:s15+$0xF8E0]  }
0x302: {  	v4 =	vld [tilespmem:s15+$0x120E0]  }
0x303: {  	[tilespmem:s15+$0x148B0] =	vst v0;
	v0 =	vadd.f32 v6, v1;
	v1 =	vld [tilespmem:s15+$0xF8F0]  }
0x304: {  	v6 =	vld [tilespmem:s15+$0x120F0]  }
0x305: {  	[tilespmem:s15+$0x148C0] =	vst v0;
	v0 =	vadd.f32 v5, v3;
	v3 =	vld [tilespmem:s15+$0xF900]  }
0x306: {  	v5 =	vld [tilespmem:s15+$0x12100]  }
0x307: {  	[tilespmem:s15+$0x148D0] =	vst v0;
	v0 =	vadd.f32 v4, v2;
	v2 =	vld [tilespmem:s15+$0xF910]  }
0x308: {  	v4 =	vld [tilespmem:s15+$0x12110]  }
0x309: {  	[tilespmem:s15+$0x148E0] =	vst v0;
	v0 =	vadd.f32 v6, v1;
	v1 =	vld [tilespmem:s15+$0xF920]  }
0x30a: {  	v6 =	vld [tilespmem:s15+$0x12120]  }
0x30b: {  	[tilespmem:s15+$0x148F0] =	vst v0;
	v0 =	vadd.f32 v5, v3;
	v3 =	vld [tilespmem:s15+$0xF930]  }
0x30c: {  	v5 =	vld [tilespmem:s15+$0x12130]  }
0x30d: {  	[tilespmem:s15+$0x14900] =	vst v0;
	v0 =	vadd.f32 v4, v2;
	v2 =	vld [tilespmem:s15+$0xF940]  }
0x30e: {  	v4 =	vld [tilespmem:s15+$0x12140]  }
0x30f: {  	[tilespmem:s15+$0x14910] =	vst v0;
	v0 =	vadd.f32 v6, v1;
	v1 =	vld [tilespmem:s15+$0xF950]  }
0x310: {  	v6 =	vld [tilespmem:s15+$0x12150]  }
0x311: {  	[tilespmem:s15+$0x14920] =	vst v0;
	v0 =	vadd.f32 v5, v3;
	v3 =	vld [tilespmem:s15+$0xF960]  }
0x312: {  	v5 =	vld [tilespmem:s15+$0x12160]  }
0x313: {  	[tilespmem:s15+$0x14930] =	vst v0;
	v0 =	vadd.f32 v4, v2;
	v2 =	vld [tilespmem:s15+$0xF970]  }
0x314: {  	v4 =	vld [tilespmem:s15+$0x12170]  }
0x315: {  	[tilespmem:s15+$0x14940] =	vst v0;
	v0 =	vadd.f32 v6, v1;
	v1 =	vld [tilespmem:s15+$0xF980]  }
0x316: {  	v6 =	vld [tilespmem:s15+$0x12180]  }
0x317: {  	[tilespmem:s15+$0x14950] =	vst v0;
	v0 =	vadd.f32 v5, v3;
	v3 =	vld [tilespmem:s15+$0xF990]  }
0x318: {  	v5 =	vld [tilespmem:s15+$0x12190]  }
0x319: {  	[tilespmem:s15+$0x14960] =	vst v0;
	v0 =	vadd.f32 v4, v2;
	v2 =	vld [tilespmem:s15+$0xF9A0]  }
0x31a: {  	v4 =	vld [tilespmem:s15+$0x121A0]  }
0x31b: {  	[tilespmem:s15+$0x14970] =	vst v0;
	v0 =	vadd.f32 v6, v1;
	v1 =	vld [tilespmem:s15+$0xF9B0]  }
0x31c: {  	v6 =	vld [tilespmem:s15+$0x121B0]  }
0x31d: {  	[tilespmem:s15+$0x14980] =	vst v0;
	v0 =	vadd.f32 v5, v3;
	v5 =	vld [tilespmem:s15+$0xF9C0]  }
0x31e: {  	v7 =	vld [tilespmem:s15+$0x121C0]  }
.Ltmp3:
0x31f: {  	[tilespmem:s15+$0x14990] =	vst v0;
	v0 =	vadd.f32 v4, v2;
	v2 =	vld [tilespmem:s15+$0xF9D0];
	(pc) =	sbr.rel @p0 .LBB2_9-.Ltmp3, $4  }
0x320: {  	v3 =	vld [tilespmem:s15+$0x121D0]  }
0x321: {  	[tilespmem:s15+$0x149A0] =	vst v0;
	v6 =	vadd.f32 v6, v1;
	v0 =	vld [tilespmem:s15+$0xF9E0]  }
0x322: {  	s7 =	sshra.s32 s6, $0x2;
	v4 =	vld [tilespmem:s15+$0x121E0]  }
0x323: {  	s6 =	sadd.s32 $0x800, s6;
	v1 =	vld [tilespmem:s7+$0xF9F0];
	[tilespmem:s15+$0x149B0] =	vst v6;
	v5 =	vadd.f32 v7, v5  }
0x324: {  	v6 =	vld [tilespmem:s7+$0x121F0]  }
0x325: {  	v7 =	vld [tilespmem:s7+$0xF800];
	[tilespmem:s15+$0x149C0] =	vst v5;
	v2 =	vadd.f32 v3, v2  }
0x326: {  	v35 =	vld [tilespmem:s7+$0x12000]  }
0x327: {  	v5 =	vld [tilespmem:s7+$0xF810];
	[tilespmem:s15+$0x149D0] =	vst v2;
	v0 =	vadd.f32 v4, v0  }
0x328: {  	v2 =	vld [tilespmem:s7+$0x12010]  }
0x329: {  	v36 =	vld [tilespmem:s7+$0xF820];
	[tilespmem:s15+$0x149E0] =	vst v0  }
0x32a: {  	v38 =	vld [tilespmem:s7+$0x12020]  }
0x32b: {  	v39 =	vld [tilespmem:s7+$0xF830]  }
0x32c: {  	v40 =	vld [tilespmem:s7+$0x12030]  }
0x32d: {  	v41 =	vld [tilespmem:s7+$0xF840]  }
0x32e: {  	v42 =	vld [tilespmem:s7+$0x12040]  }
0x32f: {  	v43 =	vld [tilespmem:s7+$0xF850]  }
0x330: {  	v44 =	vld [tilespmem:s7+$0x12050]  }
0x331: {  	v45 =	vld [tilespmem:s7+$0xF860]  }
0x332: {  	v46 =	vld [tilespmem:s7+$0x12060]  }
0x333: {  	v48 =	vld [tilespmem:s7+$0xF870]  }
0x334: {  	v49 =	vld [tilespmem:s7+$0x12070]  }
0x335: {  	v51 =	vld [tilespmem:s7+$0xF880]  }
0x336: {  	v52 =	vld [tilespmem:s7+$0x12080]  }
0x337: {  	v54 =	vld [tilespmem:s7+$0xF890]  }
0x338: {  	v55 =	vld [tilespmem:s7+$0x12090]  }
0x339: {  	v57 =	vld [tilespmem:s7+$0xF8A0]  }
0x33a: {  	v58 =	vld [tilespmem:s7+$0x120A0]  }
0x33b: {  	v60 =	vld [tilespmem:s7+$0xF8B0]  }
0x33c: {  	v61 =	vld [tilespmem:s7+$0x120B0]  }
0x33d: {  	v63 =	vld [tilespmem:s7+$0xF8C0]  }
0x33e: {  	v9 =	vld [tilespmem:s7+$0x120C0]  }
0x33f: {  	v11 =	vld [tilespmem:s7+$0xF8D0]  }
0x340: {  	v12 =	vld [tilespmem:s7+$0x120D0]  }
0x341: {  	v14 =	vld [tilespmem:s7+$0xF8E0]  }
0x342: {  	v15 =	vld [tilespmem:s7+$0x120E0]  }
0x343: {  	v17 =	vld [tilespmem:s7+$0xF8F0]  }
0x344: {  	v18 =	vld [tilespmem:s7+$0x120F0]  }
0x345: {  	v20 =	vld [tilespmem:s7+$0xF900]  }
0x346: {  	v21 =	vld [tilespmem:s7+$0x12100]  }
0x347: {  	v23 =	vld [tilespmem:s7+$0xF910]  }
0x348: {  	v37 =	vadd.f32 v6, v1;
	v24 =	vld [tilespmem:s7+$0x12110]  }
0x349: {  	v26 =	vld [tilespmem:s7+$0xF920];
	v3 =	vadd.f32 v35, v7  }
0x34a: {  	v27 =	vld [tilespmem:s7+$0x12120];
	[tilespmem:s7+$0x149F0] =	vst v37;
	v2 =	vadd.f32 v2, v5  }
0x34b: {  	v29 =	vld [tilespmem:s7+$0xF930];
	[tilespmem:s7+$0x14800] =	vst v3;
	v1 =	vadd.f32 v38, v36  }
0x34c: {  	v30 =	vld [tilespmem:s7+$0x12130];
	[tilespmem:s7+$0x14810] =	vst v2;
	v0 =	vadd.f32 v40, v39  }
0x34d: {  	v32 =	vld [tilespmem:s7+$0xF940];
	v47 =	vadd.f32 v42, v41;
	[tilespmem:s7+$0x14820] =	vst v1  }
0x34e: {  	v33 =	vld [tilespmem:s7+$0x12140];
	v50 =	vadd.f32 v44, v43;
	[tilespmem:s7+$0x14830] =	vst v0  }
0x34f: {  	v35 =	vld [tilespmem:s7+$0xF950];
	v53 =	vadd.f32 v46, v45;
	[tilespmem:s7+$0x14840] =	vst v47  }
0x350: {  	v56 =	vadd.f32 v49, v48;
	v36 =	vld [tilespmem:s7+$0x12150];
	[tilespmem:s7+$0x14850] =	vst v50  }
0x351: {  	v59 =	vadd.f32 v52, v51;
	v38 =	vld [tilespmem:s7+$0xF960];
	[tilespmem:s7+$0x14860] =	vst v53  }
0x352: {  	v62 =	vadd.f32 v55, v54;
	v39 =	vld [tilespmem:s7+$0x12160];
	[tilespmem:s7+$0x14870] =	vst v56  }
0x353: {  	v10 =	vadd.f32 v58, v57;
	v41 =	vld [tilespmem:s7+$0xF970];
	[tilespmem:s7+$0x14880] =	vst v59  }
0x354: {  	v13 =	vadd.f32 v61, v60;
	v42 =	vld [tilespmem:s7+$0x12170];
	[tilespmem:s7+$0x14890] =	vst v62  }
0x355: {  	v16 =	vadd.f32 v9, v63;
	v44 =	vld [tilespmem:s7+$0xF980];
	[tilespmem:s7+$0x148A0] =	vst v10  }
0x356: {  	v19 =	vadd.f32 v12, v11;
	v45 =	vld [tilespmem:s7+$0x12180];
	[tilespmem:s7+$0x148B0] =	vst v13  }
0x357: {  	v22 =	vadd.f32 v15, v14;
	v48 =	vld [tilespmem:s7+$0x12190];
	[tilespmem:s7+$0x148C0] =	vst v16  }
0x358: {  	v25 =	vadd.f32 v18, v17;
	v51 =	vld [tilespmem:s7+$0x121A0];
	[tilespmem:s7+$0x148D0] =	vst v19  }
0x359: {  	v28 =	vadd.f32 v21, v20;
	v54 =	vld [tilespmem:s7+$0x121B0];
	[tilespmem:s7+$0x148E0] =	vst v22  }
0x35a: {  	v31 =	vadd.f32 v24, v23;
	v57 =	vld [tilespmem:s7+$0x121C0];
	[tilespmem:s7+$0x148F0] =	vst v25  }
0x35b: {  	v34 =	vadd.f32 v27, v26;
	v60 =	vld [tilespmem:s7+$0x121D0];
	[tilespmem:s7+$0x14900] =	vst v28  }
0x35c: {  	v37 =	vadd.f32 v30, v29;
	v61 =	vld [tilespmem:s7+$0xF9E0];
	[tilespmem:s7+$0x14910] =	vst v31  }
0x35d: {  	v40 =	vadd.f32 v33, v32;
	[tilespmem:s7+$0x14920] =	vst v34;
	v47 =	vld [tilespmem:s7+$0xF990]  }
0x35e: {  	[tilespmem:s7+$0x14930] =	vst v37;
	v50 =	vld [tilespmem:s7+$0xF9A0];
	v43 =	vadd.f32 v36, v35  }
0x35f: {  	[tilespmem:s7+$0x14940] =	vst v40;
	v53 =	vld [tilespmem:s7+$0xF9B0];
	v46 =	vadd.f32 v39, v38  }
0x360: {  	v56 =	vld [tilespmem:s7+$0xF9C0];
	v49 =	vadd.f32 v42, v41;
	[tilespmem:s7+$0x14950] =	vst v43  }
0x361: {  	v59 =	vld [tilespmem:s7+$0xF9D0];
	v52 =	vadd.f32 v45, v44;
	[tilespmem:s7+$0x14960] =	vst v46  }
0x362: {  	v62 =	vld [tilespmem:s7+$0x121E0];
	[tilespmem:s7+$0x14970] =	vst v49;
	v55 =	vadd.f32 v48, v47  }
0x363: {  	[tilespmem:s7+$0x14980] =	vst v52;
	v58 =	vadd.f32 v51, v50  }
0x364: {  	v1 =	vadd.f32 v54, v53;
	[tilespmem:s7+$0x14990] =	vst v55  }
0x365: {  	p0 =	seq.s32 s28, $0x3C;
	v3 =	vadd.f32 v57, v56;
	[tilespmem:s7+$0x149A0] =	vst v58  }
.Ltmp4:
0x366: {  	v63 =	vadd.f32 v60, v59;
	[tilespmem:s7+$0x149B0] =	vst v1;
	(pc) =	sbr.rel @p0 .LBB2_12-.Ltmp4, $4  }
0x367: {  	s2 =	sadd.s32 s2, s11;
	v0 =	vadd.f32 v62, v61;
	[tilespmem:s7+$0x149C0] =	vst v3  }
0x368: {  	s2 =	sshll.u32 s2, $0x4;
	[tilespmem:s7+$0x149D0] =	vst v63  }
0x369: {  	s2 =	sadd.s32 s5, s2;
	[tilespmem:s7+$0x149E0] =	vst v0  }
0x36a: {  	[hbm4b:s2+s4] =	stream.linear.scatter [tilespmem:s31], [sflag:$0x6], $0x2800, $0x38;
	[tilespmem:$0x17000] =	vst v63  }
.Ltmp5:
0x36b: {  	(pc) =	sbr.rel .LBB2_6-.Ltmp5, $4  }
0x36c: {  	s2 =	sadd.s32 $0x280, s0  }
0x36d: {  	[tilespmem:s20], [sflag:$0x4] =	stream.indirect.gather [hbm4b:s1+s16], $0x80, s2, s16, $0xb8;
	[tilespmem:$0x17000] =	vst v63  }
0x36e: {  	s15 =	sadd.s32 $0x4280, s0;
	s28 =	sadd.s32 $0x1, s28  }
0x36f: {  	[tilespmem:s22], [sflag:$0x5] =	stream.indirect.gather [hbm4b:s3+s16], $0x80, s15, s16, $0xb8;
	[tilespmem:$0x17000] =	vst v63  }
.LBB2_12:
0x370: {  	_ =	swait.ge [sflag:s23], $0x2800  }
0x371: {  	[sflag:s23] =	ssyncset.done $0x0  }
0x372: {  	[sflag:s23] =	ssyncadd.s32 $0xFFFFD800  }
0x373: {  	_ =	swait.ge [sflag:s24], $0x2800  }
0x374: {  	[sflag:s24] =	ssyncset.done $0x0  }
0x375: {  	[sflag:s24] =	ssyncadd.s32 $0xFFFFD800  }
0x376: {  	_ =	swait.ge [sflag:s19], $0x2800  }
0x377: {  	[sflag:s19] =	ssyncset.done $0x0  }
0x378: {  	s0 =	simm.s32 $0x0;
	[sflag:s19] =	ssyncadd.s32 $0xFFFFD800  }
0x379: {  	v0 =	vld [tilespmem:s0+$0x81F0]  }
0x37a: {  	v1 =	vld [tilespmem:s0+$0xA9F0]  }
0x37b: {  	v2 =	vld [tilespmem:s0+$0x8000]  }
0x37c: {  	v3 =	vld [tilespmem:s0+$0xA800]  }
0x37d: {  	v4 =	vld [tilespmem:s0+$0x8010]  }
0x37e: {  	v5 =	vld [tilespmem:s0+$0xA810]  }
0x37f: {  	v6 =	vld [tilespmem:s0+$0x8020]  }
0x380: {  	v7 =	vld [tilespmem:s0+$0x8030];
	v0 =	vadd.f32 v1, v0  }
0x381: {  	v1 =	vld [tilespmem:s0+$0xA820]  }
0x382: {  	v2 =	vadd.f32 v3, v2;
	[tilespmem:s0+$0xD1F0] =	vst v0;
	v0 =	vld [tilespmem:s0+$0xA830]  }
0x383: {  	v3 =	vld [tilespmem:s0+$0x8040]  }
0x384: {  	[tilespmem:s0+$0xD000] =	vst v2;
	v2 =	vadd.f32 v5, v4;
	v4 =	vld [tilespmem:s0+$0xA840]  }
0x385: {  	v5 =	vld [tilespmem:s0+$0xA850]  }
0x386: {  	[tilespmem:s0+$0xD010] =	vst v2;
	v2 =	vld [tilespmem:s0+$0x8050];
	v1 =	vadd.f32 v1, v6  }
0x387: {  	v6 =	vld [tilespmem:s0+$0xA860];
	v0 =	vadd.f32 v0, v7  }
0x388: {  	[tilespmem:s0+$0xD020] =	vst v1;
	v1 =	vld [tilespmem:s0+$0x8060]  }
0x389: {  	[tilespmem:s0+$0xD030] =	vst v0;
	v0 =	vadd.f32 v4, v3;
	v3 =	vld [tilespmem:s0+$0x8070]  }
0x38a: {  	v4 =	vld [tilespmem:s0+$0xA870]  }
0x38b: {  	[tilespmem:s0+$0xD040] =	vst v0;
	v0 =	vadd.f32 v5, v2;
	v2 =	vld [tilespmem:s0+$0x8080]  }
0x38c: {  	v5 =	vld [tilespmem:s0+$0xA880]  }
0x38d: {  	[tilespmem:s0+$0xD050] =	vst v0;
	v0 =	vadd.f32 v6, v1;
	v1 =	vld [tilespmem:s0+$0x8090]  }
0x38e: {  	v6 =	vld [tilespmem:s0+$0xA890]  }
0x38f: {  	[tilespmem:s0+$0xD060] =	vst v0;
	v0 =	vadd.f32 v4, v3;
	v3 =	vld [tilespmem:s0+$0x80A0]  }
0x390: {  	v4 =	vld [tilespmem:s0+$0xA8A0]  }
0x391: {  	[tilespmem:s0+$0xD070] =	vst v0;
	v0 =	vadd.f32 v5, v2;
	v2 =	vld [tilespmem:s0+$0x80B0]  }
0x392: {  	v5 =	vld [tilespmem:s0+$0xA8B0]  }
0x393: {  	[tilespmem:s0+$0xD080] =	vst v0;
	v0 =	vadd.f32 v6, v1;
	v1 =	vld [tilespmem:s0+$0x80C0]  }
0x394: {  	v6 =	vld [tilespmem:s0+$0xA8C0]  }
0x395: {  	[tilespmem:s0+$0xD090] =	vst v0;
	v0 =	vadd.f32 v4, v3;
	v3 =	vld [tilespmem:s0+$0x80D0]  }
0x396: {  	v4 =	vld [tilespmem:s0+$0xA8D0]  }
0x397: {  	[tilespmem:s0+$0xD0A0] =	vst v0;
	v0 =	vadd.f32 v5, v2;
	v2 =	vld [tilespmem:s0+$0x80E0]  }
0x398: {  	v5 =	vld [tilespmem:s0+$0xA8E0]  }
0x399: {  	[tilespmem:s0+$0xD0B0] =	vst v0;
	v0 =	vadd.f32 v6, v1;
	v1 =	vld [tilespmem:s0+$0x80F0]  }
0x39a: {  	v6 =	vld [tilespmem:s0+$0xA8F0]  }
0x39b: {  	[tilespmem:s0+$0xD0C0] =	vst v0;
	v0 =	vadd.f32 v4, v3;
	v3 =	vld [tilespmem:s0+$0x8100]  }
0x39c: {  	v4 =	vld [tilespmem:s0+$0xA900]  }
0x39d: {  	[tilespmem:s0+$0xD0D0] =	vst v0;
	v0 =	vadd.f32 v5, v2;
	v2 =	vld [tilespmem:s0+$0x8110]  }
0x39e: {  	v5 =	vld [tilespmem:s0+$0xA910]  }
0x39f: {  	[tilespmem:s0+$0xD0E0] =	vst v0;
	v0 =	vadd.f32 v6, v1;
	v1 =	vld [tilespmem:s0+$0x8120]  }
0x3a0: {  	v6 =	vld [tilespmem:s0+$0xA920]  }
0x3a1: {  	[tilespmem:s0+$0xD0F0] =	vst v0;
	v0 =	vadd.f32 v4, v3;
	v3 =	vld [tilespmem:s0+$0x8130]  }
0x3a2: {  	v4 =	vld [tilespmem:s0+$0xA930]  }
0x3a3: {  	[tilespmem:s0+$0xD100] =	vst v0;
	v0 =	vadd.f32 v5, v2;
	v2 =	vld [tilespmem:s0+$0x8140]  }
0x3a4: {  	v5 =	vld [tilespmem:s0+$0xA940]  }
0x3a5: {  	[tilespmem:s0+$0xD110] =	vst v0;
	v0 =	vadd.f32 v6, v1;
	v1 =	vld [tilespmem:s0+$0x8150]  }
0x3a6: {  	v6 =	vld [tilespmem:s0+$0xA950]  }
0x3a7: {  	[tilespmem:s0+$0xD120] =	vst v0;
	v0 =	vadd.f32 v4, v3;
	v3 =	vld [tilespmem:s0+$0x8160]  }
0x3a8: {  	v4 =	vld [tilespmem:s0+$0xA960]  }
0x3a9: {  	[tilespmem:s0+$0xD130] =	vst v0;
	v0 =	vadd.f32 v5, v2;
	v2 =	vld [tilespmem:s0+$0x8170]  }
0x3aa: {  	v5 =	vld [tilespmem:s0+$0xA970]  }
0x3ab: {  	[tilespmem:s0+$0xD140] =	vst v0;
	v0 =	vadd.f32 v6, v1;
	v1 =	vld [tilespmem:s0+$0x8180]  }
0x3ac: {  	v6 =	vld [tilespmem:s0+$0xA980]  }
0x3ad: {  	[tilespmem:s0+$0xD150] =	vst v0;
	v0 =	vadd.f32 v4, v3;
	v3 =	vld [tilespmem:s0+$0x8190]  }
0x3ae: {  	v4 =	vld [tilespmem:s0+$0xA990]  }
0x3af: {  	[tilespmem:s0+$0xD160] =	vst v0;
	v0 =	vadd.f32 v5, v2;
	v2 =	vld [tilespmem:s0+$0x81A0]  }
0x3b0: {  	v5 =	vld [tilespmem:s0+$0xA9A0]  }
0x3b1: {  	[tilespmem:s0+$0xD170] =	vst v0;
	v0 =	vadd.f32 v6, v1;
	v1 =	vld [tilespmem:s0+$0x81B0]  }
0x3b2: {  	v6 =	vld [tilespmem:s0+$0xA9B0]  }
0x3b3: {  	v8 =	vld [tilespmem:s0+$0xA9C0]  }
0x3b4: {  	v7 =	vld [tilespmem:s0+$0x81C0];
	[tilespmem:s0+$0xD180] =	vst v0;
	v0 =	vadd.f32 v4, v3  }
0x3b5: {  	v3 =	vld [tilespmem:s0+$0xA9D0]  }
0x3b6: {  	[tilespmem:s0+$0xD190] =	vst v0;
	v0 =	vadd.f32 v5, v2;
	v2 =	vld [tilespmem:s0+$0x81D0]  }
0x3b7: {  	v4 =	vld [tilespmem:s0+$0xA9E0];
	v5 =	vadd.f32 v6, v1  }
0x3b8: {  	s6 =	simm.s32 $0x200;
	[tilespmem:s0+$0xD1A0] =	vst v0;
	v0 =	vld [tilespmem:s0+$0x81E0]  }
0x3b9: {  	s2 =	simm.s32 $0x1000;
	v1 =	vld [tilespmem:s6+$0x81F0];
	[tilespmem:s0+$0xD1B0] =	vst v5;
	v5 =	vadd.f32 v8, v7  }
.LBB2_13:
0x3ba: {  	p0 =	sne.s32 s2, $0x9800;
	v6 =	vld [tilespmem:s6+$0xA9F0]  }
0x3bb: {  	v7 =	vld [tilespmem:s6+$0x8000];
	[tilespmem:s0+$0xD1C0] =	vst v5;
	v2 =	vadd.f32 v3, v2  }
0x3bc: {  	v3 =	vld [tilespmem:s6+$0xA800]  }
0x3bd: {  	v5 =	vld [tilespmem:s6+$0x8010];
	[tilespmem:s0+$0xD1D0] =	vst v2;
	v0 =	vadd.f32 v4, v0  }
0x3be: {  	v2 =	vld [tilespmem:s6+$0xA810]  }
0x3bf: {  	v4 =	vld [tilespmem:s6+$0x8020];
	v1 =	vadd.f32 v6, v1;
	[tilespmem:s0+$0xD1E0] =	vst v0;
	s0 =	smov.u32 s6  }
0x3c0: {  	v0 =	vld [tilespmem:s0+$0xA820]  }
0x3c1: {  	v3 =	vadd.f32 v3, v7;
	v6 =	vld [tilespmem:s0+$0x8030];
	[tilespmem:s0+$0xD1F0] =	vst v1  }
0x3c2: {  	v1 =	vld [tilespmem:s0+$0xA830]  }
0x3c3: {  	[tilespmem:s0+$0xD000] =	vst v3;
	v2 =	vadd.f32 v2, v5;
	v3 =	vld [tilespmem:s0+$0x8040]  }
0x3c4: {  	v5 =	vld [tilespmem:s0+$0xA840]  }
0x3c5: {  	[tilespmem:s0+$0xD010] =	vst v2;
	v0 =	vadd.f32 v0, v4;
	v2 =	vld [tilespmem:s0+$0x8050]  }
0x3c6: {  	v4 =	vld [tilespmem:s0+$0xA850]  }
0x3c7: {  	[tilespmem:s0+$0xD020] =	vst v0;
	v0 =	vadd.f32 v1, v6;
	v1 =	vld [tilespmem:s0+$0x8060]  }
0x3c8: {  	v6 =	vld [tilespmem:s0+$0xA860]  }
0x3c9: {  	[tilespmem:s0+$0xD030] =	vst v0;
	v0 =	vadd.f32 v5, v3;
	v3 =	vld [tilespmem:s0+$0x8070]  }
0x3ca: {  	v5 =	vld [tilespmem:s0+$0xA870]  }
0x3cb: {  	[tilespmem:s0+$0xD040] =	vst v0;
	v0 =	vadd.f32 v4, v2;
	v2 =	vld [tilespmem:s0+$0x8080]  }
0x3cc: {  	v4 =	vld [tilespmem:s0+$0xA880]  }
0x3cd: {  	[tilespmem:s0+$0xD050] =	vst v0;
	v0 =	vadd.f32 v6, v1;
	v1 =	vld [tilespmem:s0+$0x8090]  }
0x3ce: {  	v6 =	vld [tilespmem:s0+$0xA890]  }
0x3cf: {  	[tilespmem:s0+$0xD060] =	vst v0;
	v0 =	vadd.f32 v5, v3;
	v3 =	vld [tilespmem:s0+$0x80A0]  }
0x3d0: {  	v5 =	vld [tilespmem:s0+$0xA8A0]  }
0x3d1: {  	[tilespmem:s0+$0xD070] =	vst v0;
	v0 =	vadd.f32 v4, v2;
	v2 =	vld [tilespmem:s0+$0x80B0]  }
0x3d2: {  	v4 =	vld [tilespmem:s0+$0xA8B0]  }
0x3d3: {  	[tilespmem:s0+$0xD080] =	vst v0;
	v0 =	vadd.f32 v6, v1;
	v1 =	vld [tilespmem:s0+$0x80C0]  }
0x3d4: {  	v6 =	vld [tilespmem:s0+$0xA8C0]  }
0x3d5: {  	[tilespmem:s0+$0xD090] =	vst v0;
	v0 =	vadd.f32 v5, v3;
	v3 =	vld [tilespmem:s0+$0x80D0]  }
0x3d6: {  	v5 =	vld [tilespmem:s0+$0xA8D0]  }
0x3d7: {  	[tilespmem:s0+$0xD0A0] =	vst v0;
	v0 =	vadd.f32 v4, v2;
	v2 =	vld [tilespmem:s0+$0x80E0]  }
0x3d8: {  	v4 =	vld [tilespmem:s0+$0xA8E0]  }
0x3d9: {  	[tilespmem:s0+$0xD0B0] =	vst v0;
	v0 =	vadd.f32 v6, v1;
	v1 =	vld [tilespmem:s0+$0x80F0]  }
0x3da: {  	v6 =	vld [tilespmem:s0+$0xA8F0]  }
0x3db: {  	[tilespmem:s0+$0xD0C0] =	vst v0;
	v0 =	vadd.f32 v5, v3;
	v3 =	vld [tilespmem:s0+$0x8100]  }
0x3dc: {  	v5 =	vld [tilespmem:s0+$0xA900]  }
0x3dd: {  	[tilespmem:s0+$0xD0D0] =	vst v0;
	v0 =	vadd.f32 v4, v2;
	v2 =	vld [tilespmem:s0+$0x8110]  }
0x3de: {  	v4 =	vld [tilespmem:s0+$0xA910]  }
0x3df: {  	[tilespmem:s0+$0xD0E0] =	vst v0;
	v0 =	vadd.f32 v6, v1;
	v1 =	vld [tilespmem:s0+$0x8120]  }
0x3e0: {  	v6 =	vld [tilespmem:s0+$0xA920]  }
0x3e1: {  	[tilespmem:s0+$0xD0F0] =	vst v0;
	v0 =	vadd.f32 v5, v3;
	v3 =	vld [tilespmem:s0+$0x8130]  }
0x3e2: {  	v5 =	vld [tilespmem:s0+$0xA930]  }
0x3e3: {  	[tilespmem:s0+$0xD100] =	vst v0;
	v0 =	vadd.f32 v4, v2;
	v2 =	vld [tilespmem:s0+$0x8140]  }
0x3e4: {  	v4 =	vld [tilespmem:s0+$0xA940]  }
0x3e5: {  	[tilespmem:s0+$0xD110] =	vst v0;
	v0 =	vadd.f32 v6, v1;
	v1 =	vld [tilespmem:s0+$0x8150]  }
0x3e6: {  	v6 =	vld [tilespmem:s0+$0xA950]  }
0x3e7: {  	[tilespmem:s0+$0xD120] =	vst v0;
	v0 =	vadd.f32 v5, v3;
	v3 =	vld [tilespmem:s0+$0x8160]  }
0x3e8: {  	v5 =	vld [tilespmem:s0+$0xA960]  }
0x3e9: {  	[tilespmem:s0+$0xD130] =	vst v0;
	v0 =	vadd.f32 v4, v2;
	v2 =	vld [tilespmem:s0+$0x8170]  }
0x3ea: {  	v4 =	vld [tilespmem:s0+$0xA970]  }
0x3eb: {  	[tilespmem:s0+$0xD140] =	vst v0;
	v0 =	vadd.f32 v6, v1;
	v1 =	vld [tilespmem:s0+$0x8180]  }
0x3ec: {  	v6 =	vld [tilespmem:s0+$0xA980]  }
0x3ed: {  	[tilespmem:s0+$0xD150] =	vst v0;
	v0 =	vadd.f32 v5, v3;
	v3 =	vld [tilespmem:s0+$0x8190]  }
0x3ee: {  	v5 =	vld [tilespmem:s0+$0xA990]  }
0x3ef: {  	[tilespmem:s0+$0xD160] =	vst v0;
	v0 =	vadd.f32 v4, v2;
	v2 =	vld [tilespmem:s0+$0x81A0]  }
0x3f0: {  	v4 =	vld [tilespmem:s0+$0xA9A0]  }
0x3f1: {  	[tilespmem:s0+$0xD170] =	vst v0;
	v0 =	vadd.f32 v6, v1;
	v1 =	vld [tilespmem:s0+$0x81B0]  }
0x3f2: {  	v6 =	vld [tilespmem:s0+$0xA9B0]  }
0x3f3: {  	[tilespmem:s0+$0xD180] =	vst v0;
	v0 =	vadd.f32 v5, v3;
	v5 =	vld [tilespmem:s0+$0x81C0]  }
0x3f4: {  	v7 =	vld [tilespmem:s0+$0xA9C0]  }
.Ltmp6:
0x3f5: {  	[tilespmem:s0+$0xD190] =	vst v0;
	v0 =	vadd.f32 v4, v2;
	v2 =	vld [tilespmem:s0+$0x81D0];
	(pc) =	sbr.rel @p0 .LBB2_13-.Ltmp6, $4  }
0x3f6: {  	v3 =	vld [tilespmem:s0+$0xA9D0]  }
0x3f7: {  	[tilespmem:s0+$0xD1A0] =	vst v0;
	v6 =	vadd.f32 v6, v1;
	v0 =	vld [tilespmem:s0+$0x81E0]  }
0x3f8: {  	s6 =	sshra.s32 s2, $0x2;
	v4 =	vld [tilespmem:s0+$0xA9E0]  }
0x3f9: {  	s2 =	sadd.s32 $0x800, s2;
	v1 =	vld [tilespmem:s6+$0x81F0];
	[tilespmem:s0+$0xD1B0] =	vst v6;
	v5 =	vadd.f32 v7, v5  }
0x3fa: {  	v6 =	vld [tilespmem:s6+$0xA9F0]  }
0x3fb: {  	v7 =	vld [tilespmem:s6+$0x8000];
	[tilespmem:s0+$0xD1C0] =	vst v5;
	v2 =	vadd.f32 v3, v2  }
0x3fc: {  	v35 =	vld [tilespmem:s6+$0xA800]  }
0x3fd: {  	v5 =	vld [tilespmem:s6+$0x8010];
	[tilespmem:s0+$0xD1D0] =	vst v2;
	v0 =	vadd.f32 v4, v0  }
0x3fe: {  	v2 =	vld [tilespmem:s6+$0xA810]  }
0x3ff: {  	v36 =	vld [tilespmem:s6+$0x8020];
	[tilespmem:s0+$0xD1E0] =	vst v0  }
0x400: {  	v38 =	vld [tilespmem:s6+$0xA820]  }
0x401: {  	v39 =	vld [tilespmem:s6+$0x8030]  }
0x402: {  	v40 =	vld [tilespmem:s6+$0xA830]  }
0x403: {  	v41 =	vld [tilespmem:s6+$0x8040]  }
0x404: {  	v42 =	vld [tilespmem:s6+$0xA840]  }
0x405: {  	v43 =	vld [tilespmem:s6+$0x8050]  }
0x406: {  	v44 =	vld [tilespmem:s6+$0xA850]  }
0x407: {  	v45 =	vld [tilespmem:s6+$0x8060]  }
0x408: {  	v46 =	vld [tilespmem:s6+$0xA860]  }
0x409: {  	v48 =	vld [tilespmem:s6+$0x8070]  }
0x40a: {  	v49 =	vld [tilespmem:s6+$0xA870]  }
0x40b: {  	v51 =	vld [tilespmem:s6+$0x8080]  }
0x40c: {  	v52 =	vld [tilespmem:s6+$0xA880]  }
0x40d: {  	v54 =	vld [tilespmem:s6+$0x8090]  }
0x40e: {  	v55 =	vld [tilespmem:s6+$0xA890]  }
0x40f: {  	v57 =	vld [tilespmem:s6+$0x80A0]  }
0x410: {  	v58 =	vld [tilespmem:s6+$0xA8A0]  }
0x411: {  	v60 =	vld [tilespmem:s6+$0x80B0]  }
0x412: {  	v61 =	vld [tilespmem:s6+$0xA8B0]  }
0x413: {  	v63 =	vld [tilespmem:s6+$0x80C0]  }
0x414: {  	v9 =	vld [tilespmem:s6+$0xA8C0]  }
0x415: {  	v11 =	vld [tilespmem:s6+$0x80D0]  }
0x416: {  	v12 =	vld [tilespmem:s6+$0xA8D0]  }
0x417: {  	v14 =	vld [tilespmem:s6+$0x80E0]  }
0x418: {  	v15 =	vld [tilespmem:s6+$0xA8E0]  }
0x419: {  	v17 =	vld [tilespmem:s6+$0x80F0]  }
0x41a: {  	v18 =	vld [tilespmem:s6+$0xA8F0]  }
0x41b: {  	v20 =	vld [tilespmem:s6+$0x8100]  }
0x41c: {  	v21 =	vld [tilespmem:s6+$0xA900]  }
0x41d: {  	v23 =	vld [tilespmem:s6+$0x8110]  }
0x41e: {  	v37 =	vadd.f32 v6, v1;
	v24 =	vld [tilespmem:s6+$0xA910]  }
0x41f: {  	v26 =	vld [tilespmem:s6+$0x8120];
	v3 =	vadd.f32 v35, v7  }
0x420: {  	v27 =	vld [tilespmem:s6+$0xA920];
	[tilespmem:s6+$0xD1F0] =	vst v37;
	v2 =	vadd.f32 v2, v5  }
0x421: {  	v29 =	vld [tilespmem:s6+$0x8130];
	[tilespmem:s6+$0xD000] =	vst v3;
	v1 =	vadd.f32 v38, v36  }
0x422: {  	v30 =	vld [tilespmem:s6+$0xA930];
	[tilespmem:s6+$0xD010] =	vst v2;
	v0 =	vadd.f32 v40, v39  }
0x423: {  	v32 =	vld [tilespmem:s6+$0x8140];
	v47 =	vadd.f32 v42, v41;
	[tilespmem:s6+$0xD020] =	vst v1  }
0x424: {  	v33 =	vld [tilespmem:s6+$0xA940];
	v50 =	vadd.f32 v44, v43;
	[tilespmem:s6+$0xD030] =	vst v0  }
0x425: {  	v35 =	vld [tilespmem:s6+$0x8150];
	v53 =	vadd.f32 v46, v45;
	[tilespmem:s6+$0xD040] =	vst v47  }
0x426: {  	v56 =	vadd.f32 v49, v48;
	v36 =	vld [tilespmem:s6+$0xA950];
	[tilespmem:s6+$0xD050] =	vst v50  }
0x427: {  	v59 =	vadd.f32 v52, v51;
	v38 =	vld [tilespmem:s6+$0x8160];
	[tilespmem:s6+$0xD060] =	vst v53  }
0x428: {  	v62 =	vadd.f32 v55, v54;
	v39 =	vld [tilespmem:s6+$0xA960];
	[tilespmem:s6+$0xD070] =	vst v56  }
0x429: {  	v10 =	vadd.f32 v58, v57;
	v41 =	vld [tilespmem:s6+$0x8170];
	[tilespmem:s6+$0xD080] =	vst v59  }
0x42a: {  	v13 =	vadd.f32 v61, v60;
	v42 =	vld [tilespmem:s6+$0xA970];
	[tilespmem:s6+$0xD090] =	vst v62  }
0x42b: {  	v16 =	vadd.f32 v9, v63;
	v44 =	vld [tilespmem:s6+$0x8180];
	[tilespmem:s6+$0xD0A0] =	vst v10  }
0x42c: {  	v19 =	vadd.f32 v12, v11;
	v45 =	vld [tilespmem:s6+$0xA980];
	[tilespmem:s6+$0xD0B0] =	vst v13  }
0x42d: {  	v22 =	vadd.f32 v15, v14;
	v48 =	vld [tilespmem:s6+$0xA990];
	[tilespmem:s6+$0xD0C0] =	vst v16  }
0x42e: {  	v25 =	vadd.f32 v18, v17;
	v51 =	vld [tilespmem:s6+$0xA9A0];
	[tilespmem:s6+$0xD0D0] =	vst v19  }
0x42f: {  	v28 =	vadd.f32 v21, v20;
	v54 =	vld [tilespmem:s6+$0xA9B0];
	[tilespmem:s6+$0xD0E0] =	vst v22  }
0x430: {  	v31 =	vadd.f32 v24, v23;
	v57 =	vld [tilespmem:s6+$0xA9C0];
	[tilespmem:s6+$0xD0F0] =	vst v25  }
0x431: {  	v34 =	vadd.f32 v27, v26;
	v60 =	vld [tilespmem:s6+$0xA9D0];
	[tilespmem:s6+$0xD100] =	vst v28  }
0x432: {  	v37 =	vadd.f32 v30, v29;
	v61 =	vld [tilespmem:s6+$0x81E0];
	[tilespmem:s6+$0xD110] =	vst v31  }
0x433: {  	v40 =	vadd.f32 v33, v32;
	[tilespmem:s6+$0xD120] =	vst v34;
	v47 =	vld [tilespmem:s6+$0x8190]  }
0x434: {  	[tilespmem:s6+$0xD130] =	vst v37;
	v50 =	vld [tilespmem:s6+$0x81A0];
	v43 =	vadd.f32 v36, v35  }
0x435: {  	[tilespmem:s6+$0xD140] =	vst v40;
	v53 =	vld [tilespmem:s6+$0x81B0];
	v46 =	vadd.f32 v39, v38  }
0x436: {  	v56 =	vld [tilespmem:s6+$0x81C0];
	v49 =	vadd.f32 v42, v41;
	[tilespmem:s6+$0xD150] =	vst v43  }
0x437: {  	v59 =	vld [tilespmem:s6+$0x81D0];
	v52 =	vadd.f32 v45, v44;
	[tilespmem:s6+$0xD160] =	vst v46  }
0x438: {  	v62 =	vld [tilespmem:s6+$0xA9E0];
	[tilespmem:s6+$0xD170] =	vst v49;
	v55 =	vadd.f32 v48, v47  }
0x439: {  	[tilespmem:s6+$0xD180] =	vst v52;
	v58 =	vadd.f32 v51, v50  }
0x43a: {  	v1 =	vadd.f32 v54, v53;
	[tilespmem:s6+$0xD190] =	vst v55  }
0x43b: {  	v3 =	vadd.f32 v57, v56;
	[tilespmem:s6+$0xD1A0] =	vst v58  }
0x43c: {  	v63 =	vadd.f32 v60, v59;
	[tilespmem:s6+$0xD1B0] =	vst v1  }
0x43d: {  	v0 =	vadd.f32 v62, v61;
	[tilespmem:s6+$0xD1C0] =	vst v3  }
0x43e: {  	[tilespmem:s6+$0xD1D0] =	vst v63  }
0x43f: {  	s26 =	sadd.s32 $0x1, s26;
	[tilespmem:s6+$0xD1E0] =	vst v0  }
0x440: {  	[hbm4b:s12+s4] =	stream.linear.scatter [tilespmem:s25], [sflag:$0x3], $0x2800, $0x38;
	[tilespmem:$0x17000] =	vst v63  }
0x441: {  	p0 =	sne.s32 s26, s13;
	_ =	swait.ge [sflag:s21], $0x2800  }
.Ltmp7:
0x442: {  	[sflag:s21] =	ssyncset.done $0x0;
	(pc) =	sbr.rel @p0 .LBB2_1-.Ltmp7, $4  }
0x443: {  	[sflag:s21] =	ssyncadd.s32 $0xFFFFD800  }
0x444: {  	_ =	swait.ge [sflag:s19], $0x2800  }
0x445: {  	[sflag:s19] =	ssyncset.done $0x0  }
0x446: {  	[sflag:s19] =	ssyncadd.s32 $0xFFFFD800  }
0x447: {  	_ =	sfence.sel $0x180000  }
0x448: {  	[bflag:$0x0] =	sbarrier.arrive $0xFFFF  }
0x449: {  	_ =	strace $0x90000047  }
0x44a: {  	s0 =	stileid.u32;
	[bflag:$0x2] =	sbarrier.arrive $0xFFFF  }
0x44b: {  	p0 =	sne.s32 s0, $0x0;
	s0 =	rddreg [dreg:$0x3]  }
0x44c: {  	s0 =	sadd.s32 @!p0 $0x100000, s0  }
0x44d: {  	[sflag:s0] =	ssyncadd.tile.s32 @!p0 $0x1;
	_ =	shalt  }
.Lfunc_end2:
_tile_overlayer_lowered:
.L_overlay_start_2:
0x44e: {  	(tag) =	ssettag $0x2  }
0x44f: {  	s0 =	rddreg [dreg:$0x0];
	s2 =	stileid.u32  }
0x450: {  	s1 =	rddreg [dreg:$0x1];
	p0 =	sne.s32 s2, $0x0  }
0x451: {  	s3 =	rddreg [dreg:$0x2];
	[bflag:$0x3] =	sbarrier.arrive $0xFFFF;
	s2 =	simm.s32 @!p0 $0x1C07  }
0x452: {  	[timem:s3], [sflag:s2] =	dma.local @!p0 [hbm:s0], s1  }
0x453: {  	s0 =	simm.s32 @!p0 $0x7  }
0x454: {  	_ =	swait.ge @!p0 [sflag:s0], s1  }
0x455: {  	s1 =	ssub.s32 @!p0 $0x0, s1;
	[sflag:s0] =	ssyncset.done @!p0 $0x0  }
0x456: {  	[sflag:s0] =	ssyncadd.s32 @!p0 s1  }
0x457: {  	[bflag:$0x3] =	sbarrier.arrive $0xFFFF  }
0x458: {  	_ =	shalt  }

</sc_bundles>
